<compile_context>
chip_gen: v7x
topology: tpu7x:2x2x1
jax: 0.10.2.dev20260603
libtpu: 0.0.44.dev20260713+nightly
codegen_flags: <defaults>
</compile_context>

<pallas_src>
import functools

import jax
import jax.numpy as jnp
import numpy as np
from jax import lax
from jax.experimental import pallas as pl
from jax.experimental.pallas import tpu as pltpu
from jax.experimental.pallas import tpu_sc as plsc

N = 10000
D = 128
E = 320000

NP = 10240
ROWS_PT = NP // 16
EC = E // 128
TCH = 160
STG = 40
C0 = float(1.0 / np.sqrt(1.0 + 1e-5))


def _deg_body(t1_hbm, t2_hbm, deg_hbm, idx_v, histp_v, acc_v, hists_sh):
    c = lax.axis_index("c")
    s = lax.axis_index("s")

    def fz(i, _):
        histp_v[pl.ds(i * 16, 16)] = jnp.zeros((16,), jnp.float32)
        return 0

    lax.fori_loop(0, NP // 16, fz, 0)

    def stage(ref):
        @pl.when(s < 15)
        def _():
            pltpu.sync_copy(ref.at[pl.ds(s * TCH, TCH)], idx_v)

        @pl.when(s == 15)
        def _():
            pltpu.sync_copy(ref.at[pl.ds(15 * TCH, EC - 15 * TCH)],
                            idx_v.at[pl.ds(0, EC - 15 * TCH)])

    @pl.when(c == 0)
    def _():
        stage(t1_hbm)

    @pl.when(c == 1)
    def _():
        stage(t2_hbm)

    ones = jnp.ones((16,), jnp.float32)
    nch = jnp.where(s < 15, TCH, EC - 15 * TCH)

    def body(j, _):
        def inner(k, _):
            ii = idx_v[j, pl.ds(k * 16, 16)]
            plsc.addupdate_scatter(histp_v, [ii], ones)
            return 0

        lax.fori_loop(0, 128 // 16, inner, 0)
        return 0

    lax.fori_loop(0, nch, body, 0)
    pltpu.sync_copy(histp_v, hists_sh.at[s])
    plsc.subcore_barrier()
    for r in range(16):
        pltpu.sync_copy(hists_sh.at[r, pl.ds(s * ROWS_PT, ROWS_PT)],
                        acc_v.at[r])

    def red(k, _):
        tot = acc_v[0, pl.ds(k * 16, 16)]
        for r in range(1, 16):
            tot = tot + acc_v[r, pl.ds(k * 16, 16)]
        histp_v[pl.ds(k * 16, 16)] = tot
        return 0

    lax.fori_loop(0, ROWS_PT // 16, red, 0)
    pltpu.sync_copy(histp_v.at[pl.ds(0, ROWS_PT)],
                    deg_hbm.at[pl.ds(c * NP + s * ROWS_PT, ROWS_PT)])


def _agg_body(hs_hbm, s1_hbm, t1_hbm, s2_hbm, t2_hbm, agg_hbm, sidx_v,
              didx_v, rows0_v, rows1_v, agg_sh, sem0, sem1):
    c = lax.axis_index("c")
    s = lax.axis_index("s")
    @pl.when(s < 15)
    def _():
        pltpu.sync_copy(hs_hbm.at[pl.ds(c * N + s * ROWS_PT, ROWS_PT)],
                        agg_sh.at[pl.ds(s * ROWS_PT, ROWS_PT)])

    @pl.when(s == 15)
    def _():
        pltpu.sync_copy(
            hs_hbm.at[pl.ds(c * N + 15 * ROWS_PT, N - 15 * ROWS_PT)],
            agg_sh.at[pl.ds(15 * ROWS_PT, N - 15 * ROWS_PT)])

    plsc.subcore_barrier()

    def do_round(cbase, nstg):
        @pl.when(c == 0)
        def _():
            pltpu.sync_copy(s1_hbm.at[pl.ds(cbase, nstg)],
                            sidx_v.at[pl.ds(0, nstg)])
            pltpu.sync_copy(t1_hbm.at[pl.ds(cbase, nstg)],
                            didx_v.at[pl.ds(0, nstg)])

        @pl.when(c == 1)
        def _():
            pltpu.sync_copy(s2_hbm.at[pl.ds(cbase, nstg)],
                            sidx_v.at[pl.ds(0, nstg)])
            pltpu.sync_copy(t2_hbm.at[pl.ds(cbase, nstg)],
                            didx_v.at[pl.ds(0, nstg)])

        off = c * N

        def addoff(j, _):
            def a2(k, _):
                sl = sidx_v[j, pl.ds(k * 16, 16)]
                sidx_v[j, pl.ds(k * 16, 16)] = sl + off
                return 0

            lax.fori_loop(0, 128 // 16, a2, 0)
            return 0

        lax.fori_loop(0, nstg, addoff, 0)

        pltpu.async_copy(hs_hbm.at[sidx_v.at[0]], rows0_v, sem0)

        def inner(jj, _):
            a = 2 * jj
            pltpu.async_copy(hs_hbm.at[sidx_v.at[a + 1]], rows1_v, sem1)
            pltpu.make_async_copy(hs_hbm.at[pl.ds(0, 128)], rows0_v,
                                  sem0).wait()
            pltpu.sync_copy(rows0_v, agg_sh.at[didx_v.at[a]], add=True)

            @pl.when(a + 2 < nstg)
            def _():
                pltpu.async_copy(hs_hbm.at[sidx_v.at[a + 2]], rows0_v, sem0)

            pltpu.make_async_copy(hs_hbm.at[pl.ds(0, 128)], rows1_v,
                                  sem1).wait()
            pltpu.sync_copy(rows1_v, agg_sh.at[didx_v.at[a + 1]], add=True)
            return 0

        lax.fori_loop(0, nstg // 2, inner, 0)

    @pl.when(s < 15)
    def _():
        def outer(g, _):
            do_round(s * TCH + g * STG, STG)
            return 0

        lax.fori_loop(0, TCH // STG, outer, 0)

    @pl.when(s == 15)
    def _():
        def outer(g, _):
            do_round(15 * TCH + g * STG, STG)
            return 0

        lax.fori_loop(0, 2, outer, 0)
        do_round(15 * TCH + 2 * STG, 20)

    plsc.subcore_barrier()

    @pl.when(s < 15)
    def _():
        pltpu.sync_copy(agg_sh.at[pl.ds(s * ROWS_PT, ROWS_PT)],
                        agg_hbm.at[pl.ds(c * N + s * ROWS_PT, ROWS_PT)])

    @pl.when(s == 15)
    def _():
        pltpu.sync_copy(
            agg_sh.at[pl.ds(15 * ROWS_PT, N - 15 * ROWS_PT)],
            agg_hbm.at[pl.ds(c * N + 15 * ROWS_PT, N - 15 * ROWS_PT)])


@functools.cache
def _sc_kernels():
    mesh = plsc.VectorSubcoreMesh(core_axis_name="c", subcore_axis_name="s")
    deg_sc = pl.kernel(
        _deg_body,
        out_type=jax.ShapeDtypeStruct((2 * NP,), jnp.float32),
        mesh=mesh,
        compiler_params=pltpu.CompilerParams(needs_layout_passes=False),
        scratch_types=[
            pltpu.VMEM((TCH, 128), jnp.int32),
            pltpu.VMEM((NP,), jnp.float32),
            pltpu.VMEM((16, ROWS_PT), jnp.float32),
            pltpu.VMEM_SHARED((16, NP), jnp.float32),
        ],
    )
    agg_sc = pl.kernel(
        _agg_body,
        out_type=jax.ShapeDtypeStruct((2 * N, D), jnp.float32),
        mesh=mesh,
        scratch_types=[
            pltpu.VMEM((STG, 128), jnp.int32),
            pltpu.VMEM((STG, 128), jnp.int32),
            pltpu.VMEM((128, D), jnp.float32),
            pltpu.VMEM((128, D), jnp.float32),
            pltpu.VMEM_SHARED((NP, D), jnp.float32),
            pltpu.SemaphoreType.DMA,
            pltpu.SemaphoreType.DMA,
        ],
    )
    return deg_sc, agg_sc


_HB = 2000
_NBLK = N // _HB


def _hs_body(x1_ref, x2_ref, w_ref, deg_ref, hs_ref):
    b = pl.program_id(0)
    dinv = lax.rsqrt(deg_ref[0] + 1.0)

    @pl.when(b < _NBLK)
    def _():
        h = jnp.dot(x1_ref[...], w_ref[...],
                    preferred_element_type=jnp.float32)
        hs_ref[...] = h * dinv

    @pl.when(b >= _NBLK)
    def _():
        h = jnp.dot(x2_ref[...], w_ref[...],
                    preferred_element_type=jnp.float32)
        hs_ref[...] = h * dinv


_hs_tc = pl.pallas_call(
    _hs_body,
    grid=(2 * _NBLK,),
    in_specs=[
        pl.BlockSpec((_HB, D), lambda b: (jnp.minimum(b, _NBLK - 1), 0)),
        pl.BlockSpec((_HB, D), lambda b: (jnp.maximum(b - _NBLK, 0), 0)),
        pl.BlockSpec((D, D), lambda b: (0, 0)),
        pl.BlockSpec((1, _HB, 1),
                     lambda b: (b // _NBLK, lax.rem(b, _NBLK), 0)),
    ],
    out_specs=pl.BlockSpec((_HB, D), lambda b: (b, 0)),
    out_shape=jax.ShapeDtypeStruct((2 * N, D), jnp.float32),
)


_FB = 1000


def _head_body(agg1_ref, agg2_ref, deg_ref, bg_ref, se_ref, be_ref,
               wp_ref, bp_ref, sp_ref, bep_ref, wq_ref, bq_ref, sq_ref,
               beq_ref, rep1_ref, rep2_ref, loss_ref):
    i = pl.program_id(0)
    dinv = lax.rsqrt(deg_ref[...] + 1.0)

    def view(agg, dv):
        rep = agg * dv + bg_ref[...]
        z = rep * se_ref[...] + be_ref[...]
        proj = jnp.dot(z, wp_ref[...], preferred_element_type=jnp.float32)
        proj = jnp.maximum((proj + bp_ref[...]) * sp_ref[...] + bep_ref[...],
                           0.0)
        prd = jnp.dot(proj, wq_ref[...], preferred_element_type=jnp.float32)
        prd = jnp.maximum((prd + bq_ref[...]) * sq_ref[...] + beq_ref[...],
                          0.0)
        return rep, proj, prd

    rep1, proj1, prd1 = view(agg1_ref[0], dinv[0])
    rep2, proj2, prd2 = view(agg2_ref[0], dinv[1])
    rep1_ref[...] = rep1
    rep2_ref[...] = rep2

    def nrm(x):
        n = jnp.sqrt(jnp.sum(x * x, axis=-1, keepdims=True))
        return x / jnp.maximum(n, 1e-12)

    cos = (jnp.sum(nrm(prd1) * nrm(proj2), axis=-1, keepdims=True) +
           jnp.sum(nrm(prd2) * nrm(proj1), axis=-1, keepdims=True))
    psum = jnp.sum(4.0 - 2.0 * cos)

    @pl.when(i == 0)
    def _():
        loss_ref[...] = jnp.zeros((1, 1), jnp.float32)

    loss_ref[...] += psum


_vec = lambda: pl.BlockSpec((1, D), lambda i: (0, 0))
_head_tc = pl.pallas_call(
    _head_body,
    grid=(N // _FB,),
    in_specs=[
        pl.BlockSpec((1, _FB, D), lambda i: (0, i, 0)),
        pl.BlockSpec((1, _FB, D), lambda i: (1, i, 0)),
        pl.BlockSpec((2, _FB, 1), lambda i: (0, i, 0)),
        _vec(),
        _vec(),
        _vec(),
        pl.BlockSpec((D, D), lambda i: (0, 0)),
        _vec(),
        _vec(),
        _vec(),
        pl.BlockSpec((D, D), lambda i: (0, 0)),
        _vec(),
        _vec(),
        _vec(),
    ],
    out_specs=[
        pl.BlockSpec((_FB, D), lambda i: (i, 0)),
        pl.BlockSpec((_FB, D), lambda i: (i, 0)),
        pl.BlockSpec((1, 1), lambda i: (0, 0)),
    ],
    out_shape=[
        jax.ShapeDtypeStruct((N, D), jnp.float32),
        jax.ShapeDtypeStruct((N, D), jnp.float32),
        jax.ShapeDtypeStruct((1, 1), jnp.float32),
    ],
)


def kernel(x1, x2, edge_index_v1, edge_index_v2, W_gcn, b_gcn, g_enc,
           beta_enc, W_proj, b_proj, g_proj, beta_proj, W_pred, b_pred,
           g_pred, beta_pred):
    s1 = edge_index_v1[0].astype(jnp.int32).reshape(EC, 128)
    t1 = edge_index_v1[1].astype(jnp.int32).reshape(EC, 128)
    s2 = edge_index_v2[0].astype(jnp.int32).reshape(EC, 128)
    t2 = edge_index_v2[1].astype(jnp.int32).reshape(EC, 128)

    deg_sc, agg_sc = _sc_kernels()
    degf = deg_sc(t1, t2)
    deg3 = jnp.stack([degf[:N], degf[NP:NP + N]]).reshape(2, N, 1)
    hs = _hs_tc(x1, x2, W_gcn.T, deg3)
    agg = agg_sc(hs, s1, t1, s2, t2)
    agg = agg.reshape(2, N, D)

    r = lambda v: v.reshape(1, D)
    rep1, rep2, loss_acc = _head_tc(
        agg, agg, deg3, r(b_gcn), r(g_enc * C0), r(beta_enc), W_proj.T,
        r(b_proj), r(g_proj * C0), r(beta_proj), W_pred.T, r(b_pred),
        r(g_pred * C0), r(beta_pred))
    loss = loss_acc[0, 0] / np.float32(N)
    return rep1, rep2, loss

# --- scband reference (transcript-rebuilt; emitter-appended) ---
"""Pipeline reference for scband-gbyol-47571057771099 (READ-ONLY COPY).

The authoritative reference and input builder live on the scoring server;
editing this copy changes nothing except your own understanding.
"""

import jax, jax.numpy as jnp
import numpy as np

N = 10000
D = 128
E = 320000
EPS_BN = 1e-5


def gcn_conv(x, edge_index, W, b):
    # PyG GCNConv (eval semantics): x' = D^{-1/2} (A + I) D^{-1/2} (x W^T) + b
    n = x.shape[0]
    src = edge_index[0]
    dst = edge_index[1]
    loop = jnp.arange(n, dtype=src.dtype)
    src = jnp.concatenate([src, loop])
    dst = jnp.concatenate([dst, loop])
    ew = jnp.ones(src.shape[0], dtype=x.dtype)
    deg = jnp.zeros((n,), dtype=x.dtype).at[dst].add(ew)
    dinv = jnp.where(deg > 0, 1.0 / jnp.sqrt(deg), 0.0)
    norm = dinv[src] * ew * dinv[dst]
    h = x @ W.T
    msg = h[src] * norm[:, None]
    out = jnp.zeros((n, W.shape[0]), dtype=x.dtype).at[dst].add(msg)
    return out + b


def batchnorm_eval(x, g, b):
    # BatchNorm1d in eval mode with fresh running stats (mean=0, var=1)
    return x / jnp.sqrt(1.0 + EPS_BN) * g + b


def encoder_fwd(x, edge_index, p):
    h = gcn_conv(x, edge_index, p['W_gcn'], p['b_gcn'])
    # dropout is identity in eval mode
    rep = batchnorm_eval(h, p['g_enc'], p['beta_enc'])
    proj = rep @ p['W_proj'].T + p['b_proj']
    proj = batchnorm_eval(proj, p['g_proj'], p['beta_proj'])
    proj = jax.nn.relu(proj)
    return rep, proj


def predictor_fwd(x, p):
    h = x @ p['W_pred'].T + p['b_pred']
    h = batchnorm_eval(h, p['g_pred'], p['beta_pred'])
    return jax.nn.relu(h)


def l2_normalize(x):
    n = jnp.sqrt(jnp.sum(x * x, axis=-1, keepdims=True))
    return x / jnp.maximum(n, 1e-12)


def byol_loss(x, y):
    return 2.0 - 2.0 * jnp.sum(l2_normalize(x) * l2_normalize(y), axis=-1)


def setup_inputs(seed: int = 0) -> dict:
    key = jax.random.key(seed)
    ks = jax.random.split(key, 12)
    s = 1.0 / np.sqrt(D)
    return {
        'x1': jax.random.normal(ks[0], (N, D), dtype=jnp.float32),
        'x2': jax.random.normal(ks[1], (N, D), dtype=jnp.float32),
        'edge_index_v1': jax.random.randint(ks[2], (2, E), 0, N),
        'edge_index_v2': jax.random.randint(ks[3], (2, E), 0, N),
        'W_gcn': jax.random.uniform(ks[4], (D, D), jnp.float32, -s, s),
        'b_gcn': jnp.zeros((D,), jnp.float32),
        'g_enc': jnp.ones((D,), jnp.float32),
        'beta_enc': jnp.zeros((D,), jnp.float32),
        'W_proj': jax.random.uniform(ks[5], (D, D), jnp.float32, -s, s),
        'b_proj': jax.random.uniform(ks[6], (D,), jnp.float32, -s, s),
        'g_proj': jnp.ones((D,), jnp.float32),
        'beta_proj': jnp.zeros((D,), jnp.float32),
        'W_pred': jax.random.uniform(ks[7], (D, D), jnp.float32, -s, s),
        'b_pred': jax.random.uniform(ks[8], (D,), jnp.float32, -s, s),
        'g_pred': jnp.ones((D,), jnp.float32),
        'beta_pred': jnp.zeros((D,), jnp.float32),
    }


def reference(x1, x2, edge_index_v1, edge_index_v2, W_gcn, b_gcn, g_enc, beta_enc,
              W_proj, b_proj, g_proj, beta_proj, W_pred, b_pred, g_pred, beta_pred):
    p = dict(W_gcn=W_gcn, b_gcn=b_gcn, g_enc=g_enc, beta_enc=beta_enc,
             W_proj=W_proj, b_proj=b_proj, g_proj=g_proj, beta_proj=beta_proj,
             W_pred=W_pred, b_pred=b_pred, g_pred=g_pred, beta_pred=beta_pred)
    v1_rep, v1_online = encoder_fwd(x1, edge_index_v1, p)
    v2_rep, v2_online = encoder_fwd(x2, edge_index_v2, p)
    v1_pred = predictor_fwd(v1_online, p)
    v2_pred = predictor_fwd(v2_online, p)
    # target encoder is a deepcopy of the online encoder (same params), used under no_grad
    v1_target = jax.lax.stop_gradient(encoder_fwd(x1, edge_index_v1, p)[1])
    v2_target = jax.lax.stop_gradient(encoder_fwd(x2, edge_index_v2, p)[1])
    loss = jnp.mean(byol_loss(v1_pred, v2_target) + byol_loss(v2_pred, v1_target))
    return v1_rep, v2_rep, loss

if __name__ == "__main__":
    import jax
    _d = setup_inputs()
    print(jax.jit(kernel)(*tuple(_d.values())))

</pallas_src>

<mosaic_0001>
#map = affine_map<(d0, d1) -> (0, 0)>
#map1 = affine_map<(d0, d1) -> (0)>
module attributes {stable_mosaic.version = 14 : i64} {
  func.func @_deg_body(%arg0: i32, %arg1: i32, %arg2: memref<2500x128xi32, #tpu.memory_space<hbm>>, %arg3: memref<2500x128xi32, #tpu.memory_space<hbm>>, %arg4: memref<20480xf32, #tpu.memory_space<hbm>>, %arg5: memref<160x128xi32, #tpu.memory_space<vmem>>, %arg6: memref<10240xf32, #tpu.memory_space<vmem>>, %arg7: memref<16x640xf32, #tpu.memory_space<vmem>>, %arg8: memref<16x10240xf32, #tpu.memory_space<vmem_shared>>) attributes {dimension_semantics = [#tpu.dimension_semantics<core_parallel>, #tpu.dimension_semantics<subcore_parallel>], iteration_bounds = array<i64: 2, 16>, scalar_prefetch = 0 : i64, scratch_operands = 4 : i64, tpu.core_type = #tpu.core_type<sc_vector_subcore>, window_params = [{transform_indices = #map}, {transform_indices = #map}, {transform_indices = #map1}]} {
    %scan3A = arith.constant 0 : i32
    %scan3A_0 = arith.constant 0 : i32
    %scan3A_1 = arith.constant 640 : i32
    %scan3A_2 = arith.addi %scan3A_0, %scan3A_1 : i32
    %scan3A_3 = arith.constant 1 : i32
    %scan3A_4 = scf.for %scan3A_100 = %scan3A_0 to %scan3A_2 step %scan3A_3 iter_args(%scan3A_101 = %scan3A) -> (i32)  : i32 {
      %broadcast_in_dim3A_102 = arith.constant 0.000000e+00 : f32
      %broadcast_in_dim3A_103 = vector.broadcast %broadcast_in_dim3A_102 : f32 to vector<16xf32>
      %mul3A_104 = arith.constant 16 : i32
      %mul3A_105 = arith.muli %scan3A_100, %mul3A_104 : i32
      %swap3A = arith.index_cast %mul3A_105 : i32 to index
      %swap3A_106 = tpu.vector_load %arg6[%swap3A] {strides = array<i32>} : memref<10240xf32, #tpu.memory_space<vmem>>, vector<16xf32>,
      tpu.vector_store %arg6[%swap3A], %broadcast_in_dim3A_103 {strides = array<i32>} : memref<10240xf32, #tpu.memory_space<vmem>>, vector<16xf32>,
      %scan3A_107 = arith.constant 0 : i32
      scf.yield %scan3A_107 : i32
    }
    %scan3A_5 = arith.constant 640 : i32
    %eq3A = arith.constant 0 : i32
    %eq3A_6 = arith.cmpi eq, %arg0, %eq3A : i32
    %convert_element_type3A = arith.extui %eq3A_6 : i1 to i32
    %cond3A = arith.constant 0 : i32
    %cond3A_7 = arith.cmpi ne, %convert_element_type3A, %cond3A : i32
    scf.if %cond3A_7 {
      %lt3A_100 = arith.constant 15 : i32
      %lt3A_101 = arith.cmpi slt, %arg1, %lt3A_100 : i32
      %convert_element_type3A_102 = arith.extui %lt3A_101 : i1 to i32
      %cond3A_103 = arith.constant 0 : i32
      %cond3A_104 = arith.cmpi ne, %convert_element_type3A_102, %cond3A_103 : i32
      scf.if %cond3A_104 {
        %mul3A_110 = arith.constant 160 : i32
        %mul3A_111 = arith.muli %arg1, %mul3A_110 : i32
        "tpu.region"() ({
          %run_scoped3A_112 = tpu.sem_alloc : memref<!tpu.dma_semaphore, #tpu.memory_space<semaphore_mem>>
          %dma_start3A = arith.constant 0 : i32
          %dma_start3A_113 = tpu.memref_slice %arg2[%mul3A_111, %dma_start3A] : memref<2500x128xi32, #tpu.memory_space<hbm>> -> memref<160x128xi32, #tpu.memory_space<hbm>>
          %dma_start3A_114 = arith.constant 0 : i32
          %dma_start3A_115 = tpu.memref_slice %arg2[%mul3A_111, %dma_start3A_114] : memref<2500x128xi32, #tpu.memory_space<hbm>> -> memref<160x128xi32, #tpu.memory_space<hbm>>
          tpu.enqueue_dma source(%dma_start3A_115 : memref<160x128xi32, #tpu.memory_space<hbm>>) target(%arg5 : memref<160x128xi32, #tpu.memory_space<vmem>>) target_semaphore(%run_scoped3A_112 : memref<!tpu.dma_semaphore, #tpu.memory_space<semaphore_mem>>)
          %dma_wait3A = arith.constant 0 : i32
          %dma_wait3A_116 = tpu.memref_slice %arg2[%mul3A_111, %dma_wait3A] : memref<2500x128xi32, #tpu.memory_space<hbm>> -> memref<160x128xi32, #tpu.memory_space<hbm>>
          %dma_wait3A_117 = arith.constant 0 : i32
          %dma_wait3A_118 = tpu.memref_slice %arg2[%mul3A_111, %dma_wait3A_117] : memref<2500x128xi32, #tpu.memory_space<hbm>> -> memref<160x128xi32, #tpu.memory_space<hbm>>
          tpu.wait_dma2 semaphore(%run_scoped3A_112 : memref<!tpu.dma_semaphore, #tpu.memory_space<semaphore_mem>>) src(%dma_wait3A_118 : memref<160x128xi32, #tpu.memory_space<hbm>>) dst(%arg5 : memref<160x128xi32, #tpu.memory_space<vmem>>)
          tpu.yield
        }) : () -> ()
      } else {
      }
      %eq3A_105 = arith.constant 15 : i32
      %eq3A_106 = arith.cmpi eq, %arg1, %eq3A_105 : i32
      %convert_element_type3A_107 = arith.extui %eq3A_106 : i1 to i32
      %cond3A_108 = arith.constant 0 : i32
      %cond3A_109 = arith.cmpi ne, %convert_element_type3A_107, %cond3A_108 : i32
      scf.if %cond3A_109 {
        "tpu.region"() ({
          %run_scoped3A_110 = tpu.sem_alloc : memref<!tpu.dma_semaphore, #tpu.memory_space<semaphore_mem>>
          %dma_start3A = arith.constant 0 : i32
          %dma_start3A_111 = arith.constant 0 : i32
          %dma_start3A_112 = tpu.memref_slice %arg5[%dma_start3A, %dma_start3A_111] : memref<160x128xi32, #tpu.memory_space<vmem>> -> memref<100x128xi32, #tpu.memory_space<vmem>>
          %dma_start3A_113 = arith.constant 2400 : i32
          %dma_start3A_114 = arith.constant 0 : i32
          %dma_start3A_115 = tpu.memref_slice %arg2[%dma_start3A_113, %dma_start3A_114] : memref<2500x128xi32, #tpu.memory_space<hbm>> -> memref<100x128xi32, #tpu.memory_space<hbm>>
          %dma_start3A_116 = arith.constant 0 : i32
          %dma_start3A_117 = arith.constant 0 : i32
          %dma_start3A_118 = tpu.memref_slice %arg5[%dma_start3A_116, %dma_start3A_117] : memref<160x128xi32, #tpu.memory_space<vmem>> -> memref<100x128xi32, #tpu.memory_space<vmem>>
          %dma_start3A_119 = arith.constant 2400 : i32
          %dma_start3A_120 = arith.constant 0 : i32
          %dma_start3A_121 = tpu.memref_slice %arg2[%dma_start3A_119, %dma_start3A_120] : memref<2500x128xi32, #tpu.memory_space<hbm>> -> memref<100x128xi32, #tpu.memory_space<hbm>>
          tpu.enqueue_dma source(%dma_start3A_121 : memref<100x128xi32, #tpu.memory_space<hbm>>) target(%dma_start3A_118 : memref<100x128xi32, #tpu.memory_space<vmem>>) target_semaphore(%run_scoped3A_110 : memref<!tpu.dma_semaphore, #tpu.memory_space<semaphore_mem>>)
          %dma_wait3A = arith.constant 0 : i32
          %dma_wait3A_122 = arith.constant 0 : i32
          %dma_wait3A_123 = tpu.memref_slice %arg5[%dma_wait3A, %dma_wait3A_122] : memref<160x128xi32, #tpu.memory_space<vmem>> -> memref<100x128xi32, #tpu.memory_space<vmem>>
          %dma_wait3A_124 = arith.constant 2400 : i32
          %dma_wait3A_125 = arith.constant 0 : i32
          %dma_wait3A_126 = tpu.memref_slice %arg2[%dma_wait3A_124, %dma_wait3A_125] : memref<2500x128xi32, #tpu.memory_space<hbm>> -> memref<100x128xi32, #tpu.memory_space<hbm>>
          %dma_wait3A_127 = arith.constant 0 : i32
          %dma_wait3A_128 = arith.constant 0 : i32
          %dma_wait3A_129 = tpu.memref_slice %arg5[%dma_wait3A_127, %dma_wait3A_128] : memref<160x128xi32, #tpu.memory_space<vmem>> -> memref<100x128xi32, #tpu.memory_space<vmem>>
          %dma_wait3A_130 = arith.constant 2400 : i32
          %dma_wait3A_131 = arith.constant 0 : i32
          %dma_wait3A_132 = tpu.memref_slice %arg2[%dma_wait3A_130, %dma_wait3A_131] : memref<2500x128xi32, #tpu.memory_space<hbm>> -> memref<100x128xi32, #tpu.memory_space<hbm>>
          tpu.wait_dma2 semaphore(%run_scoped3A_110 : memref<!tpu.dma_semaphore, #tpu.memory_space<semaphore_mem>>) src(%dma_wait3A_132 : memref<100x128xi32, #tpu.memory_space<hbm>>) dst(%dma_wait3A_129 : memref<100x128xi32, #tpu.memory_space<vmem>>)
          tpu.yield
        }) : () -> ()
      } else {
      }
    } else {
    }
    %eq3A_8 = arith.constant 1 : i32
    %eq3A_9 = arith.cmpi eq, %arg0, %eq3A_8 : i32
    %convert_element_type3A_10 = arith.extui %eq3A_9 : i1 to i32
    %cond3A_11 = arith.constant 0 : i32
    %cond3A_12 = arith.cmpi ne, %convert_element_type3A_10, %cond3A_11 : i32
    scf.if %cond3A_12 {
      %lt3A_100 = arith.constant 15 : i32
      %lt3A_101 = arith.cmpi slt, %arg1, %lt3A_100 : i32
      %convert_element_type3A_102 = arith.extui %lt3A_101 : i1 to i32
      %cond3A_103 = arith.constant 0 : i32
      %cond3A_104 = arith.cmpi ne, %convert_element_type3A_102, %cond3A_103 : i32
      scf.if %cond3A_104 {
        %mul3A_110 = arith.constant 160 : i32
        %mul3A_111 = arith.muli %arg1, %mul3A_110 : i32
        "tpu.region"() ({
          %run_scoped3A_112 = tpu.sem_alloc : memref<!tpu.dma_semaphore, #tpu.memory_space<semaphore_mem>>
          %dma_start3A = arith.constant 0 : i32
          %dma_start3A_113 = tpu.memref_slice %arg3[%mul3A_111, %dma_start3A] : memref<2500x128xi32, #tpu.memory_space<hbm>> -> memref<160x128xi32, #tpu.memory_space<hbm>>
          %dma_start3A_114 = arith.constant 0 : i32
          %dma_start3A_115 = tpu.memref_slice %arg3[%mul3A_111, %dma_start3A_114] : memref<2500x128xi32, #tpu.memory_space<hbm>> -> memref<160x128xi32, #tpu.memory_space<hbm>>
          tpu.enqueue_dma source(%dma_start3A_115 : memref<160x128xi32, #tpu.memory_space<hbm>>) target(%arg5 : memref<160x128xi32, #tpu.memory_space<vmem>>) target_semaphore(%run_scoped3A_112 : memref<!tpu.dma_semaphore, #tpu.memory_space<semaphore_mem>>)
          %dma_wait3A = arith.constant 0 : i32
          %dma_wait3A_116 = tpu.memref_slice %arg3[%mul3A_111, %dma_wait3A] : memref<2500x128xi32, #tpu.memory_space<hbm>> -> memref<160x128xi32, #tpu.memory_space<hbm>>
          %dma_wait3A_117 = arith.constant 0 : i32
          %dma_wait3A_118 = tpu.memref_slice %arg3[%mul3A_111, %dma_wait3A_117] : memref<2500x128xi32, #tpu.memory_space<hbm>> -> memref<160x128xi32, #tpu.memory_space<hbm>>
          tpu.wait_dma2 semaphore(%run_scoped3A_112 : memref<!tpu.dma_semaphore, #tpu.memory_space<semaphore_mem>>) src(%dma_wait3A_118 : memref<160x128xi32, #tpu.memory_space<hbm>>) dst(%arg5 : memref<160x128xi32, #tpu.memory_space<vmem>>)
          tpu.yield
        }) : () -> ()
      } else {
      }
      %eq3A_105 = arith.constant 15 : i32
      %eq3A_106 = arith.cmpi eq, %arg1, %eq3A_105 : i32
      %convert_element_type3A_107 = arith.extui %eq3A_106 : i1 to i32
      %cond3A_108 = arith.constant 0 : i32
      %cond3A_109 = arith.cmpi ne, %convert_element_type3A_107, %cond3A_108 : i32
      scf.if %cond3A_109 {
        "tpu.region"() ({
          %run_scoped3A_110 = tpu.sem_alloc : memref<!tpu.dma_semaphore, #tpu.memory_space<semaphore_mem>>
          %dma_start3A = arith.constant 0 : i32
          %dma_start3A_111 = arith.constant 0 : i32
          %dma_start3A_112 = tpu.memref_slice %arg5[%dma_start3A, %dma_start3A_111] : memref<160x128xi32, #tpu.memory_space<vmem>> -> memref<100x128xi32, #tpu.memory_space<vmem>>
          %dma_start3A_113 = arith.constant 2400 : i32
          %dma_start3A_114 = arith.constant 0 : i32
          %dma_start3A_115 = tpu.memref_slice %arg3[%dma_start3A_113, %dma_start3A_114] : memref<2500x128xi32, #tpu.memory_space<hbm>> -> memref<100x128xi32, #tpu.memory_space<hbm>>
          %dma_start3A_116 = arith.constant 0 : i32
          %dma_start3A_117 = arith.constant 0 : i32
          %dma_start3A_118 = tpu.memref_slice %arg5[%dma_start3A_116, %dma_start3A_117] : memref<160x128xi32, #tpu.memory_space<vmem>> -> memref<100x128xi32, #tpu.memory_space<vmem>>
          %dma_start3A_119 = arith.constant 2400 : i32
          %dma_start3A_120 = arith.constant 0 : i32
          %dma_start3A_121 = tpu.memref_slice %arg3[%dma_start3A_119, %dma_start3A_120] : memref<2500x128xi32, #tpu.memory_space<hbm>> -> memref<100x128xi32, #tpu.memory_space<hbm>>
          tpu.enqueue_dma source(%dma_start3A_121 : memref<100x128xi32, #tpu.memory_space<hbm>>) target(%dma_start3A_118 : memref<100x128xi32, #tpu.memory_space<vmem>>) target_semaphore(%run_scoped3A_110 : memref<!tpu.dma_semaphore, #tpu.memory_space<semaphore_mem>>)
          %dma_wait3A = arith.constant 0 : i32
          %dma_wait3A_122 = arith.constant 0 : i32
          %dma_wait3A_123 = tpu.memref_slice %arg5[%dma_wait3A, %dma_wait3A_122] : memref<160x128xi32, #tpu.memory_space<vmem>> -> memref<100x128xi32, #tpu.memory_space<vmem>>
          %dma_wait3A_124 = arith.constant 2400 : i32
          %dma_wait3A_125 = arith.constant 0 : i32
          %dma_wait3A_126 = tpu.memref_slice %arg3[%dma_wait3A_124, %dma_wait3A_125] : memref<2500x128xi32, #tpu.memory_space<hbm>> -> memref<100x128xi32, #tpu.memory_space<hbm>>
          %dma_wait3A_127 = arith.constant 0 : i32
          %dma_wait3A_128 = arith.constant 0 : i32
          %dma_wait3A_129 = tpu.memref_slice %arg5[%dma_wait3A_127, %dma_wait3A_128] : memref<160x128xi32, #tpu.memory_space<vmem>> -> memref<100x128xi32, #tpu.memory_space<vmem>>
          %dma_wait3A_130 = arith.constant 2400 : i32
          %dma_wait3A_131 = arith.constant 0 : i32
          %dma_wait3A_132 = tpu.memref_slice %arg3[%dma_wait3A_130, %dma_wait3A_131] : memref<2500x128xi32, #tpu.memory_space<hbm>> -> memref<100x128xi32, #tpu.memory_space<hbm>>
          tpu.wait_dma2 semaphore(%run_scoped3A_110 : memref<!tpu.dma_semaphore, #tpu.memory_space<semaphore_mem>>) src(%dma_wait3A_132 : memref<100x128xi32, #tpu.memory_space<hbm>>) dst(%dma_wait3A_129 : memref<100x128xi32, #tpu.memory_space<vmem>>)
          tpu.yield
        }) : () -> ()
      } else {
      }
    } else {
    }
    %broadcast_in_dim3A = arith.constant 1.000000e+00 : f32
    %broadcast_in_dim3A_13 = vector.broadcast %broadcast_in_dim3A : f32 to vector<16xf32>
    %lt3A = arith.constant 15 : i32
    %lt3A_14 = arith.cmpi slt, %arg1, %lt3A : i32
    %jit3A = arith.constant 160 : i32
    %jit3A_15 = arith.constant 100 : i32
    %select_n3A = arith.select %lt3A_14, %jit3A, %jit3A_15 : i32
    %while3A = arith.constant 0 : i32
    %while3A_16 = arith.constant 0 : i32
    %while3A_17 = arith.subi %select_n3A, %while3A : i32
    %while3A_18 = arith.addi %while3A, %while3A_17 : i32
    %while3A_19 = arith.constant 1 : i32
    %while3A_20 = arith.divsi %while3A_17, %while3A_19 : i32
    %while3A_21 = arith.muli %while3A_20, %while3A_19 : i32
    %while3A_22 = arith.addi %while3A, %while3A_21 : i32
    %while3A_23 = arith.constant 1 : i32
    %while3A_24 = scf.for %while3A_100 = %while3A to %while3A_22 step %while3A_23 iter_args(%while3A_101 = %while3A_16) -> (i32)  : i32 {
      %scan3A_102 = arith.constant 0 : i32
      %scan3A_103 = arith.constant 0 : i32
      %scan3A_104 = arith.constant 8 : i32
      %scan3A_105 = arith.addi %scan3A_103, %scan3A_104 : i32
      %scan3A_106 = arith.constant 1 : i32
      %scan3A_107 = scf.for %scan3A_110 = %scan3A_103 to %scan3A_105 step %scan3A_106 iter_args(%scan3A_111 = %scan3A_102) -> (i32)  : i32 {
        %mul3A_112 = arith.constant 16 : i32
        %mul3A_113 = arith.muli %scan3A_110, %mul3A_112 : i32
        %get3A = arith.index_cast %while3A_100 : i32 to index
        %get3A_114 = arith.index_cast %mul3A_113 : i32 to index
        %get3A_115 = tpu.vector_load %arg5[%get3A, %get3A_114] {strides = array<i32>} : memref<160x128xi32, #tpu.memory_space<vmem>>, vector<16xi32>,
        tpu.vector_store_idx %arg6[%get3A_115], %broadcast_in_dim3A_13 {add = true} : memref<10240xf32, #tpu.memory_space<vmem>>[vector<16xi32>], vector<16xf32>,
        %scan3A_116 = arith.constant 0 : i32
        scf.yield %scan3A_116 : i32
      }
      %scan3A_108 = arith.constant 8 : i32
      %while3A_109 = arith.constant 0 : i32
      scf.yield %while3A_109 : i32
    }
    %while3A_25 = arith.constant 1 : i32
    %while3A_26 = scf.for %while3A_100 = %while3A_22 to %while3A_18 step %while3A_25 iter_args(%while3A_101 = %while3A_24) -> (i32)  : i32 {
      %scan3A_102 = arith.constant 0 : i32
      %scan3A_103 = arith.constant 0 : i32
      %scan3A_104 = arith.constant 8 : i32
      %scan3A_105 = arith.addi %scan3A_103, %scan3A_104 : i32
      %scan3A_106 = arith.constant 1 : i32
      %scan3A_107 = scf.for %scan3A_110 = %scan3A_103 to %scan3A_105 step %scan3A_106 iter_args(%scan3A_111 = %scan3A_102) -> (i32)  : i32 {
        %mul3A_112 = arith.constant 16 : i32
        %mul3A_113 = arith.muli %scan3A_110, %mul3A_112 : i32
        %get3A = arith.index_cast %while3A_100 : i32 to index
        %get3A_114 = arith.index_cast %mul3A_113 : i32 to index
        %get3A_115 = tpu.vector_load %arg5[%get3A, %get3A_114] {strides = array<i32>} : memref<160x128xi32, #tpu.memory_space<vmem>>, vector<16xi32>,
        tpu.vector_store_idx %arg6[%get3A_115], %broadcast_in_dim3A_13 {add = true} : memref<10240xf32, #tpu.memory_space<vmem>>[vector<16xi32>], vector<16xf32>,
        %scan3A_116 = arith.constant 0 : i32
        scf.yield %scan3A_116 : i32
      }
      %scan3A_108 = arith.constant 8 : i32
      %while3A_109 = arith.constant 0 : i32
      scf.yield %while3A_109 : i32
    }
    "tpu.region"() ({
      %run_scoped3A_100 = tpu.sem_alloc : memref<!tpu.dma_semaphore, #tpu.memory_space<semaphore_mem>>
      %dma_start3A = arith.constant 0 : i32
      %dma_start3A_101 = tpu.memref_slice %arg8[%arg1, %dma_start3A] : memref<16x10240xf32, #tpu.memory_space<vmem_shared>> -> memref<1x10240xf32, #tpu.memory_space<vmem_shared>>
      %dma_start3A_102 = tpu.memref_squeeze %dma_start3A_101 : memref<1x10240xf32, #tpu.memory_space<vmem_shared>> -> memref<10240xf32, #tpu.memory_space<vmem_shared>>
      %dma_start3A_103 = arith.constant 0 : i32
      %dma_start3A_104 = tpu.memref_slice %arg8[%arg1, %dma_start3A_103] : memref<16x10240xf32, #tpu.memory_space<vmem_shared>> -> memref<1x10240xf32, #tpu.memory_space<vmem_shared>>
      %dma_start3A_105 = tpu.memref_squeeze %dma_start3A_104 : memref<1x10240xf32, #tpu.memory_space<vmem_shared>> -> memref<10240xf32, #tpu.memory_space<vmem_shared>>
      tpu.enqueue_dma source(%arg6 : memref<10240xf32, #tpu.memory_space<vmem>>) target(%dma_start3A_105 : memref<10240xf32, #tpu.memory_space<vmem_shared>>) target_semaphore(%run_scoped3A_100 : memref<!tpu.dma_semaphore, #tpu.memory_space<semaphore_mem>>)
      %dma_wait3A = arith.constant 0 : i32
      %dma_wait3A_106 = tpu.memref_slice %arg8[%arg1, %dma_wait3A] : memref<16x10240xf32, #tpu.memory_space<vmem_shared>> -> memref<1x10240xf32, #tpu.memory_space<vmem_shared>>
      %dma_wait3A_107 = tpu.memref_squeeze %dma_wait3A_106 : memref<1x10240xf32, #tpu.memory_space<vmem_shared>> -> memref<10240xf32, #tpu.memory_space<vmem_shared>>
      %dma_wait3A_108 = arith.constant 0 : i32
      %dma_wait3A_109 = tpu.memref_slice %arg8[%arg1, %dma_wait3A_108] : memref<16x10240xf32, #tpu.memory_space<vmem_shared>> -> memref<1x10240xf32, #tpu.memory_space<vmem_shared>>
      %dma_wait3A_110 = tpu.memref_squeeze %dma_wait3A_109 : memref<1x10240xf32, #tpu.memory_space<vmem_shared>> -> memref<10240xf32, #tpu.memory_space<vmem_shared>>
      tpu.wait_dma2 semaphore(%run_scoped3A_100 : memref<!tpu.dma_semaphore, #tpu.memory_space<semaphore_mem>>) src(%arg6 : memref<10240xf32, #tpu.memory_space<vmem>>) dst(%dma_wait3A_110 : memref<10240xf32, #tpu.memory_space<vmem_shared>>)
      tpu.yield
    }) : () -> ()
    %barrier3A = arith.constant 0 : index
    tpu.barrier barrier_id(%barrier3A)
    %mul3A = arith.constant 640 : i32
    %mul3A_27 = arith.muli %arg1, %mul3A : i32
    %run_scoped3A = arith.constant 0 : i32
    %run_scoped3A_28 = arith.constant 0 : i32
    "tpu.region"() ({
      %run_scoped3A_100 = tpu.sem_alloc : memref<!tpu.dma_semaphore, #tpu.memory_space<semaphore_mem>>
      %dma_start3A = arith.constant 0 : i32
      %dma_start3A_101 = tpu.memref_slice %arg7[%run_scoped3A_28, %dma_start3A] : memref<16x640xf32, #tpu.memory_space<vmem>> -> memref<1x640xf32, #tpu.memory_space<vmem>>
      %dma_start3A_102 = tpu.memref_squeeze %dma_start3A_101 : memref<1x640xf32, #tpu.memory_space<vmem>> -> memref<640xf32, #tpu.memory_space<vmem>>
      %dma_start3A_103 = tpu.memref_slice %arg8[%run_scoped3A, %mul3A_27] : memref<16x10240xf32, #tpu.memory_space<vmem_shared>> -> memref<1x640xf32, #tpu.memory_space<vmem_shared>>
      %dma_start3A_104 = tpu.memref_squeeze %dma_start3A_103 : memref<1x640xf32, #tpu.memory_space<vmem_shared>> -> memref<640xf32, #tpu.memory_space<vmem_shared>>
      %dma_start3A_105 = arith.constant 0 : i32
      %dma_start3A_106 = tpu.memref_slice %arg7[%run_scoped3A_28, %dma_start3A_105] : memref<16x640xf32, #tpu.memory_space<vmem>> -> memref<1x640xf32, #tpu.memory_space<vmem>>
      %dma_start3A_107 = tpu.memref_squeeze %dma_start3A_106 : memref<1x640xf32, #tpu.memory_space<vmem>> -> memref<640xf32, #tpu.memory_space<vmem>>
      %dma_start3A_108 = tpu.memref_slice %arg8[%run_scoped3A, %mul3A_27] : memref<16x10240xf32, #tpu.memory_space<vmem_shared>> -> memref<1x640xf32, #tpu.memory_space<vmem_shared>>
      %dma_start3A_109 = tpu.memref_squeeze %dma_start3A_108 : memref<1x640xf32, #tpu.memory_space<vmem_shared>> -> memref<640xf32, #tpu.memory_space<vmem_shared>>
      tpu.enqueue_dma source(%dma_start3A_109 : memref<640xf32, #tpu.memory_space<vmem_shared>>) target(%dma_start3A_107 : memref<640xf32, #tpu.memory_space<vmem>>) target_semaphore(%run_scoped3A_100 : memref<!tpu.dma_semaphore, #tpu.memory_space<semaphore_mem>>)
      %dma_wait3A = arith.constant 0 : i32
      %dma_wait3A_110 = tpu.memref_slice %arg7[%run_scoped3A_28, %dma_wait3A] : memref<16x640xf32, #tpu.memory_space<vmem>> -> memref<1x640xf32, #tpu.memory_space<vmem>>
      %dma_wait3A_111 = tpu.memref_squeeze %dma_wait3A_110 : memref<1x640xf32, #tpu.memory_space<vmem>> -> memref<640xf32, #tpu.memory_space<vmem>>
      %dma_wait3A_112 = tpu.memref_slice %arg8[%run_scoped3A, %mul3A_27] : memref<16x10240xf32, #tpu.memory_space<vmem_shared>> -> memref<1x640xf32, #tpu.memory_space<vmem_shared>>
      %dma_wait3A_113 = tpu.memref_squeeze %dma_wait3A_112 : memref<1x640xf32, #tpu.memory_space<vmem_shared>> -> memref<640xf32, #tpu.memory_space<vmem_shared>>
      %dma_wait3A_114 = arith.constant 0 : i32
      %dma_wait3A_115 = tpu.memref_slice %arg7[%run_scoped3A_28, %dma_wait3A_114] : memref<16x640xf32, #tpu.memory_space<vmem>> -> memref<1x640xf32, #tpu.memory_space<vmem>>
      %dma_wait3A_116 = tpu.memref_squeeze %dma_wait3A_115 : memref<1x640xf32, #tpu.memory_space<vmem>> -> memref<640xf32, #tpu.memory_space<vmem>>
      %dma_wait3A_117 = tpu.memref_slice %arg8[%run_scoped3A, %mul3A_27] : memref<16x10240xf32, #tpu.memory_space<vmem_shared>> -> memref<1x640xf32, #tpu.memory_space<vmem_shared>>
      %dma_wait3A_118 = tpu.memref_squeeze %dma_wait3A_117 : memref<1x640xf32, #tpu.memory_space<vmem_shared>> -> memref<640xf32, #tpu.memory_space<vmem_shared>>
      tpu.wait_dma2 semaphore(%run_scoped3A_100 : memref<!tpu.dma_semaphore, #tpu.memory_space<semaphore_mem>>) src(%dma_wait3A_118 : memref<640xf32, #tpu.memory_space<vmem_shared>>) dst(%dma_wait3A_116 : memref<640xf32, #tpu.memory_space<vmem>>)
      tpu.yield
    }) : () -> ()
    %mul3A_29 = arith.constant 640 : i32
    %mul3A_30 = arith.muli %arg1, %mul3A_29 : i32
    %run_scoped3A_31 = arith.constant 1 : i32
    %run_scoped3A_32 = arith.constant 1 : i32
    "tpu.region"() ({
      %run_scoped3A_100 = tpu.sem_alloc : memref<!tpu.dma_semaphore, #tpu.memory_space<semaphore_mem>>
      %dma_start3A = arith.constant 0 : i32
      %dma_start3A_101 = tpu.memref_slice %arg7[%run_scoped3A_32, %dma_start3A] : memref<16x640xf32, #tpu.memory_space<vmem>> -> memref<1x640xf32, #tpu.memory_space<vmem>>
      %dma_start3A_102 = tpu.memref_squeeze %dma_start3A_101 : memref<1x640xf32, #tpu.memory_space<vmem>> -> memref<640xf32, #tpu.memory_space<vmem>>
      %dma_start3A_103 = tpu.memref_slice %arg8[%run_scoped3A_31, %mul3A_30] : memref<16x10240xf32, #tpu.memory_space<vmem_shared>> -> memref<1x640xf32, #tpu.memory_space<vmem_shared>>
      %dma_start3A_104 = tpu.memref_squeeze %dma_start3A_103 : memref<1x640xf32, #tpu.memory_space<vmem_shared>> -> memref<640xf32, #tpu.memory_space<vmem_shared>>
      %dma_start3A_105 = arith.constant 0 : i32
      %dma_start3A_106 = tpu.memref_slice %arg7[%run_scoped3A_32, %dma_start3A_105] : memref<16x640xf32, #tpu.memory_space<vmem>> -> memref<1x640xf32, #tpu.memory_space<vmem>>
      %dma_start3A_107 = tpu.memref_squeeze %dma_start3A_106 : memref<1x640xf32, #tpu.memory_space<vmem>> -> memref<640xf32, #tpu.memory_space<vmem>>
      %dma_start3A_108 = tpu.memref_slice %arg8[%run_scoped3A_31, %mul3A_30] : memref<16x10240xf32, #tpu.memory_space<vmem_shared>> -> memref<1x640xf32, #tpu.memory_space<vmem_shared>>
      %dma_start3A_109 = tpu.memref_squeeze %dma_start3A_108 : memref<1x640xf32, #tpu.memory_space<vmem_shared>> -> memref<640xf32, #tpu.memory_space<vmem_shared>>
      tpu.enqueue_dma source(%dma_start3A_109 : memref<640xf32, #tpu.memory_space<vmem_shared>>) target(%dma_start3A_107 : memref<640xf32, #tpu.memory_space<vmem>>) target_semaphore(%run_scoped3A_100 : memref<!tpu.dma_semaphore, #tpu.memory_space<semaphore_mem>>)
      %dma_wait3A = arith.constant 0 : i32
      %dma_wait3A_110 = tpu.memref_slice %arg7[%run_scoped3A_32, %dma_wait3A] : memref<16x640xf32, #tpu.memory_space<vmem>> -> memref<1x640xf32, #tpu.memory_space<vmem>>
      %dma_wait3A_111 = tpu.memref_squeeze %dma_wait3A_110 : memref<1x640xf32, #tpu.memory_space<vmem>> -> memref<640xf32, #tpu.memory_space<vmem>>
      %dma_wait3A_112 = tpu.memref_slice %arg8[%run_scoped3A_31, %mul3A_30] : memref<16x10240xf32, #tpu.memory_space<vmem_shared>> -> memref<1x640xf32, #tpu.memory_space<vmem_shared>>
      %dma_wait3A_113 = tpu.memref_squeeze %dma_wait3A_112 : memref<1x640xf32, #tpu.memory_space<vmem_shared>> -> memref<640xf32, #tpu.memory_space<vmem_shared>>
      %dma_wait3A_114 = arith.constant 0 : i32
      %dma_wait3A_115 = tpu.memref_slice %arg7[%run_scoped3A_32, %dma_wait3A_114] : memref<16x640xf32, #tpu.memory_space<vmem>> -> memref<1x640xf32, #tpu.memory_space<vmem>>
      %dma_wait3A_116 = tpu.memref_squeeze %dma_wait3A_115 : memref<1x640xf32, #tpu.memory_space<vmem>> -> memref<640xf32, #tpu.memory_space<vmem>>
      %dma_wait3A_117 = tpu.memref_slice %arg8[%run_scoped3A_31, %mul3A_30] : memref<16x10240xf32, #tpu.memory_space<vmem_shared>> -> memref<1x640xf32, #tpu.memory_space<vmem_shared>>
      %dma_wait3A_118 = tpu.memref_squeeze %dma_wait3A_117 : memref<1x640xf32, #tpu.memory_space<vmem_shared>> -> memref<640xf32, #tpu.memory_space<vmem_shared>>
      tpu.wait_dma2 semaphore(%run_scoped3A_100 : memref<!tpu.dma_semaphore, #tpu.memory_space<semaphore_mem>>) src(%dma_wait3A_118 : memref<640xf32, #tpu.memory_space<vmem_shared>>) dst(%dma_wait3A_116 : memref<640xf32, #tpu.memory_space<vmem>>)
      tpu.yield
    }) : () -> ()
    %mul3A_33 = arith.constant 640 : i32
    %mul3A_34 = arith.muli %arg1, %mul3A_33 : i32
    %run_scoped3A_35 = arith.constant 2 : i32
    %run_scoped3A_36 = arith.constant 2 : i32
    "tpu.region"() ({
      %run_scoped3A_100 = tpu.sem_alloc : memref<!tpu.dma_semaphore, #tpu.memory_space<semaphore_mem>>
      %dma_start3A = arith.constant 0 : i32
      %dma_start3A_101 = tpu.memref_slice %arg7[%run_scoped3A_36, %dma_start3A] : memref<16x640xf32, #tpu.memory_space<vmem>> -> memref<1x640xf32, #tpu.memory_space<vmem>>
      %dma_start3A_102 = tpu.memref_squeeze %dma_start3A_101 : memref<1x640xf32, #tpu.memory_space<vmem>> -> memref<640xf32, #tpu.memory_space<vmem>>
      %dma_start3A_103 = tpu.memref_slice %arg8[%run_scoped3A_35, %mul3A_34] : memref<16x10240xf32, #tpu.memory_space<vmem_shared>> -> memref<1x640xf32, #tpu.memory_space<vmem_shared>>
      %dma_start3A_104 = tpu.memref_squeeze %dma_start3A_103 : memref<1x640xf32, #tpu.memory_space<vmem_shared>> -> memref<640xf32, #tpu.memory_space<vmem_shared>>
      %dma_start3A_105 = arith.constant 0 : i32
      %dma_start3A_106 = tpu.memref_slice %arg7[%run_scoped3A_36, %dma_start3A_105] : memref<16x640xf32, #tpu.memory_space<vmem>> -> memref<1x640xf32, #tpu.memory_space<vmem>>
      %dma_start3A_107 = tpu.memref_squeeze %dma_start3A_106 : memref<1x640xf32, #tpu.memory_space<vmem>> -> memref<640xf32, #tpu.memory_space<vmem>>
      %dma_start3A_108 = tpu.memref_slice %arg8[%run_scoped3A_35, %mul3A_34] : memref<16x10240xf32, #tpu.memory_space<vmem_shared>> -> memref<1x640xf32, #tpu.memory_space<vmem_shared>>
      %dma_start3A_109 = tpu.memref_squeeze %dma_start3A_108 : memref<1x640xf32, #tpu.memory_space<vmem_shared>> -> memref<640xf32, #tpu.memory_space<vmem_shared>>
      tpu.enqueue_dma source(%dma_start3A_109 : memref<640xf32, #tpu.memory_space<vmem_shared>>) target(%dma_start3A_107 : memref<640xf32, #tpu.memory_space<vmem>>) target_semaphore(%run_scoped3A_100 : memref<!tpu.dma_semaphore, #tpu.memory_space<semaphore_mem>>)
      %dma_wait3A = arith.constant 0 : i32
      %dma_wait3A_110 = tpu.memref_slice %arg7[%run_scoped3A_36, %dma_wait3A] : memref<16x640xf32, #tpu.memory_space<vmem>> -> memref<1x640xf32, #tpu.memory_space<vmem>>
      %dma_wait3A_111 = tpu.memref_squeeze %dma_wait3A_110 : memref<1x640xf32, #tpu.memory_space<vmem>> -> memref<640xf32, #tpu.memory_space<vmem>>
      %dma_wait3A_112 = tpu.memref_slice %arg8[%run_scoped3A_35, %mul3A_34] : memref<16x10240xf32, #tpu.memory_space<vmem_shared>> -> memref<1x640xf32, #tpu.memory_space<vmem_shared>>
      %dma_wait3A_113 = tpu.memref_squeeze %dma_wait3A_112 : memref<1x640xf32, #tpu.memory_space<vmem_shared>> -> memref<640xf32, #tpu.memory_space<vmem_shared>>
      %dma_wait3A_114 = arith.constant 0 : i32
      %dma_wait3A_115 = tpu.memref_slice %arg7[%run_scoped3A_36, %dma_wait3A_114] : memref<16x640xf32, #tpu.memory_space<vmem>> -> memref<1x640xf32, #tpu.memory_space<vmem>>
      %dma_wait3A_116 = tpu.memref_squeeze %dma_wait3A_115 : memref<1x640xf32, #tpu.memory_space<vmem>> -> memref<640xf32, #tpu.memory_space<vmem>>
      %dma_wait3A_117 = tpu.memref_slice %arg8[%run_scoped3A_35, %mul3A_34] : memref<16x10240xf32, #tpu.memory_space<vmem_shared>> -> memref<1x640xf32, #tpu.memory_space<vmem_shared>>
      %dma_wait3A_118 = tpu.memref_squeeze %dma_wait3A_117 : memref<1x640xf32, #tpu.memory_space<vmem_shared>> -> memref<640xf32, #tpu.memory_space<vmem_shared>>
      tpu.wait_dma2 semaphore(%run_scoped3A_100 : memref<!tpu.dma_semaphore, #tpu.memory_space<semaphore_mem>>) src(%dma_wait3A_118 : memref<640xf32, #tpu.memory_space<vmem_shared>>) dst(%dma_wait3A_116 : memref<640xf32, #tpu.memory_space<vmem>>)
      tpu.yield
    }) : () -> ()
    %mul3A_37 = arith.constant 640 : i32
    %mul3A_38 = arith.muli %arg1, %mul3A_37 : i32
    %run_scoped3A_39 = arith.constant 3 : i32
    %run_scoped3A_40 = arith.constant 3 : i32
    "tpu.region"() ({
      %run_scoped3A_100 = tpu.sem_alloc : memref<!tpu.dma_semaphore, #tpu.memory_space<semaphore_mem>>
      %dma_start3A = arith.constant 0 : i32
      %dma_start3A_101 = tpu.memref_slice %arg7[%run_scoped3A_40, %dma_start3A] : memref<16x640xf32, #tpu.memory_space<vmem>> -> memref<1x640xf32, #tpu.memory_space<vmem>>
      %dma_start3A_102 = tpu.memref_squeeze %dma_start3A_101 : memref<1x640xf32, #tpu.memory_space<vmem>> -> memref<640xf32, #tpu.memory_space<vmem>>
      %dma_start3A_103 = tpu.memref_slice %arg8[%run_scoped3A_39, %mul3A_38] : memref<16x10240xf32, #tpu.memory_space<vmem_shared>> -> memref<1x640xf32, #tpu.memory_space<vmem_shared>>
      %dma_start3A_104 = tpu.memref_squeeze %dma_start3A_103 : memref<1x640xf32, #tpu.memory_space<vmem_shared>> -> memref<640xf32, #tpu.memory_space<vmem_shared>>
      %dma_start3A_105 = arith.constant 0 : i32
      %dma_start3A_106 = tpu.memref_slice %arg7[%run_scoped3A_40, %dma_start3A_105] : memref<16x640xf32, #tpu.memory_space<vmem>> -> memref<1x640xf32, #tpu.memory_space<vmem>>
      %dma_start3A_107 = tpu.memref_squeeze %dma_start3A_106 : memref<1x640xf32, #tpu.memory_space<vmem>> -> memref<640xf32, #tpu.memory_space<vmem>>
      %dma_start3A_108 = tpu.memref_slice %arg8[%run_scoped3A_39, %mul3A_38] : memref<16x10240xf32, #tpu.memory_space<vmem_shared>> -> memref<1x640xf32, #tpu.memory_space<vmem_shared>>
      %dma_start3A_109 = tpu.memref_squeeze %dma_start3A_108 : memref<1x640xf32, #tpu.memory_space<vmem_shared>> -> memref<640xf32, #tpu.memory_space<vmem_shared>>
      tpu.enqueue_dma source(%dma_start3A_109 : memref<640xf32, #tpu.memory_space<vmem_shared>>) target(%dma_start3A_107 : memref<640xf32, #tpu.memory_space<vmem>>) target_semaphore(%run_scoped3A_100 : memref<!tpu.dma_semaphore, #tpu.memory_space<semaphore_mem>>)
      %dma_wait3A = arith.constant 0 : i32
      %dma_wait3A_110 = tpu.memref_slice %arg7[%run_scoped3A_40, %dma_wait3A] : memref<16x640xf32, #tpu.memory_space<vmem>> -> memref<1x640xf32, #tpu.memory_space<vmem>>
      %dma_wait3A_111 = tpu.memref_squeeze %dma_wait3A_110 : memref<1x640xf32, #tpu.memory_space<vmem>> -> memref<640xf32, #tpu.memory_space<vmem>>
      %dma_wait3A_112 = tpu.memref_slice %arg8[%run_scoped3A_39, %mul3A_38] : memref<16x10240xf32, #tpu.memory_space<vmem_shared>> -> memref<1x640xf32, #tpu.memory_space<vmem_shared>>
      %dma_wait3A_113 = tpu.memref_squeeze %dma_wait3A_112 : memref<1x640xf32, #tpu.memory_space<vmem_shared>> -> memref<640xf32, #tpu.memory_space<vmem_shared>>
      %dma_wait3A_114 = arith.constant 0 : i32
      %dma_wait3A_115 = tpu.memref_slice %arg7[%run_scoped3A_40, %dma_wait3A_114] : memref<16x640xf32, #tpu.memory_space<vmem>> -> memref<1x640xf32, #tpu.memory_space<vmem>>
      %dma_wait3A_116 = tpu.memref_squeeze %dma_wait3A_115 : memref<1x640xf32, #tpu.memory_space<vmem>> -> memref<640xf32, #tpu.memory_space<vmem>>
      %dma_wait3A_117 = tpu.memref_slice %arg8[%run_scoped3A_39, %mul3A_38] : memref<16x10240xf32, #tpu.memory_space<vmem_shared>> -> memref<1x640xf32, #tpu.memory_space<vmem_shared>>
      %dma_wait3A_118 = tpu.memref_squeeze %dma_wait3A_117 : memref<1x640xf32, #tpu.memory_space<vmem_shared>> -> memref<640xf32, #tpu.memory_space<vmem_shared>>
      tpu.wait_dma2 semaphore(%run_scoped3A_100 : memref<!tpu.dma_semaphore, #tpu.memory_space<semaphore_mem>>) src(%dma_wait3A_118 : memref<640xf32, #tpu.memory_space<vmem_shared>>) dst(%dma_wait3A_116 : memref<640xf32, #tpu.memory_space<vmem>>)
      tpu.yield
    }) : () -> ()
    %mul3A_41 = arith.constant 640 : i32
    %mul3A_42 = arith.muli %arg1, %mul3A_41 : i32
    %run_scoped3A_43 = arith.constant 4 : i32
    %run_scoped3A_44 = arith.constant 4 : i32
    "tpu.region"() ({
      %run_scoped3A_100 = tpu.sem_alloc : memref<!tpu.dma_semaphore, #tpu.memory_space<semaphore_mem>>
      %dma_start3A = arith.constant 0 : i32
      %dma_start3A_101 = tpu.memref_slice %arg7[%run_scoped3A_44, %dma_start3A] : memref<16x640xf32, #tpu.memory_space<vmem>> -> memref<1x640xf32, #tpu.memory_space<vmem>>
      %dma_start3A_102 = tpu.memref_squeeze %dma_start3A_101 : memref<1x640xf32, #tpu.memory_space<vmem>> -> memref<640xf32, #tpu.memory_space<vmem>>
      %dma_start3A_103 = tpu.memref_slice %arg8[%run_scoped3A_43, %mul3A_42] : memref<16x10240xf32, #tpu.memory_space<vmem_shared>> -> memref<1x640xf32, #tpu.memory_space<vmem_shared>>
      %dma_start3A_104 = tpu.memref_squeeze %dma_start3A_103 : memref<1x640xf32, #tpu.memory_space<vmem_shared>> -> memref<640xf32, #tpu.memory_space<vmem_shared>>
      %dma_start3A_105 = arith.constant 0 : i32
      %dma_start3A_106 = tpu.memref_slice %arg7[%run_scoped3A_44, %dma_start3A_105] : memref<16x640xf32, #tpu.memory_space<vmem>> -> memref<1x640xf32, #tpu.memory_space<vmem>>
      %dma_start3A_107 = tpu.memref_squeeze %dma_start3A_106 : memref<1x640xf32, #tpu.memory_space<vmem>> -> memref<640xf32, #tpu.memory_space<vmem>>
      %dma_start3A_108 = tpu.memref_slice %arg8[%run_scoped3A_43, %mul3A_42] : memref<16x10240xf32, #tpu.memory_space<vmem_shared>> -> memref<1x640xf32, #tpu.memory_space<vmem_shared>>
      %dma_start3A_109 = tpu.memref_squeeze %dma_start3A_108 : memref<1x640xf32, #tpu.memory_space<vmem_shared>> -> memref<640xf32, #tpu.memory_space<vmem_shared>>
      tpu.enqueue_dma source(%dma_start3A_109 : memref<640xf32, #tpu.memory_space<vmem_shared>>) target(%dma_start3A_107 : memref<640xf32, #tpu.memory_space<vmem>>) target_semaphore(%run_scoped3A_100 : memref<!tpu.dma_semaphore, #tpu.memory_space<semaphore_mem>>)
      %dma_wait3A = arith.constant 0 : i32
      %dma_wait3A_110 = tpu.memref_slice %arg7[%run_scoped3A_44, %dma_wait3A] : memref<16x640xf32, #tpu.memory_space<vmem>> -> memref<1x640xf32, #tpu.memory_space<vmem>>
      %dma_wait3A_111 = tpu.memref_squeeze %dma_wait3A_110 : memref<1x640xf32, #tpu.memory_space<vmem>> -> memref<640xf32, #tpu.memory_space<vmem>>
      %dma_wait3A_112 = tpu.memref_slice %arg8[%run_scoped3A_43, %mul3A_42] : memref<16x10240xf32, #tpu.memory_space<vmem_shared>> -> memref<1x640xf32, #tpu.memory_space<vmem_shared>>
      %dma_wait3A_113 = tpu.memref_squeeze %dma_wait3A_112 : memref<1x640xf32, #tpu.memory_space<vmem_shared>> -> memref<640xf32, #tpu.memory_space<vmem_shared>>
      %dma_wait3A_114 = arith.constant 0 : i32
      %dma_wait3A_115 = tpu.memref_slice %arg7[%run_scoped3A_44, %dma_wait3A_114] : memref<16x640xf32, #tpu.memory_space<vmem>> -> memref<1x640xf32, #tpu.memory_space<vmem>>
      %dma_wait3A_116 = tpu.memref_squeeze %dma_wait3A_115 : memref<1x640xf32, #tpu.memory_space<vmem>> -> memref<640xf32, #tpu.memory_space<vmem>>
      %dma_wait3A_117 = tpu.memref_slice %arg8[%run_scoped3A_43, %mul3A_42] : memref<16x10240xf32, #tpu.memory_space<vmem_shared>> -> memref<1x640xf32, #tpu.memory_space<vmem_shared>>
      %dma_wait3A_118 = tpu.memref_squeeze %dma_wait3A_117 : memref<1x640xf32, #tpu.memory_space<vmem_shared>> -> memref<640xf32, #tpu.memory_space<vmem_shared>>
      tpu.wait_dma2 semaphore(%run_scoped3A_100 : memref<!tpu.dma_semaphore, #tpu.memory_space<semaphore_mem>>) src(%dma_wait3A_118 : memref<640xf32, #tpu.memory_space<vmem_shared>>) dst(%dma_wait3A_116 : memref<640xf32, #tpu.memory_space<vmem>>)
      tpu.yield
    }) : () -> ()
    %mul3A_45 = arith.constant 640 : i32
    %mul3A_46 = arith.muli %arg1, %mul3A_45 : i32
    %run_scoped3A_47 = arith.constant 5 : i32
    %run_scoped3A_48 = arith.constant 5 : i32
    "tpu.region"() ({
      %run_scoped3A_100 = tpu.sem_alloc : memref<!tpu.dma_semaphore, #tpu.memory_space<semaphore_mem>>
      %dma_start3A = arith.constant 0 : i32
      %dma_start3A_101 = tpu.memref_slice %arg7[%run_scoped3A_48, %dma_start3A] : memref<16x640xf32, #tpu.memory_space<vmem>> -> memref<1x640xf32, #tpu.memory_space<vmem>>
      %dma_start3A_102 = tpu.memref_squeeze %dma_start3A_101 : memref<1x640xf32, #tpu.memory_space<vmem>> -> memref<640xf32, #tpu.memory_space<vmem>>
      %dma_start3A_103 = tpu.memref_slice %arg8[%run_scoped3A_47, %mul3A_46] : memref<16x10240xf32, #tpu.memory_space<vmem_shared>> -> memref<1x640xf32, #tpu.memory_space<vmem_shared>>
      %dma_start3A_104 = tpu.memref_squeeze %dma_start3A_103 : memref<1x640xf32, #tpu.memory_space<vmem_shared>> -> memref<640xf32, #tpu.memory_space<vmem_shared>>
      %dma_start3A_105 = arith.constant 0 : i32
      %dma_start3A_106 = tpu.memref_slice %arg7[%run_scoped3A_48, %dma_start3A_105] : memref<16x640xf32, #tpu.memory_space<vmem>> -> memref<1x640xf32, #tpu.memory_space<vmem>>
      %dma_start3A_107 = tpu.memref_squeeze %dma_start3A_106 : memref<1x640xf32, #tpu.memory_space<vmem>> -> memref<640xf32, #tpu.memory_space<vmem>>
      %dma_start3A_108 = tpu.memref_slice %arg8[%run_scoped3A_47, %mul3A_46] : memref<16x10240xf32, #tpu.memory_space<vmem_shared>> -> memref<1x640xf32, #tpu.memory_space<vmem_shared>>
      %dma_start3A_109 = tpu.memref_squeeze %dma_start3A_108 : memref<1x640xf32, #tpu.memory_space<vmem_shared>> -> memref<640xf32, #tpu.memory_space<vmem_shared>>
      tpu.enqueue_dma source(%dma_start3A_109 : memref<640xf32, #tpu.memory_space<vmem_shared>>) target(%dma_start3A_107 : memref<640xf32, #tpu.memory_space<vmem>>) target_semaphore(%run_scoped3A_100 : memref<!tpu.dma_semaphore, #tpu.memory_space<semaphore_mem>>)
      %dma_wait3A = arith.constant 0 : i32
      %dma_wait3A_110 = tpu.memref_slice %arg7[%run_scoped3A_48, %dma_wait3A] : memref<16x640xf32, #tpu.memory_space<vmem>> -> memref<1x640xf32, #tpu.memory_space<vmem>>
      %dma_wait3A_111 = tpu.memref_squeeze %dma_wait3A_110 : memref<1x640xf32, #tpu.memory_space<vmem>> -> memref<640xf32, #tpu.memory_space<vmem>>
      %dma_wait3A_112 = tpu.memref_slice %arg8[%run_scoped3A_47, %mul3A_46] : memref<16x10240xf32, #tpu.memory_space<vmem_shared>> -> memref<1x640xf32, #tpu.memory_space<vmem_shared>>
      %dma_wait3A_113 = tpu.memref_squeeze %dma_wait3A_112 : memref<1x640xf32, #tpu.memory_space<vmem_shared>> -> memref<640xf32, #tpu.memory_space<vmem_shared>>
      %dma_wait3A_114 = arith.constant 0 : i32
      %dma_wait3A_115 = tpu.memref_slice %arg7[%run_scoped3A_48, %dma_wait3A_114] : memref<16x640xf32, #tpu.memory_space<vmem>> -> memref<1x640xf32, #tpu.memory_space<vmem>>
      %dma_wait3A_116 = tpu.memref_squeeze %dma_wait3A_115 : memref<1x640xf32, #tpu.memory_space<vmem>> -> memref<640xf32, #tpu.memory_space<vmem>>
      %dma_wait3A_117 = tpu.memref_slice %arg8[%run_scoped3A_47, %mul3A_46] : memref<16x10240xf32, #tpu.memory_space<vmem_shared>> -> memref<1x640xf32, #tpu.memory_space<vmem_shared>>
      %dma_wait3A_118 = tpu.memref_squeeze %dma_wait3A_117 : memref<1x640xf32, #tpu.memory_space<vmem_shared>> -> memref<640xf32, #tpu.memory_space<vmem_shared>>
      tpu.wait_dma2 semaphore(%run_scoped3A_100 : memref<!tpu.dma_semaphore, #tpu.memory_space<semaphore_mem>>) src(%dma_wait3A_118 : memref<640xf32, #tpu.memory_space<vmem_shared>>) dst(%dma_wait3A_116 : memref<640xf32, #tpu.memory_space<vmem>>)
      tpu.yield
    }) : () -> ()
    %mul3A_49 = arith.constant 640 : i32
    %mul3A_50 = arith.muli %arg1, %mul3A_49 : i32
    %run_scoped3A_51 = arith.constant 6 : i32
    %run_scoped3A_52 = arith.constant 6 : i32
    "tpu.region"() ({
      %run_scoped3A_100 = tpu.sem_alloc : memref<!tpu.dma_semaphore, #tpu.memory_space<semaphore_mem>>
      %dma_start3A = arith.constant 0 : i32
      %dma_start3A_101 = tpu.memref_slice %arg7[%run_scoped3A_52, %dma_start3A] : memref<16x640xf32, #tpu.memory_space<vmem>> -> memref<1x640xf32, #tpu.memory_space<vmem>>
      %dma_start3A_102 = tpu.memref_squeeze %dma_start3A_101 : memref<1x640xf32, #tpu.memory_space<vmem>> -> memref<640xf32, #tpu.memory_space<vmem>>
      %dma_start3A_103 = tpu.memref_slice %arg8[%run_scoped3A_51, %mul3A_50] : memref<16x10240xf32, #tpu.memory_space<vmem_shared>> -> memref<1x640xf32, #tpu.memory_space<vmem_shared>>
      %dma_start3A_104 = tpu.memref_squeeze %dma_start3A_103 : memref<1x640xf32, #tpu.memory_space<vmem_shared>> -> memref<640xf32, #tpu.memory_space<vmem_shared>>
      %dma_start3A_105 = arith.constant 0 : i32
      %dma_start3A_106 = tpu.memref_slice %arg7[%run_scoped3A_52, %dma_start3A_105] : memref<16x640xf32, #tpu.memory_space<vmem>> -> memref<1x640xf32, #tpu.memory_space<vmem>>
      %dma_start3A_107 = tpu.memref_squeeze %dma_start3A_106 : memref<1x640xf32, #tpu.memory_space<vmem>> -> memref<640xf32, #tpu.memory_space<vmem>>
      %dma_start3A_108 = tpu.memref_slice %arg8[%run_scoped3A_51, %mul3A_50] : memref<16x10240xf32, #tpu.memory_space<vmem_shared>> -> memref<1x640xf32, #tpu.memory_space<vmem_shared>>
      %dma_start3A_109 = tpu.memref_squeeze %dma_start3A_108 : memref<1x640xf32, #tpu.memory_space<vmem_shared>> -> memref<640xf32, #tpu.memory_space<vmem_shared>>
      tpu.enqueue_dma source(%dma_start3A_109 : memref<640xf32, #tpu.memory_space<vmem_shared>>) target(%dma_start3A_107 : memref<640xf32, #tpu.memory_space<vmem>>) target_semaphore(%run_scoped3A_100 : memref<!tpu.dma_semaphore, #tpu.memory_space<semaphore_mem>>)
      %dma_wait3A = arith.constant 0 : i32
      %dma_wait3A_110 = tpu.memref_slice %arg7[%run_scoped3A_52, %dma_wait3A] : memref<16x640xf32, #tpu.memory_space<vmem>> -> memref<1x640xf32, #tpu.memory_space<vmem>>
      %dma_wait3A_111 = tpu.memref_squeeze %dma_wait3A_110 : memref<1x640xf32, #tpu.memory_space<vmem>> -> memref<640xf32, #tpu.memory_space<vmem>>
      %dma_wait3A_112 = tpu.memref_slice %arg8[%run_scoped3A_51, %mul3A_50] : memref<16x10240xf32, #tpu.memory_space<vmem_shared>> -> memref<1x640xf32, #tpu.memory_space<vmem_shared>>
      %dma_wait3A_113 = tpu.memref_squeeze %dma_wait3A_112 : memref<1x640xf32, #tpu.memory_space<vmem_shared>> -> memref<640xf32, #tpu.memory_space<vmem_shared>>
      %dma_wait3A_114 = arith.constant 0 : i32
      %dma_wait3A_115 = tpu.memref_slice %arg7[%run_scoped3A_52, %dma_wait3A_114] : memref<16x640xf32, #tpu.memory_space<vmem>> -> memref<1x640xf32, #tpu.memory_space<vmem>>
      %dma_wait3A_116 = tpu.memref_squeeze %dma_wait3A_115 : memref<1x640xf32, #tpu.memory_space<vmem>> -> memref<640xf32, #tpu.memory_space<vmem>>
      %dma_wait3A_117 = tpu.memref_slice %arg8[%run_scoped3A_51, %mul3A_50] : memref<16x10240xf32, #tpu.memory_space<vmem_shared>> -> memref<1x640xf32, #tpu.memory_space<vmem_shared>>
      %dma_wait3A_118 = tpu.memref_squeeze %dma_wait3A_117 : memref<1x640xf32, #tpu.memory_space<vmem_shared>> -> memref<640xf32, #tpu.memory_space<vmem_shared>>
      tpu.wait_dma2 semaphore(%run_scoped3A_100 : memref<!tpu.dma_semaphore, #tpu.memory_space<semaphore_mem>>) src(%dma_wait3A_118 : memref<640xf32, #tpu.memory_space<vmem_shared>>) dst(%dma_wait3A_116 : memref<640xf32, #tpu.memory_space<vmem>>)
      tpu.yield
    }) : () -> ()
    %mul3A_53 = arith.constant 640 : i32
    %mul3A_54 = arith.muli %arg1, %mul3A_53 : i32
    %run_scoped3A_55 = arith.constant 7 : i32
    %run_scoped3A_56 = arith.constant 7 : i32
    "tpu.region"() ({
      %run_scoped3A_100 = tpu.sem_alloc : memref<!tpu.dma_semaphore, #tpu.memory_space<semaphore_mem>>
      %dma_start3A = arith.constant 0 : i32
      %dma_start3A_101 = tpu.memref_slice %arg7[%run_scoped3A_56, %dma_start3A] : memref<16x640xf32, #tpu.memory_space<vmem>> -> memref<1x640xf32, #tpu.memory_space<vmem>>
      %dma_start3A_102 = tpu.memref_squeeze %dma_start3A_101 : memref<1x640xf32, #tpu.memory_space<vmem>> -> memref<640xf32, #tpu.memory_space<vmem>>
      %dma_start3A_103 = tpu.memref_slice %arg8[%run_scoped3A_55, %mul3A_54] : memref<16x10240xf32, #tpu.memory_space<vmem_shared>> -> memref<1x640xf32, #tpu.memory_space<vmem_shared>>
      %dma_start3A_104 = tpu.memref_squeeze %dma_start3A_103 : memref<1x640xf32, #tpu.memory_space<vmem_shared>> -> memref<640xf32, #tpu.memory_space<vmem_shared>>
      %dma_start3A_105 = arith.constant 0 : i32
      %dma_start3A_106 = tpu.memref_slice %arg7[%run_scoped3A_56, %dma_start3A_105] : memref<16x640xf32, #tpu.memory_space<vmem>> -> memref<1x640xf32, #tpu.memory_space<vmem>>
      %dma_start3A_107 = tpu.memref_squeeze %dma_start3A_106 : memref<1x640xf32, #tpu.memory_space<vmem>> -> memref<640xf32, #tpu.memory_space<vmem>>
      %dma_start3A_108 = tpu.memref_slice %arg8[%run_scoped3A_55, %mul3A_54] : memref<16x10240xf32, #tpu.memory_space<vmem_shared>> -> memref<1x640xf32, #tpu.memory_space<vmem_shared>>
      %dma_start3A_109 = tpu.memref_squeeze %dma_start3A_108 : memref<1x640xf32, #tpu.memory_space<vmem_shared>> -> memref<640xf32, #tpu.memory_space<vmem_shared>>
      tpu.enqueue_dma source(%dma_start3A_109 : memref<640xf32, #tpu.memory_space<vmem_shared>>) target(%dma_start3A_107 : memref<640xf32, #tpu.memory_space<vmem>>) target_semaphore(%run_scoped3A_100 : memref<!tpu.dma_semaphore, #tpu.memory_space<semaphore_mem>>)
      %dma_wait3A = arith.constant 0 : i32
      %dma_wait3A_110 = tpu.memref_slice %arg7[%run_scoped3A_56, %dma_wait3A] : memref<16x640xf32, #tpu.memory_space<vmem>> -> memref<1x640xf32, #tpu.memory_space<vmem>>
      %dma_wait3A_111 = tpu.memref_squeeze %dma_wait3A_110 : memref<1x640xf32, #tpu.memory_space<vmem>> -> memref<640xf32, #tpu.memory_space<vmem>>
      %dma_wait3A_112 = tpu.memref_slice %arg8[%run_scoped3A_55, %mul3A_54] : memref<16x10240xf32, #tpu.memory_space<vmem_shared>> -> memref<1x640xf32, #tpu.memory_space<vmem_shared>>
      %dma_wait3A_113 = tpu.memref_squeeze %dma_wait3A_112 : memref<1x640xf32, #tpu.memory_space<vmem_shared>> -> memref<640xf32, #tpu.memory_space<vmem_shared>>
      %dma_wait3A_114 = arith.constant 0 : i32
      %dma_wait3A_115 = tpu.memref_slice %arg7[%run_scoped3A_56, %dma_wait3A_114] : memref<16x640xf32, #tpu.memory_space<vmem>> -> memref<1x640xf32, #tpu.memory_space<vmem>>
      %dma_wait3A_116 = tpu.memref_squeeze %dma_wait3A_115 : memref<1x640xf32, #tpu.memory_space<vmem>> -> memref<640xf32, #tpu.memory_space<vmem>>
      %dma_wait3A_117 = tpu.memref_slice %arg8[%run_scoped3A_55, %mul3A_54] : memref<16x10240xf32, #tpu.memory_space<vmem_shared>> -> memref<1x640xf32, #tpu.memory_space<vmem_shared>>
      %dma_wait3A_118 = tpu.memref_squeeze %dma_wait3A_117 : memref<1x640xf32, #tpu.memory_space<vmem_shared>> -> memref<640xf32, #tpu.memory_space<vmem_shared>>
      tpu.wait_dma2 semaphore(%run_scoped3A_100 : memref<!tpu.dma_semaphore, #tpu.memory_space<semaphore_mem>>) src(%dma_wait3A_118 : memref<640xf32, #tpu.memory_space<vmem_shared>>) dst(%dma_wait3A_116 : memref<640xf32, #tpu.memory_space<vmem>>)
      tpu.yield
    }) : () -> ()
    %mul3A_57 = arith.constant 640 : i32
    %mul3A_58 = arith.muli %arg1, %mul3A_57 : i32
    %run_scoped3A_59 = arith.constant 8 : i32
    %run_scoped3A_60 = arith.constant 8 : i32
    "tpu.region"() ({
      %run_scoped3A_100 = tpu.sem_alloc : memref<!tpu.dma_semaphore, #tpu.memory_space<semaphore_mem>>
      %dma_start3A = arith.constant 0 : i32
      %dma_start3A_101 = tpu.memref_slice %arg7[%run_scoped3A_60, %dma_start3A] : memref<16x640xf32, #tpu.memory_space<vmem>> -> memref<1x640xf32, #tpu.memory_space<vmem>>
      %dma_start3A_102 = tpu.memref_squeeze %dma_start3A_101 : memref<1x640xf32, #tpu.memory_space<vmem>> -> memref<640xf32, #tpu.memory_space<vmem>>
      %dma_start3A_103 = tpu.memref_slice %arg8[%run_scoped3A_59, %mul3A_58] : memref<16x10240xf32, #tpu.memory_space<vmem_shared>> -> memref<1x640xf32, #tpu.memory_space<vmem_shared>>
      %dma_start3A_104 = tpu.memref_squeeze %dma_start3A_103 : memref<1x640xf32, #tpu.memory_space<vmem_shared>> -> memref<640xf32, #tpu.memory_space<vmem_shared>>
      %dma_start3A_105 = arith.constant 0 : i32
      %dma_start3A_106 = tpu.memref_slice %arg7[%run_scoped3A_60, %dma_start3A_105] : memref<16x640xf32, #tpu.memory_space<vmem>> -> memref<1x640xf32, #tpu.memory_space<vmem>>
      %dma_start3A_107 = tpu.memref_squeeze %dma_start3A_106 : memref<1x640xf32, #tpu.memory_space<vmem>> -> memref<640xf32, #tpu.memory_space<vmem>>
      %dma_start3A_108 = tpu.memref_slice %arg8[%run_scoped3A_59, %mul3A_58] : memref<16x10240xf32, #tpu.memory_space<vmem_shared>> -> memref<1x640xf32, #tpu.memory_space<vmem_shared>>
      %dma_start3A_109 = tpu.memref_squeeze %dma_start3A_108 : memref<1x640xf32, #tpu.memory_space<vmem_shared>> -> memref<640xf32, #tpu.memory_space<vmem_shared>>
      tpu.enqueue_dma source(%dma_start3A_109 : memref<640xf32, #tpu.memory_space<vmem_shared>>) target(%dma_start3A_107 : memref<640xf32, #tpu.memory_space<vmem>>) target_semaphore(%run_scoped3A_100 : memref<!tpu.dma_semaphore, #tpu.memory_space<semaphore_mem>>)
      %dma_wait3A = arith.constant 0 : i32
      %dma_wait3A_110 = tpu.memref_slice %arg7[%run_scoped3A_60, %dma_wait3A] : memref<16x640xf32, #tpu.memory_space<vmem>> -> memref<1x640xf32, #tpu.memory_space<vmem>>
      %dma_wait3A_111 = tpu.memref_squeeze %dma_wait3A_110 : memref<1x640xf32, #tpu.memory_space<vmem>> -> memref<640xf32, #tpu.memory_space<vmem>>
      %dma_wait3A_112 = tpu.memref_slice %arg8[%run_scoped3A_59, %mul3A_58] : memref<16x10240xf32, #tpu.memory_space<vmem_shared>> -> memref<1x640xf32, #tpu.memory_space<vmem_shared>>
      %dma_wait3A_113 = tpu.memref_squeeze %dma_wait3A_112 : memref<1x640xf32, #tpu.memory_space<vmem_shared>> -> memref<640xf32, #tpu.memory_space<vmem_shared>>
      %dma_wait3A_114 = arith.constant 0 : i32
      %dma_wait3A_115 = tpu.memref_slice %arg7[%run_scoped3A_60, %dma_wait3A_114] : memref<16x640xf32, #tpu.memory_space<vmem>> -> memref<1x640xf32, #tpu.memory_space<vmem>>
      %dma_wait3A_116 = tpu.memref_squeeze %dma_wait3A_115 : memref<1x640xf32, #tpu.memory_space<vmem>> -> memref<640xf32, #tpu.memory_space<vmem>>
      %dma_wait3A_117 = tpu.memref_slice %arg8[%run_scoped3A_59, %mul3A_58] : memref<16x10240xf32, #tpu.memory_space<vmem_shared>> -> memref<1x640xf32, #tpu.memory_space<vmem_shared>>
      %dma_wait3A_118 = tpu.memref_squeeze %dma_wait3A_117 : memref<1x640xf32, #tpu.memory_space<vmem_shared>> -> memref<640xf32, #tpu.memory_space<vmem_shared>>
      tpu.wait_dma2 semaphore(%run_scoped3A_100 : memref<!tpu.dma_semaphore, #tpu.memory_space<semaphore_mem>>) src(%dma_wait3A_118 : memref<640xf32, #tpu.memory_space<vmem_shared>>) dst(%dma_wait3A_116 : memref<640xf32, #tpu.memory_space<vmem>>)
      tpu.yield
    }) : () -> ()
    %mul3A_61 = arith.constant 640 : i32
    %mul3A_62 = arith.muli %arg1, %mul3A_61 : i32
    %run_scoped3A_63 = arith.constant 9 : i32
    %run_scoped3A_64 = arith.constant 9 : i32
    "tpu.region"() ({
      %run_scoped3A_100 = tpu.sem_alloc : memref<!tpu.dma_semaphore, #tpu.memory_space<semaphore_mem>>
      %dma_start3A = arith.constant 0 : i32
      %dma_start3A_101 = tpu.memref_slice %arg7[%run_scoped3A_64, %dma_start3A] : memref<16x640xf32, #tpu.memory_space<vmem>> -> memref<1x640xf32, #tpu.memory_space<vmem>>
      %dma_start3A_102 = tpu.memref_squeeze %dma_start3A_101 : memref<1x640xf32, #tpu.memory_space<vmem>> -> memref<640xf32, #tpu.memory_space<vmem>>
      %dma_start3A_103 = tpu.memref_slice %arg8[%run_scoped3A_63, %mul3A_62] : memref<16x10240xf32, #tpu.memory_space<vmem_shared>> -> memref<1x640xf32, #tpu.memory_space<vmem_shared>>
      %dma_start3A_104 = tpu.memref_squeeze %dma_start3A_103 : memref<1x640xf32, #tpu.memory_space<vmem_shared>> -> memref<640xf32, #tpu.memory_space<vmem_shared>>
      %dma_start3A_105 = arith.constant 0 : i32
      %dma_start3A_106 = tpu.memref_slice %arg7[%run_scoped3A_64, %dma_start3A_105] : memref<16x640xf32, #tpu.memory_space<vmem>> -> memref<1x640xf32, #tpu.memory_space<vmem>>
      %dma_start3A_107 = tpu.memref_squeeze %dma_start3A_106 : memref<1x640xf32, #tpu.memory_space<vmem>> -> memref<640xf32, #tpu.memory_space<vmem>>
      %dma_start3A_108 = tpu.memref_slice %arg8[%run_scoped3A_63, %mul3A_62] : memref<16x10240xf32, #tpu.memory_space<vmem_shared>> -> memref<1x640xf32, #tpu.memory_space<vmem_shared>>
      %dma_start3A_109 = tpu.memref_squeeze %dma_start3A_108 : memref<1x640xf32, #tpu.memory_space<vmem_shared>> -> memref<640xf32, #tpu.memory_space<vmem_shared>>
      tpu.enqueue_dma source(%dma_start3A_109 : memref<640xf32, #tpu.memory_space<vmem_shared>>) target(%dma_start3A_107 : memref<640xf32, #tpu.memory_space<vmem>>) target_semaphore(%run_scoped3A_100 : memref<!tpu.dma_semaphore, #tpu.memory_space<semaphore_mem>>)
      %dma_wait3A = arith.constant 0 : i32
      %dma_wait3A_110 = tpu.memref_slice %arg7[%run_scoped3A_64, %dma_wait3A] : memref<16x640xf32, #tpu.memory_space<vmem>> -> memref<1x640xf32, #tpu.memory_space<vmem>>
      %dma_wait3A_111 = tpu.memref_squeeze %dma_wait3A_110 : memref<1x640xf32, #tpu.memory_space<vmem>> -> memref<640xf32, #tpu.memory_space<vmem>>
      %dma_wait3A_112 = tpu.memref_slice %arg8[%run_scoped3A_63, %mul3A_62] : memref<16x10240xf32, #tpu.memory_space<vmem_shared>> -> memref<1x640xf32, #tpu.memory_space<vmem_shared>>
      %dma_wait3A_113 = tpu.memref_squeeze %dma_wait3A_112 : memref<1x640xf32, #tpu.memory_space<vmem_shared>> -> memref<640xf32, #tpu.memory_space<vmem_shared>>
      %dma_wait3A_114 = arith.constant 0 : i32
      %dma_wait3A_115 = tpu.memref_slice %arg7[%run_scoped3A_64, %dma_wait3A_114] : memref<16x640xf32, #tpu.memory_space<vmem>> -> memref<1x640xf32, #tpu.memory_space<vmem>>
      %dma_wait3A_116 = tpu.memref_squeeze %dma_wait3A_115 : memref<1x640xf32, #tpu.memory_space<vmem>> -> memref<640xf32, #tpu.memory_space<vmem>>
      %dma_wait3A_117 = tpu.memref_slice %arg8[%run_scoped3A_63, %mul3A_62] : memref<16x10240xf32, #tpu.memory_space<vmem_shared>> -> memref<1x640xf32, #tpu.memory_space<vmem_shared>>
      %dma_wait3A_118 = tpu.memref_squeeze %dma_wait3A_117 : memref<1x640xf32, #tpu.memory_space<vmem_shared>> -> memref<640xf32, #tpu.memory_space<vmem_shared>>
      tpu.wait_dma2 semaphore(%run_scoped3A_100 : memref<!tpu.dma_semaphore, #tpu.memory_space<semaphore_mem>>) src(%dma_wait3A_118 : memref<640xf32, #tpu.memory_space<vmem_shared>>) dst(%dma_wait3A_116 : memref<640xf32, #tpu.memory_space<vmem>>)
      tpu.yield
    }) : () -> ()
    %mul3A_65 = arith.constant 640 : i32
    %mul3A_66 = arith.muli %arg1, %mul3A_65 : i32
    %run_scoped3A_67 = arith.constant 10 : i32
    %run_scoped3A_68 = arith.constant 10 : i32
    "tpu.region"() ({
      %run_scoped3A_100 = tpu.sem_alloc : memref<!tpu.dma_semaphore, #tpu.memory_space<semaphore_mem>>
      %dma_start3A = arith.constant 0 : i32
      %dma_start3A_101 = tpu.memref_slice %arg7[%run_scoped3A_68, %dma_start3A] : memref<16x640xf32, #tpu.memory_space<vmem>> -> memref<1x640xf32, #tpu.memory_space<vmem>>
      %dma_start3A_102 = tpu.memref_squeeze %dma_start3A_101 : memref<1x640xf32, #tpu.memory_space<vmem>> -> memref<640xf32, #tpu.memory_space<vmem>>
      %dma_start3A_103 = tpu.memref_slice %arg8[%run_scoped3A_67, %mul3A_66] : memref<16x10240xf32, #tpu.memory_space<vmem_shared>> -> memref<1x640xf32, #tpu.memory_space<vmem_shared>>
      %dma_start3A_104 = tpu.memref_squeeze %dma_start3A_103 : memref<1x640xf32, #tpu.memory_space<vmem_shared>> -> memref<640xf32, #tpu.memory_space<vmem_shared>>
      %dma_start3A_105 = arith.constant 0 : i32
      %dma_start3A_106 = tpu.memref_slice %arg7[%run_scoped3A_68, %dma_start3A_105] : memref<16x640xf32, #tpu.memory_space<vmem>> -> memref<1x640xf32, #tpu.memory_space<vmem>>
      %dma_start3A_107 = tpu.memref_squeeze %dma_start3A_106 : memref<1x640xf32, #tpu.memory_space<vmem>> -> memref<640xf32, #tpu.memory_space<vmem>>
      %dma_start3A_108 = tpu.memref_slice %arg8[%run_scoped3A_67, %mul3A_66] : memref<16x10240xf32, #tpu.memory_space<vmem_shared>> -> memref<1x640xf32, #tpu.memory_space<vmem_shared>>
      %dma_start3A_109 = tpu.memref_squeeze %dma_start3A_108 : memref<1x640xf32, #tpu.memory_space<vmem_shared>> -> memref<640xf32, #tpu.memory_space<vmem_shared>>
      tpu.enqueue_dma source(%dma_start3A_109 : memref<640xf32, #tpu.memory_space<vmem_shared>>) target(%dma_start3A_107 : memref<640xf32, #tpu.memory_space<vmem>>) target_semaphore(%run_scoped3A_100 : memref<!tpu.dma_semaphore, #tpu.memory_space<semaphore_mem>>)
      %dma_wait3A = arith.constant 0 : i32
      %dma_wait3A_110 = tpu.memref_slice %arg7[%run_scoped3A_68, %dma_wait3A] : memref<16x640xf32, #tpu.memory_space<vmem>> -> memref<1x640xf32, #tpu.memory_space<vmem>>
      %dma_wait3A_111 = tpu.memref_squeeze %dma_wait3A_110 : memref<1x640xf32, #tpu.memory_space<vmem>> -> memref<640xf32, #tpu.memory_space<vmem>>
      %dma_wait3A_112 = tpu.memref_slice %arg8[%run_scoped3A_67, %mul3A_66] : memref<16x10240xf32, #tpu.memory_space<vmem_shared>> -> memref<1x640xf32, #tpu.memory_space<vmem_shared>>
      %dma_wait3A_113 = tpu.memref_squeeze %dma_wait3A_112 : memref<1x640xf32, #tpu.memory_space<vmem_shared>> -> memref<640xf32, #tpu.memory_space<vmem_shared>>
      %dma_wait3A_114 = arith.constant 0 : i32
      %dma_wait3A_115 = tpu.memref_slice %arg7[%run_scoped3A_68, %dma_wait3A_114] : memref<16x640xf32, #tpu.memory_space<vmem>> -> memref<1x640xf32, #tpu.memory_space<vmem>>
      %dma_wait3A_116 = tpu.memref_squeeze %dma_wait3A_115 : memref<1x640xf32, #tpu.memory_space<vmem>> -> memref<640xf32, #tpu.memory_space<vmem>>
      %dma_wait3A_117 = tpu.memref_slice %arg8[%run_scoped3A_67, %mul3A_66] : memref<16x10240xf32, #tpu.memory_space<vmem_shared>> -> memref<1x640xf32, #tpu.memory_space<vmem_shared>>
      %dma_wait3A_118 = tpu.memref_squeeze %dma_wait3A_117 : memref<1x640xf32, #tpu.memory_space<vmem_shared>> -> memref<640xf32, #tpu.memory_space<vmem_shared>>
      tpu.wait_dma2 semaphore(%run_scoped3A_100 : memref<!tpu.dma_semaphore, #tpu.memory_space<semaphore_mem>>) src(%dma_wait3A_118 : memref<640xf32, #tpu.memory_space<vmem_shared>>) dst(%dma_wait3A_116 : memref<640xf32, #tpu.memory_space<vmem>>)
      tpu.yield
    }) : () -> ()
    %mul3A_69 = arith.constant 640 : i32
    %mul3A_70 = arith.muli %arg1, %mul3A_69 : i32
    %run_scoped3A_71 = arith.constant 11 : i32
    %run_scoped3A_72 = arith.constant 11 : i32
    "tpu.region"() ({
      %run_scoped3A_100 = tpu.sem_alloc : memref<!tpu.dma_semaphore, #tpu.memory_space<semaphore_mem>>
      %dma_start3A = arith.constant 0 : i32
      %dma_start3A_101 = tpu.memref_slice %arg7[%run_scoped3A_72, %dma_start3A] : memref<16x640xf32, #tpu.memory_space<vmem>> -> memref<1x640xf32, #tpu.memory_space<vmem>>
      %dma_start3A_102 = tpu.memref_squeeze %dma_start3A_101 : memref<1x640xf32, #tpu.memory_space<vmem>> -> memref<640xf32, #tpu.memory_space<vmem>>
      %dma_start3A_103 = tpu.memref_slice %arg8[%run_scoped3A_71, %mul3A_70] : memref<16x10240xf32, #tpu.memory_space<vmem_shared>> -> memref<1x640xf32, #tpu.memory_space<vmem_shared>>
      %dma_start3A_104 = tpu.memref_squeeze %dma_start3A_103 : memref<1x640xf32, #tpu.memory_space<vmem_shared>> -> memref<640xf32, #tpu.memory_space<vmem_shared>>
      %dma_start3A_105 = arith.constant 0 : i32
      %dma_start3A_106 = tpu.memref_slice %arg7[%run_scoped3A_72, %dma_start3A_105] : memref<16x640xf32, #tpu.memory_space<vmem>> -> memref<1x640xf32, #tpu.memory_space<vmem>>
      %dma_start3A_107 = tpu.memref_squeeze %dma_start3A_106 : memref<1x640xf32, #tpu.memory_space<vmem>> -> memref<640xf32, #tpu.memory_space<vmem>>
      %dma_start3A_108 = tpu.memref_slice %arg8[%run_scoped3A_71, %mul3A_70] : memref<16x10240xf32, #tpu.memory_space<vmem_shared>> -> memref<1x640xf32, #tpu.memory_space<vmem_shared>>
      %dma_start3A_109 = tpu.memref_squeeze %dma_start3A_108 : memref<1x640xf32, #tpu.memory_space<vmem_shared>> -> memref<640xf32, #tpu.memory_space<vmem_shared>>
      tpu.enqueue_dma source(%dma_start3A_109 : memref<640xf32, #tpu.memory_space<vmem_shared>>) target(%dma_start3A_107 : memref<640xf32, #tpu.memory_space<vmem>>) target_semaphore(%run_scoped3A_100 : memref<!tpu.dma_semaphore, #tpu.memory_space<semaphore_mem>>)
      %dma_wait3A = arith.constant 0 : i32
      %dma_wait3A_110 = tpu.memref_slice %arg7[%run_scoped3A_72, %dma_wait3A] : memref<16x640xf32, #tpu.memory_space<vmem>> -> memref<1x640xf32, #tpu.memory_space<vmem>>
      %dma_wait3A_111 = tpu.memref_squeeze %dma_wait3A_110 : memref<1x640xf32, #tpu.memory_space<vmem>> -> memref<640xf32, #tpu.memory_space<vmem>>
      %dma_wait3A_112 = tpu.memref_slice %arg8[%run_scoped3A_71, %mul3A_70] : memref<16x10240xf32, #tpu.memory_space<vmem_shared>> -> memref<1x640xf32, #tpu.memory_space<vmem_shared>>
      %dma_wait3A_113 = tpu.memref_squeeze %dma_wait3A_112 : memref<1x640xf32, #tpu.memory_space<vmem_shared>> -> memref<640xf32, #tpu.memory_space<vmem_shared>>
      %dma_wait3A_114 = arith.constant 0 : i32
      %dma_wait3A_115 = tpu.memref_slice %arg7[%run_scoped3A_72, %dma_wait3A_114] : memref<16x640xf32, #tpu.memory_space<vmem>> -> memref<1x640xf32, #tpu.memory_space<vmem>>
      %dma_wait3A_116 = tpu.memref_squeeze %dma_wait3A_115 : memref<1x640xf32, #tpu.memory_space<vmem>> -> memref<640xf32, #tpu.memory_space<vmem>>
      %dma_wait3A_117 = tpu.memref_slice %arg8[%run_scoped3A_71, %mul3A_70] : memref<16x10240xf32, #tpu.memory_space<vmem_shared>> -> memref<1x640xf32, #tpu.memory_space<vmem_shared>>
      %dma_wait3A_118 = tpu.memref_squeeze %dma_wait3A_117 : memref<1x640xf32, #tpu.memory_space<vmem_shared>> -> memref<640xf32, #tpu.memory_space<vmem_shared>>
      tpu.wait_dma2 semaphore(%run_scoped3A_100 : memref<!tpu.dma_semaphore, #tpu.memory_space<semaphore_mem>>) src(%dma_wait3A_118 : memref<640xf32, #tpu.memory_space<vmem_shared>>) dst(%dma_wait3A_116 : memref<640xf32, #tpu.memory_space<vmem>>)
      tpu.yield
    }) : () -> ()
    %mul3A_73 = arith.constant 640 : i32
    %mul3A_74 = arith.muli %arg1, %mul3A_73 : i32
    %run_scoped3A_75 = arith.constant 12 : i32
    %run_scoped3A_76 = arith.constant 12 : i32
    "tpu.region"() ({
      %run_scoped3A_100 = tpu.sem_alloc : memref<!tpu.dma_semaphore, #tpu.memory_space<semaphore_mem>>
      %dma_start3A = arith.constant 0 : i32
      %dma_start3A_101 = tpu.memref_slice %arg7[%run_scoped3A_76, %dma_start3A] : memref<16x640xf32, #tpu.memory_space<vmem>> -> memref<1x640xf32, #tpu.memory_space<vmem>>
      %dma_start3A_102 = tpu.memref_squeeze %dma_start3A_101 : memref<1x640xf32, #tpu.memory_space<vmem>> -> memref<640xf32, #tpu.memory_space<vmem>>
      %dma_start3A_103 = tpu.memref_slice %arg8[%run_scoped3A_75, %mul3A_74] : memref<16x10240xf32, #tpu.memory_space<vmem_shared>> -> memref<1x640xf32, #tpu.memory_space<vmem_shared>>
      %dma_start3A_104 = tpu.memref_squeeze %dma_start3A_103 : memref<1x640xf32, #tpu.memory_space<vmem_shared>> -> memref<640xf32, #tpu.memory_space<vmem_shared>>
      %dma_start3A_105 = arith.constant 0 : i32
      %dma_start3A_106 = tpu.memref_slice %arg7[%run_scoped3A_76, %dma_start3A_105] : memref<16x640xf32, #tpu.memory_space<vmem>> -> memref<1x640xf32, #tpu.memory_space<vmem>>
      %dma_start3A_107 = tpu.memref_squeeze %dma_start3A_106 : memref<1x640xf32, #tpu.memory_space<vmem>> -> memref<640xf32, #tpu.memory_space<vmem>>
      %dma_start3A_108 = tpu.memref_slice %arg8[%run_scoped3A_75, %mul3A_74] : memref<16x10240xf32, #tpu.memory_space<vmem_shared>> -> memref<1x640xf32, #tpu.memory_space<vmem_shared>>
      %dma_start3A_109 = tpu.memref_squeeze %dma_start3A_108 : memref<1x640xf32, #tpu.memory_space<vmem_shared>> -> memref<640xf32, #tpu.memory_space<vmem_shared>>
      tpu.enqueue_dma source(%dma_start3A_109 : memref<640xf32, #tpu.memory_space<vmem_shared>>) target(%dma_start3A_107 : memref<640xf32, #tpu.memory_space<vmem>>) target_semaphore(%run_scoped3A_100 : memref<!tpu.dma_semaphore, #tpu.memory_space<semaphore_mem>>)
      %dma_wait3A = arith.constant 0 : i32
      %dma_wait3A_110 = tpu.memref_slice %arg7[%run_scoped3A_76, %dma_wait3A] : memref<16x640xf32, #tpu.memory_space<vmem>> -> memref<1x640xf32, #tpu.memory_space<vmem>>
      %dma_wait3A_111 = tpu.memref_squeeze %dma_wait3A_110 : memref<1x640xf32, #tpu.memory_space<vmem>> -> memref<640xf32, #tpu.memory_space<vmem>>
      %dma_wait3A_112 = tpu.memref_slice %arg8[%run_scoped3A_75, %mul3A_74] : memref<16x10240xf32, #tpu.memory_space<vmem_shared>> -> memref<1x640xf32, #tpu.memory_space<vmem_shared>>
      %dma_wait3A_113 = tpu.memref_squeeze %dma_wait3A_112 : memref<1x640xf32, #tpu.memory_space<vmem_shared>> -> memref<640xf32, #tpu.memory_space<vmem_shared>>
      %dma_wait3A_114 = arith.constant 0 : i32
      %dma_wait3A_115 = tpu.memref_slice %arg7[%run_scoped3A_76, %dma_wait3A_114] : memref<16x640xf32, #tpu.memory_space<vmem>> -> memref<1x640xf32, #tpu.memory_space<vmem>>
      %dma_wait3A_116 = tpu.memref_squeeze %dma_wait3A_115 : memref<1x640xf32, #tpu.memory_space<vmem>> -> memref<640xf32, #tpu.memory_space<vmem>>
      %dma_wait3A_117 = tpu.memref_slice %arg8[%run_scoped3A_75, %mul3A_74] : memref<16x10240xf32, #tpu.memory_space<vmem_shared>> -> memref<1x640xf32, #tpu.memory_space<vmem_shared>>
      %dma_wait3A_118 = tpu.memref_squeeze %dma_wait3A_117 : memref<1x640xf32, #tpu.memory_space<vmem_shared>> -> memref<640xf32, #tpu.memory_space<vmem_shared>>
      tpu.wait_dma2 semaphore(%run_scoped3A_100 : memref<!tpu.dma_semaphore, #tpu.memory_space<semaphore_mem>>) src(%dma_wait3A_118 : memref<640xf32, #tpu.memory_space<vmem_shared>>) dst(%dma_wait3A_116 : memref<640xf32, #tpu.memory_space<vmem>>)
      tpu.yield
    }) : () -> ()
    %mul3A_77 = arith.constant 640 : i32
    %mul3A_78 = arith.muli %arg1, %mul3A_77 : i32
    %run_scoped3A_79 = arith.constant 13 : i32
    %run_scoped3A_80 = arith.constant 13 : i32
    "tpu.region"() ({
      %run_scoped3A_100 = tpu.sem_alloc : memref<!tpu.dma_semaphore, #tpu.memory_space<semaphore_mem>>
      %dma_start3A = arith.constant 0 : i32
      %dma_start3A_101 = tpu.memref_slice %arg7[%run_scoped3A_80, %dma_start3A] : memref<16x640xf32, #tpu.memory_space<vmem>> -> memref<1x640xf32, #tpu.memory_space<vmem>>
      %dma_start3A_102 = tpu.memref_squeeze %dma_start3A_101 : memref<1x640xf32, #tpu.memory_space<vmem>> -> memref<640xf32, #tpu.memory_space<vmem>>
      %dma_start3A_103 = tpu.memref_slice %arg8[%run_scoped3A_79, %mul3A_78] : memref<16x10240xf32, #tpu.memory_space<vmem_shared>> -> memref<1x640xf32, #tpu.memory_space<vmem_shared>>
      %dma_start3A_104 = tpu.memref_squeeze %dma_start3A_103 : memref<1x640xf32, #tpu.memory_space<vmem_shared>> -> memref<640xf32, #tpu.memory_space<vmem_shared>>
      %dma_start3A_105 = arith.constant 0 : i32
      %dma_start3A_106 = tpu.memref_slice %arg7[%run_scoped3A_80, %dma_start3A_105] : memref<16x640xf32, #tpu.memory_space<vmem>> -> memref<1x640xf32, #tpu.memory_space<vmem>>
      %dma_start3A_107 = tpu.memref_squeeze %dma_start3A_106 : memref<1x640xf32, #tpu.memory_space<vmem>> -> memref<640xf32, #tpu.memory_space<vmem>>
      %dma_start3A_108 = tpu.memref_slice %arg8[%run_scoped3A_79, %mul3A_78] : memref<16x10240xf32, #tpu.memory_space<vmem_shared>> -> memref<1x640xf32, #tpu.memory_space<vmem_shared>>
      %dma_start3A_109 = tpu.memref_squeeze %dma_start3A_108 : memref<1x640xf32, #tpu.memory_space<vmem_shared>> -> memref<640xf32, #tpu.memory_space<vmem_shared>>
      tpu.enqueue_dma source(%dma_start3A_109 : memref<640xf32, #tpu.memory_space<vmem_shared>>) target(%dma_start3A_107 : memref<640xf32, #tpu.memory_space<vmem>>) target_semaphore(%run_scoped3A_100 : memref<!tpu.dma_semaphore, #tpu.memory_space<semaphore_mem>>)
      %dma_wait3A = arith.constant 0 : i32
      %dma_wait3A_110 = tpu.memref_slice %arg7[%run_scoped3A_80, %dma_wait3A] : memref<16x640xf32, #tpu.memory_space<vmem>> -> memref<1x640xf32, #tpu.memory_space<vmem>>
      %dma_wait3A_111 = tpu.memref_squeeze %dma_wait3A_110 : memref<1x640xf32, #tpu.memory_space<vmem>> -> memref<640xf32, #tpu.memory_space<vmem>>
      %dma_wait3A_112 = tpu.memref_slice %arg8[%run_scoped3A_79, %mul3A_78] : memref<16x10240xf32, #tpu.memory_space<vmem_shared>> -> memref<1x640xf32, #tpu.memory_space<vmem_shared>>
      %dma_wait3A_113 = tpu.memref_squeeze %dma_wait3A_112 : memref<1x640xf32, #tpu.memory_space<vmem_shared>> -> memref<640xf32, #tpu.memory_space<vmem_shared>>
      %dma_wait3A_114 = arith.constant 0 : i32
      %dma_wait3A_115 = tpu.memref_slice %arg7[%run_scoped3A_80, %dma_wait3A_114] : memref<16x640xf32, #tpu.memory_space<vmem>> -> memref<1x640xf32, #tpu.memory_space<vmem>>
      %dma_wait3A_116 = tpu.memref_squeeze %dma_wait3A_115 : memref<1x640xf32, #tpu.memory_space<vmem>> -> memref<640xf32, #tpu.memory_space<vmem>>
      %dma_wait3A_117 = tpu.memref_slice %arg8[%run_scoped3A_79, %mul3A_78] : memref<16x10240xf32, #tpu.memory_space<vmem_shared>> -> memref<1x640xf32, #tpu.memory_space<vmem_shared>>
      %dma_wait3A_118 = tpu.memref_squeeze %dma_wait3A_117 : memref<1x640xf32, #tpu.memory_space<vmem_shared>> -> memref<640xf32, #tpu.memory_space<vmem_shared>>
      tpu.wait_dma2 semaphore(%run_scoped3A_100 : memref<!tpu.dma_semaphore, #tpu.memory_space<semaphore_mem>>) src(%dma_wait3A_118 : memref<640xf32, #tpu.memory_space<vmem_shared>>) dst(%dma_wait3A_116 : memref<640xf32, #tpu.memory_space<vmem>>)
      tpu.yield
    }) : () -> ()
    %mul3A_81 = arith.constant 640 : i32
    %mul3A_82 = arith.muli %arg1, %mul3A_81 : i32
    %run_scoped3A_83 = arith.constant 14 : i32
    %run_scoped3A_84 = arith.constant 14 : i32
    "tpu.region"() ({
      %run_scoped3A_100 = tpu.sem_alloc : memref<!tpu.dma_semaphore, #tpu.memory_space<semaphore_mem>>
      %dma_start3A = arith.constant 0 : i32
      %dma_start3A_101 = tpu.memref_slice %arg7[%run_scoped3A_84, %dma_start3A] : memref<16x640xf32, #tpu.memory_space<vmem>> -> memref<1x640xf32, #tpu.memory_space<vmem>>
      %dma_start3A_102 = tpu.memref_squeeze %dma_start3A_101 : memref<1x640xf32, #tpu.memory_space<vmem>> -> memref<640xf32, #tpu.memory_space<vmem>>
      %dma_start3A_103 = tpu.memref_slice %arg8[%run_scoped3A_83, %mul3A_82] : memref<16x10240xf32, #tpu.memory_space<vmem_shared>> -> memref<1x640xf32, #tpu.memory_space<vmem_shared>>
      %dma_start3A_104 = tpu.memref_squeeze %dma_start3A_103 : memref<1x640xf32, #tpu.memory_space<vmem_shared>> -> memref<640xf32, #tpu.memory_space<vmem_shared>>
      %dma_start3A_105 = arith.constant 0 : i32
      %dma_start3A_106 = tpu.memref_slice %arg7[%run_scoped3A_84, %dma_start3A_105] : memref<16x640xf32, #tpu.memory_space<vmem>> -> memref<1x640xf32, #tpu.memory_space<vmem>>
      %dma_start3A_107 = tpu.memref_squeeze %dma_start3A_106 : memref<1x640xf32, #tpu.memory_space<vmem>> -> memref<640xf32, #tpu.memory_space<vmem>>
      %dma_start3A_108 = tpu.memref_slice %arg8[%run_scoped3A_83, %mul3A_82] : memref<16x10240xf32, #tpu.memory_space<vmem_shared>> -> memref<1x640xf32, #tpu.memory_space<vmem_shared>>
      %dma_start3A_109 = tpu.memref_squeeze %dma_start3A_108 : memref<1x640xf32, #tpu.memory_space<vmem_shared>> -> memref<640xf32, #tpu.memory_space<vmem_shared>>
      tpu.enqueue_dma source(%dma_start3A_109 : memref<640xf32, #tpu.memory_space<vmem_shared>>) target(%dma_start3A_107 : memref<640xf32, #tpu.memory_space<vmem>>) target_semaphore(%run_scoped3A_100 : memref<!tpu.dma_semaphore, #tpu.memory_space<semaphore_mem>>)
      %dma_wait3A = arith.constant 0 : i32
      %dma_wait3A_110 = tpu.memref_slice %arg7[%run_scoped3A_84, %dma_wait3A] : memref<16x640xf32, #tpu.memory_space<vmem>> -> memref<1x640xf32, #tpu.memory_space<vmem>>
      %dma_wait3A_111 = tpu.memref_squeeze %dma_wait3A_110 : memref<1x640xf32, #tpu.memory_space<vmem>> -> memref<640xf32, #tpu.memory_space<vmem>>
      %dma_wait3A_112 = tpu.memref_slice %arg8[%run_scoped3A_83, %mul3A_82] : memref<16x10240xf32, #tpu.memory_space<vmem_shared>> -> memref<1x640xf32, #tpu.memory_space<vmem_shared>>
      %dma_wait3A_113 = tpu.memref_squeeze %dma_wait3A_112 : memref<1x640xf32, #tpu.memory_space<vmem_shared>> -> memref<640xf32, #tpu.memory_space<vmem_shared>>
      %dma_wait3A_114 = arith.constant 0 : i32
      %dma_wait3A_115 = tpu.memref_slice %arg7[%run_scoped3A_84, %dma_wait3A_114] : memref<16x640xf32, #tpu.memory_space<vmem>> -> memref<1x640xf32, #tpu.memory_space<vmem>>
      %dma_wait3A_116 = tpu.memref_squeeze %dma_wait3A_115 : memref<1x640xf32, #tpu.memory_space<vmem>> -> memref<640xf32, #tpu.memory_space<vmem>>
      %dma_wait3A_117 = tpu.memref_slice %arg8[%run_scoped3A_83, %mul3A_82] : memref<16x10240xf32, #tpu.memory_space<vmem_shared>> -> memref<1x640xf32, #tpu.memory_space<vmem_shared>>
      %dma_wait3A_118 = tpu.memref_squeeze %dma_wait3A_117 : memref<1x640xf32, #tpu.memory_space<vmem_shared>> -> memref<640xf32, #tpu.memory_space<vmem_shared>>
      tpu.wait_dma2 semaphore(%run_scoped3A_100 : memref<!tpu.dma_semaphore, #tpu.memory_space<semaphore_mem>>) src(%dma_wait3A_118 : memref<640xf32, #tpu.memory_space<vmem_shared>>) dst(%dma_wait3A_116 : memref<640xf32, #tpu.memory_space<vmem>>)
      tpu.yield
    }) : () -> ()
    %mul3A_85 = arith.constant 640 : i32
    %mul3A_86 = arith.muli %arg1, %mul3A_85 : i32
    %run_scoped3A_87 = arith.constant 15 : i32
    %run_scoped3A_88 = arith.constant 15 : i32
    "tpu.region"() ({
      %run_scoped3A_100 = tpu.sem_alloc : memref<!tpu.dma_semaphore, #tpu.memory_space<semaphore_mem>>
      %dma_start3A = arith.constant 0 : i32
      %dma_start3A_101 = tpu.memref_slice %arg7[%run_scoped3A_88, %dma_start3A] : memref<16x640xf32, #tpu.memory_space<vmem>> -> memref<1x640xf32, #tpu.memory_space<vmem>>
      %dma_start3A_102 = tpu.memref_squeeze %dma_start3A_101 : memref<1x640xf32, #tpu.memory_space<vmem>> -> memref<640xf32, #tpu.memory_space<vmem>>
      %dma_start3A_103 = tpu.memref_slice %arg8[%run_scoped3A_87, %mul3A_86] : memref<16x10240xf32, #tpu.memory_space<vmem_shared>> -> memref<1x640xf32, #tpu.memory_space<vmem_shared>>
      %dma_start3A_104 = tpu.memref_squeeze %dma_start3A_103 : memref<1x640xf32, #tpu.memory_space<vmem_shared>> -> memref<640xf32, #tpu.memory_space<vmem_shared>>
      %dma_start3A_105 = arith.constant 0 : i32
      %dma_start3A_106 = tpu.memref_slice %arg7[%run_scoped3A_88, %dma_start3A_105] : memref<16x640xf32, #tpu.memory_space<vmem>> -> memref<1x640xf32, #tpu.memory_space<vmem>>
      %dma_start3A_107 = tpu.memref_squeeze %dma_start3A_106 : memref<1x640xf32, #tpu.memory_space<vmem>> -> memref<640xf32, #tpu.memory_space<vmem>>
      %dma_start3A_108 = tpu.memref_slice %arg8[%run_scoped3A_87, %mul3A_86] : memref<16x10240xf32, #tpu.memory_space<vmem_shared>> -> memref<1x640xf32, #tpu.memory_space<vmem_shared>>
      %dma_start3A_109 = tpu.memref_squeeze %dma_start3A_108 : memref<1x640xf32, #tpu.memory_space<vmem_shared>> -> memref<640xf32, #tpu.memory_space<vmem_shared>>
      tpu.enqueue_dma source(%dma_start3A_109 : memref<640xf32, #tpu.memory_space<vmem_shared>>) target(%dma_start3A_107 : memref<640xf32, #tpu.memory_space<vmem>>) target_semaphore(%run_scoped3A_100 : memref<!tpu.dma_semaphore, #tpu.memory_space<semaphore_mem>>)
      %dma_wait3A = arith.constant 0 : i32
      %dma_wait3A_110 = tpu.memref_slice %arg7[%run_scoped3A_88, %dma_wait3A] : memref<16x640xf32, #tpu.memory_space<vmem>> -> memref<1x640xf32, #tpu.memory_space<vmem>>
      %dma_wait3A_111 = tpu.memref_squeeze %dma_wait3A_110 : memref<1x640xf32, #tpu.memory_space<vmem>> -> memref<640xf32, #tpu.memory_space<vmem>>
      %dma_wait3A_112 = tpu.memref_slice %arg8[%run_scoped3A_87, %mul3A_86] : memref<16x10240xf32, #tpu.memory_space<vmem_shared>> -> memref<1x640xf32, #tpu.memory_space<vmem_shared>>
      %dma_wait3A_113 = tpu.memref_squeeze %dma_wait3A_112 : memref<1x640xf32, #tpu.memory_space<vmem_shared>> -> memref<640xf32, #tpu.memory_space<vmem_shared>>
      %dma_wait3A_114 = arith.constant 0 : i32
      %dma_wait3A_115 = tpu.memref_slice %arg7[%run_scoped3A_88, %dma_wait3A_114] : memref<16x640xf32, #tpu.memory_space<vmem>> -> memref<1x640xf32, #tpu.memory_space<vmem>>
      %dma_wait3A_116 = tpu.memref_squeeze %dma_wait3A_115 : memref<1x640xf32, #tpu.memory_space<vmem>> -> memref<640xf32, #tpu.memory_space<vmem>>
      %dma_wait3A_117 = tpu.memref_slice %arg8[%run_scoped3A_87, %mul3A_86] : memref<16x10240xf32, #tpu.memory_space<vmem_shared>> -> memref<1x640xf32, #tpu.memory_space<vmem_shared>>
      %dma_wait3A_118 = tpu.memref_squeeze %dma_wait3A_117 : memref<1x640xf32, #tpu.memory_space<vmem_shared>> -> memref<640xf32, #tpu.memory_space<vmem_shared>>
      tpu.wait_dma2 semaphore(%run_scoped3A_100 : memref<!tpu.dma_semaphore, #tpu.memory_space<semaphore_mem>>) src(%dma_wait3A_118 : memref<640xf32, #tpu.memory_space<vmem_shared>>) dst(%dma_wait3A_116 : memref<640xf32, #tpu.memory_space<vmem>>)
      tpu.yield
    }) : () -> ()
    %scan3A_89 = arith.constant 0 : i32
    %scan3A_90 = arith.constant 0 : i32
    %scan3A_91 = arith.constant 40 : i32
    %scan3A_92 = arith.addi %scan3A_90, %scan3A_91 : i32
    %scan3A_93 = arith.constant 1 : i32
    %scan3A_94 = scf.for %scan3A_100 = %scan3A_90 to %scan3A_92 step %scan3A_93 iter_args(%scan3A_101 = %scan3A_89) -> (i32)  : i32 {
      %mul3A_102 = arith.constant 16 : i32
      %mul3A_103 = arith.muli %scan3A_100, %mul3A_102 : i32
      %get3A = arith.constant 0 : i32
      %get3A_104 = arith.index_cast %get3A : i32 to index
      %get3A_105 = arith.index_cast %mul3A_103 : i32 to index
      %get3A_106 = tpu.vector_load %arg7[%get3A_104, %get3A_105] {strides = array<i32>} : memref<16x640xf32, #tpu.memory_space<vmem>>, vector<16xf32>,
      %mul3A_107 = arith.constant 16 : i32
      %mul3A_108 = arith.muli %scan3A_100, %mul3A_107 : i32
      %get3A_109 = arith.constant 1 : i32
      %get3A_110 = arith.index_cast %get3A_109 : i32 to index
      %get3A_111 = arith.index_cast %mul3A_108 : i32 to index
      %get3A_112 = tpu.vector_load %arg7[%get3A_110, %get3A_111] {strides = array<i32>} : memref<16x640xf32, #tpu.memory_space<vmem>>, vector<16xf32>,
      %add3A_113 = arith.addf %get3A_106, %get3A_112 : vector<16xf32>
      %mul3A_114 = arith.constant 16 : i32
      %mul3A_115 = arith.muli %scan3A_100, %mul3A_114 : i32
      %get3A_116 = arith.constant 2 : i32
      %get3A_117 = arith.index_cast %get3A_116 : i32 to index
      %get3A_118 = arith.index_cast %mul3A_115 : i32 to index
      %get3A_119 = tpu.vector_load %arg7[%get3A_117, %get3A_118] {strides = array<i32>} : memref<16x640xf32, #tpu.memory_space<vmem>>, vector<16xf32>,
      %add3A_120 = arith.addf %add3A_113, %get3A_119 : vector<16xf32>
      %mul3A_121 = arith.constant 16 : i32
      %mul3A_122 = arith.muli %scan3A_100, %mul3A_121 : i32
      %get3A_123 = arith.constant 3 : i32
      %get3A_124 = arith.index_cast %get3A_123 : i32 to index
      %get3A_125 = arith.index_cast %mul3A_122 : i32 to index
      %get3A_126 = tpu.vector_load %arg7[%get3A_124, %get3A_125] {strides = array<i32>} : memref<16x640xf32, #tpu.memory_space<vmem>>, vector<16xf32>,
      %add3A_127 = arith.addf %add3A_120, %get3A_126 : vector<16xf32>
      %mul3A_128 = arith.constant 16 : i32
      %mul3A_129 = arith.muli %scan3A_100, %mul3A_128 : i32
      %get3A_130 = arith.constant 4 : i32
      %get3A_131 = arith.index_cast %get3A_130 : i32 to index
      %get3A_132 = arith.index_cast %mul3A_129 : i32 to index
      %get3A_133 = tpu.vector_load %arg7[%get3A_131, %get3A_132] {strides = array<i32>} : memref<16x640xf32, #tpu.memory_space<vmem>>, vector<16xf32>,
      %add3A_134 = arith.addf %add3A_127, %get3A_133 : vector<16xf32>
      %mul3A_135 = arith.constant 16 : i32
      %mul3A_136 = arith.muli %scan3A_100, %mul3A_135 : i32
      %get3A_137 = arith.constant 5 : i32
      %get3A_138 = arith.index_cast %get3A_137 : i32 to index
      %get3A_139 = arith.index_cast %mul3A_136 : i32 to index
      %get3A_140 = tpu.vector_load %arg7[%get3A_138, %get3A_139] {strides = array<i32>} : memref<16x640xf32, #tpu.memory_space<vmem>>, vector<16xf32>,
      %add3A_141 = arith.addf %add3A_134, %get3A_140 : vector<16xf32>
      %mul3A_142 = arith.constant 16 : i32
      %mul3A_143 = arith.muli %scan3A_100, %mul3A_142 : i32
      %get3A_144 = arith.constant 6 : i32
      %get3A_145 = arith.index_cast %get3A_144 : i32 to index
      %get3A_146 = arith.index_cast %mul3A_143 : i32 to index
      %get3A_147 = tpu.vector_load %arg7[%get3A_145, %get3A_146] {strides = array<i32>} : memref<16x640xf32, #tpu.memory_space<vmem>>, vector<16xf32>,
      %add3A_148 = arith.addf %add3A_141, %get3A_147 : vector<16xf32>
      %mul3A_149 = arith.constant 16 : i32
      %mul3A_150 = arith.muli %scan3A_100, %mul3A_149 : i32
      %get3A_151 = arith.constant 7 : i32
      %get3A_152 = arith.index_cast %get3A_151 : i32 to index
      %get3A_153 = arith.index_cast %mul3A_150 : i32 to index
      %get3A_154 = tpu.vector_load %arg7[%get3A_152, %get3A_153] {strides = array<i32>} : memref<16x640xf32, #tpu.memory_space<vmem>>, vector<16xf32>,
      %add3A_155 = arith.addf %add3A_148, %get3A_154 : vector<16xf32>
      %mul3A_156 = arith.constant 16 : i32
      %mul3A_157 = arith.muli %scan3A_100, %mul3A_156 : i32
      %get3A_158 = arith.constant 8 : i32
      %get3A_159 = arith.index_cast %get3A_158 : i32 to index
      %get3A_160 = arith.index_cast %mul3A_157 : i32 to index
      %get3A_161 = tpu.vector_load %arg7[%get3A_159, %get3A_160] {strides = array<i32>} : memref<16x640xf32, #tpu.memory_space<vmem>>, vector<16xf32>,
      %add3A_162 = arith.addf %add3A_155, %get3A_161 : vector<16xf32>
      %mul3A_163 = arith.constant 16 : i32
      %mul3A_164 = arith.muli %scan3A_100, %mul3A_163 : i32
      %get3A_165 = arith.constant 9 : i32
      %get3A_166 = arith.index_cast %get3A_165 : i32 to index
      %get3A_167 = arith.index_cast %mul3A_164 : i32 to index
      %get3A_168 = tpu.vector_load %arg7[%get3A_166, %get3A_167] {strides = array<i32>} : memref<16x640xf32, #tpu.memory_space<vmem>>, vector<16xf32>,
      %add3A_169 = arith.addf %add3A_162, %get3A_168 : vector<16xf32>
      %mul3A_170 = arith.constant 16 : i32
      %mul3A_171 = arith.muli %scan3A_100, %mul3A_170 : i32
      %get3A_172 = arith.constant 10 : i32
      %get3A_173 = arith.index_cast %get3A_172 : i32 to index
      %get3A_174 = arith.index_cast %mul3A_171 : i32 to index
      %get3A_175 = tpu.vector_load %arg7[%get3A_173, %get3A_174] {strides = array<i32>} : memref<16x640xf32, #tpu.memory_space<vmem>>, vector<16xf32>,
      %add3A_176 = arith.addf %add3A_169, %get3A_175 : vector<16xf32>
      %mul3A_177 = arith.constant 16 : i32
      %mul3A_178 = arith.muli %scan3A_100, %mul3A_177 : i32
      %get3A_179 = arith.constant 11 : i32
      %get3A_180 = arith.index_cast %get3A_179 : i32 to index
      %get3A_181 = arith.index_cast %mul3A_178 : i32 to index
      %get3A_182 = tpu.vector_load %arg7[%get3A_180, %get3A_181] {strides = array<i32>} : memref<16x640xf32, #tpu.memory_space<vmem>>, vector<16xf32>,
      %add3A_183 = arith.addf %add3A_176, %get3A_182 : vector<16xf32>
      %mul3A_184 = arith.constant 16 : i32
      %mul3A_185 = arith.muli %scan3A_100, %mul3A_184 : i32
      %get3A_186 = arith.constant 12 : i32
      %get3A_187 = arith.index_cast %get3A_186 : i32 to index
      %get3A_188 = arith.index_cast %mul3A_185 : i32 to index
      %get3A_189 = tpu.vector_load %arg7[%get3A_187, %get3A_188] {strides = array<i32>} : memref<16x640xf32, #tpu.memory_space<vmem>>, vector<16xf32>,
      %add3A_190 = arith.addf %add3A_183, %get3A_189 : vector<16xf32>
      %mul3A_191 = arith.constant 16 : i32
      %mul3A_192 = arith.muli %scan3A_100, %mul3A_191 : i32
      %get3A_193 = arith.constant 13 : i32
      %get3A_194 = arith.index_cast %get3A_193 : i32 to index
      %get3A_195 = arith.index_cast %mul3A_192 : i32 to index
      %get3A_196 = tpu.vector_load %arg7[%get3A_194, %get3A_195] {strides = array<i32>} : memref<16x640xf32, #tpu.memory_space<vmem>>, vector<16xf32>,
      %add3A_197 = arith.addf %add3A_190, %get3A_196 : vector<16xf32>
      %mul3A_198 = arith.constant 16 : i32
      %mul3A_199 = arith.muli %scan3A_100, %mul3A_198 : i32
      %get3A_200 = arith.constant 14 : i32
      %get3A_201 = arith.index_cast %get3A_200 : i32 to index
      %get3A_202 = arith.index_cast %mul3A_199 : i32 to index
      %get3A_203 = tpu.vector_load %arg7[%get3A_201, %get3A_202] {strides = array<i32>} : memref<16x640xf32, #tpu.memory_space<vmem>>, vector<16xf32>,
      %add3A_204 = arith.addf %add3A_197, %get3A_203 : vector<16xf32>
      %mul3A_205 = arith.constant 16 : i32
      %mul3A_206 = arith.muli %scan3A_100, %mul3A_205 : i32
      %get3A_207 = arith.constant 15 : i32
      %get3A_208 = arith.index_cast %get3A_207 : i32 to index
      %get3A_209 = arith.index_cast %mul3A_206 : i32 to index
      %get3A_210 = tpu.vector_load %arg7[%get3A_208, %get3A_209] {strides = array<i32>} : memref<16x640xf32, #tpu.memory_space<vmem>>, vector<16xf32>,
      %add3A_211 = arith.addf %add3A_204, %get3A_210 : vector<16xf32>
      %mul3A_212 = arith.constant 16 : i32
      %mul3A_213 = arith.muli %scan3A_100, %mul3A_212 : i32
      %swap3A = arith.index_cast %mul3A_213 : i32 to index
      %swap3A_214 = tpu.vector_load %arg6[%swap3A] {strides = array<i32>} : memref<10240xf32, #tpu.memory_space<vmem>>, vector<16xf32>,
      tpu.vector_store %arg6[%swap3A], %add3A_211 {strides = array<i32>} : memref<10240xf32, #tpu.memory_space<vmem>>, vector<16xf32>,
      %scan3A_215 = arith.constant 0 : i32
      scf.yield %scan3A_215 : i32
    }
    %scan3A_95 = arith.constant 40 : i32
    %mul3A_96 = arith.constant 10240 : i32
    %mul3A_97 = arith.muli %arg0, %mul3A_96 : i32
    %mul3A_98 = arith.constant 640 : i32
    %mul3A_99 = arith.muli %arg1, %mul3A_98 : i32
    %add3A = arith.addi %mul3A_97, %mul3A_99 : i32
    "tpu.region"() ({
      %run_scoped3A_100 = tpu.sem_alloc : memref<!tpu.dma_semaphore, #tpu.memory_space<semaphore_mem>>
      %dma_start3A = arith.constant 0 : i32
      %dma_start3A_101 = tpu.memref_slice %arg6[%dma_start3A] : memref<10240xf32, #tpu.memory_space<vmem>> -> memref<640xf32, #tpu.memory_space<vmem>>
      %dma_start3A_102 = tpu.memref_slice %arg4[%add3A] : memref<20480xf32, #tpu.memory_space<hbm>> -> memref<640xf32, #tpu.memory_space<hbm>>
      %dma_start3A_103 = tpu.memref_slice %arg4[%add3A] : memref<20480xf32, #tpu.memory_space<hbm>> -> memref<640xf32, #tpu.memory_space<hbm>>
      %dma_start3A_104 = arith.constant 0 : i32
      %dma_start3A_105 = tpu.memref_slice %arg6[%dma_start3A_104] : memref<10240xf32, #tpu.memory_space<vmem>> -> memref<640xf32, #tpu.memory_space<vmem>>
      tpu.enqueue_dma source(%dma_start3A_105 : memref<640xf32, #tpu.memory_space<vmem>>) target(%dma_start3A_103 : memref<640xf32, #tpu.memory_space<hbm>>) target_semaphore(%run_scoped3A_100 : memref<!tpu.dma_semaphore, #tpu.memory_space<semaphore_mem>>)
      %dma_wait3A = arith.constant 0 : i32
      %dma_wait3A_106 = tpu.memref_slice %arg6[%dma_wait3A] : memref<10240xf32, #tpu.memory_space<vmem>> -> memref<640xf32, #tpu.memory_space<vmem>>
      %dma_wait3A_107 = tpu.memref_slice %arg4[%add3A] : memref<20480xf32, #tpu.memory_space<hbm>> -> memref<640xf32, #tpu.memory_space<hbm>>
      %dma_wait3A_108 = tpu.memref_slice %arg4[%add3A] : memref<20480xf32, #tpu.memory_space<hbm>> -> memref<640xf32, #tpu.memory_space<hbm>>
      %dma_wait3A_109 = arith.constant 0 : i32
      %dma_wait3A_110 = tpu.memref_slice %arg6[%dma_wait3A_109] : memref<10240xf32, #tpu.memory_space<vmem>> -> memref<640xf32, #tpu.memory_space<vmem>>
      tpu.wait_dma2 semaphore(%run_scoped3A_100 : memref<!tpu.dma_semaphore, #tpu.memory_space<semaphore_mem>>) src(%dma_wait3A_110 : memref<640xf32, #tpu.memory_space<vmem>>) dst(%dma_wait3A_108 : memref<640xf32, #tpu.memory_space<hbm>>)
      tpu.yield
    }) : () -> ()
    return
  }
}

#map = affine_map<(d0, d1) -> (0, 0)>
module attributes {stable_mosaic.version = 14 : i64} {
  func.func @_agg_body(%arg0: i32, %arg1: i32, %arg2: memref<20000x128xf32, #tpu.memory_space<hbm>>, %arg3: memref<2500x128xi32, #tpu.memory_space<hbm>>, %arg4: memref<2500x128xi32, #tpu.memory_space<hbm>>, %arg5: memref<2500x128xi32, #tpu.memory_space<hbm>>, %arg6: memref<2500x128xi32, #tpu.memory_space<hbm>>, %arg7: memref<20000x128xf32, #tpu.memory_space<hbm>>, %arg8: memref<40x128xi32, #tpu.memory_space<vmem>>, %arg9: memref<40x128xi32, #tpu.memory_space<vmem>>, %arg10: memref<128x128xf32, #tpu.memory_space<vmem>>, %arg11: memref<128x128xf32, #tpu.memory_space<vmem>>, %arg12: memref<10240x128xf32, #tpu.memory_space<vmem_shared>>, %arg13: memref<!tpu.dma_semaphore, #tpu.memory_space<semaphore_mem>>, %arg14: memref<!tpu.dma_semaphore, #tpu.memory_space<semaphore_mem>>) attributes {dimension_semantics = [#tpu.dimension_semantics<core_parallel>, #tpu.dimension_semantics<subcore_parallel>], iteration_bounds = array<i64: 2, 16>, scalar_prefetch = 0 : i64, scratch_operands = 7 : i64, tpu.core_type = #tpu.core_type<sc_vector_subcore>, window_params = [{transform_indices = #map}, {transform_indices = #map}, {transform_indices = #map}, {transform_indices = #map}, {transform_indices = #map}, {transform_indices = #map}]} {
    %lt3A = arith.constant 15 : i32
    %lt3A_0 = arith.cmpi slt, %arg1, %lt3A : i32
    %convert_element_type3A = arith.extui %lt3A_0 : i1 to i32
    %cond3A = arith.constant 0 : i32
    %cond3A_1 = arith.cmpi ne, %convert_element_type3A, %cond3A : i32
    scf.if %cond3A_1 {
      %mul3A = arith.constant 10000 : i32
      %mul3A_27 = arith.muli %arg0, %mul3A : i32
      %mul3A_28 = arith.constant 640 : i32
      %mul3A_29 = arith.muli %arg1, %mul3A_28 : i32
      %add3A = arith.addi %mul3A_27, %mul3A_29 : i32
      %mul3A_30 = arith.constant 640 : i32
      %mul3A_31 = arith.muli %arg1, %mul3A_30 : i32
      "tpu.region"() ({
        %run_scoped3A = tpu.sem_alloc : memref<!tpu.dma_semaphore, #tpu.memory_space<semaphore_mem>>
        %dma_start3A = arith.constant 0 : i32
        %dma_start3A_32 = tpu.memref_slice %arg12[%mul3A_31, %dma_start3A] : memref<10240x128xf32, #tpu.memory_space<vmem_shared>> -> memref<640x128xf32, #tpu.memory_space<vmem_shared>>
        %dma_start3A_33 = arith.constant 0 : i32
        %dma_start3A_34 = tpu.memref_slice %arg2[%add3A, %dma_start3A_33] : memref<20000x128xf32, #tpu.memory_space<hbm>> -> memref<640x128xf32, #tpu.memory_space<hbm>>
        tpu.enqueue_dma source(%dma_start3A_34 : memref<640x128xf32, #tpu.memory_space<hbm>>) target(%dma_start3A_32 : memref<640x128xf32, #tpu.memory_space<vmem_shared>>) target_semaphore(%run_scoped3A : memref<!tpu.dma_semaphore, #tpu.memory_space<semaphore_mem>>)
        %dma_wait3A = arith.constant 0 : i32
        %dma_wait3A_35 = tpu.memref_slice %arg12[%mul3A_31, %dma_wait3A] : memref<10240x128xf32, #tpu.memory_space<vmem_shared>> -> memref<640x128xf32, #tpu.memory_space<vmem_shared>>
        %dma_wait3A_36 = arith.constant 0 : i32
        %dma_wait3A_37 = tpu.memref_slice %arg2[%add3A, %dma_wait3A_36] : memref<20000x128xf32, #tpu.memory_space<hbm>> -> memref<640x128xf32, #tpu.memory_space<hbm>>
        tpu.wait_dma2 semaphore(%run_scoped3A : memref<!tpu.dma_semaphore, #tpu.memory_space<semaphore_mem>>) src(%dma_wait3A_37 : memref<640x128xf32, #tpu.memory_space<hbm>>) dst(%dma_wait3A_35 : memref<640x128xf32, #tpu.memory_space<vmem_shared>>)
        tpu.yield
      }) : () -> ()
    } else {
    }
    %eq3A = arith.constant 15 : i32
    %eq3A_2 = arith.cmpi eq, %arg1, %eq3A : i32
    %convert_element_type3A_3 = arith.extui %eq3A_2 : i1 to i32
    %cond3A_4 = arith.constant 0 : i32
    %cond3A_5 = arith.cmpi ne, %convert_element_type3A_3, %cond3A_4 : i32
    scf.if %cond3A_5 {
      %mul3A = arith.constant 10000 : i32
      %mul3A_27 = arith.muli %arg0, %mul3A : i32
      %add3A = arith.constant 9600 : i32
      %add3A_28 = arith.addi %mul3A_27, %add3A : i32
      "tpu.region"() ({
        %run_scoped3A = tpu.sem_alloc : memref<!tpu.dma_semaphore, #tpu.memory_space<semaphore_mem>>
        %dma_start3A = arith.constant 9600 : i32
        %dma_start3A_29 = arith.constant 0 : i32
        %dma_start3A_30 = tpu.memref_slice %arg12[%dma_start3A, %dma_start3A_29] : memref<10240x128xf32, #tpu.memory_space<vmem_shared>> -> memref<400x128xf32, #tpu.memory_space<vmem_shared>>
        %dma_start3A_31 = arith.constant 0 : i32
        %dma_start3A_32 = tpu.memref_slice %arg2[%add3A_28, %dma_start3A_31] : memref<20000x128xf32, #tpu.memory_space<hbm>> -> memref<400x128xf32, #tpu.memory_space<hbm>>
        tpu.enqueue_dma source(%dma_start3A_32 : memref<400x128xf32, #tpu.memory_space<hbm>>) target(%dma_start3A_30 : memref<400x128xf32, #tpu.memory_space<vmem_shared>>) target_semaphore(%run_scoped3A : memref<!tpu.dma_semaphore, #tpu.memory_space<semaphore_mem>>)
        %dma_wait3A = arith.constant 9600 : i32
        %dma_wait3A_33 = arith.constant 0 : i32
        %dma_wait3A_34 = tpu.memref_slice %arg12[%dma_wait3A, %dma_wait3A_33] : memref<10240x128xf32, #tpu.memory_space<vmem_shared>> -> memref<400x128xf32, #tpu.memory_space<vmem_shared>>
        %dma_wait3A_35 = arith.constant 0 : i32
        %dma_wait3A_36 = tpu.memref_slice %arg2[%add3A_28, %dma_wait3A_35] : memref<20000x128xf32, #tpu.memory_space<hbm>> -> memref<400x128xf32, #tpu.memory_space<hbm>>
        tpu.wait_dma2 semaphore(%run_scoped3A : memref<!tpu.dma_semaphore, #tpu.memory_space<semaphore_mem>>) src(%dma_wait3A_36 : memref<400x128xf32, #tpu.memory_space<hbm>>) dst(%dma_wait3A_34 : memref<400x128xf32, #tpu.memory_space<vmem_shared>>)
        tpu.yield
      }) : () -> ()
    } else {
    }
    %barrier3A = arith.constant 0 : index
    tpu.barrier barrier_id(%barrier3A)
    %lt3A_6 = arith.constant 15 : i32
    %lt3A_7 = arith.cmpi slt, %arg1, %lt3A_6 : i32
    %convert_element_type3A_8 = arith.extui %lt3A_7 : i1 to i32
    %cond3A_9 = arith.constant 0 : i32
    %cond3A_10 = arith.cmpi ne, %convert_element_type3A_8, %cond3A_9 : i32
    scf.if %cond3A_10 {
      %scan3A = arith.constant 0 : i32
      %scan3A_27 = arith.constant 0 : i32
      %scan3A_28 = arith.constant 4 : i32
      %scan3A_29 = arith.addi %scan3A_27, %scan3A_28 : i32
      %scan3A_30 = arith.constant 1 : i32
      %scan3A_31 = scf.for %scan3A_33 = %scan3A_27 to %scan3A_29 step %scan3A_30 iter_args(%scan3A_34 = %scan3A) -> (i32)  : i32 {
        %mul3A = arith.constant 160 : i32
        %mul3A_35 = arith.muli %arg1, %mul3A : i32
        %mul3A_36 = arith.constant 40 : i32
        %mul3A_37 = arith.muli %scan3A_33, %mul3A_36 : i32
        %add3A = arith.addi %mul3A_35, %mul3A_37 : i32
        %eq3A_38 = arith.constant 0 : i32
        %eq3A_39 = arith.cmpi eq, %arg0, %eq3A_38 : i32
        %convert_element_type3A_40 = arith.extui %eq3A_39 : i1 to i32
        %cond3A_41 = arith.constant 0 : i32
        %cond3A_42 = arith.cmpi ne, %convert_element_type3A_40, %cond3A_41 : i32
        scf.if %cond3A_42 {
          "tpu.region"() ({
            %run_scoped3A = tpu.sem_alloc : memref<!tpu.dma_semaphore, #tpu.memory_space<semaphore_mem>>
            %dma_start3A_71 = arith.constant 0 : i32
            %dma_start3A_72 = arith.constant 0 : i32
            %dma_start3A_73 = tpu.memref_slice %arg8[%dma_start3A_71, %dma_start3A_72] : memref<40x128xi32, #tpu.memory_space<vmem>> -> memref<40x128xi32, #tpu.memory_space<vmem>>
            %dma_start3A_74 = arith.constant 0 : i32
            %dma_start3A_75 = tpu.memref_slice %arg3[%add3A, %dma_start3A_74] : memref<2500x128xi32, #tpu.memory_space<hbm>> -> memref<40x128xi32, #tpu.memory_space<hbm>>
            %dma_start3A_76 = arith.constant 0 : i32
            %dma_start3A_77 = arith.constant 0 : i32
            %dma_start3A_78 = tpu.memref_slice %arg8[%dma_start3A_76, %dma_start3A_77] : memref<40x128xi32, #tpu.memory_space<vmem>> -> memref<40x128xi32, #tpu.memory_space<vmem>>
            %dma_start3A_79 = arith.constant 0 : i32
            %dma_start3A_80 = tpu.memref_slice %arg3[%add3A, %dma_start3A_79] : memref<2500x128xi32, #tpu.memory_space<hbm>> -> memref<40x128xi32, #tpu.memory_space<hbm>>
            tpu.enqueue_dma source(%dma_start3A_80 : memref<40x128xi32, #tpu.memory_space<hbm>>) target(%dma_start3A_78 : memref<40x128xi32, #tpu.memory_space<vmem>>) target_semaphore(%run_scoped3A : memref<!tpu.dma_semaphore, #tpu.memory_space<semaphore_mem>>)
            %dma_wait3A = arith.constant 0 : i32
            %dma_wait3A_81 = arith.constant 0 : i32
            %dma_wait3A_82 = tpu.memref_slice %arg8[%dma_wait3A, %dma_wait3A_81] : memref<40x128xi32, #tpu.memory_space<vmem>> -> memref<40x128xi32, #tpu.memory_space<vmem>>
            %dma_wait3A_83 = arith.constant 0 : i32
            %dma_wait3A_84 = tpu.memref_slice %arg3[%add3A, %dma_wait3A_83] : memref<2500x128xi32, #tpu.memory_space<hbm>> -> memref<40x128xi32, #tpu.memory_space<hbm>>
            %dma_wait3A_85 = arith.constant 0 : i32
            %dma_wait3A_86 = arith.constant 0 : i32
            %dma_wait3A_87 = tpu.memref_slice %arg8[%dma_wait3A_85, %dma_wait3A_86] : memref<40x128xi32, #tpu.memory_space<vmem>> -> memref<40x128xi32, #tpu.memory_space<vmem>>
            %dma_wait3A_88 = arith.constant 0 : i32
            %dma_wait3A_89 = tpu.memref_slice %arg3[%add3A, %dma_wait3A_88] : memref<2500x128xi32, #tpu.memory_space<hbm>> -> memref<40x128xi32, #tpu.memory_space<hbm>>
            tpu.wait_dma2 semaphore(%run_scoped3A : memref<!tpu.dma_semaphore, #tpu.memory_space<semaphore_mem>>) src(%dma_wait3A_89 : memref<40x128xi32, #tpu.memory_space<hbm>>) dst(%dma_wait3A_87 : memref<40x128xi32, #tpu.memory_space<vmem>>)
            tpu.yield
          }) : () -> ()
          "tpu.region"() ({
            %run_scoped3A = tpu.sem_alloc : memref<!tpu.dma_semaphore, #tpu.memory_space<semaphore_mem>>
            %dma_start3A_71 = arith.constant 0 : i32
            %dma_start3A_72 = arith.constant 0 : i32
            %dma_start3A_73 = tpu.memref_slice %arg9[%dma_start3A_71, %dma_start3A_72] : memref<40x128xi32, #tpu.memory_space<vmem>> -> memref<40x128xi32, #tpu.memory_space<vmem>>
            %dma_start3A_74 = arith.constant 0 : i32
            %dma_start3A_75 = tpu.memref_slice %arg4[%add3A, %dma_start3A_74] : memref<2500x128xi32, #tpu.memory_space<hbm>> -> memref<40x128xi32, #tpu.memory_space<hbm>>
            %dma_start3A_76 = arith.constant 0 : i32
            %dma_start3A_77 = arith.constant 0 : i32
            %dma_start3A_78 = tpu.memref_slice %arg9[%dma_start3A_76, %dma_start3A_77] : memref<40x128xi32, #tpu.memory_space<vmem>> -> memref<40x128xi32, #tpu.memory_space<vmem>>
            %dma_start3A_79 = arith.constant 0 : i32
            %dma_start3A_80 = tpu.memref_slice %arg4[%add3A, %dma_start3A_79] : memref<2500x128xi32, #tpu.memory_space<hbm>> -> memref<40x128xi32, #tpu.memory_space<hbm>>
            tpu.enqueue_dma source(%dma_start3A_80 : memref<40x128xi32, #tpu.memory_space<hbm>>) target(%dma_start3A_78 : memref<40x128xi32, #tpu.memory_space<vmem>>) target_semaphore(%run_scoped3A : memref<!tpu.dma_semaphore, #tpu.memory_space<semaphore_mem>>)
            %dma_wait3A = arith.constant 0 : i32
            %dma_wait3A_81 = arith.constant 0 : i32
            %dma_wait3A_82 = tpu.memref_slice %arg9[%dma_wait3A, %dma_wait3A_81] : memref<40x128xi32, #tpu.memory_space<vmem>> -> memref<40x128xi32, #tpu.memory_space<vmem>>
            %dma_wait3A_83 = arith.constant 0 : i32
            %dma_wait3A_84 = tpu.memref_slice %arg4[%add3A, %dma_wait3A_83] : memref<2500x128xi32, #tpu.memory_space<hbm>> -> memref<40x128xi32, #tpu.memory_space<hbm>>
            %dma_wait3A_85 = arith.constant 0 : i32
            %dma_wait3A_86 = arith.constant 0 : i32
            %dma_wait3A_87 = tpu.memref_slice %arg9[%dma_wait3A_85, %dma_wait3A_86] : memref<40x128xi32, #tpu.memory_space<vmem>> -> memref<40x128xi32, #tpu.memory_space<vmem>>
            %dma_wait3A_88 = arith.constant 0 : i32
            %dma_wait3A_89 = tpu.memref_slice %arg4[%add3A, %dma_wait3A_88] : memref<2500x128xi32, #tpu.memory_space<hbm>> -> memref<40x128xi32, #tpu.memory_space<hbm>>
            tpu.wait_dma2 semaphore(%run_scoped3A : memref<!tpu.dma_semaphore, #tpu.memory_space<semaphore_mem>>) src(%dma_wait3A_89 : memref<40x128xi32, #tpu.memory_space<hbm>>) dst(%dma_wait3A_87 : memref<40x128xi32, #tpu.memory_space<vmem>>)
            tpu.yield
          }) : () -> ()
        } else {
        }
        %eq3A_43 = arith.constant 1 : i32
        %eq3A_44 = arith.cmpi eq, %arg0, %eq3A_43 : i32
        %convert_element_type3A_45 = arith.extui %eq3A_44 : i1 to i32
        %cond3A_46 = arith.constant 0 : i32
        %cond3A_47 = arith.cmpi ne, %convert_element_type3A_45, %cond3A_46 : i32
        scf.if %cond3A_47 {
          "tpu.region"() ({
            %run_scoped3A = tpu.sem_alloc : memref<!tpu.dma_semaphore, #tpu.memory_space<semaphore_mem>>
            %dma_start3A_71 = arith.constant 0 : i32
            %dma_start3A_72 = arith.constant 0 : i32
            %dma_start3A_73 = tpu.memref_slice %arg8[%dma_start3A_71, %dma_start3A_72] : memref<40x128xi32, #tpu.memory_space<vmem>> -> memref<40x128xi32, #tpu.memory_space<vmem>>
            %dma_start3A_74 = arith.constant 0 : i32
            %dma_start3A_75 = tpu.memref_slice %arg5[%add3A, %dma_start3A_74] : memref<2500x128xi32, #tpu.memory_space<hbm>> -> memref<40x128xi32, #tpu.memory_space<hbm>>
            %dma_start3A_76 = arith.constant 0 : i32
            %dma_start3A_77 = arith.constant 0 : i32
            %dma_start3A_78 = tpu.memref_slice %arg8[%dma_start3A_76, %dma_start3A_77] : memref<40x128xi32, #tpu.memory_space<vmem>> -> memref<40x128xi32, #tpu.memory_space<vmem>>
            %dma_start3A_79 = arith.constant 0 : i32
            %dma_start3A_80 = tpu.memref_slice %arg5[%add3A, %dma_start3A_79] : memref<2500x128xi32, #tpu.memory_space<hbm>> -> memref<40x128xi32, #tpu.memory_space<hbm>>
            tpu.enqueue_dma source(%dma_start3A_80 : memref<40x128xi32, #tpu.memory_space<hbm>>) target(%dma_start3A_78 : memref<40x128xi32, #tpu.memory_space<vmem>>) target_semaphore(%run_scoped3A : memref<!tpu.dma_semaphore, #tpu.memory_space<semaphore_mem>>)
            %dma_wait3A = arith.constant 0 : i32
            %dma_wait3A_81 = arith.constant 0 : i32
            %dma_wait3A_82 = tpu.memref_slice %arg8[%dma_wait3A, %dma_wait3A_81] : memref<40x128xi32, #tpu.memory_space<vmem>> -> memref<40x128xi32, #tpu.memory_space<vmem>>
            %dma_wait3A_83 = arith.constant 0 : i32
            %dma_wait3A_84 = tpu.memref_slice %arg5[%add3A, %dma_wait3A_83] : memref<2500x128xi32, #tpu.memory_space<hbm>> -> memref<40x128xi32, #tpu.memory_space<hbm>>
            %dma_wait3A_85 = arith.constant 0 : i32
            %dma_wait3A_86 = arith.constant 0 : i32
            %dma_wait3A_87 = tpu.memref_slice %arg8[%dma_wait3A_85, %dma_wait3A_86] : memref<40x128xi32, #tpu.memory_space<vmem>> -> memref<40x128xi32, #tpu.memory_space<vmem>>
            %dma_wait3A_88 = arith.constant 0 : i32
            %dma_wait3A_89 = tpu.memref_slice %arg5[%add3A, %dma_wait3A_88] : memref<2500x128xi32, #tpu.memory_space<hbm>> -> memref<40x128xi32, #tpu.memory_space<hbm>>
            tpu.wait_dma2 semaphore(%run_scoped3A : memref<!tpu.dma_semaphore, #tpu.memory_space<semaphore_mem>>) src(%dma_wait3A_89 : memref<40x128xi32, #tpu.memory_space<hbm>>) dst(%dma_wait3A_87 : memref<40x128xi32, #tpu.memory_space<vmem>>)
            tpu.yield
          }) : () -> ()
          "tpu.region"() ({
            %run_scoped3A = tpu.sem_alloc : memref<!tpu.dma_semaphore, #tpu.memory_space<semaphore_mem>>
            %dma_start3A_71 = arith.constant 0 : i32
            %dma_start3A_72 = arith.constant 0 : i32
            %dma_start3A_73 = tpu.memref_slice %arg9[%dma_start3A_71, %dma_start3A_72] : memref<40x128xi32, #tpu.memory_space<vmem>> -> memref<40x128xi32, #tpu.memory_space<vmem>>
            %dma_start3A_74 = arith.constant 0 : i32
            %dma_start3A_75 = tpu.memref_slice %arg6[%add3A, %dma_start3A_74] : memref<2500x128xi32, #tpu.memory_space<hbm>> -> memref<40x128xi32, #tpu.memory_space<hbm>>
            %dma_start3A_76 = arith.constant 0 : i32
            %dma_start3A_77 = arith.constant 0 : i32
            %dma_start3A_78 = tpu.memref_slice %arg9[%dma_start3A_76, %dma_start3A_77] : memref<40x128xi32, #tpu.memory_space<vmem>> -> memref<40x128xi32, #tpu.memory_space<vmem>>
            %dma_start3A_79 = arith.constant 0 : i32
            %dma_start3A_80 = tpu.memref_slice %arg6[%add3A, %dma_start3A_79] : memref<2500x128xi32, #tpu.memory_space<hbm>> -> memref<40x128xi32, #tpu.memory_space<hbm>>
            tpu.enqueue_dma source(%dma_start3A_80 : memref<40x128xi32, #tpu.memory_space<hbm>>) target(%dma_start3A_78 : memref<40x128xi32, #tpu.memory_space<vmem>>) target_semaphore(%run_scoped3A : memref<!tpu.dma_semaphore, #tpu.memory_space<semaphore_mem>>)
            %dma_wait3A = arith.constant 0 : i32
            %dma_wait3A_81 = arith.constant 0 : i32
            %dma_wait3A_82 = tpu.memref_slice %arg9[%dma_wait3A, %dma_wait3A_81] : memref<40x128xi32, #tpu.memory_space<vmem>> -> memref<40x128xi32, #tpu.memory_space<vmem>>
            %dma_wait3A_83 = arith.constant 0 : i32
            %dma_wait3A_84 = tpu.memref_slice %arg6[%add3A, %dma_wait3A_83] : memref<2500x128xi32, #tpu.memory_space<hbm>> -> memref<40x128xi32, #tpu.memory_space<hbm>>
            %dma_wait3A_85 = arith.constant 0 : i32
            %dma_wait3A_86 = arith.constant 0 : i32
            %dma_wait3A_87 = tpu.memref_slice %arg9[%dma_wait3A_85, %dma_wait3A_86] : memref<40x128xi32, #tpu.memory_space<vmem>> -> memref<40x128xi32, #tpu.memory_space<vmem>>
            %dma_wait3A_88 = arith.constant 0 : i32
            %dma_wait3A_89 = tpu.memref_slice %arg6[%add3A, %dma_wait3A_88] : memref<2500x128xi32, #tpu.memory_space<hbm>> -> memref<40x128xi32, #tpu.memory_space<hbm>>
            tpu.wait_dma2 semaphore(%run_scoped3A : memref<!tpu.dma_semaphore, #tpu.memory_space<semaphore_mem>>) src(%dma_wait3A_89 : memref<40x128xi32, #tpu.memory_space<hbm>>) dst(%dma_wait3A_87 : memref<40x128xi32, #tpu.memory_space<vmem>>)
            tpu.yield
          }) : () -> ()
        } else {
        }
        %mul3A_48 = arith.constant 10000 : i32
        %mul3A_49 = arith.muli %arg0, %mul3A_48 : i32
        %scan3A_50 = arith.constant 0 : i32
        %scan3A_51 = arith.constant 0 : i32
        %scan3A_52 = arith.constant 40 : i32
        %scan3A_53 = arith.addi %scan3A_51, %scan3A_52 : i32
        %scan3A_54 = arith.constant 1 : i32
        %scan3A_55 = scf.for %scan3A_71 = %scan3A_51 to %scan3A_53 step %scan3A_54 iter_args(%scan3A_72 = %scan3A_50) -> (i32)  : i32 {
          %scan3A_73 = arith.constant 0 : i32
          %scan3A_74 = arith.constant 0 : i32
          %scan3A_75 = arith.constant 8 : i32
          %scan3A_76 = arith.addi %scan3A_74, %scan3A_75 : i32
          %scan3A_77 = arith.constant 1 : i32
          %scan3A_78 = scf.for %scan3A_81 = %scan3A_74 to %scan3A_76 step %scan3A_77 iter_args(%scan3A_82 = %scan3A_73) -> (i32)  : i32 {
            %mul3A_83 = arith.constant 16 : i32
            %mul3A_84 = arith.muli %scan3A_81, %mul3A_83 : i32
            %get3A = arith.index_cast %scan3A_71 : i32 to index
            %get3A_85 = arith.index_cast %mul3A_84 : i32 to index
            %get3A_86 = tpu.vector_load %arg8[%get3A, %get3A_85] {strides = array<i32>} : memref<40x128xi32, #tpu.memory_space<vmem>>, vector<1x16xi32>,
            %get3A_87 = vector.shape_cast %get3A_86 : vector<1x16xi32> to vector<16xi32>
            %add3A_88 = vector.broadcast %mul3A_49 : i32 to vector<16xi32>
            %add3A_89 = arith.addi %get3A_87, %add3A_88 : vector<16xi32>
            %mul3A_90 = arith.constant 16 : i32
            %mul3A_91 = arith.muli %scan3A_81, %mul3A_90 : i32
            %swap3A = arith.index_cast %scan3A_71 : i32 to index
            %swap3A_92 = arith.index_cast %mul3A_91 : i32 to index
            %swap3A_93 = tpu.vector_load %arg8[%swap3A, %swap3A_92] {strides = array<i32>} : memref<40x128xi32, #tpu.memory_space<vmem>>, vector<1x16xi32>,
            %swap3A_94 = vector.shape_cast %swap3A_93 : vector<1x16xi32> to vector<16xi32>
            %swap3A_95 = vector.shape_cast %add3A_89 : vector<16xi32> to vector<1x16xi32>
            tpu.vector_store %arg8[%swap3A, %swap3A_92], %swap3A_95 {strides = array<i32>} : memref<40x128xi32, #tpu.memory_space<vmem>>, vector<1x16xi32>,
            %scan3A_96 = arith.constant 0 : i32
            scf.yield %scan3A_96 : i32
          }
          %scan3A_79 = arith.constant 8 : i32
          %scan3A_80 = arith.constant 0 : i32
          scf.yield %scan3A_80 : i32
        }
        %scan3A_56 = arith.constant 40 : i32
        %dma_start3A = arith.constant 0 : i32
        %dma_start3A_57 = arith.constant 0 : i32
        %dma_start3A_58 = tpu.memref_slice %arg8[%dma_start3A, %dma_start3A_57] : memref<40x128xi32, #tpu.memory_space<vmem>> -> memref<1x128xi32, #tpu.memory_space<vmem>>
        %dma_start3A_59 = tpu.memref_squeeze %dma_start3A_58 : memref<1x128xi32, #tpu.memory_space<vmem>> -> memref<128xi32, #tpu.memory_space<vmem>>
        %dma_start3A_60 = arith.constant 0 : i32
        %dma_start3A_61 = arith.constant 0 : i32
        %dma_start3A_62 = tpu.memref_slice %arg2[%dma_start3A_60, %dma_start3A_61] : memref<20000x128xf32, #tpu.memory_space<hbm>> -> memref<20000x128xf32, #tpu.memory_space<hbm>>
        tpu.enqueue_indirect_dma source(%dma_start3A_62 : memref<20000x128xf32, #tpu.memory_space<hbm>>) target(%arg10 : memref<128x128xf32, #tpu.memory_space<vmem>>) offsets(%dma_start3A_59 : memref<128xi32, #tpu.memory_space<vmem>>) semaphore(%arg13 : memref<!tpu.dma_semaphore, #tpu.memory_space<semaphore_mem>>)
        %scan3A_63 = arith.constant 0 : i32
        %scan3A_64 = arith.constant 0 : i32
        %scan3A_65 = arith.constant 20 : i32
        %scan3A_66 = arith.addi %scan3A_64, %scan3A_65 : i32
        %scan3A_67 = arith.constant 1 : i32
        %scan3A_68 = scf.for %scan3A_71 = %scan3A_64 to %scan3A_66 step %scan3A_67 iter_args(%scan3A_72 = %scan3A_63) -> (i32)  : i32 {
          %mul3A_73 = arith.constant 2 : i32
          %mul3A_74 = arith.muli %mul3A_73, %scan3A_71 : i32
          %add3A_75 = arith.constant 1 : i32
          %add3A_76 = arith.addi %mul3A_74, %add3A_75 : i32
          %dma_start3A_77 = arith.constant 0 : i32
          %dma_start3A_78 = tpu.memref_slice %arg8[%add3A_76, %dma_start3A_77] : memref<40x128xi32, #tpu.memory_space<vmem>> -> memref<1x128xi32, #tpu.memory_space<vmem>>
          %dma_start3A_79 = tpu.memref_squeeze %dma_start3A_78 : memref<1x128xi32, #tpu.memory_space<vmem>> -> memref<128xi32, #tpu.memory_space<vmem>>
          %dma_start3A_80 = arith.constant 0 : i32
          %dma_start3A_81 = arith.constant 0 : i32
          %dma_start3A_82 = tpu.memref_slice %arg2[%dma_start3A_80, %dma_start3A_81] : memref<20000x128xf32, #tpu.memory_space<hbm>> -> memref<20000x128xf32, #tpu.memory_space<hbm>>
          tpu.enqueue_indirect_dma source(%dma_start3A_82 : memref<20000x128xf32, #tpu.memory_space<hbm>>) target(%arg11 : memref<128x128xf32, #tpu.memory_space<vmem>>) offsets(%dma_start3A_79 : memref<128xi32, #tpu.memory_space<vmem>>) semaphore(%arg14 : memref<!tpu.dma_semaphore, #tpu.memory_space<semaphore_mem>>)
          %dma_wait3A = arith.constant 0 : i32
          %dma_wait3A_83 = arith.constant 0 : i32
          %dma_wait3A_84 = tpu.memref_slice %arg2[%dma_wait3A, %dma_wait3A_83] : memref<20000x128xf32, #tpu.memory_space<hbm>> -> memref<128x128xf32, #tpu.memory_space<hbm>>
          %dma_wait3A_85 = arith.constant 0 : i32
          %dma_wait3A_86 = arith.constant 0 : i32
          %dma_wait3A_87 = tpu.memref_slice %arg2[%dma_wait3A_85, %dma_wait3A_86] : memref<20000x128xf32, #tpu.memory_space<hbm>> -> memref<128x128xf32, #tpu.memory_space<hbm>>
          tpu.wait_dma2 semaphore(%arg13 : memref<!tpu.dma_semaphore, #tpu.memory_space<semaphore_mem>>) src(%dma_wait3A_87 : memref<128x128xf32, #tpu.memory_space<hbm>>) dst(%arg10 : memref<128x128xf32, #tpu.memory_space<vmem>>)
          "tpu.region"() ({
            %run_scoped3A = tpu.sem_alloc : memref<!tpu.dma_semaphore, #tpu.memory_space<semaphore_mem>>
            %dma_start3A_104 = arith.constant 0 : i32
            %dma_start3A_105 = tpu.memref_slice %arg9[%mul3A_74, %dma_start3A_104] : memref<40x128xi32, #tpu.memory_space<vmem>> -> memref<1x128xi32, #tpu.memory_space<vmem>>
            %dma_start3A_106 = tpu.memref_squeeze %dma_start3A_105 : memref<1x128xi32, #tpu.memory_space<vmem>> -> memref<128xi32, #tpu.memory_space<vmem>>
            %dma_start3A_107 = arith.constant 0 : i32
            %dma_start3A_108 = arith.constant 0 : i32
            %dma_start3A_109 = tpu.memref_slice %arg12[%dma_start3A_107, %dma_start3A_108] : memref<10240x128xf32, #tpu.memory_space<vmem_shared>> -> memref<10240x128xf32, #tpu.memory_space<vmem_shared>>
            tpu.enqueue_indirect_dma source(%arg10 : memref<128x128xf32, #tpu.memory_space<vmem>>) target(%dma_start3A_109 : memref<10240x128xf32, #tpu.memory_space<vmem_shared>>) offsets(%dma_start3A_106 : memref<128xi32, #tpu.memory_space<vmem>>) semaphore(%run_scoped3A : memref<!tpu.dma_semaphore, #tpu.memory_space<semaphore_mem>>) {add = true}
            %dma_wait3A_110 = arith.constant 0 : i32
            %dma_wait3A_111 = tpu.memref_slice %arg9[%mul3A_74, %dma_wait3A_110] : memref<40x128xi32, #tpu.memory_space<vmem>> -> memref<1x128xi32, #tpu.memory_space<vmem>>
            %dma_wait3A_112 = tpu.memref_squeeze %dma_wait3A_111 : memref<1x128xi32, #tpu.memory_space<vmem>> -> memref<128xi32, #tpu.memory_space<vmem>>
            %dma_wait3A_113 = arith.constant 0 : i32
            %dma_wait3A_114 = arith.constant 0 : i32
            %dma_wait3A_115 = tpu.memref_slice %arg12[%dma_wait3A_113, %dma_wait3A_114] : memref<10240x128xf32, #tpu.memory_space<vmem_shared>> -> memref<10240x128xf32, #tpu.memory_space<vmem_shared>>
            tpu.wait_indirect_dma semaphore(%run_scoped3A : memref<!tpu.dma_semaphore, #tpu.memory_space<semaphore_mem>>) src(%arg10 : memref<128x128xf32, #tpu.memory_space<vmem>>) dst(%dma_wait3A_115 : memref<10240x128xf32, #tpu.memory_space<vmem_shared>>)
            tpu.yield
          }) : () -> ()
          %add3A_88 = arith.constant 2 : i32
          %add3A_89 = arith.addi %mul3A_74, %add3A_88 : i32
          %lt3A_90 = arith.constant 40 : i32
          %lt3A_91 = arith.cmpi slt, %add3A_89, %lt3A_90 : i32
          %convert_element_type3A_92 = arith.extui %lt3A_91 : i1 to i32
          %cond3A_93 = arith.constant 0 : i32
          %cond3A_94 = arith.cmpi ne, %convert_element_type3A_92, %cond3A_93 : i32
          scf.if %cond3A_94 {
            %add3A_104 = arith.constant 2 : i32
            %add3A_105 = arith.addi %mul3A_74, %add3A_104 : i32
            %dma_start3A_106 = arith.constant 0 : i32
            %dma_start3A_107 = tpu.memref_slice %arg8[%add3A_105, %dma_start3A_106] : memref<40x128xi32, #tpu.memory_space<vmem>> -> memref<1x128xi32, #tpu.memory_space<vmem>>
            %dma_start3A_108 = tpu.memref_squeeze %dma_start3A_107 : memref<1x128xi32, #tpu.memory_space<vmem>> -> memref<128xi32, #tpu.memory_space<vmem>>
            %dma_start3A_109 = arith.constant 0 : i32
            %dma_start3A_110 = arith.constant 0 : i32
            %dma_start3A_111 = tpu.memref_slice %arg2[%dma_start3A_109, %dma_start3A_110] : memref<20000x128xf32, #tpu.memory_space<hbm>> -> memref<20000x128xf32, #tpu.memory_space<hbm>>
            tpu.enqueue_indirect_dma source(%dma_start3A_111 : memref<20000x128xf32, #tpu.memory_space<hbm>>) target(%arg10 : memref<128x128xf32, #tpu.memory_space<vmem>>) offsets(%dma_start3A_108 : memref<128xi32, #tpu.memory_space<vmem>>) semaphore(%arg13 : memref<!tpu.dma_semaphore, #tpu.memory_space<semaphore_mem>>)
          } else {
          }
          %dma_wait3A_95 = arith.constant 0 : i32
          %dma_wait3A_96 = arith.constant 0 : i32
          %dma_wait3A_97 = tpu.memref_slice %arg2[%dma_wait3A_95, %dma_wait3A_96] : memref<20000x128xf32, #tpu.memory_space<hbm>> -> memref<128x128xf32, #tpu.memory_space<hbm>>
          %dma_wait3A_98 = arith.constant 0 : i32
          %dma_wait3A_99 = arith.constant 0 : i32
          %dma_wait3A_100 = tpu.memref_slice %arg2[%dma_wait3A_98, %dma_wait3A_99] : memref<20000x128xf32, #tpu.memory_space<hbm>> -> memref<128x128xf32, #tpu.memory_space<hbm>>
          tpu.wait_dma2 semaphore(%arg14 : memref<!tpu.dma_semaphore, #tpu.memory_space<semaphore_mem>>) src(%dma_wait3A_100 : memref<128x128xf32, #tpu.memory_space<hbm>>) dst(%arg11 : memref<128x128xf32, #tpu.memory_space<vmem>>)
          %add3A_101 = arith.constant 1 : i32
          %add3A_102 = arith.addi %mul3A_74, %add3A_101 : i32
          "tpu.region"() ({
            %run_scoped3A = tpu.sem_alloc : memref<!tpu.dma_semaphore, #tpu.memory_space<semaphore_mem>>
            %dma_start3A_104 = arith.constant 0 : i32
            %dma_start3A_105 = tpu.memref_slice %arg9[%add3A_102, %dma_start3A_104] : memref<40x128xi32, #tpu.memory_space<vmem>> -> memref<1x128xi32, #tpu.memory_space<vmem>>
            %dma_start3A_106 = tpu.memref_squeeze %dma_start3A_105 : memref<1x128xi32, #tpu.memory_space<vmem>> -> memref<128xi32, #tpu.memory_space<vmem>>
            %dma_start3A_107 = arith.constant 0 : i32
            %dma_start3A_108 = arith.constant 0 : i32
            %dma_start3A_109 = tpu.memref_slice %arg12[%dma_start3A_107, %dma_start3A_108] : memref<10240x128xf32, #tpu.memory_space<vmem_shared>> -> memref<10240x128xf32, #tpu.memory_space<vmem_shared>>
            tpu.enqueue_indirect_dma source(%arg11 : memref<128x128xf32, #tpu.memory_space<vmem>>) target(%dma_start3A_109 : memref<10240x128xf32, #tpu.memory_space<vmem_shared>>) offsets(%dma_start3A_106 : memref<128xi32, #tpu.memory_space<vmem>>) semaphore(%run_scoped3A : memref<!tpu.dma_semaphore, #tpu.memory_space<semaphore_mem>>) {add = true}
            %dma_wait3A_110 = arith.constant 0 : i32
            %dma_wait3A_111 = tpu.memref_slice %arg9[%add3A_102, %dma_wait3A_110] : memref<40x128xi32, #tpu.memory_space<vmem>> -> memref<1x128xi32, #tpu.memory_space<vmem>>
            %dma_wait3A_112 = tpu.memref_squeeze %dma_wait3A_111 : memref<1x128xi32, #tpu.memory_space<vmem>> -> memref<128xi32, #tpu.memory_space<vmem>>
            %dma_wait3A_113 = arith.constant 0 : i32
            %dma_wait3A_114 = arith.constant 0 : i32
            %dma_wait3A_115 = tpu.memref_slice %arg12[%dma_wait3A_113, %dma_wait3A_114] : memref<10240x128xf32, #tpu.memory_space<vmem_shared>> -> memref<10240x128xf32, #tpu.memory_space<vmem_shared>>
            tpu.wait_indirect_dma semaphore(%run_scoped3A : memref<!tpu.dma_semaphore, #tpu.memory_space<semaphore_mem>>) src(%arg11 : memref<128x128xf32, #tpu.memory_space<vmem>>) dst(%dma_wait3A_115 : memref<10240x128xf32, #tpu.memory_space<vmem_shared>>)
            tpu.yield
          }) : () -> ()
          %scan3A_103 = arith.constant 0 : i32
          scf.yield %scan3A_103 : i32
        }
        %scan3A_69 = arith.constant 20 : i32
        %scan3A_70 = arith.constant 0 : i32
        scf.yield %scan3A_70 : i32
      }
      %scan3A_32 = arith.constant 4 : i32
    } else {
    }
    %eq3A_11 = arith.constant 15 : i32
    %eq3A_12 = arith.cmpi eq, %arg1, %eq3A_11 : i32
    %convert_element_type3A_13 = arith.extui %eq3A_12 : i1 to i32
    %cond3A_14 = arith.constant 0 : i32
    %cond3A_15 = arith.cmpi ne, %convert_element_type3A_13, %cond3A_14 : i32
    scf.if %cond3A_15 {
      %scan3A = arith.constant 0 : i32
      %scan3A_27 = arith.constant 0 : i32
      %scan3A_28 = arith.constant 2 : i32
      %scan3A_29 = arith.addi %scan3A_27, %scan3A_28 : i32
      %scan3A_30 = arith.constant 1 : i32
      %scan3A_31 = scf.for %scan3A_64 = %scan3A_27 to %scan3A_29 step %scan3A_30 iter_args(%scan3A_65 = %scan3A) -> (i32)  : i32 {
        %mul3A_66 = arith.constant 40 : i32
        %mul3A_67 = arith.muli %scan3A_64, %mul3A_66 : i32
        %add3A = arith.constant 2400 : i32
        %add3A_68 = arith.addi %add3A, %mul3A_67 : i32
        %eq3A_69 = arith.constant 0 : i32
        %eq3A_70 = arith.cmpi eq, %arg0, %eq3A_69 : i32
        %convert_element_type3A_71 = arith.extui %eq3A_70 : i1 to i32
        %cond3A_72 = arith.constant 0 : i32
        %cond3A_73 = arith.cmpi ne, %convert_element_type3A_71, %cond3A_72 : i32
        scf.if %cond3A_73 {
          "tpu.region"() ({
            %run_scoped3A = tpu.sem_alloc : memref<!tpu.dma_semaphore, #tpu.memory_space<semaphore_mem>>
            %dma_start3A_103 = arith.constant 0 : i32
            %dma_start3A_104 = arith.constant 0 : i32
            %dma_start3A_105 = tpu.memref_slice %arg8[%dma_start3A_103, %dma_start3A_104] : memref<40x128xi32, #tpu.memory_space<vmem>> -> memref<40x128xi32, #tpu.memory_space<vmem>>
            %dma_start3A_106 = arith.constant 0 : i32
            %dma_start3A_107 = tpu.memref_slice %arg3[%add3A_68, %dma_start3A_106] : memref<2500x128xi32, #tpu.memory_space<hbm>> -> memref<40x128xi32, #tpu.memory_space<hbm>>
            %dma_start3A_108 = arith.constant 0 : i32
            %dma_start3A_109 = arith.constant 0 : i32
            %dma_start3A_110 = tpu.memref_slice %arg8[%dma_start3A_108, %dma_start3A_109] : memref<40x128xi32, #tpu.memory_space<vmem>> -> memref<40x128xi32, #tpu.memory_space<vmem>>
            %dma_start3A_111 = arith.constant 0 : i32
            %dma_start3A_112 = tpu.memref_slice %arg3[%add3A_68, %dma_start3A_111] : memref<2500x128xi32, #tpu.memory_space<hbm>> -> memref<40x128xi32, #tpu.memory_space<hbm>>
            tpu.enqueue_dma source(%dma_start3A_112 : memref<40x128xi32, #tpu.memory_space<hbm>>) target(%dma_start3A_110 : memref<40x128xi32, #tpu.memory_space<vmem>>) target_semaphore(%run_scoped3A : memref<!tpu.dma_semaphore, #tpu.memory_space<semaphore_mem>>)
            %dma_wait3A = arith.constant 0 : i32
            %dma_wait3A_113 = arith.constant 0 : i32
            %dma_wait3A_114 = tpu.memref_slice %arg8[%dma_wait3A, %dma_wait3A_113] : memref<40x128xi32, #tpu.memory_space<vmem>> -> memref<40x128xi32, #tpu.memory_space<vmem>>
            %dma_wait3A_115 = arith.constant 0 : i32
            %dma_wait3A_116 = tpu.memref_slice %arg3[%add3A_68, %dma_wait3A_115] : memref<2500x128xi32, #tpu.memory_space<hbm>> -> memref<40x128xi32, #tpu.memory_space<hbm>>
            %dma_wait3A_117 = arith.constant 0 : i32
            %dma_wait3A_118 = arith.constant 0 : i32
            %dma_wait3A_119 = tpu.memref_slice %arg8[%dma_wait3A_117, %dma_wait3A_118] : memref<40x128xi32, #tpu.memory_space<vmem>> -> memref<40x128xi32, #tpu.memory_space<vmem>>
            %dma_wait3A_120 = arith.constant 0 : i32
            %dma_wait3A_121 = tpu.memref_slice %arg3[%add3A_68, %dma_wait3A_120] : memref<2500x128xi32, #tpu.memory_space<hbm>> -> memref<40x128xi32, #tpu.memory_space<hbm>>
            tpu.wait_dma2 semaphore(%run_scoped3A : memref<!tpu.dma_semaphore, #tpu.memory_space<semaphore_mem>>) src(%dma_wait3A_121 : memref<40x128xi32, #tpu.memory_space<hbm>>) dst(%dma_wait3A_119 : memref<40x128xi32, #tpu.memory_space<vmem>>)
            tpu.yield
          }) : () -> ()
          "tpu.region"() ({
            %run_scoped3A = tpu.sem_alloc : memref<!tpu.dma_semaphore, #tpu.memory_space<semaphore_mem>>
            %dma_start3A_103 = arith.constant 0 : i32
            %dma_start3A_104 = arith.constant 0 : i32
            %dma_start3A_105 = tpu.memref_slice %arg9[%dma_start3A_103, %dma_start3A_104] : memref<40x128xi32, #tpu.memory_space<vmem>> -> memref<40x128xi32, #tpu.memory_space<vmem>>
            %dma_start3A_106 = arith.constant 0 : i32
            %dma_start3A_107 = tpu.memref_slice %arg4[%add3A_68, %dma_start3A_106] : memref<2500x128xi32, #tpu.memory_space<hbm>> -> memref<40x128xi32, #tpu.memory_space<hbm>>
            %dma_start3A_108 = arith.constant 0 : i32
            %dma_start3A_109 = arith.constant 0 : i32
            %dma_start3A_110 = tpu.memref_slice %arg9[%dma_start3A_108, %dma_start3A_109] : memref<40x128xi32, #tpu.memory_space<vmem>> -> memref<40x128xi32, #tpu.memory_space<vmem>>
            %dma_start3A_111 = arith.constant 0 : i32
            %dma_start3A_112 = tpu.memref_slice %arg4[%add3A_68, %dma_start3A_111] : memref<2500x128xi32, #tpu.memory_space<hbm>> -> memref<40x128xi32, #tpu.memory_space<hbm>>
            tpu.enqueue_dma source(%dma_start3A_112 : memref<40x128xi32, #tpu.memory_space<hbm>>) target(%dma_start3A_110 : memref<40x128xi32, #tpu.memory_space<vmem>>) target_semaphore(%run_scoped3A : memref<!tpu.dma_semaphore, #tpu.memory_space<semaphore_mem>>)
            %dma_wait3A = arith.constant 0 : i32
            %dma_wait3A_113 = arith.constant 0 : i32
            %dma_wait3A_114 = tpu.memref_slice %arg9[%dma_wait3A, %dma_wait3A_113] : memref<40x128xi32, #tpu.memory_space<vmem>> -> memref<40x128xi32, #tpu.memory_space<vmem>>
            %dma_wait3A_115 = arith.constant 0 : i32
            %dma_wait3A_116 = tpu.memref_slice %arg4[%add3A_68, %dma_wait3A_115] : memref<2500x128xi32, #tpu.memory_space<hbm>> -> memref<40x128xi32, #tpu.memory_space<hbm>>
            %dma_wait3A_117 = arith.constant 0 : i32
            %dma_wait3A_118 = arith.constant 0 : i32
            %dma_wait3A_119 = tpu.memref_slice %arg9[%dma_wait3A_117, %dma_wait3A_118] : memref<40x128xi32, #tpu.memory_space<vmem>> -> memref<40x128xi32, #tpu.memory_space<vmem>>
            %dma_wait3A_120 = arith.constant 0 : i32
            %dma_wait3A_121 = tpu.memref_slice %arg4[%add3A_68, %dma_wait3A_120] : memref<2500x128xi32, #tpu.memory_space<hbm>> -> memref<40x128xi32, #tpu.memory_space<hbm>>
            tpu.wait_dma2 semaphore(%run_scoped3A : memref<!tpu.dma_semaphore, #tpu.memory_space<semaphore_mem>>) src(%dma_wait3A_121 : memref<40x128xi32, #tpu.memory_space<hbm>>) dst(%dma_wait3A_119 : memref<40x128xi32, #tpu.memory_space<vmem>>)
            tpu.yield
          }) : () -> ()
        } else {
        }
        %eq3A_74 = arith.constant 1 : i32
        %eq3A_75 = arith.cmpi eq, %arg0, %eq3A_74 : i32
        %convert_element_type3A_76 = arith.extui %eq3A_75 : i1 to i32
        %cond3A_77 = arith.constant 0 : i32
        %cond3A_78 = arith.cmpi ne, %convert_element_type3A_76, %cond3A_77 : i32
        scf.if %cond3A_78 {
          "tpu.region"() ({
            %run_scoped3A = tpu.sem_alloc : memref<!tpu.dma_semaphore, #tpu.memory_space<semaphore_mem>>
            %dma_start3A_103 = arith.constant 0 : i32
            %dma_start3A_104 = arith.constant 0 : i32
            %dma_start3A_105 = tpu.memref_slice %arg8[%dma_start3A_103, %dma_start3A_104] : memref<40x128xi32, #tpu.memory_space<vmem>> -> memref<40x128xi32, #tpu.memory_space<vmem>>
            %dma_start3A_106 = arith.constant 0 : i32
            %dma_start3A_107 = tpu.memref_slice %arg5[%add3A_68, %dma_start3A_106] : memref<2500x128xi32, #tpu.memory_space<hbm>> -> memref<40x128xi32, #tpu.memory_space<hbm>>
            %dma_start3A_108 = arith.constant 0 : i32
            %dma_start3A_109 = arith.constant 0 : i32
            %dma_start3A_110 = tpu.memref_slice %arg8[%dma_start3A_108, %dma_start3A_109] : memref<40x128xi32, #tpu.memory_space<vmem>> -> memref<40x128xi32, #tpu.memory_space<vmem>>
            %dma_start3A_111 = arith.constant 0 : i32
            %dma_start3A_112 = tpu.memref_slice %arg5[%add3A_68, %dma_start3A_111] : memref<2500x128xi32, #tpu.memory_space<hbm>> -> memref<40x128xi32, #tpu.memory_space<hbm>>
            tpu.enqueue_dma source(%dma_start3A_112 : memref<40x128xi32, #tpu.memory_space<hbm>>) target(%dma_start3A_110 : memref<40x128xi32, #tpu.memory_space<vmem>>) target_semaphore(%run_scoped3A : memref<!tpu.dma_semaphore, #tpu.memory_space<semaphore_mem>>)
            %dma_wait3A = arith.constant 0 : i32
            %dma_wait3A_113 = arith.constant 0 : i32
            %dma_wait3A_114 = tpu.memref_slice %arg8[%dma_wait3A, %dma_wait3A_113] : memref<40x128xi32, #tpu.memory_space<vmem>> -> memref<40x128xi32, #tpu.memory_space<vmem>>
            %dma_wait3A_115 = arith.constant 0 : i32
            %dma_wait3A_116 = tpu.memref_slice %arg5[%add3A_68, %dma_wait3A_115] : memref<2500x128xi32, #tpu.memory_space<hbm>> -> memref<40x128xi32, #tpu.memory_space<hbm>>
            %dma_wait3A_117 = arith.constant 0 : i32
            %dma_wait3A_118 = arith.constant 0 : i32
            %dma_wait3A_119 = tpu.memref_slice %arg8[%dma_wait3A_117, %dma_wait3A_118] : memref<40x128xi32, #tpu.memory_space<vmem>> -> memref<40x128xi32, #tpu.memory_space<vmem>>
            %dma_wait3A_120 = arith.constant 0 : i32
            %dma_wait3A_121 = tpu.memref_slice %arg5[%add3A_68, %dma_wait3A_120] : memref<2500x128xi32, #tpu.memory_space<hbm>> -> memref<40x128xi32, #tpu.memory_space<hbm>>
            tpu.wait_dma2 semaphore(%run_scoped3A : memref<!tpu.dma_semaphore, #tpu.memory_space<semaphore_mem>>) src(%dma_wait3A_121 : memref<40x128xi32, #tpu.memory_space<hbm>>) dst(%dma_wait3A_119 : memref<40x128xi32, #tpu.memory_space<vmem>>)
            tpu.yield
          }) : () -> ()
          "tpu.region"() ({
            %run_scoped3A = tpu.sem_alloc : memref<!tpu.dma_semaphore, #tpu.memory_space<semaphore_mem>>
            %dma_start3A_103 = arith.constant 0 : i32
            %dma_start3A_104 = arith.constant 0 : i32
            %dma_start3A_105 = tpu.memref_slice %arg9[%dma_start3A_103, %dma_start3A_104] : memref<40x128xi32, #tpu.memory_space<vmem>> -> memref<40x128xi32, #tpu.memory_space<vmem>>
            %dma_start3A_106 = arith.constant 0 : i32
            %dma_start3A_107 = tpu.memref_slice %arg6[%add3A_68, %dma_start3A_106] : memref<2500x128xi32, #tpu.memory_space<hbm>> -> memref<40x128xi32, #tpu.memory_space<hbm>>
            %dma_start3A_108 = arith.constant 0 : i32
            %dma_start3A_109 = arith.constant 0 : i32
            %dma_start3A_110 = tpu.memref_slice %arg9[%dma_start3A_108, %dma_start3A_109] : memref<40x128xi32, #tpu.memory_space<vmem>> -> memref<40x128xi32, #tpu.memory_space<vmem>>
            %dma_start3A_111 = arith.constant 0 : i32
            %dma_start3A_112 = tpu.memref_slice %arg6[%add3A_68, %dma_start3A_111] : memref<2500x128xi32, #tpu.memory_space<hbm>> -> memref<40x128xi32, #tpu.memory_space<hbm>>
            tpu.enqueue_dma source(%dma_start3A_112 : memref<40x128xi32, #tpu.memory_space<hbm>>) target(%dma_start3A_110 : memref<40x128xi32, #tpu.memory_space<vmem>>) target_semaphore(%run_scoped3A : memref<!tpu.dma_semaphore, #tpu.memory_space<semaphore_mem>>)
            %dma_wait3A = arith.constant 0 : i32
            %dma_wait3A_113 = arith.constant 0 : i32
            %dma_wait3A_114 = tpu.memref_slice %arg9[%dma_wait3A, %dma_wait3A_113] : memref<40x128xi32, #tpu.memory_space<vmem>> -> memref<40x128xi32, #tpu.memory_space<vmem>>
            %dma_wait3A_115 = arith.constant 0 : i32
            %dma_wait3A_116 = tpu.memref_slice %arg6[%add3A_68, %dma_wait3A_115] : memref<2500x128xi32, #tpu.memory_space<hbm>> -> memref<40x128xi32, #tpu.memory_space<hbm>>
            %dma_wait3A_117 = arith.constant 0 : i32
            %dma_wait3A_118 = arith.constant 0 : i32
            %dma_wait3A_119 = tpu.memref_slice %arg9[%dma_wait3A_117, %dma_wait3A_118] : memref<40x128xi32, #tpu.memory_space<vmem>> -> memref<40x128xi32, #tpu.memory_space<vmem>>
            %dma_wait3A_120 = arith.constant 0 : i32
            %dma_wait3A_121 = tpu.memref_slice %arg6[%add3A_68, %dma_wait3A_120] : memref<2500x128xi32, #tpu.memory_space<hbm>> -> memref<40x128xi32, #tpu.memory_space<hbm>>
            tpu.wait_dma2 semaphore(%run_scoped3A : memref<!tpu.dma_semaphore, #tpu.memory_space<semaphore_mem>>) src(%dma_wait3A_121 : memref<40x128xi32, #tpu.memory_space<hbm>>) dst(%dma_wait3A_119 : memref<40x128xi32, #tpu.memory_space<vmem>>)
            tpu.yield
          }) : () -> ()
        } else {
        }
        %mul3A_79 = arith.constant 10000 : i32
        %mul3A_80 = arith.muli %arg0, %mul3A_79 : i32
        %scan3A_81 = arith.constant 0 : i32
        %scan3A_82 = arith.constant 0 : i32
        %scan3A_83 = arith.constant 40 : i32
        %scan3A_84 = arith.addi %scan3A_82, %scan3A_83 : i32
        %scan3A_85 = arith.constant 1 : i32
        %scan3A_86 = scf.for %scan3A_103 = %scan3A_82 to %scan3A_84 step %scan3A_85 iter_args(%scan3A_104 = %scan3A_81) -> (i32)  : i32 {
          %scan3A_105 = arith.constant 0 : i32
          %scan3A_106 = arith.constant 0 : i32
          %scan3A_107 = arith.constant 8 : i32
          %scan3A_108 = arith.addi %scan3A_106, %scan3A_107 : i32
          %scan3A_109 = arith.constant 1 : i32
          %scan3A_110 = scf.for %scan3A_113 = %scan3A_106 to %scan3A_108 step %scan3A_109 iter_args(%scan3A_114 = %scan3A_105) -> (i32)  : i32 {
            %mul3A_115 = arith.constant 16 : i32
            %mul3A_116 = arith.muli %scan3A_113, %mul3A_115 : i32
            %get3A = arith.index_cast %scan3A_103 : i32 to index
            %get3A_117 = arith.index_cast %mul3A_116 : i32 to index
            %get3A_118 = tpu.vector_load %arg8[%get3A, %get3A_117] {strides = array<i32>} : memref<40x128xi32, #tpu.memory_space<vmem>>, vector<1x16xi32>,
            %get3A_119 = vector.shape_cast %get3A_118 : vector<1x16xi32> to vector<16xi32>
            %add3A_120 = vector.broadcast %mul3A_80 : i32 to vector<16xi32>
            %add3A_121 = arith.addi %get3A_119, %add3A_120 : vector<16xi32>
            %mul3A_122 = arith.constant 16 : i32
            %mul3A_123 = arith.muli %scan3A_113, %mul3A_122 : i32
            %swap3A = arith.index_cast %scan3A_103 : i32 to index
            %swap3A_124 = arith.index_cast %mul3A_123 : i32 to index
            %swap3A_125 = tpu.vector_load %arg8[%swap3A, %swap3A_124] {strides = array<i32>} : memref<40x128xi32, #tpu.memory_space<vmem>>, vector<1x16xi32>,
            %swap3A_126 = vector.shape_cast %swap3A_125 : vector<1x16xi32> to vector<16xi32>
            %swap3A_127 = vector.shape_cast %add3A_121 : vector<16xi32> to vector<1x16xi32>
            tpu.vector_store %arg8[%swap3A, %swap3A_124], %swap3A_127 {strides = array<i32>} : memref<40x128xi32, #tpu.memory_space<vmem>>, vector<1x16xi32>,
            %scan3A_128 = arith.constant 0 : i32
            scf.yield %scan3A_128 : i32
          }
          %scan3A_111 = arith.constant 8 : i32
          %scan3A_112 = arith.constant 0 : i32
          scf.yield %scan3A_112 : i32
        }
        %scan3A_87 = arith.constant 40 : i32
        %dma_start3A_88 = arith.constant 0 : i32
        %dma_start3A_89 = arith.constant 0 : i32
        %dma_start3A_90 = tpu.memref_slice %arg8[%dma_start3A_88, %dma_start3A_89] : memref<40x128xi32, #tpu.memory_space<vmem>> -> memref<1x128xi32, #tpu.memory_space<vmem>>
        %dma_start3A_91 = tpu.memref_squeeze %dma_start3A_90 : memref<1x128xi32, #tpu.memory_space<vmem>> -> memref<128xi32, #tpu.memory_space<vmem>>
        %dma_start3A_92 = arith.constant 0 : i32
        %dma_start3A_93 = arith.constant 0 : i32
        %dma_start3A_94 = tpu.memref_slice %arg2[%dma_start3A_92, %dma_start3A_93] : memref<20000x128xf32, #tpu.memory_space<hbm>> -> memref<20000x128xf32, #tpu.memory_space<hbm>>
        tpu.enqueue_indirect_dma source(%dma_start3A_94 : memref<20000x128xf32, #tpu.memory_space<hbm>>) target(%arg10 : memref<128x128xf32, #tpu.memory_space<vmem>>) offsets(%dma_start3A_91 : memref<128xi32, #tpu.memory_space<vmem>>) semaphore(%arg13 : memref<!tpu.dma_semaphore, #tpu.memory_space<semaphore_mem>>)
        %scan3A_95 = arith.constant 0 : i32
        %scan3A_96 = arith.constant 0 : i32
        %scan3A_97 = arith.constant 20 : i32
        %scan3A_98 = arith.addi %scan3A_96, %scan3A_97 : i32
        %scan3A_99 = arith.constant 1 : i32
        %scan3A_100 = scf.for %scan3A_103 = %scan3A_96 to %scan3A_98 step %scan3A_99 iter_args(%scan3A_104 = %scan3A_95) -> (i32)  : i32 {
          %mul3A_105 = arith.constant 2 : i32
          %mul3A_106 = arith.muli %mul3A_105, %scan3A_103 : i32
          %add3A_107 = arith.constant 1 : i32
          %add3A_108 = arith.addi %mul3A_106, %add3A_107 : i32
          %dma_start3A_109 = arith.constant 0 : i32
          %dma_start3A_110 = tpu.memref_slice %arg8[%add3A_108, %dma_start3A_109] : memref<40x128xi32, #tpu.memory_space<vmem>> -> memref<1x128xi32, #tpu.memory_space<vmem>>
          %dma_start3A_111 = tpu.memref_squeeze %dma_start3A_110 : memref<1x128xi32, #tpu.memory_space<vmem>> -> memref<128xi32, #tpu.memory_space<vmem>>
          %dma_start3A_112 = arith.constant 0 : i32
          %dma_start3A_113 = arith.constant 0 : i32
          %dma_start3A_114 = tpu.memref_slice %arg2[%dma_start3A_112, %dma_start3A_113] : memref<20000x128xf32, #tpu.memory_space<hbm>> -> memref<20000x128xf32, #tpu.memory_space<hbm>>
          tpu.enqueue_indirect_dma source(%dma_start3A_114 : memref<20000x128xf32, #tpu.memory_space<hbm>>) target(%arg11 : memref<128x128xf32, #tpu.memory_space<vmem>>) offsets(%dma_start3A_111 : memref<128xi32, #tpu.memory_space<vmem>>) semaphore(%arg14 : memref<!tpu.dma_semaphore, #tpu.memory_space<semaphore_mem>>)
          %dma_wait3A = arith.constant 0 : i32
          %dma_wait3A_115 = arith.constant 0 : i32
          %dma_wait3A_116 = tpu.memref_slice %arg2[%dma_wait3A, %dma_wait3A_115] : memref<20000x128xf32, #tpu.memory_space<hbm>> -> memref<128x128xf32, #tpu.memory_space<hbm>>
          %dma_wait3A_117 = arith.constant 0 : i32
          %dma_wait3A_118 = arith.constant 0 : i32
          %dma_wait3A_119 = tpu.memref_slice %arg2[%dma_wait3A_117, %dma_wait3A_118] : memref<20000x128xf32, #tpu.memory_space<hbm>> -> memref<128x128xf32, #tpu.memory_space<hbm>>
          tpu.wait_dma2 semaphore(%arg13 : memref<!tpu.dma_semaphore, #tpu.memory_space<semaphore_mem>>) src(%dma_wait3A_119 : memref<128x128xf32, #tpu.memory_space<hbm>>) dst(%arg10 : memref<128x128xf32, #tpu.memory_space<vmem>>)
          "tpu.region"() ({
            %run_scoped3A = tpu.sem_alloc : memref<!tpu.dma_semaphore, #tpu.memory_space<semaphore_mem>>
            %dma_start3A_136 = arith.constant 0 : i32
            %dma_start3A_137 = tpu.memref_slice %arg9[%mul3A_106, %dma_start3A_136] : memref<40x128xi32, #tpu.memory_space<vmem>> -> memref<1x128xi32, #tpu.memory_space<vmem>>
            %dma_start3A_138 = tpu.memref_squeeze %dma_start3A_137 : memref<1x128xi32, #tpu.memory_space<vmem>> -> memref<128xi32, #tpu.memory_space<vmem>>
            %dma_start3A_139 = arith.constant 0 : i32
            %dma_start3A_140 = arith.constant 0 : i32
            %dma_start3A_141 = tpu.memref_slice %arg12[%dma_start3A_139, %dma_start3A_140] : memref<10240x128xf32, #tpu.memory_space<vmem_shared>> -> memref<10240x128xf32, #tpu.memory_space<vmem_shared>>
            tpu.enqueue_indirect_dma source(%arg10 : memref<128x128xf32, #tpu.memory_space<vmem>>) target(%dma_start3A_141 : memref<10240x128xf32, #tpu.memory_space<vmem_shared>>) offsets(%dma_start3A_138 : memref<128xi32, #tpu.memory_space<vmem>>) semaphore(%run_scoped3A : memref<!tpu.dma_semaphore, #tpu.memory_space<semaphore_mem>>) {add = true}
            %dma_wait3A_142 = arith.constant 0 : i32
            %dma_wait3A_143 = tpu.memref_slice %arg9[%mul3A_106, %dma_wait3A_142] : memref<40x128xi32, #tpu.memory_space<vmem>> -> memref<1x128xi32, #tpu.memory_space<vmem>>
            %dma_wait3A_144 = tpu.memref_squeeze %dma_wait3A_143 : memref<1x128xi32, #tpu.memory_space<vmem>> -> memref<128xi32, #tpu.memory_space<vmem>>
            %dma_wait3A_145 = arith.constant 0 : i32
            %dma_wait3A_146 = arith.constant 0 : i32
            %dma_wait3A_147 = tpu.memref_slice %arg12[%dma_wait3A_145, %dma_wait3A_146] : memref<10240x128xf32, #tpu.memory_space<vmem_shared>> -> memref<10240x128xf32, #tpu.memory_space<vmem_shared>>
            tpu.wait_indirect_dma semaphore(%run_scoped3A : memref<!tpu.dma_semaphore, #tpu.memory_space<semaphore_mem>>) src(%arg10 : memref<128x128xf32, #tpu.memory_space<vmem>>) dst(%dma_wait3A_147 : memref<10240x128xf32, #tpu.memory_space<vmem_shared>>)
            tpu.yield
          }) : () -> ()
          %add3A_120 = arith.constant 2 : i32
          %add3A_121 = arith.addi %mul3A_106, %add3A_120 : i32
          %lt3A_122 = arith.constant 40 : i32
          %lt3A_123 = arith.cmpi slt, %add3A_121, %lt3A_122 : i32
          %convert_element_type3A_124 = arith.extui %lt3A_123 : i1 to i32
          %cond3A_125 = arith.constant 0 : i32
          %cond3A_126 = arith.cmpi ne, %convert_element_type3A_124, %cond3A_125 : i32
          scf.if %cond3A_126 {
            %add3A_136 = arith.constant 2 : i32
            %add3A_137 = arith.addi %mul3A_106, %add3A_136 : i32
            %dma_start3A_138 = arith.constant 0 : i32
            %dma_start3A_139 = tpu.memref_slice %arg8[%add3A_137, %dma_start3A_138] : memref<40x128xi32, #tpu.memory_space<vmem>> -> memref<1x128xi32, #tpu.memory_space<vmem>>
            %dma_start3A_140 = tpu.memref_squeeze %dma_start3A_139 : memref<1x128xi32, #tpu.memory_space<vmem>> -> memref<128xi32, #tpu.memory_space<vmem>>
            %dma_start3A_141 = arith.constant 0 : i32
            %dma_start3A_142 = arith.constant 0 : i32
            %dma_start3A_143 = tpu.memref_slice %arg2[%dma_start3A_141, %dma_start3A_142] : memref<20000x128xf32, #tpu.memory_space<hbm>> -> memref<20000x128xf32, #tpu.memory_space<hbm>>
            tpu.enqueue_indirect_dma source(%dma_start3A_143 : memref<20000x128xf32, #tpu.memory_space<hbm>>) target(%arg10 : memref<128x128xf32, #tpu.memory_space<vmem>>) offsets(%dma_start3A_140 : memref<128xi32, #tpu.memory_space<vmem>>) semaphore(%arg13 : memref<!tpu.dma_semaphore, #tpu.memory_space<semaphore_mem>>)
          } else {
          }
          %dma_wait3A_127 = arith.constant 0 : i32
          %dma_wait3A_128 = arith.constant 0 : i32
          %dma_wait3A_129 = tpu.memref_slice %arg2[%dma_wait3A_127, %dma_wait3A_128] : memref<20000x128xf32, #tpu.memory_space<hbm>> -> memref<128x128xf32, #tpu.memory_space<hbm>>
          %dma_wait3A_130 = arith.constant 0 : i32
          %dma_wait3A_131 = arith.constant 0 : i32
          %dma_wait3A_132 = tpu.memref_slice %arg2[%dma_wait3A_130, %dma_wait3A_131] : memref<20000x128xf32, #tpu.memory_space<hbm>> -> memref<128x128xf32, #tpu.memory_space<hbm>>
          tpu.wait_dma2 semaphore(%arg14 : memref<!tpu.dma_semaphore, #tpu.memory_space<semaphore_mem>>) src(%dma_wait3A_132 : memref<128x128xf32, #tpu.memory_space<hbm>>) dst(%arg11 : memref<128x128xf32, #tpu.memory_space<vmem>>)
          %add3A_133 = arith.constant 1 : i32
          %add3A_134 = arith.addi %mul3A_106, %add3A_133 : i32
          "tpu.region"() ({
            %run_scoped3A = tpu.sem_alloc : memref<!tpu.dma_semaphore, #tpu.memory_space<semaphore_mem>>
            %dma_start3A_136 = arith.constant 0 : i32
            %dma_start3A_137 = tpu.memref_slice %arg9[%add3A_134, %dma_start3A_136] : memref<40x128xi32, #tpu.memory_space<vmem>> -> memref<1x128xi32, #tpu.memory_space<vmem>>
            %dma_start3A_138 = tpu.memref_squeeze %dma_start3A_137 : memref<1x128xi32, #tpu.memory_space<vmem>> -> memref<128xi32, #tpu.memory_space<vmem>>
            %dma_start3A_139 = arith.constant 0 : i32
            %dma_start3A_140 = arith.constant 0 : i32
            %dma_start3A_141 = tpu.memref_slice %arg12[%dma_start3A_139, %dma_start3A_140] : memref<10240x128xf32, #tpu.memory_space<vmem_shared>> -> memref<10240x128xf32, #tpu.memory_space<vmem_shared>>
            tpu.enqueue_indirect_dma source(%arg11 : memref<128x128xf32, #tpu.memory_space<vmem>>) target(%dma_start3A_141 : memref<10240x128xf32, #tpu.memory_space<vmem_shared>>) offsets(%dma_start3A_138 : memref<128xi32, #tpu.memory_space<vmem>>) semaphore(%run_scoped3A : memref<!tpu.dma_semaphore, #tpu.memory_space<semaphore_mem>>) {add = true}
            %dma_wait3A_142 = arith.constant 0 : i32
            %dma_wait3A_143 = tpu.memref_slice %arg9[%add3A_134, %dma_wait3A_142] : memref<40x128xi32, #tpu.memory_space<vmem>> -> memref<1x128xi32, #tpu.memory_space<vmem>>
            %dma_wait3A_144 = tpu.memref_squeeze %dma_wait3A_143 : memref<1x128xi32, #tpu.memory_space<vmem>> -> memref<128xi32, #tpu.memory_space<vmem>>
            %dma_wait3A_145 = arith.constant 0 : i32
            %dma_wait3A_146 = arith.constant 0 : i32
            %dma_wait3A_147 = tpu.memref_slice %arg12[%dma_wait3A_145, %dma_wait3A_146] : memref<10240x128xf32, #tpu.memory_space<vmem_shared>> -> memref<10240x128xf32, #tpu.memory_space<vmem_shared>>
            tpu.wait_indirect_dma semaphore(%run_scoped3A : memref<!tpu.dma_semaphore, #tpu.memory_space<semaphore_mem>>) src(%arg11 : memref<128x128xf32, #tpu.memory_space<vmem>>) dst(%dma_wait3A_147 : memref<10240x128xf32, #tpu.memory_space<vmem_shared>>)
            tpu.yield
          }) : () -> ()
          %scan3A_135 = arith.constant 0 : i32
          scf.yield %scan3A_135 : i32
        }
        %scan3A_101 = arith.constant 20 : i32
        %scan3A_102 = arith.constant 0 : i32
        scf.yield %scan3A_102 : i32
      }
      %scan3A_32 = arith.constant 2 : i32
      %eq3A_33 = arith.constant 0 : i32
      %eq3A_34 = arith.cmpi eq, %arg0, %eq3A_33 : i32
      %convert_element_type3A_35 = arith.extui %eq3A_34 : i1 to i32
      %cond3A_36 = arith.constant 0 : i32
      %cond3A_37 = arith.cmpi ne, %convert_element_type3A_35, %cond3A_36 : i32
      scf.if %cond3A_37 {
        "tpu.region"() ({
          %run_scoped3A = tpu.sem_alloc : memref<!tpu.dma_semaphore, #tpu.memory_space<semaphore_mem>>
          %dma_start3A_64 = arith.constant 0 : i32
          %dma_start3A_65 = arith.constant 0 : i32
          %dma_start3A_66 = tpu.memref_slice %arg8[%dma_start3A_64, %dma_start3A_65] : memref<40x128xi32, #tpu.memory_space<vmem>> -> memref<20x128xi32, #tpu.memory_space<vmem>>
          %dma_start3A_67 = arith.constant 2480 : i32
          %dma_start3A_68 = arith.constant 0 : i32
          %dma_start3A_69 = tpu.memref_slice %arg3[%dma_start3A_67, %dma_start3A_68] : memref<2500x128xi32, #tpu.memory_space<hbm>> -> memref<20x128xi32, #tpu.memory_space<hbm>>
          %dma_start3A_70 = arith.constant 0 : i32
          %dma_start3A_71 = arith.constant 0 : i32
          %dma_start3A_72 = tpu.memref_slice %arg8[%dma_start3A_70, %dma_start3A_71] : memref<40x128xi32, #tpu.memory_space<vmem>> -> memref<20x128xi32, #tpu.memory_space<vmem>>
          %dma_start3A_73 = arith.constant 2480 : i32
          %dma_start3A_74 = arith.constant 0 : i32
          %dma_start3A_75 = tpu.memref_slice %arg3[%dma_start3A_73, %dma_start3A_74] : memref<2500x128xi32, #tpu.memory_space<hbm>> -> memref<20x128xi32, #tpu.memory_space<hbm>>
          tpu.enqueue_dma source(%dma_start3A_75 : memref<20x128xi32, #tpu.memory_space<hbm>>) target(%dma_start3A_72 : memref<20x128xi32, #tpu.memory_space<vmem>>) target_semaphore(%run_scoped3A : memref<!tpu.dma_semaphore, #tpu.memory_space<semaphore_mem>>)
          %dma_wait3A = arith.constant 0 : i32
          %dma_wait3A_76 = arith.constant 0 : i32
          %dma_wait3A_77 = tpu.memref_slice %arg8[%dma_wait3A, %dma_wait3A_76] : memref<40x128xi32, #tpu.memory_space<vmem>> -> memref<20x128xi32, #tpu.memory_space<vmem>>
          %dma_wait3A_78 = arith.constant 2480 : i32
          %dma_wait3A_79 = arith.constant 0 : i32
          %dma_wait3A_80 = tpu.memref_slice %arg3[%dma_wait3A_78, %dma_wait3A_79] : memref<2500x128xi32, #tpu.memory_space<hbm>> -> memref<20x128xi32, #tpu.memory_space<hbm>>
          %dma_wait3A_81 = arith.constant 0 : i32
          %dma_wait3A_82 = arith.constant 0 : i32
          %dma_wait3A_83 = tpu.memref_slice %arg8[%dma_wait3A_81, %dma_wait3A_82] : memref<40x128xi32, #tpu.memory_space<vmem>> -> memref<20x128xi32, #tpu.memory_space<vmem>>
          %dma_wait3A_84 = arith.constant 2480 : i32
          %dma_wait3A_85 = arith.constant 0 : i32
          %dma_wait3A_86 = tpu.memref_slice %arg3[%dma_wait3A_84, %dma_wait3A_85] : memref<2500x128xi32, #tpu.memory_space<hbm>> -> memref<20x128xi32, #tpu.memory_space<hbm>>
          tpu.wait_dma2 semaphore(%run_scoped3A : memref<!tpu.dma_semaphore, #tpu.memory_space<semaphore_mem>>) src(%dma_wait3A_86 : memref<20x128xi32, #tpu.memory_space<hbm>>) dst(%dma_wait3A_83 : memref<20x128xi32, #tpu.memory_space<vmem>>)
          tpu.yield
        }) : () -> ()
        "tpu.region"() ({
          %run_scoped3A = tpu.sem_alloc : memref<!tpu.dma_semaphore, #tpu.memory_space<semaphore_mem>>
          %dma_start3A_64 = arith.constant 0 : i32
          %dma_start3A_65 = arith.constant 0 : i32
          %dma_start3A_66 = tpu.memref_slice %arg9[%dma_start3A_64, %dma_start3A_65] : memref<40x128xi32, #tpu.memory_space<vmem>> -> memref<20x128xi32, #tpu.memory_space<vmem>>
          %dma_start3A_67 = arith.constant 2480 : i32
          %dma_start3A_68 = arith.constant 0 : i32
          %dma_start3A_69 = tpu.memref_slice %arg4[%dma_start3A_67, %dma_start3A_68] : memref<2500x128xi32, #tpu.memory_space<hbm>> -> memref<20x128xi32, #tpu.memory_space<hbm>>
          %dma_start3A_70 = arith.constant 0 : i32
          %dma_start3A_71 = arith.constant 0 : i32
          %dma_start3A_72 = tpu.memref_slice %arg9[%dma_start3A_70, %dma_start3A_71] : memref<40x128xi32, #tpu.memory_space<vmem>> -> memref<20x128xi32, #tpu.memory_space<vmem>>
          %dma_start3A_73 = arith.constant 2480 : i32
          %dma_start3A_74 = arith.constant 0 : i32
          %dma_start3A_75 = tpu.memref_slice %arg4[%dma_start3A_73, %dma_start3A_74] : memref<2500x128xi32, #tpu.memory_space<hbm>> -> memref<20x128xi32, #tpu.memory_space<hbm>>
          tpu.enqueue_dma source(%dma_start3A_75 : memref<20x128xi32, #tpu.memory_space<hbm>>) target(%dma_start3A_72 : memref<20x128xi32, #tpu.memory_space<vmem>>) target_semaphore(%run_scoped3A : memref<!tpu.dma_semaphore, #tpu.memory_space<semaphore_mem>>)
          %dma_wait3A = arith.constant 0 : i32
          %dma_wait3A_76 = arith.constant 0 : i32
          %dma_wait3A_77 = tpu.memref_slice %arg9[%dma_wait3A, %dma_wait3A_76] : memref<40x128xi32, #tpu.memory_space<vmem>> -> memref<20x128xi32, #tpu.memory_space<vmem>>
          %dma_wait3A_78 = arith.constant 2480 : i32
          %dma_wait3A_79 = arith.constant 0 : i32
          %dma_wait3A_80 = tpu.memref_slice %arg4[%dma_wait3A_78, %dma_wait3A_79] : memref<2500x128xi32, #tpu.memory_space<hbm>> -> memref<20x128xi32, #tpu.memory_space<hbm>>
          %dma_wait3A_81 = arith.constant 0 : i32
          %dma_wait3A_82 = arith.constant 0 : i32
          %dma_wait3A_83 = tpu.memref_slice %arg9[%dma_wait3A_81, %dma_wait3A_82] : memref<40x128xi32, #tpu.memory_space<vmem>> -> memref<20x128xi32, #tpu.memory_space<vmem>>
          %dma_wait3A_84 = arith.constant 2480 : i32
          %dma_wait3A_85 = arith.constant 0 : i32
          %dma_wait3A_86 = tpu.memref_slice %arg4[%dma_wait3A_84, %dma_wait3A_85] : memref<2500x128xi32, #tpu.memory_space<hbm>> -> memref<20x128xi32, #tpu.memory_space<hbm>>
          tpu.wait_dma2 semaphore(%run_scoped3A : memref<!tpu.dma_semaphore, #tpu.memory_space<semaphore_mem>>) src(%dma_wait3A_86 : memref<20x128xi32, #tpu.memory_space<hbm>>) dst(%dma_wait3A_83 : memref<20x128xi32, #tpu.memory_space<vmem>>)
          tpu.yield
        }) : () -> ()
      } else {
      }
      %eq3A_38 = arith.constant 1 : i32
      %eq3A_39 = arith.cmpi eq, %arg0, %eq3A_38 : i32
      %convert_element_type3A_40 = arith.extui %eq3A_39 : i1 to i32
      %cond3A_41 = arith.constant 0 : i32
      %cond3A_42 = arith.cmpi ne, %convert_element_type3A_40, %cond3A_41 : i32
      scf.if %cond3A_42 {
        "tpu.region"() ({
          %run_scoped3A = tpu.sem_alloc : memref<!tpu.dma_semaphore, #tpu.memory_space<semaphore_mem>>
          %dma_start3A_64 = arith.constant 0 : i32
          %dma_start3A_65 = arith.constant 0 : i32
          %dma_start3A_66 = tpu.memref_slice %arg8[%dma_start3A_64, %dma_start3A_65] : memref<40x128xi32, #tpu.memory_space<vmem>> -> memref<20x128xi32, #tpu.memory_space<vmem>>
          %dma_start3A_67 = arith.constant 2480 : i32
          %dma_start3A_68 = arith.constant 0 : i32
          %dma_start3A_69 = tpu.memref_slice %arg5[%dma_start3A_67, %dma_start3A_68] : memref<2500x128xi32, #tpu.memory_space<hbm>> -> memref<20x128xi32, #tpu.memory_space<hbm>>
          %dma_start3A_70 = arith.constant 0 : i32
          %dma_start3A_71 = arith.constant 0 : i32
          %dma_start3A_72 = tpu.memref_slice %arg8[%dma_start3A_70, %dma_start3A_71] : memref<40x128xi32, #tpu.memory_space<vmem>> -> memref<20x128xi32, #tpu.memory_space<vmem>>
          %dma_start3A_73 = arith.constant 2480 : i32
          %dma_start3A_74 = arith.constant 0 : i32
          %dma_start3A_75 = tpu.memref_slice %arg5[%dma_start3A_73, %dma_start3A_74] : memref<2500x128xi32, #tpu.memory_space<hbm>> -> memref<20x128xi32, #tpu.memory_space<hbm>>
          tpu.enqueue_dma source(%dma_start3A_75 : memref<20x128xi32, #tpu.memory_space<hbm>>) target(%dma_start3A_72 : memref<20x128xi32, #tpu.memory_space<vmem>>) target_semaphore(%run_scoped3A : memref<!tpu.dma_semaphore, #tpu.memory_space<semaphore_mem>>)
          %dma_wait3A = arith.constant 0 : i32
          %dma_wait3A_76 = arith.constant 0 : i32
          %dma_wait3A_77 = tpu.memref_slice %arg8[%dma_wait3A, %dma_wait3A_76] : memref<40x128xi32, #tpu.memory_space<vmem>> -> memref<20x128xi32, #tpu.memory_space<vmem>>
          %dma_wait3A_78 = arith.constant 2480 : i32
          %dma_wait3A_79 = arith.constant 0 : i32
          %dma_wait3A_80 = tpu.memref_slice %arg5[%dma_wait3A_78, %dma_wait3A_79] : memref<2500x128xi32, #tpu.memory_space<hbm>> -> memref<20x128xi32, #tpu.memory_space<hbm>>
          %dma_wait3A_81 = arith.constant 0 : i32
          %dma_wait3A_82 = arith.constant 0 : i32
          %dma_wait3A_83 = tpu.memref_slice %arg8[%dma_wait3A_81, %dma_wait3A_82] : memref<40x128xi32, #tpu.memory_space<vmem>> -> memref<20x128xi32, #tpu.memory_space<vmem>>
          %dma_wait3A_84 = arith.constant 2480 : i32
          %dma_wait3A_85 = arith.constant 0 : i32
          %dma_wait3A_86 = tpu.memref_slice %arg5[%dma_wait3A_84, %dma_wait3A_85] : memref<2500x128xi32, #tpu.memory_space<hbm>> -> memref<20x128xi32, #tpu.memory_space<hbm>>
          tpu.wait_dma2 semaphore(%run_scoped3A : memref<!tpu.dma_semaphore, #tpu.memory_space<semaphore_mem>>) src(%dma_wait3A_86 : memref<20x128xi32, #tpu.memory_space<hbm>>) dst(%dma_wait3A_83 : memref<20x128xi32, #tpu.memory_space<vmem>>)
          tpu.yield
        }) : () -> ()
        "tpu.region"() ({
          %run_scoped3A = tpu.sem_alloc : memref<!tpu.dma_semaphore, #tpu.memory_space<semaphore_mem>>
          %dma_start3A_64 = arith.constant 0 : i32
          %dma_start3A_65 = arith.constant 0 : i32
          %dma_start3A_66 = tpu.memref_slice %arg9[%dma_start3A_64, %dma_start3A_65] : memref<40x128xi32, #tpu.memory_space<vmem>> -> memref<20x128xi32, #tpu.memory_space<vmem>>
          %dma_start3A_67 = arith.constant 2480 : i32
          %dma_start3A_68 = arith.constant 0 : i32
          %dma_start3A_69 = tpu.memref_slice %arg6[%dma_start3A_67, %dma_start3A_68] : memref<2500x128xi32, #tpu.memory_space<hbm>> -> memref<20x128xi32, #tpu.memory_space<hbm>>
          %dma_start3A_70 = arith.constant 0 : i32
          %dma_start3A_71 = arith.constant 0 : i32
          %dma_start3A_72 = tpu.memref_slice %arg9[%dma_start3A_70, %dma_start3A_71] : memref<40x128xi32, #tpu.memory_space<vmem>> -> memref<20x128xi32, #tpu.memory_space<vmem>>
          %dma_start3A_73 = arith.constant 2480 : i32
          %dma_start3A_74 = arith.constant 0 : i32
          %dma_start3A_75 = tpu.memref_slice %arg6[%dma_start3A_73, %dma_start3A_74] : memref<2500x128xi32, #tpu.memory_space<hbm>> -> memref<20x128xi32, #tpu.memory_space<hbm>>
          tpu.enqueue_dma source(%dma_start3A_75 : memref<20x128xi32, #tpu.memory_space<hbm>>) target(%dma_start3A_72 : memref<20x128xi32, #tpu.memory_space<vmem>>) target_semaphore(%run_scoped3A : memref<!tpu.dma_semaphore, #tpu.memory_space<semaphore_mem>>)
          %dma_wait3A = arith.constant 0 : i32
          %dma_wait3A_76 = arith.constant 0 : i32
          %dma_wait3A_77 = tpu.memref_slice %arg9[%dma_wait3A, %dma_wait3A_76] : memref<40x128xi32, #tpu.memory_space<vmem>> -> memref<20x128xi32, #tpu.memory_space<vmem>>
          %dma_wait3A_78 = arith.constant 2480 : i32
          %dma_wait3A_79 = arith.constant 0 : i32
          %dma_wait3A_80 = tpu.memref_slice %arg6[%dma_wait3A_78, %dma_wait3A_79] : memref<2500x128xi32, #tpu.memory_space<hbm>> -> memref<20x128xi32, #tpu.memory_space<hbm>>
          %dma_wait3A_81 = arith.constant 0 : i32
          %dma_wait3A_82 = arith.constant 0 : i32
          %dma_wait3A_83 = tpu.memref_slice %arg9[%dma_wait3A_81, %dma_wait3A_82] : memref<40x128xi32, #tpu.memory_space<vmem>> -> memref<20x128xi32, #tpu.memory_space<vmem>>
          %dma_wait3A_84 = arith.constant 2480 : i32
          %dma_wait3A_85 = arith.constant 0 : i32
          %dma_wait3A_86 = tpu.memref_slice %arg6[%dma_wait3A_84, %dma_wait3A_85] : memref<2500x128xi32, #tpu.memory_space<hbm>> -> memref<20x128xi32, #tpu.memory_space<hbm>>
          tpu.wait_dma2 semaphore(%run_scoped3A : memref<!tpu.dma_semaphore, #tpu.memory_space<semaphore_mem>>) src(%dma_wait3A_86 : memref<20x128xi32, #tpu.memory_space<hbm>>) dst(%dma_wait3A_83 : memref<20x128xi32, #tpu.memory_space<vmem>>)
          tpu.yield
        }) : () -> ()
      } else {
      }
      %mul3A = arith.constant 10000 : i32
      %mul3A_43 = arith.muli %arg0, %mul3A : i32
      %scan3A_44 = arith.constant 0 : i32
      %scan3A_45 = arith.constant 0 : i32
      %scan3A_46 = arith.constant 20 : i32
      %scan3A_47 = arith.addi %scan3A_45, %scan3A_46 : i32
      %scan3A_48 = arith.constant 1 : i32
      %scan3A_49 = scf.for %scan3A_64 = %scan3A_45 to %scan3A_47 step %scan3A_48 iter_args(%scan3A_65 = %scan3A_44) -> (i32)  : i32 {
        %scan3A_66 = arith.constant 0 : i32
        %scan3A_67 = arith.constant 0 : i32
        %scan3A_68 = arith.constant 8 : i32
        %scan3A_69 = arith.addi %scan3A_67, %scan3A_68 : i32
        %scan3A_70 = arith.constant 1 : i32
        %scan3A_71 = scf.for %scan3A_74 = %scan3A_67 to %scan3A_69 step %scan3A_70 iter_args(%scan3A_75 = %scan3A_66) -> (i32)  : i32 {
          %mul3A_76 = arith.constant 16 : i32
          %mul3A_77 = arith.muli %scan3A_74, %mul3A_76 : i32
          %get3A = arith.index_cast %scan3A_64 : i32 to index
          %get3A_78 = arith.index_cast %mul3A_77 : i32 to index
          %get3A_79 = tpu.vector_load %arg8[%get3A, %get3A_78] {strides = array<i32>} : memref<40x128xi32, #tpu.memory_space<vmem>>, vector<1x16xi32>,
          %get3A_80 = vector.shape_cast %get3A_79 : vector<1x16xi32> to vector<16xi32>
          %add3A = vector.broadcast %mul3A_43 : i32 to vector<16xi32>
          %add3A_81 = arith.addi %get3A_80, %add3A : vector<16xi32>
          %mul3A_82 = arith.constant 16 : i32
          %mul3A_83 = arith.muli %scan3A_74, %mul3A_82 : i32
          %swap3A = arith.index_cast %scan3A_64 : i32 to index
          %swap3A_84 = arith.index_cast %mul3A_83 : i32 to index
          %swap3A_85 = tpu.vector_load %arg8[%swap3A, %swap3A_84] {strides = array<i32>} : memref<40x128xi32, #tpu.memory_space<vmem>>, vector<1x16xi32>,
          %swap3A_86 = vector.shape_cast %swap3A_85 : vector<1x16xi32> to vector<16xi32>
          %swap3A_87 = vector.shape_cast %add3A_81 : vector<16xi32> to vector<1x16xi32>
          tpu.vector_store %arg8[%swap3A, %swap3A_84], %swap3A_87 {strides = array<i32>} : memref<40x128xi32, #tpu.memory_space<vmem>>, vector<1x16xi32>,
          %scan3A_88 = arith.constant 0 : i32
          scf.yield %scan3A_88 : i32
        }
        %scan3A_72 = arith.constant 8 : i32
        %scan3A_73 = arith.constant 0 : i32
        scf.yield %scan3A_73 : i32
      }
      %scan3A_50 = arith.constant 20 : i32
      %dma_start3A = arith.constant 0 : i32
      %dma_start3A_51 = arith.constant 0 : i32
      %dma_start3A_52 = tpu.memref_slice %arg8[%dma_start3A, %dma_start3A_51] : memref<40x128xi32, #tpu.memory_space<vmem>> -> memref<1x128xi32, #tpu.memory_space<vmem>>
      %dma_start3A_53 = tpu.memref_squeeze %dma_start3A_52 : memref<1x128xi32, #tpu.memory_space<vmem>> -> memref<128xi32, #tpu.memory_space<vmem>>
      %dma_start3A_54 = arith.constant 0 : i32
      %dma_start3A_55 = arith.constant 0 : i32
      %dma_start3A_56 = tpu.memref_slice %arg2[%dma_start3A_54, %dma_start3A_55] : memref<20000x128xf32, #tpu.memory_space<hbm>> -> memref<20000x128xf32, #tpu.memory_space<hbm>>
      tpu.enqueue_indirect_dma source(%dma_start3A_56 : memref<20000x128xf32, #tpu.memory_space<hbm>>) target(%arg10 : memref<128x128xf32, #tpu.memory_space<vmem>>) offsets(%dma_start3A_53 : memref<128xi32, #tpu.memory_space<vmem>>) semaphore(%arg13 : memref<!tpu.dma_semaphore, #tpu.memory_space<semaphore_mem>>)
      %scan3A_57 = arith.constant 0 : i32
      %scan3A_58 = arith.constant 0 : i32
      %scan3A_59 = arith.constant 10 : i32
      %scan3A_60 = arith.addi %scan3A_58, %scan3A_59 : i32
      %scan3A_61 = arith.constant 1 : i32
      %scan3A_62 = scf.for %scan3A_64 = %scan3A_58 to %scan3A_60 step %scan3A_61 iter_args(%scan3A_65 = %scan3A_57) -> (i32)  : i32 {
        %mul3A_66 = arith.constant 2 : i32
        %mul3A_67 = arith.muli %mul3A_66, %scan3A_64 : i32
        %add3A = arith.constant 1 : i32
        %add3A_68 = arith.addi %mul3A_67, %add3A : i32
        %dma_start3A_69 = arith.constant 0 : i32
        %dma_start3A_70 = tpu.memref_slice %arg8[%add3A_68, %dma_start3A_69] : memref<40x128xi32, #tpu.memory_space<vmem>> -> memref<1x128xi32, #tpu.memory_space<vmem>>
        %dma_start3A_71 = tpu.memref_squeeze %dma_start3A_70 : memref<1x128xi32, #tpu.memory_space<vmem>> -> memref<128xi32, #tpu.memory_space<vmem>>
        %dma_start3A_72 = arith.constant 0 : i32
        %dma_start3A_73 = arith.constant 0 : i32
        %dma_start3A_74 = tpu.memref_slice %arg2[%dma_start3A_72, %dma_start3A_73] : memref<20000x128xf32, #tpu.memory_space<hbm>> -> memref<20000x128xf32, #tpu.memory_space<hbm>>
        tpu.enqueue_indirect_dma source(%dma_start3A_74 : memref<20000x128xf32, #tpu.memory_space<hbm>>) target(%arg11 : memref<128x128xf32, #tpu.memory_space<vmem>>) offsets(%dma_start3A_71 : memref<128xi32, #tpu.memory_space<vmem>>) semaphore(%arg14 : memref<!tpu.dma_semaphore, #tpu.memory_space<semaphore_mem>>)
        %dma_wait3A = arith.constant 0 : i32
        %dma_wait3A_75 = arith.constant 0 : i32
        %dma_wait3A_76 = tpu.memref_slice %arg2[%dma_wait3A, %dma_wait3A_75] : memref<20000x128xf32, #tpu.memory_space<hbm>> -> memref<128x128xf32, #tpu.memory_space<hbm>>
        %dma_wait3A_77 = arith.constant 0 : i32
        %dma_wait3A_78 = arith.constant 0 : i32
        %dma_wait3A_79 = tpu.memref_slice %arg2[%dma_wait3A_77, %dma_wait3A_78] : memref<20000x128xf32, #tpu.memory_space<hbm>> -> memref<128x128xf32, #tpu.memory_space<hbm>>
        tpu.wait_dma2 semaphore(%arg13 : memref<!tpu.dma_semaphore, #tpu.memory_space<semaphore_mem>>) src(%dma_wait3A_79 : memref<128x128xf32, #tpu.memory_space<hbm>>) dst(%arg10 : memref<128x128xf32, #tpu.memory_space<vmem>>)
        "tpu.region"() ({
          %run_scoped3A = tpu.sem_alloc : memref<!tpu.dma_semaphore, #tpu.memory_space<semaphore_mem>>
          %dma_start3A_96 = arith.constant 0 : i32
          %dma_start3A_97 = tpu.memref_slice %arg9[%mul3A_67, %dma_start3A_96] : memref<40x128xi32, #tpu.memory_space<vmem>> -> memref<1x128xi32, #tpu.memory_space<vmem>>
          %dma_start3A_98 = tpu.memref_squeeze %dma_start3A_97 : memref<1x128xi32, #tpu.memory_space<vmem>> -> memref<128xi32, #tpu.memory_space<vmem>>
          %dma_start3A_99 = arith.constant 0 : i32
          %dma_start3A_100 = arith.constant 0 : i32
          %dma_start3A_101 = tpu.memref_slice %arg12[%dma_start3A_99, %dma_start3A_100] : memref<10240x128xf32, #tpu.memory_space<vmem_shared>> -> memref<10240x128xf32, #tpu.memory_space<vmem_shared>>
          tpu.enqueue_indirect_dma source(%arg10 : memref<128x128xf32, #tpu.memory_space<vmem>>) target(%dma_start3A_101 : memref<10240x128xf32, #tpu.memory_space<vmem_shared>>) offsets(%dma_start3A_98 : memref<128xi32, #tpu.memory_space<vmem>>) semaphore(%run_scoped3A : memref<!tpu.dma_semaphore, #tpu.memory_space<semaphore_mem>>) {add = true}
          %dma_wait3A_102 = arith.constant 0 : i32
          %dma_wait3A_103 = tpu.memref_slice %arg9[%mul3A_67, %dma_wait3A_102] : memref<40x128xi32, #tpu.memory_space<vmem>> -> memref<1x128xi32, #tpu.memory_space<vmem>>
          %dma_wait3A_104 = tpu.memref_squeeze %dma_wait3A_103 : memref<1x128xi32, #tpu.memory_space<vmem>> -> memref<128xi32, #tpu.memory_space<vmem>>
          %dma_wait3A_105 = arith.constant 0 : i32
          %dma_wait3A_106 = arith.constant 0 : i32
          %dma_wait3A_107 = tpu.memref_slice %arg12[%dma_wait3A_105, %dma_wait3A_106] : memref<10240x128xf32, #tpu.memory_space<vmem_shared>> -> memref<10240x128xf32, #tpu.memory_space<vmem_shared>>
          tpu.wait_indirect_dma semaphore(%run_scoped3A : memref<!tpu.dma_semaphore, #tpu.memory_space<semaphore_mem>>) src(%arg10 : memref<128x128xf32, #tpu.memory_space<vmem>>) dst(%dma_wait3A_107 : memref<10240x128xf32, #tpu.memory_space<vmem_shared>>)
          tpu.yield
        }) : () -> ()
        %add3A_80 = arith.constant 2 : i32
        %add3A_81 = arith.addi %mul3A_67, %add3A_80 : i32
        %lt3A_82 = arith.constant 20 : i32
        %lt3A_83 = arith.cmpi slt, %add3A_81, %lt3A_82 : i32
        %convert_element_type3A_84 = arith.extui %lt3A_83 : i1 to i32
        %cond3A_85 = arith.constant 0 : i32
        %cond3A_86 = arith.cmpi ne, %convert_element_type3A_84, %cond3A_85 : i32
        scf.if %cond3A_86 {
          %add3A_96 = arith.constant 2 : i32
          %add3A_97 = arith.addi %mul3A_67, %add3A_96 : i32
          %dma_start3A_98 = arith.constant 0 : i32
          %dma_start3A_99 = tpu.memref_slice %arg8[%add3A_97, %dma_start3A_98] : memref<40x128xi32, #tpu.memory_space<vmem>> -> memref<1x128xi32, #tpu.memory_space<vmem>>
          %dma_start3A_100 = tpu.memref_squeeze %dma_start3A_99 : memref<1x128xi32, #tpu.memory_space<vmem>> -> memref<128xi32, #tpu.memory_space<vmem>>
          %dma_start3A_101 = arith.constant 0 : i32
          %dma_start3A_102 = arith.constant 0 : i32
          %dma_start3A_103 = tpu.memref_slice %arg2[%dma_start3A_101, %dma_start3A_102] : memref<20000x128xf32, #tpu.memory_space<hbm>> -> memref<20000x128xf32, #tpu.memory_space<hbm>>
          tpu.enqueue_indirect_dma source(%dma_start3A_103 : memref<20000x128xf32, #tpu.memory_space<hbm>>) target(%arg10 : memref<128x128xf32, #tpu.memory_space<vmem>>) offsets(%dma_start3A_100 : memref<128xi32, #tpu.memory_space<vmem>>) semaphore(%arg13 : memref<!tpu.dma_semaphore, #tpu.memory_space<semaphore_mem>>)
        } else {
        }
        %dma_wait3A_87 = arith.constant 0 : i32
        %dma_wait3A_88 = arith.constant 0 : i32
        %dma_wait3A_89 = tpu.memref_slice %arg2[%dma_wait3A_87, %dma_wait3A_88] : memref<20000x128xf32, #tpu.memory_space<hbm>> -> memref<128x128xf32, #tpu.memory_space<hbm>>
        %dma_wait3A_90 = arith.constant 0 : i32
        %dma_wait3A_91 = arith.constant 0 : i32
        %dma_wait3A_92 = tpu.memref_slice %arg2[%dma_wait3A_90, %dma_wait3A_91] : memref<20000x128xf32, #tpu.memory_space<hbm>> -> memref<128x128xf32, #tpu.memory_space<hbm>>
        tpu.wait_dma2 semaphore(%arg14 : memref<!tpu.dma_semaphore, #tpu.memory_space<semaphore_mem>>) src(%dma_wait3A_92 : memref<128x128xf32, #tpu.memory_space<hbm>>) dst(%arg11 : memref<128x128xf32, #tpu.memory_space<vmem>>)
        %add3A_93 = arith.constant 1 : i32
        %add3A_94 = arith.addi %mul3A_67, %add3A_93 : i32
        "tpu.region"() ({
          %run_scoped3A = tpu.sem_alloc : memref<!tpu.dma_semaphore, #tpu.memory_space<semaphore_mem>>
          %dma_start3A_96 = arith.constant 0 : i32
          %dma_start3A_97 = tpu.memref_slice %arg9[%add3A_94, %dma_start3A_96] : memref<40x128xi32, #tpu.memory_space<vmem>> -> memref<1x128xi32, #tpu.memory_space<vmem>>
          %dma_start3A_98 = tpu.memref_squeeze %dma_start3A_97 : memref<1x128xi32, #tpu.memory_space<vmem>> -> memref<128xi32, #tpu.memory_space<vmem>>
          %dma_start3A_99 = arith.constant 0 : i32
          %dma_start3A_100 = arith.constant 0 : i32
          %dma_start3A_101 = tpu.memref_slice %arg12[%dma_start3A_99, %dma_start3A_100] : memref<10240x128xf32, #tpu.memory_space<vmem_shared>> -> memref<10240x128xf32, #tpu.memory_space<vmem_shared>>
          tpu.enqueue_indirect_dma source(%arg11 : memref<128x128xf32, #tpu.memory_space<vmem>>) target(%dma_start3A_101 : memref<10240x128xf32, #tpu.memory_space<vmem_shared>>) offsets(%dma_start3A_98 : memref<128xi32, #tpu.memory_space<vmem>>) semaphore(%run_scoped3A : memref<!tpu.dma_semaphore, #tpu.memory_space<semaphore_mem>>) {add = true}
          %dma_wait3A_102 = arith.constant 0 : i32
          %dma_wait3A_103 = tpu.memref_slice %arg9[%add3A_94, %dma_wait3A_102] : memref<40x128xi32, #tpu.memory_space<vmem>> -> memref<1x128xi32, #tpu.memory_space<vmem>>
          %dma_wait3A_104 = tpu.memref_squeeze %dma_wait3A_103 : memref<1x128xi32, #tpu.memory_space<vmem>> -> memref<128xi32, #tpu.memory_space<vmem>>
          %dma_wait3A_105 = arith.constant 0 : i32
          %dma_wait3A_106 = arith.constant 0 : i32
          %dma_wait3A_107 = tpu.memref_slice %arg12[%dma_wait3A_105, %dma_wait3A_106] : memref<10240x128xf32, #tpu.memory_space<vmem_shared>> -> memref<10240x128xf32, #tpu.memory_space<vmem_shared>>
          tpu.wait_indirect_dma semaphore(%run_scoped3A : memref<!tpu.dma_semaphore, #tpu.memory_space<semaphore_mem>>) src(%arg11 : memref<128x128xf32, #tpu.memory_space<vmem>>) dst(%dma_wait3A_107 : memref<10240x128xf32, #tpu.memory_space<vmem_shared>>)
          tpu.yield
        }) : () -> ()
        %scan3A_95 = arith.constant 0 : i32
        scf.yield %scan3A_95 : i32
      }
      %scan3A_63 = arith.constant 10 : i32
    } else {
    }
    %barrier3A_16 = arith.constant 0 : index
    tpu.barrier barrier_id(%barrier3A_16)
    %lt3A_17 = arith.constant 15 : i32
    %lt3A_18 = arith.cmpi slt, %arg1, %lt3A_17 : i32
    %convert_element_type3A_19 = arith.extui %lt3A_18 : i1 to i32
    %cond3A_20 = arith.constant 0 : i32
    %cond3A_21 = arith.cmpi ne, %convert_element_type3A_19, %cond3A_20 : i32
    scf.if %cond3A_21 {
      %mul3A = arith.constant 640 : i32
      %mul3A_27 = arith.muli %arg1, %mul3A : i32
      %mul3A_28 = arith.constant 10000 : i32
      %mul3A_29 = arith.muli %arg0, %mul3A_28 : i32
      %mul3A_30 = arith.constant 640 : i32
      %mul3A_31 = arith.muli %arg1, %mul3A_30 : i32
      %add3A = arith.addi %mul3A_29, %mul3A_31 : i32
      "tpu.region"() ({
        %run_scoped3A = tpu.sem_alloc : memref<!tpu.dma_semaphore, #tpu.memory_space<semaphore_mem>>
        %dma_start3A = arith.constant 0 : i32
        %dma_start3A_32 = tpu.memref_slice %arg7[%add3A, %dma_start3A] : memref<20000x128xf32, #tpu.memory_space<hbm>> -> memref<640x128xf32, #tpu.memory_space<hbm>>
        %dma_start3A_33 = arith.constant 0 : i32
        %dma_start3A_34 = tpu.memref_slice %arg12[%mul3A_27, %dma_start3A_33] : memref<10240x128xf32, #tpu.memory_space<vmem_shared>> -> memref<640x128xf32, #tpu.memory_space<vmem_shared>>
        tpu.enqueue_dma source(%dma_start3A_34 : memref<640x128xf32, #tpu.memory_space<vmem_shared>>) target(%dma_start3A_32 : memref<640x128xf32, #tpu.memory_space<hbm>>) target_semaphore(%run_scoped3A : memref<!tpu.dma_semaphore, #tpu.memory_space<semaphore_mem>>)
        %dma_wait3A = arith.constant 0 : i32
        %dma_wait3A_35 = tpu.memref_slice %arg7[%add3A, %dma_wait3A] : memref<20000x128xf32, #tpu.memory_space<hbm>> -> memref<640x128xf32, #tpu.memory_space<hbm>>
        %dma_wait3A_36 = arith.constant 0 : i32
        %dma_wait3A_37 = tpu.memref_slice %arg12[%mul3A_27, %dma_wait3A_36] : memref<10240x128xf32, #tpu.memory_space<vmem_shared>> -> memref<640x128xf32, #tpu.memory_space<vmem_shared>>
        tpu.wait_dma2 semaphore(%run_scoped3A : memref<!tpu.dma_semaphore, #tpu.memory_space<semaphore_mem>>) src(%dma_wait3A_37 : memref<640x128xf32, #tpu.memory_space<vmem_shared>>) dst(%dma_wait3A_35 : memref<640x128xf32, #tpu.memory_space<hbm>>)
        tpu.yield
      }) : () -> ()
    } else {
    }
    %eq3A_22 = arith.constant 15 : i32
    %eq3A_23 = arith.cmpi eq, %arg1, %eq3A_22 : i32
    %convert_element_type3A_24 = arith.extui %eq3A_23 : i1 to i32
    %cond3A_25 = arith.constant 0 : i32
    %cond3A_26 = arith.cmpi ne, %convert_element_type3A_24, %cond3A_25 : i32
    scf.if %cond3A_26 {
      %mul3A = arith.constant 10000 : i32
      %mul3A_27 = arith.muli %arg0, %mul3A : i32
      %add3A = arith.constant 9600 : i32
      %add3A_28 = arith.addi %mul3A_27, %add3A : i32
      "tpu.region"() ({
        %run_scoped3A = tpu.sem_alloc : memref<!tpu.dma_semaphore, #tpu.memory_space<semaphore_mem>>
        %dma_start3A = arith.constant 0 : i32
        %dma_start3A_29 = tpu.memref_slice %arg7[%add3A_28, %dma_start3A] : memref<20000x128xf32, #tpu.memory_space<hbm>> -> memref<400x128xf32, #tpu.memory_space<hbm>>
        %dma_start3A_30 = arith.constant 9600 : i32
        %dma_start3A_31 = arith.constant 0 : i32
        %dma_start3A_32 = tpu.memref_slice %arg12[%dma_start3A_30, %dma_start3A_31] : memref<10240x128xf32, #tpu.memory_space<vmem_shared>> -> memref<400x128xf32, #tpu.memory_space<vmem_shared>>
        tpu.enqueue_dma source(%dma_start3A_32 : memref<400x128xf32, #tpu.memory_space<vmem_shared>>) target(%dma_start3A_29 : memref<400x128xf32, #tpu.memory_space<hbm>>) target_semaphore(%run_scoped3A : memref<!tpu.dma_semaphore, #tpu.memory_space<semaphore_mem>>)
        %dma_wait3A = arith.constant 0 : i32
        %dma_wait3A_33 = tpu.memref_slice %arg7[%add3A_28, %dma_wait3A] : memref<20000x128xf32, #tpu.memory_space<hbm>> -> memref<400x128xf32, #tpu.memory_space<hbm>>
        %dma_wait3A_34 = arith.constant 9600 : i32
        %dma_wait3A_35 = arith.constant 0 : i32
        %dma_wait3A_36 = tpu.memref_slice %arg12[%dma_wait3A_34, %dma_wait3A_35] : memref<10240x128xf32, #tpu.memory_space<vmem_shared>> -> memref<400x128xf32, #tpu.memory_space<vmem_shared>>
        tpu.wait_dma2 semaphore(%run_scoped3A : memref<!tpu.dma_semaphore, #tpu.memory_space<semaphore_mem>>) src(%dma_wait3A_36 : memref<400x128xf32, #tpu.memory_space<vmem_shared>>) dst(%dma_wait3A_33 : memref<400x128xf32, #tpu.memory_space<hbm>>)
        tpu.yield
      }) : () -> ()
    } else {
    }
    return
  }
}

module attributes {stable_mosaic.version = 14 : i64} {
  func.func @_hs_body(%arg0: i32, %arg1: memref<2000x128xf32, #tpu.memory_space<vmem>>, %arg2: memref<2000x128xf32, #tpu.memory_space<vmem>>, %arg3: memref<128x128xf32, #tpu.memory_space<vmem>>, %arg4: memref<1x2000x1xf32, #tpu.memory_space<vmem>>, %arg5: memref<2000x128xf32, #tpu.memory_space<vmem>>) attributes {dimension_semantics = [#tpu.dimension_semantics<arbitrary>], iteration_bounds = array<i64: 10>, scalar_prefetch = 0 : i64, scratch_operands = 0 : i64, tpu.core_type = #tpu.core_type<tc>, window_params = [{transform_indices = @transform_0, window_bounds = array<i64: 2000, 128>}, {transform_indices = @transform_1, window_bounds = array<i64: 2000, 128>}, {pipeline_mode = #tpu.pipeline_mode<synchronous>, transform_indices = @transform_2, window_bounds = array<i64: 128, 128>}, {transform_indices = @transform_3, window_bounds = array<i64: 1, 2000, 1>}, {transform_indices = @transform_4, window_bounds = array<i64: 2000, 128>}]} {
    %get3A = arith.constant 0 : index
    %get3A_0 = arith.constant 0 : index
    %get3A_1 = arith.constant 0 : index
    %get3A_2 = vector.load %arg4[%get3A, %get3A_0, %get3A_1] : memref<1x2000x1xf32, #tpu.memory_space<vmem>>, vector<1x2000x1xf32>
    %get3A_3 = vector.shape_cast %get3A_2 : vector<1x2000x1xf32> to vector<2000x1xf32>
    %add3A = arith.constant 1.000000e+00 : f32
    %add3A_4 = vector.broadcast %add3A : f32 to vector<2000x1xf32>
    %add3A_5 = arith.addf %get3A_3, %add3A_4 : vector<2000x1xf32>
    %rsqrt3A = math.rsqrt %add3A_5 : vector<2000x1xf32>
    %lt3A = arith.constant 5 : i32
    %lt3A_6 = arith.cmpi slt, %arg0, %lt3A : i32
    %convert_element_type3A = arith.extui %lt3A_6 : i1 to i32
    %cond3A = arith.constant 0 : i32
    %cond3A_7 = arith.cmpi ne, %convert_element_type3A, %cond3A : i32
    scf.if %cond3A_7 {
      %get3A_12 = arith.constant 0 : index
      %get3A_13 = arith.constant 0 : index
      %get3A_14 = vector.load %arg1[%get3A_12, %get3A_13] : memref<2000x128xf32, #tpu.memory_space<vmem>>, vector<2000x128xf32>
      %get3A_15 = arith.constant 0 : index
      %get3A_16 = arith.constant 0 : index
      %get3A_17 = vector.load %arg3[%get3A_15, %get3A_16] : memref<128x128xf32, #tpu.memory_space<vmem>>, vector<128x128xf32>
      %dot_general3A = arith.constant dense<0.000000e+00> : vector<2000x128xf32>
      %dot_general3A_18 = tpu.matmul %get3A_14, %get3A_17, %dot_general3A {dimension_numbers = #tpu.dot_dimension_numbers<[1], [0], [0], [1], [0, 0, 1, 1], [], []>, transpose_lhs_hint = false} : vector<2000x128xf32>, vector<128x128xf32>, vector<2000x128xf32> -> vector<2000x128xf32>
      %mul3A = vector.broadcast %rsqrt3A : vector<2000x1xf32> to vector<2000x128xf32>
      %mul3A_19 = arith.mulf %dot_general3A_18, %mul3A : vector<2000x128xf32>
      %swap3A = arith.constant 0 : index
      %swap3A_20 = arith.constant 0 : index
      %swap3A_21 = vector.load %arg5[%swap3A, %swap3A_20] : memref<2000x128xf32, #tpu.memory_space<vmem>>, vector<2000x128xf32>
      tpu.vector_store %arg5[%swap3A, %swap3A_20], %mul3A_19 {strides = array<i32>} : memref<2000x128xf32, #tpu.memory_space<vmem>>, vector<2000x128xf32>,
    } else {
    }
    %ge3A = arith.constant 5 : i32
    %ge3A_8 = arith.cmpi sge, %arg0, %ge3A : i32
    %convert_element_type3A_9 = arith.extui %ge3A_8 : i1 to i32
    %cond3A_10 = arith.constant 0 : i32
    %cond3A_11 = arith.cmpi ne, %convert_element_type3A_9, %cond3A_10 : i32
    scf.if %cond3A_11 {
      %get3A_12 = arith.constant 0 : index
      %get3A_13 = arith.constant 0 : index
      %get3A_14 = vector.load %arg2[%get3A_12, %get3A_13] : memref<2000x128xf32, #tpu.memory_space<vmem>>, vector<2000x128xf32>
      %get3A_15 = arith.constant 0 : index
      %get3A_16 = arith.constant 0 : index
      %get3A_17 = vector.load %arg3[%get3A_15, %get3A_16] : memref<128x128xf32, #tpu.memory_space<vmem>>, vector<128x128xf32>
      %dot_general3A = arith.constant dense<0.000000e+00> : vector<2000x128xf32>
      %dot_general3A_18 = tpu.matmul %get3A_14, %get3A_17, %dot_general3A {dimension_numbers = #tpu.dot_dimension_numbers<[1], [0], [0], [1], [0, 0, 1, 1], [], []>, transpose_lhs_hint = false} : vector<2000x128xf32>, vector<128x128xf32>, vector<2000x128xf32> -> vector<2000x128xf32>
      %mul3A = vector.broadcast %rsqrt3A : vector<2000x1xf32> to vector<2000x128xf32>
      %mul3A_19 = arith.mulf %dot_general3A_18, %mul3A : vector<2000x128xf32>
      %swap3A = arith.constant 0 : index
      %swap3A_20 = arith.constant 0 : index
      %swap3A_21 = vector.load %arg5[%swap3A, %swap3A_20] : memref<2000x128xf32, #tpu.memory_space<vmem>>, vector<2000x128xf32>
      tpu.vector_store %arg5[%swap3A, %swap3A_20], %mul3A_19 {strides = array<i32>} : memref<2000x128xf32, #tpu.memory_space<vmem>>, vector<2000x128xf32>,
    } else {
    }
    return
  }
  func.func @transform_0(%arg0: i32) -> (i32, i32) {
    %min3A = arith.constant 4 : i32
    %min3A_0 = arith.minsi %arg0, %min3A : i32
    %c0_i32 = arith.constant 0 : i32
    %c0_i32_1 = arith.constant 0 : i32
    return %min3A_0, %c0_i32 : i32, i32
  }
  func.func @transform_1(%arg0: i32) -> (i32, i32) {
    %sub3A = arith.constant 5 : i32
    %sub3A_0 = arith.subi %arg0, %sub3A : i32
    %max3A = arith.constant 0 : i32
    %max3A_1 = arith.maxsi %sub3A_0, %max3A : i32
    %c0_i32 = arith.constant 0 : i32
    %c0_i32_2 = arith.constant 0 : i32
    return %max3A_1, %c0_i32 : i32, i32
  }
  func.func @transform_2(%arg0: i32) -> (i32, i32) {
    %c0_i32 = arith.constant 0 : i32
    %c0_i32_0 = arith.constant 0 : i32
    %c0_i32_1 = arith.constant 0 : i32
    return %c0_i32, %c0_i32_0 : i32, i32
  }
  func.func @transform_3(%arg0: i32) -> (i32, i32, i32) {
    %jit3A = arith.constant 5 : i32
    %div3A = arith.divsi %arg0, %jit3A : i32
    %sign3A = arith.constant 0 : i32
    %sign3A_0 = arith.cmpi sgt, %arg0, %sign3A : i32
    %sign3A_1 = arith.extui %sign3A_0 : i1 to i32
    %sign3A_2 = arith.constant 0 : i32
    %sign3A_3 = arith.cmpi slt, %arg0, %sign3A_2 : i32
    %sign3A_4 = arith.extui %sign3A_3 : i1 to i32
    %sign3A_5 = arith.subi %sign3A_1, %sign3A_4 : i32
    %sign3A_6 = arith.constant 0 : i32
    %sign3A_7 = arith.cmpi sgt, %jit3A, %sign3A_6 : i32
    %sign3A_8 = arith.extui %sign3A_7 : i1 to i32
    %sign3A_9 = arith.constant 0 : i32
    %sign3A_10 = arith.cmpi slt, %jit3A, %sign3A_9 : i32
    %sign3A_11 = arith.extui %sign3A_10 : i1 to i32
    %sign3A_12 = arith.subi %sign3A_8, %sign3A_11 : i32
    %ne3A = arith.cmpi ne, %sign3A_5, %sign3A_12 : i32
    %rem3A = arith.remsi %arg0, %jit3A : i32
    %ne3A_13 = arith.constant 0 : i32
    %ne3A_14 = arith.cmpi ne, %rem3A, %ne3A_13 : i32
    %and3A = arith.andi %ne3A, %ne3A_14 : i1
    %sub3A = arith.constant 1 : i32
    %sub3A_15 = arith.subi %div3A, %sub3A : i32
    %select_n3A = arith.select %and3A, %sub3A_15, %div3A : i32
    %rem3A_16 = arith.constant 5 : i32
    %rem3A_17 = arith.remsi %arg0, %rem3A_16 : i32
    %c0_i32 = arith.constant 0 : i32
    %c0_i32_18 = arith.constant 0 : i32
    return %select_n3A, %rem3A_17, %c0_i32 : i32, i32, i32
  }
  func.func @transform_4(%arg0: i32) -> (i32, i32) {
    %c0_i32 = arith.constant 0 : i32
    %c0_i32_0 = arith.constant 0 : i32
    return %arg0, %c0_i32 : i32, i32
  }
}

module attributes {stable_mosaic.version = 14 : i64} {
  func.func @_head_body(%arg0: i32, %arg1: memref<1x1000x128xf32, #tpu.memory_space<vmem>>, %arg2: memref<1x1000x128xf32, #tpu.memory_space<vmem>>, %arg3: memref<2x1000x1xf32, #tpu.memory_space<vmem>>, %arg4: memref<1x128xf32, #tpu.memory_space<vmem>>, %arg5: memref<1x128xf32, #tpu.memory_space<vmem>>, %arg6: memref<1x128xf32, #tpu.memory_space<vmem>>, %arg7: memref<128x128xf32, #tpu.memory_space<vmem>>, %arg8: memref<1x128xf32, #tpu.memory_space<vmem>>, %arg9: memref<1x128xf32, #tpu.memory_space<vmem>>, %arg10: memref<1x128xf32, #tpu.memory_space<vmem>>, %arg11: memref<128x128xf32, #tpu.memory_space<vmem>>, %arg12: memref<1x128xf32, #tpu.memory_space<vmem>>, %arg13: memref<1x128xf32, #tpu.memory_space<vmem>>, %arg14: memref<1x128xf32, #tpu.memory_space<vmem>>, %arg15: memref<1000x128xf32, #tpu.memory_space<vmem>>, %arg16: memref<1000x128xf32, #tpu.memory_space<vmem>>, %arg17: memref<1x1xf32, #tpu.memory_space<vmem>>) attributes {dimension_semantics = [#tpu.dimension_semantics<arbitrary>], iteration_bounds = array<i64: 10>, scalar_prefetch = 0 : i64, scratch_operands = 0 : i64, tpu.core_type = #tpu.core_type<tc>, window_params = [{transform_indices = @transform_0, window_bounds = array<i64: 1, 1000, 128>}, {transform_indices = @transform_1, window_bounds = array<i64: 1, 1000, 128>}, {transform_indices = @transform_2, window_bounds = array<i64: 2, 1000, 1>}, {pipeline_mode = #tpu.pipeline_mode<synchronous>, transform_indices = @transform_3, window_bounds = array<i64: 1, 128>}, {pipeline_mode = #tpu.pipeline_mode<synchronous>, transform_indices = @transform_4, window_bounds = array<i64: 1, 128>}, {pipeline_mode = #tpu.pipeline_mode<synchronous>, transform_indices = @transform_5, window_bounds = array<i64: 1, 128>}, {pipeline_mode = #tpu.pipeline_mode<synchronous>, transform_indices = @transform_6, window_bounds = array<i64: 128, 128>}, {pipeline_mode = #tpu.pipeline_mode<synchronous>, transform_indices = @transform_7, window_bounds = array<i64: 1, 128>}, {pipeline_mode = #tpu.pipeline_mode<synchronous>, transform_indices = @transform_8, window_bounds = array<i64: 1, 128>}, {pipeline_mode = #tpu.pipeline_mode<synchronous>, transform_indices = @transform_9, window_bounds = array<i64: 1, 128>}, {pipeline_mode = #tpu.pipeline_mode<synchronous>, transform_indices = @transform_10, window_bounds = array<i64: 128, 128>}, {pipeline_mode = #tpu.pipeline_mode<synchronous>, transform_indices = @transform_11, window_bounds = array<i64: 1, 128>}, {pipeline_mode = #tpu.pipeline_mode<synchronous>, transform_indices = @transform_12, window_bounds = array<i64: 1, 128>}, {pipeline_mode = #tpu.pipeline_mode<synchronous>, transform_indices = @transform_13, window_bounds = array<i64: 1, 128>}, {transform_indices = @transform_14, window_bounds = array<i64: 1000, 128>}, {transform_indices = @transform_15, window_bounds = array<i64: 1000, 128>}, {pipeline_mode = #tpu.pipeline_mode<synchronous>, transform_indices = @transform_16, window_bounds = array<i64: 1, 1>}]} {
    %get3A = arith.constant 0 : index
    %get3A_0 = arith.constant 0 : index
    %get3A_1 = arith.constant 0 : index
    %get3A_2 = vector.load %arg3[%get3A, %get3A_0, %get3A_1] : memref<2x1000x1xf32, #tpu.memory_space<vmem>>, vector<2x1000x1xf32>
    %add3A = arith.constant 1.000000e+00 : f32
    %add3A_3 = vector.broadcast %add3A : f32 to vector<2x1000x1xf32>
    %add3A_4 = arith.addf %get3A_2, %add3A_3 : vector<2x1000x1xf32>
    %rsqrt3A = math.rsqrt %add3A_4 : vector<2x1000x1xf32>
    %get3A_5 = arith.constant 0 : index
    %get3A_6 = arith.constant 0 : index
    %get3A_7 = arith.constant 0 : index
    %get3A_8 = vector.load %arg1[%get3A_5, %get3A_6, %get3A_7] : memref<1x1000x128xf32, #tpu.memory_space<vmem>>, vector<1x1000x128xf32>
    %get3A_9 = vector.shape_cast %get3A_8 : vector<1x1000x128xf32> to vector<1000x128xf32>
    %slice3A = vector.extract_strided_slice %rsqrt3A {offsets = [0, 0, 0], sizes = [1, 1000, 1], strides = [1, 1, 1]} : vector<2x1000x1xf32> to vector<1x1000x1xf32>
    %squeeze3A = vector.shape_cast %slice3A : vector<1x1000x1xf32> to vector<1000x1xf32>
    %mul3A = vector.broadcast %squeeze3A : vector<1000x1xf32> to vector<1000x128xf32>
    %mul3A_10 = arith.mulf %get3A_9, %mul3A : vector<1000x128xf32>
    %get3A_11 = arith.constant 0 : index
    %get3A_12 = arith.constant 0 : index
    %get3A_13 = vector.load %arg4[%get3A_11, %get3A_12] : memref<1x128xf32, #tpu.memory_space<vmem>>, vector<1x128xf32>
    %add3A_14 = vector.broadcast %get3A_13 : vector<1x128xf32> to vector<1000x128xf32>
    %add3A_15 = arith.addf %mul3A_10, %add3A_14 : vector<1000x128xf32>
    %get3A_16 = arith.constant 0 : index
    %get3A_17 = arith.constant 0 : index
    %get3A_18 = vector.load %arg5[%get3A_16, %get3A_17] : memref<1x128xf32, #tpu.memory_space<vmem>>, vector<1x128xf32>
    %mul3A_19 = vector.broadcast %get3A_18 : vector<1x128xf32> to vector<1000x128xf32>
    %mul3A_20 = arith.mulf %add3A_15, %mul3A_19 : vector<1000x128xf32>
    %get3A_21 = arith.constant 0 : index
    %get3A_22 = arith.constant 0 : index
    %get3A_23 = vector.load %arg6[%get3A_21, %get3A_22] : memref<1x128xf32, #tpu.memory_space<vmem>>, vector<1x128xf32>
    %add3A_24 = vector.broadcast %get3A_23 : vector<1x128xf32> to vector<1000x128xf32>
    %add3A_25 = arith.addf %mul3A_20, %add3A_24 : vector<1000x128xf32>
    %get3A_26 = arith.constant 0 : index
    %get3A_27 = arith.constant 0 : index
    %get3A_28 = vector.load %arg7[%get3A_26, %get3A_27] : memref<128x128xf32, #tpu.memory_space<vmem>>, vector<128x128xf32>
    %dot_general3A = arith.constant dense<0.000000e+00> : vector<1000x128xf32>
    %dot_general3A_29 = tpu.matmul %add3A_25, %get3A_28, %dot_general3A {dimension_numbers = #tpu.dot_dimension_numbers<[1], [0], [0], [1], [0, 0, 1, 1], [], []>, transpose_lhs_hint = false} : vector<1000x128xf32>, vector<128x128xf32>, vector<1000x128xf32> -> vector<1000x128xf32>
    %get3A_30 = arith.constant 0 : index
    %get3A_31 = arith.constant 0 : index
    %get3A_32 = vector.load %arg8[%get3A_30, %get3A_31] : memref<1x128xf32, #tpu.memory_space<vmem>>, vector<1x128xf32>
    %add3A_33 = vector.broadcast %get3A_32 : vector<1x128xf32> to vector<1000x128xf32>
    %add3A_34 = arith.addf %dot_general3A_29, %add3A_33 : vector<1000x128xf32>
    %get3A_35 = arith.constant 0 : index
    %get3A_36 = arith.constant 0 : index
    %get3A_37 = vector.load %arg9[%get3A_35, %get3A_36] : memref<1x128xf32, #tpu.memory_space<vmem>>, vector<1x128xf32>
    %mul3A_38 = vector.broadcast %get3A_37 : vector<1x128xf32> to vector<1000x128xf32>
    %mul3A_39 = arith.mulf %add3A_34, %mul3A_38 : vector<1000x128xf32>
    %get3A_40 = arith.constant 0 : index
    %get3A_41 = arith.constant 0 : index
    %get3A_42 = vector.load %arg10[%get3A_40, %get3A_41] : memref<1x128xf32, #tpu.memory_space<vmem>>, vector<1x128xf32>
    %add3A_43 = vector.broadcast %get3A_42 : vector<1x128xf32> to vector<1000x128xf32>
    %add3A_44 = arith.addf %mul3A_39, %add3A_43 : vector<1000x128xf32>
    %max3A = arith.constant 0.000000e+00 : f32
    %max3A_45 = vector.broadcast %max3A : f32 to vector<1000x128xf32>
    %max3A_46 = arith.maximumf %add3A_44, %max3A_45 : vector<1000x128xf32>
    %get3A_47 = arith.constant 0 : index
    %get3A_48 = arith.constant 0 : index
    %get3A_49 = vector.load %arg11[%get3A_47, %get3A_48] : memref<128x128xf32, #tpu.memory_space<vmem>>, vector<128x128xf32>
    %dot_general3A_50 = arith.constant dense<0.000000e+00> : vector<1000x128xf32>
    %dot_general3A_51 = tpu.matmul %max3A_46, %get3A_49, %dot_general3A_50 {dimension_numbers = #tpu.dot_dimension_numbers<[1], [0], [0], [1], [0, 0, 1, 1], [], []>, transpose_lhs_hint = false} : vector<1000x128xf32>, vector<128x128xf32>, vector<1000x128xf32> -> vector<1000x128xf32>
    %get3A_52 = arith.constant 0 : index
    %get3A_53 = arith.constant 0 : index
    %get3A_54 = vector.load %arg12[%get3A_52, %get3A_53] : memref<1x128xf32, #tpu.memory_space<vmem>>, vector<1x128xf32>
    %add3A_55 = vector.broadcast %get3A_54 : vector<1x128xf32> to vector<1000x128xf32>
    %add3A_56 = arith.addf %dot_general3A_51, %add3A_55 : vector<1000x128xf32>
    %get3A_57 = arith.constant 0 : index
    %get3A_58 = arith.constant 0 : index
    %get3A_59 = vector.load %arg13[%get3A_57, %get3A_58] : memref<1x128xf32, #tpu.memory_space<vmem>>, vector<1x128xf32>
    %mul3A_60 = vector.broadcast %get3A_59 : vector<1x128xf32> to vector<1000x128xf32>
    %mul3A_61 = arith.mulf %add3A_56, %mul3A_60 : vector<1000x128xf32>
    %get3A_62 = arith.constant 0 : index
    %get3A_63 = arith.constant 0 : index
    %get3A_64 = vector.load %arg14[%get3A_62, %get3A_63] : memref<1x128xf32, #tpu.memory_space<vmem>>, vector<1x128xf32>
    %add3A_65 = vector.broadcast %get3A_64 : vector<1x128xf32> to vector<1000x128xf32>
    %add3A_66 = arith.addf %mul3A_61, %add3A_65 : vector<1000x128xf32>
    %max3A_67 = arith.constant 0.000000e+00 : f32
    %max3A_68 = vector.broadcast %max3A_67 : f32 to vector<1000x128xf32>
    %max3A_69 = arith.maximumf %add3A_66, %max3A_68 : vector<1000x128xf32>
    %get3A_70 = arith.constant 0 : index
    %get3A_71 = arith.constant 0 : index
    %get3A_72 = arith.constant 0 : index
    %get3A_73 = vector.load %arg2[%get3A_70, %get3A_71, %get3A_72] : memref<1x1000x128xf32, #tpu.memory_space<vmem>>, vector<1x1000x128xf32>
    %get3A_74 = vector.shape_cast %get3A_73 : vector<1x1000x128xf32> to vector<1000x128xf32>
    %slice3A_75 = vector.extract_strided_slice %rsqrt3A {offsets = [1, 0, 0], sizes = [1, 1000, 1], strides = [1, 1, 1]} : vector<2x1000x1xf32> to vector<1x1000x1xf32>
    %squeeze3A_76 = vector.shape_cast %slice3A_75 : vector<1x1000x1xf32> to vector<1000x1xf32>
    %mul3A_77 = vector.broadcast %squeeze3A_76 : vector<1000x1xf32> to vector<1000x128xf32>
    %mul3A_78 = arith.mulf %get3A_74, %mul3A_77 : vector<1000x128xf32>
    %get3A_79 = arith.constant 0 : index
    %get3A_80 = arith.constant 0 : index
    %get3A_81 = vector.load %arg4[%get3A_79, %get3A_80] : memref<1x128xf32, #tpu.memory_space<vmem>>, vector<1x128xf32>
    %add3A_82 = vector.broadcast %get3A_81 : vector<1x128xf32> to vector<1000x128xf32>
    %add3A_83 = arith.addf %mul3A_78, %add3A_82 : vector<1000x128xf32>
    %get3A_84 = arith.constant 0 : index
    %get3A_85 = arith.constant 0 : index
    %get3A_86 = vector.load %arg5[%get3A_84, %get3A_85] : memref<1x128xf32, #tpu.memory_space<vmem>>, vector<1x128xf32>
    %mul3A_87 = vector.broadcast %get3A_86 : vector<1x128xf32> to vector<1000x128xf32>
    %mul3A_88 = arith.mulf %add3A_83, %mul3A_87 : vector<1000x128xf32>
    %get3A_89 = arith.constant 0 : index
    %get3A_90 = arith.constant 0 : index
    %get3A_91 = vector.load %arg6[%get3A_89, %get3A_90] : memref<1x128xf32, #tpu.memory_space<vmem>>, vector<1x128xf32>
    %add3A_92 = vector.broadcast %get3A_91 : vector<1x128xf32> to vector<1000x128xf32>
    %add3A_93 = arith.addf %mul3A_88, %add3A_92 : vector<1000x128xf32>
    %get3A_94 = arith.constant 0 : index
    %get3A_95 = arith.constant 0 : index
    %get3A_96 = vector.load %arg7[%get3A_94, %get3A_95] : memref<128x128xf32, #tpu.memory_space<vmem>>, vector<128x128xf32>
    %dot_general3A_97 = arith.constant dense<0.000000e+00> : vector<1000x128xf32>
    %dot_general3A_98 = tpu.matmul %add3A_93, %get3A_96, %dot_general3A_97 {dimension_numbers = #tpu.dot_dimension_numbers<[1], [0], [0], [1], [0, 0, 1, 1], [], []>, transpose_lhs_hint = false} : vector<1000x128xf32>, vector<128x128xf32>, vector<1000x128xf32> -> vector<1000x128xf32>
    %get3A_99 = arith.constant 0 : index
    %get3A_100 = arith.constant 0 : index
    %get3A_101 = vector.load %arg8[%get3A_99, %get3A_100] : memref<1x128xf32, #tpu.memory_space<vmem>>, vector<1x128xf32>
    %add3A_102 = vector.broadcast %get3A_101 : vector<1x128xf32> to vector<1000x128xf32>
    %add3A_103 = arith.addf %dot_general3A_98, %add3A_102 : vector<1000x128xf32>
    %get3A_104 = arith.constant 0 : index
    %get3A_105 = arith.constant 0 : index
    %get3A_106 = vector.load %arg9[%get3A_104, %get3A_105] : memref<1x128xf32, #tpu.memory_space<vmem>>, vector<1x128xf32>
    %mul3A_107 = vector.broadcast %get3A_106 : vector<1x128xf32> to vector<1000x128xf32>
    %mul3A_108 = arith.mulf %add3A_103, %mul3A_107 : vector<1000x128xf32>
    %get3A_109 = arith.constant 0 : index
    %get3A_110 = arith.constant 0 : index
    %get3A_111 = vector.load %arg10[%get3A_109, %get3A_110] : memref<1x128xf32, #tpu.memory_space<vmem>>, vector<1x128xf32>
    %add3A_112 = vector.broadcast %get3A_111 : vector<1x128xf32> to vector<1000x128xf32>
    %add3A_113 = arith.addf %mul3A_108, %add3A_112 : vector<1000x128xf32>
    %max3A_114 = arith.constant 0.000000e+00 : f32
    %max3A_115 = vector.broadcast %max3A_114 : f32 to vector<1000x128xf32>
    %max3A_116 = arith.maximumf %add3A_113, %max3A_115 : vector<1000x128xf32>
    %get3A_117 = arith.constant 0 : index
    %get3A_118 = arith.constant 0 : index
    %get3A_119 = vector.load %arg11[%get3A_117, %get3A_118] : memref<128x128xf32, #tpu.memory_space<vmem>>, vector<128x128xf32>
    %dot_general3A_120 = arith.constant dense<0.000000e+00> : vector<1000x128xf32>
    %dot_general3A_121 = tpu.matmul %max3A_116, %get3A_119, %dot_general3A_120 {dimension_numbers = #tpu.dot_dimension_numbers<[1], [0], [0], [1], [0, 0, 1, 1], [], []>, transpose_lhs_hint = false} : vector<1000x128xf32>, vector<128x128xf32>, vector<1000x128xf32> -> vector<1000x128xf32>
    %get3A_122 = arith.constant 0 : index
    %get3A_123 = arith.constant 0 : index
    %get3A_124 = vector.load %arg12[%get3A_122, %get3A_123] : memref<1x128xf32, #tpu.memory_space<vmem>>, vector<1x128xf32>
    %add3A_125 = vector.broadcast %get3A_124 : vector<1x128xf32> to vector<1000x128xf32>
    %add3A_126 = arith.addf %dot_general3A_121, %add3A_125 : vector<1000x128xf32>
    %get3A_127 = arith.constant 0 : index
    %get3A_128 = arith.constant 0 : index
    %get3A_129 = vector.load %arg13[%get3A_127, %get3A_128] : memref<1x128xf32, #tpu.memory_space<vmem>>, vector<1x128xf32>
    %mul3A_130 = vector.broadcast %get3A_129 : vector<1x128xf32> to vector<1000x128xf32>
    %mul3A_131 = arith.mulf %add3A_126, %mul3A_130 : vector<1000x128xf32>
    %get3A_132 = arith.constant 0 : index
    %get3A_133 = arith.constant 0 : index
    %get3A_134 = vector.load %arg14[%get3A_132, %get3A_133] : memref<1x128xf32, #tpu.memory_space<vmem>>, vector<1x128xf32>
    %add3A_135 = vector.broadcast %get3A_134 : vector<1x128xf32> to vector<1000x128xf32>
    %add3A_136 = arith.addf %mul3A_131, %add3A_135 : vector<1000x128xf32>
    %max3A_137 = arith.constant 0.000000e+00 : f32
    %max3A_138 = vector.broadcast %max3A_137 : f32 to vector<1000x128xf32>
    %max3A_139 = arith.maximumf %add3A_136, %max3A_138 : vector<1000x128xf32>
    %swap3A = arith.constant 0 : index
    %swap3A_140 = arith.constant 0 : index
    %swap3A_141 = vector.load %arg15[%swap3A, %swap3A_140] : memref<1000x128xf32, #tpu.memory_space<vmem>>, vector<1000x128xf32>
    tpu.vector_store %arg15[%swap3A, %swap3A_140], %add3A_15 {strides = array<i32>} : memref<1000x128xf32, #tpu.memory_space<vmem>>, vector<1000x128xf32>,
    %swap3A_142 = arith.constant 0 : index
    %swap3A_143 = arith.constant 0 : index
    %swap3A_144 = vector.load %arg16[%swap3A_142, %swap3A_143] : memref<1000x128xf32, #tpu.memory_space<vmem>>, vector<1000x128xf32>
    tpu.vector_store %arg16[%swap3A_142, %swap3A_143], %add3A_83 {strides = array<i32>} : memref<1000x128xf32, #tpu.memory_space<vmem>>, vector<1000x128xf32>,
    %mul3A_145 = arith.mulf %max3A_69, %max3A_69 : vector<1000x128xf32>
    %reduce_sum3A = arith.constant dense<0.000000e+00> : vector<1000xf32>
    %reduce_sum3A_146 = vector.multi_reduction <add>, %mul3A_145, %reduce_sum3A [1] : vector<1000x128xf32> to vector<1000xf32>
    %broadcast_in_dim3A = vector.shape_cast %reduce_sum3A_146 : vector<1000xf32> to vector<1000x1xf32>
    %sqrt3A = math.sqrt %broadcast_in_dim3A : vector<1000x1xf32>
    %max3A_147 = arith.constant 9.99999996E-13 : f32
    %max3A_148 = vector.broadcast %max3A_147 : f32 to vector<1000x1xf32>
    %max3A_149 = arith.maximumf %sqrt3A, %max3A_148 : vector<1000x1xf32>
    %div3A = vector.broadcast %max3A_149 : vector<1000x1xf32> to vector<1000x128xf32>
    %div3A_150 = arith.divf %max3A_69, %div3A : vector<1000x128xf32>
    %mul3A_151 = arith.mulf %max3A_116, %max3A_116 : vector<1000x128xf32>
    %reduce_sum3A_152 = arith.constant dense<0.000000e+00> : vector<1000xf32>
    %reduce_sum3A_153 = vector.multi_reduction <add>, %mul3A_151, %reduce_sum3A_152 [1] : vector<1000x128xf32> to vector<1000xf32>
    %broadcast_in_dim3A_154 = vector.shape_cast %reduce_sum3A_153 : vector<1000xf32> to vector<1000x1xf32>
    %sqrt3A_155 = math.sqrt %broadcast_in_dim3A_154 : vector<1000x1xf32>
    %max3A_156 = arith.constant 9.99999996E-13 : f32
    %max3A_157 = vector.broadcast %max3A_156 : f32 to vector<1000x1xf32>
    %max3A_158 = arith.maximumf %sqrt3A_155, %max3A_157 : vector<1000x1xf32>
    %div3A_159 = vector.broadcast %max3A_158 : vector<1000x1xf32> to vector<1000x128xf32>
    %div3A_160 = arith.divf %max3A_116, %div3A_159 : vector<1000x128xf32>
    %mul3A_161 = arith.mulf %div3A_150, %div3A_160 : vector<1000x128xf32>
    %reduce_sum3A_162 = arith.constant dense<0.000000e+00> : vector<1000xf32>
    %reduce_sum3A_163 = vector.multi_reduction <add>, %mul3A_161, %reduce_sum3A_162 [1] : vector<1000x128xf32> to vector<1000xf32>
    %broadcast_in_dim3A_164 = vector.shape_cast %reduce_sum3A_163 : vector<1000xf32> to vector<1000x1xf32>
    %mul3A_165 = arith.mulf %max3A_139, %max3A_139 : vector<1000x128xf32>
    %reduce_sum3A_166 = arith.constant dense<0.000000e+00> : vector<1000xf32>
    %reduce_sum3A_167 = vector.multi_reduction <add>, %mul3A_165, %reduce_sum3A_166 [1] : vector<1000x128xf32> to vector<1000xf32>
    %broadcast_in_dim3A_168 = vector.shape_cast %reduce_sum3A_167 : vector<1000xf32> to vector<1000x1xf32>
    %sqrt3A_169 = math.sqrt %broadcast_in_dim3A_168 : vector<1000x1xf32>
    %max3A_170 = arith.constant 9.99999996E-13 : f32
    %max3A_171 = vector.broadcast %max3A_170 : f32 to vector<1000x1xf32>
    %max3A_172 = arith.maximumf %sqrt3A_169, %max3A_171 : vector<1000x1xf32>
    %div3A_173 = vector.broadcast %max3A_172 : vector<1000x1xf32> to vector<1000x128xf32>
    %div3A_174 = arith.divf %max3A_139, %div3A_173 : vector<1000x128xf32>
    %mul3A_175 = arith.mulf %max3A_46, %max3A_46 : vector<1000x128xf32>
    %reduce_sum3A_176 = arith.constant dense<0.000000e+00> : vector<1000xf32>
    %reduce_sum3A_177 = vector.multi_reduction <add>, %mul3A_175, %reduce_sum3A_176 [1] : vector<1000x128xf32> to vector<1000xf32>
    %broadcast_in_dim3A_178 = vector.shape_cast %reduce_sum3A_177 : vector<1000xf32> to vector<1000x1xf32>
    %sqrt3A_179 = math.sqrt %broadcast_in_dim3A_178 : vector<1000x1xf32>
    %max3A_180 = arith.constant 9.99999996E-13 : f32
    %max3A_181 = vector.broadcast %max3A_180 : f32 to vector<1000x1xf32>
    %max3A_182 = arith.maximumf %sqrt3A_179, %max3A_181 : vector<1000x1xf32>
    %div3A_183 = vector.broadcast %max3A_182 : vector<1000x1xf32> to vector<1000x128xf32>
    %div3A_184 = arith.divf %max3A_46, %div3A_183 : vector<1000x128xf32>
    %mul3A_185 = arith.mulf %div3A_174, %div3A_184 : vector<1000x128xf32>
    %reduce_sum3A_186 = arith.constant dense<0.000000e+00> : vector<1000xf32>
    %reduce_sum3A_187 = vector.multi_reduction <add>, %mul3A_185, %reduce_sum3A_186 [1] : vector<1000x128xf32> to vector<1000xf32>
    %broadcast_in_dim3A_188 = vector.shape_cast %reduce_sum3A_187 : vector<1000xf32> to vector<1000x1xf32>
    %add3A_189 = arith.addf %broadcast_in_dim3A_164, %broadcast_in_dim3A_188 : vector<1000x1xf32>
    %mul3A_190 = arith.constant 2.000000e+00 : f32
    %mul3A_191 = vector.broadcast %mul3A_190 : f32 to vector<1000x1xf32>
    %mul3A_192 = arith.mulf %mul3A_191, %add3A_189 : vector<1000x1xf32>
    %sub3A = arith.constant 4.000000e+00 : f32
    %sub3A_193 = vector.broadcast %sub3A : f32 to vector<1000x1xf32>
    %sub3A_194 = arith.subf %sub3A_193, %mul3A_192 : vector<1000x1xf32>
    %reduce_sum3A_195 = vector.shape_cast %sub3A_194 : vector<1000x1xf32> to vector<1x1000x1xf32>
    %reduce_sum3A_196 = arith.constant dense<0.000000e+00> : vector<1xf32>
    %reduce_sum3A_197 = vector.multi_reduction <add>, %reduce_sum3A_195, %reduce_sum3A_196 [1, 2] : vector<1x1000x1xf32> to vector<1xf32>
    %reduce_sum3A_198 = vector.shape_cast %reduce_sum3A_197 : vector<1xf32> to vector<1x1x1xf32>
    %reduce_sum3A_199 = vector.extract %reduce_sum3A_198[0, 0, 0] : f32 from vector<1x1x1xf32>
    %eq3A = arith.constant 0 : i32
    %eq3A_200 = arith.cmpi eq, %arg0, %eq3A : i32
    %convert_element_type3A = arith.extui %eq3A_200 : i1 to i32
    %cond3A = arith.constant 0 : i32
    %cond3A_201 = arith.cmpi ne, %convert_element_type3A, %cond3A : i32
    scf.if %cond3A_201 {
      %broadcast_in_dim3A_210 = arith.constant 0.000000e+00 : f32
      %broadcast_in_dim3A_211 = vector.broadcast %broadcast_in_dim3A_210 : f32 to vector<1x1xf32>
      %swap3A_212 = arith.constant 0 : index
      %swap3A_213 = arith.constant 0 : index
      %swap3A_214 = vector.load %arg17[%swap3A_212, %swap3A_213] : memref<1x1xf32, #tpu.memory_space<vmem>>, vector<1x1xf32>
      tpu.vector_store %arg17[%swap3A_212, %swap3A_213], %broadcast_in_dim3A_211 {strides = array<i32>} : memref<1x1xf32, #tpu.memory_space<vmem>>, vector<1x1xf32>,
    } else {
    }
    %get3A_202 = arith.constant 0 : index
    %get3A_203 = arith.constant 0 : index
    %get3A_204 = vector.load %arg17[%get3A_202, %get3A_203] : memref<1x1xf32, #tpu.memory_space<vmem>>, vector<1x1xf32>
    %add3A_205 = vector.broadcast %reduce_sum3A_199 : f32 to vector<1x1xf32>
    %add3A_206 = arith.addf %get3A_204, %add3A_205 : vector<1x1xf32>
    %swap3A_207 = arith.constant 0 : index
    %swap3A_208 = arith.constant 0 : index
    %swap3A_209 = vector.load %arg17[%swap3A_207, %swap3A_208] : memref<1x1xf32, #tpu.memory_space<vmem>>, vector<1x1xf32>
    tpu.vector_store %arg17[%swap3A_207, %swap3A_208], %add3A_206 {strides = array<i32>} : memref<1x1xf32, #tpu.memory_space<vmem>>, vector<1x1xf32>,
    return
  }
  func.func @transform_0(%arg0: i32) -> (i32, i32, i32) {
    %c0_i32 = arith.constant 0 : i32
    %c0_i32_0 = arith.constant 0 : i32
    %c0_i32_1 = arith.constant 0 : i32
    return %c0_i32, %arg0, %c0_i32_0 : i32, i32, i32
  }
  func.func @transform_1(%arg0: i32) -> (i32, i32, i32) {
    %c1_i32 = arith.constant 1 : i32
    %c0_i32 = arith.constant 0 : i32
    %c0_i32_0 = arith.constant 0 : i32
    return %c1_i32, %arg0, %c0_i32 : i32, i32, i32
  }
  func.func @transform_2(%arg0: i32) -> (i32, i32, i32) {
    %c0_i32 = arith.constant 0 : i32
    %c0_i32_0 = arith.constant 0 : i32
    %c0_i32_1 = arith.constant 0 : i32
    return %c0_i32, %arg0, %c0_i32_0 : i32, i32, i32
  }
  func.func @transform_3(%arg0: i32) -> (i32, i32) {
    %c0_i32 = arith.constant 0 : i32
    %c0_i32_0 = arith.constant 0 : i32
    %c0_i32_1 = arith.constant 0 : i32
    return %c0_i32, %c0_i32_0 : i32, i32
  }
  func.func @transform_4(%arg0: i32) -> (i32, i32) {
    %c0_i32 = arith.constant 0 : i32
    %c0_i32_0 = arith.constant 0 : i32
    %c0_i32_1 = arith.constant 0 : i32
    return %c0_i32, %c0_i32_0 : i32, i32
  }
  func.func @transform_5(%arg0: i32) -> (i32, i32) {
    %c0_i32 = arith.constant 0 : i32
    %c0_i32_0 = arith.constant 0 : i32
    %c0_i32_1 = arith.constant 0 : i32
    return %c0_i32, %c0_i32_0 : i32, i32
  }
  func.func @transform_6(%arg0: i32) -> (i32, i32) {
    %c0_i32 = arith.constant 0 : i32
    %c0_i32_0 = arith.constant 0 : i32
    %c0_i32_1 = arith.constant 0 : i32
    return %c0_i32, %c0_i32_0 : i32, i32
  }
  func.func @transform_7(%arg0: i32) -> (i32, i32) {
    %c0_i32 = arith.constant 0 : i32
    %c0_i32_0 = arith.constant 0 : i32
    %c0_i32_1 = arith.constant 0 : i32
    return %c0_i32, %c0_i32_0 : i32, i32
  }
  func.func @transform_8(%arg0: i32) -> (i32, i32) {
    %c0_i32 = arith.constant 0 : i32
    %c0_i32_0 = arith.constant 0 : i32
    %c0_i32_1 = arith.constant 0 : i32
    return %c0_i32, %c0_i32_0 : i32, i32
  }
  func.func @transform_9(%arg0: i32) -> (i32, i32) {
    %c0_i32 = arith.constant 0 : i32
    %c0_i32_0 = arith.constant 0 : i32
    %c0_i32_1 = arith.constant 0 : i32
    return %c0_i32, %c0_i32_0 : i32, i32
  }
  func.func @transform_10(%arg0: i32) -> (i32, i32) {
    %c0_i32 = arith.constant 0 : i32
    %c0_i32_0 = arith.constant 0 : i32
    %c0_i32_1 = arith.constant 0 : i32
    return %c0_i32, %c0_i32_0 : i32, i32
  }
  func.func @transform_11(%arg0: i32) -> (i32, i32) {
    %c0_i32 = arith.constant 0 : i32
    %c0_i32_0 = arith.constant 0 : i32
    %c0_i32_1 = arith.constant 0 : i32
    return %c0_i32, %c0_i32_0 : i32, i32
  }
  func.func @transform_12(%arg0: i32) -> (i32, i32) {
    %c0_i32 = arith.constant 0 : i32
    %c0_i32_0 = arith.constant 0 : i32
    %c0_i32_1 = arith.constant 0 : i32
    return %c0_i32, %c0_i32_0 : i32, i32
  }
  func.func @transform_13(%arg0: i32) -> (i32, i32) {
    %c0_i32 = arith.constant 0 : i32
    %c0_i32_0 = arith.constant 0 : i32
    %c0_i32_1 = arith.constant 0 : i32
    return %c0_i32, %c0_i32_0 : i32, i32
  }
  func.func @transform_14(%arg0: i32) -> (i32, i32) {
    %c0_i32 = arith.constant 0 : i32
    %c0_i32_0 = arith.constant 0 : i32
    return %arg0, %c0_i32 : i32, i32
  }
  func.func @transform_15(%arg0: i32) -> (i32, i32) {
    %c0_i32 = arith.constant 0 : i32
    %c0_i32_0 = arith.constant 0 : i32
    return %arg0, %c0_i32 : i32, i32
  }
  func.func @transform_16(%arg0: i32) -> (i32, i32) {
    %c0_i32 = arith.constant 0 : i32
    %c0_i32_0 = arith.constant 0 : i32
    %c0_i32_1 = arith.constant 0 : i32
    return %c0_i32, %c0_i32_0 : i32, i32
  }
}

</mosaic_0001>

<sc_bundles>
// kernel: kernel.6.cloned.1.call-start
scs
__scs_entry_jumppad:
0x0: {  	(pc) =	sbr.rel $0x88, $3  }
0x1: {  	(tag) =	ssettag $0x0;
	lr =	simm.s32 $0x1  }
0x2: {  	[smem:$0x3F91] =	sst lr;
	_ =	strace $0xD0000000  }
0x3: {  	_ = 	snop  }
0x4: {  	_ = 	snop  }
0x5: {  	_ = 	snop  }
0x6: {  	_ = 	snop  }
0x7: {  	_ = 	snop  }
__scs_overlays_trampoline_lowered:
0x8: {  	[smem:$0x3FA0] =	sst s0  }
0x9: {  	[smem:$0x3FA1] =	sst s1  }
0xa: {  	[smem:$0x3FA2] =	sst s2  }
0xb: {  	[smem:$0x3FA3] =	sst s3  }
0xc: {  	[smem:$0x3FA4] =	sst s4  }
0xd: {  	[smem:$0x3FA5] =	sst s5  }
0xe: {  	[smem:$0x3FA6] =	sst s6  }
0xf: {  	[smem:$0x3FA7] =	sst s7  }
0x10: {  	[smem:$0x3FA8] =	sst s8  }
0x11: {  	[smem:$0x3FA9] =	sst s9;
	s0 =	simm.s32 @!p0 $0x0  }
0x12: {  	s1 =	sld [smem:$0x3F8F];
	s0 =	simm.s32 @p0 $0x1  }
0x13: {  	[smem:$0x3FAA] =	sst s0;
	s0 =	simm.s32 @!p1 $0x0  }
0x14: {  	s2 =	sld [smem:$0x3F8E];
	s0 =	simm.s32 @p1 $0x1  }
0x15: {  	[smem:$0x3FAB] =	sst s0;
	s0 =	simm.s32 @!p2 $0x0  }
0x16: {  	s3 =	sld [smem:$0x3FDB];
	s0 =	simm.s32 @p2 $0x1  }
0x17: {  	s4 =	simm.s32 $0x1BF5;
	[smem:$0x3FAD] =	sst s0  }
0x18: {  	s0 =	sld [smem:$0x3F90];
	_ =	swait.ge [sflag:s4], $0x0  }
0x19: {  	s7 =	sld [smem:$0x3F91]  }
0x1a: {  	s8 =	sadd.s32 $0xFFFFE003, lr  }
0x1b: {  	s9 =	sadd.s32 $0xFFFFFEF7, lr;
	s5 =	simm.s32 $0xFFFFFFFF;
	p2 =	slt.u32 s8, $0xFFFFF086  }
0x1c: {  	p1 =	slt.u32 s9, $0xF7A;
	s5 =	simm.s32 @!p2 $0x0  }
0x1d: {  	s5 =	simm.s32 @p1 $0x1;
	p0 =	seq.s32 s7, s2  }
0x1e: {  	s7 =	smul.u32 @!p0 $0xF7A, s2;
	p2 =	seq.s32 @!p0 s5, $0x0  }
0x1f: {  	s9 =	smul.u32 $0xF7A, s1;
	s8 =	simm.s32 @!p0 $0x1BF5;
	p2 =	por !p2, p0  }
0x20: {  	[sflag:s8] =	ssyncset.s32 @!p0 $0xFFFFF086;
	s6 =	sadd.s32 @!p0 s3, s7;
	s7 =	simm.s32 @!p0 $0x108  }
0x21: {  	s3 =	sadd.s32 s3, s9;
	s6 =	sadd.s32 @!p0 $0x88, s6;
	s7 =	simm.s32 @p2 $0x1082  }
0x22: {  	[simem:s7], [sflag:s8] =	dma.local @!p0 [hbm:s6], $0xF7A  }
0x23: {  	s9 =	sor.u32 $0xD0000000, s2;
	s6 =	simm.s32 $0x108;
	_ =	swait.ge @!p0 [sflag:s8], $0x0  }
0x24: {  	s3 =	sadd.s32 $0x88, s3;
	s6 =	simm.s32 @!p1 $0x1082;
	[sflag:s4] =	ssyncset.s32 $0xFFFFF086  }
0x25: {  	[simem:s6], [sflag:s4] =	dma.local [hbm:s3], $0xF7A  }
0x26: {  	[smem:$0x3F91] =	sst s1;
	(tag) =	ssettag s2;
	_ =	strace s9  }
0x27: {  	s1 =	sld [smem:$0x3FA1]  }
0x28: {  	s2 =	sld [smem:$0x3FA2]  }
0x29: {  	s4 =	sld [smem:$0x3FA4]  }
0x2a: {  	p0 =	seq.s32 s5, $0x0;
	s5 =	sld [smem:$0x3FA5]  }
0x2b: {  	s6 =	sld [smem:$0x3FA6]  }
0x2c: {  	s7 =	sld [smem:$0x3FA7]  }
0x2d: {  	s3 =	simm.s32 $0x108;
	s8 =	sld [smem:$0x3FA8]  }
0x2e: {  	s3 =	simm.s32 @!p0 $0x1082;
	s9 =	sld [smem:$0x3FA9]  }
0x2f: {  	lr =	sadd.s32 s0, s3;
	s0 =	sld [smem:$0x3FA0]  }
0x30: {  	s3 =	sld [smem:$0x3FA3]  }
0x31: {  	[smem:$0x3FAC] =	sst s10  }
0x32: {  	s10 =	sld [smem:$0x3FAA];
	_ =	sdelay $0x3  }
0x33: {  	p0 =	seq.s32 s10, $0x1;
	s10 =	sld [smem:$0x3FAC];
	_ =	sdelay $0x3  }
0x34: {  	[smem:$0x3FAC] =	sst s10  }
0x35: {  	s10 =	sld [smem:$0x3FAB];
	_ =	sdelay $0x3  }
0x36: {  	p1 =	seq.s32 s10, $0x1;
	s10 =	sld [smem:$0x3FAC];
	_ =	sdelay $0x3  }
0x37: {  	[smem:$0x3FAC] =	sst s10  }
0x38: {  	s10 =	sld [smem:$0x3FAD]  }
0x39: {  	_ = 	snop;
	(pc) =	sbr.ind lr, $3  }
0x3a: {  	_ = 	snop  }
0x3b: {  	_ = 	snop  }
0x3c: {  	p2 =	seq.s32 s10, $0x1;
	s10 =	sld [smem:$0x3FAC]  }
0x3d: {  	_ =	shalt  }
0x3e: {  	_ =	shalt  }
0x3f: {  	_ =	shalt  }
0x40: {  	_ =	shalt  }
0x41: {  	_ =	shalt  }
0x42: {  	_ =	shalt  }
0x43: {  	_ =	shalt  }
0x44: {  	_ =	shalt  }
0x45: {  	_ =	shalt  }
0x46: {  	_ =	shalt  }
0x47: {  	_ =	shalt  }
0x48: {  	_ =	shalt  }
0x49: {  	_ =	shalt  }
0x4a: {  	_ =	shalt  }
0x4b: {  	_ =	shalt  }
0x4c: {  	_ =	shalt  }
0x4d: {  	_ =	shalt  }
0x4e: {  	_ =	shalt  }
0x4f: {  	_ =	shalt  }
0x50: {  	_ =	shalt  }
0x51: {  	_ =	shalt  }
0x52: {  	_ =	shalt  }
0x53: {  	_ =	shalt  }
0x54: {  	_ =	shalt  }
0x55: {  	_ =	shalt  }
0x56: {  	_ =	shalt  }
0x57: {  	_ =	shalt  }
0x58: {  	_ =	shalt  }
0x59: {  	_ =	shalt  }
0x5a: {  	_ =	shalt  }
0x5b: {  	_ =	shalt  }
0x5c: {  	_ =	shalt  }
0x5d: {  	_ =	shalt  }
0x5e: {  	_ =	shalt  }
0x5f: {  	_ =	shalt  }
0x60: {  	_ =	shalt  }
0x61: {  	_ =	shalt  }
0x62: {  	_ =	shalt  }
0x63: {  	_ =	shalt  }
0x64: {  	_ =	shalt  }
0x65: {  	_ =	shalt  }
0x66: {  	_ =	shalt  }
0x67: {  	_ =	shalt  }
0x68: {  	_ =	shalt  }
0x69: {  	_ =	shalt  }
0x6a: {  	_ =	shalt  }
0x6b: {  	_ =	shalt  }
0x6c: {  	_ =	shalt  }
0x6d: {  	_ =	shalt  }
0x6e: {  	_ =	shalt  }
0x6f: {  	_ =	shalt  }
0x70: {  	_ =	shalt  }
0x71: {  	_ =	shalt  }
0x72: {  	_ =	shalt  }
0x73: {  	_ =	shalt  }
0x74: {  	_ =	shalt  }
0x75: {  	_ =	shalt  }
0x76: {  	_ =	shalt  }
0x77: {  	_ =	shalt  }
0x78: {  	_ =	shalt  }
0x79: {  	_ =	shalt  }
0x7a: {  	_ =	shalt  }
0x7b: {  	_ =	shalt  }
0x7c: {  	_ =	shalt  }
0x7d: {  	_ =	shalt  }
0x7e: {  	_ =	shalt  }
0x7f: {  	_ =	shalt  }
0x80: {  	_ =	shalt  }
0x81: {  	_ =	shalt  }
0x82: {  	_ =	shalt  }
0x83: {  	_ =	shalt  }
0x84: {  	_ =	shalt  }
0x85: {  	_ =	shalt  }
0x86: {  	_ =	shalt  }
0x87: {  	_ =	shalt  }
.Lfunc_end0:
.L_simem_size_0:
called_computation_lowered:
.L_overlay_start_0:
0x88: {  	s2 =	sld [smem:$0x3FD9]  }
0x89: {  	s3 =	sld [smem:$0x3FFE];
	_ =	sdelay $0x1  }
0x8a: {  	s1 =	srdreg.scid  }
0x8b: {  	s0 =	sand.u32 $0x1, s1  }
0x8c: {  	s14 =	sshll.u32 s0, $0xA;
	s2 =	sadd.s32 s3, s2  }
0x8d: {  	s2 =	sadd.s32 s2, s14  }
0x8e: {  	[smem:$0x3FB8] =	sst s2  }
0x8f: {  	_ = 	snop  }
0x90: {  	s2 =	sld [smem:$0x3FD0];
	_ =	sdelay $0x2  }
0x91: {  	s15 =	simm.s32 $0xA;
	s4 =	simm.s32 $0x10  }
0x92: {  	[smem:s4], [sflag:s15] =	dma.local [hbm:s2], $0x1  }
0x93: {  	_ =	swait.eq [sflag:s15], $0x1  }
0x94: {  	[sflag:s15] =	ssyncset.done $0x0  }
0x95: {  	[sflag:s15] =	ssyncadd.s32 $0xFFFFFFFF  }
0x96: {  	s16 =	sld [smem:$0x10];
	(tm) =	ssettm $0x1  }
0x97: {  	s17 =	sld [smem:$0x3FFB];
	_ =	sdelay $0x3  }
0x98: {  	_ =	strace s17  }
0x99: {  	s3 =	sld [smem:$0x3FFC];
	_ =	sdelay $0x3  }
0x9a: {  	_ =	strace s3  }
0x9b: {  	s3 =	sld [smem:$0x3FFD];
	_ =	sdelay $0x3  }
0x9c: {  	_ =	strace s3  }
0x9d: {  	_ =	strace $0x8FFFFFFF  }
0x9e: {  	s18 =	sld [smem:$0x3FDB];
	_ =	sdelay $0x1  }
0x9f: {  	s19 =	simm.s32 $_scs_section_size  }
0xa0: {  	s5 =	simm.s32 $_size__tile_overlayer_lowered;
	s6 =	simm.s32 $_tile_overlayer_lowered  }
0xa1: {  	s22 =	simm.s32 $0x1BFF;
	s21 =	sshll.u32 s6, $0x1;
	s3 =	sadd.s32 s19, s18  }
0xa2: {  	s7 =	simm.s32 $0x0;
	s20 =	sshll.u32 s5, $0x1;
	s5 =	sadd.s32 s21, s3  }
0xa3: {  	[timem:s7], [sflag:s22] =	dma.local [hbm:s5], s20  }
0xa4: {  	_ =	swait.ge [sflag:s22], s20  }
0xa5: {  	s4 =	ssub.s32 $0x0, s20;
	[sflag:s22] =	ssyncset.done $0x0  }
0xa6: {  	[sflag:s22] =	ssyncadd.s32 s4;
	_ =	sdelay $0x1  }
0xa7: {  	s23 =	simm.s32 $0x1B8B  }
0xa8: {  	_ =	swait.ge [sflag:s23], $0x1  }
0xa9: {  	[sflag:s23] =	ssyncset.done $0x0  }
0xaa: {  	s25 =	simm.s32 $0x1B8E;
	s24 =	sld [smem:$0x3FFE];
	[sflag:s23] =	ssyncadd.s32 $0xFFFFFFFF  }
0xab: {  	s26 =	simm.s32 $execute0_lowered;
	[smem:$0x3FD2] =	sst s25  }
0xac: {  	s5 =	sshll.u32 s26, $0x1;
	_ =	strace $0x80000046;
	[dreg:$0x1] =	wrdreg $0xFFFFFFFF  }
0xad: {  	s28 =	simm.s32 $_size_execute0_lowered;
	s3 =	sadd.s32 s3, s5;
	[dreg:$0x0] =	wrdreg $0x0  }
0xae: {  	s5 =	sshll.u32 s28, $0x1;
	[dreg:$0x2] =	wrdreg s3  }
0xaf: {  	[dreg:$0x3] =	wrdreg s5  }
0xb0: {  	[dreg:$0x4] =	wrdreg $0xC0  }
0xb1: {  	_ =	task [dreg:s7], $0x5FFFF  }
0xb2: {  	[dreg:$0x1] =	wrdreg $0xFFFFFFFF  }
0xb3: {  	[dreg:$0x0] =	wrdreg $0x60  }
0xb4: {  	[dreg:$0x2] =	wrdreg s16  }
0xb5: {  	[dreg:$0x3] =	wrdreg s24  }
0xb6: {  	[dreg:$0x4] =	wrdreg $0xA0000  }
0xb7: {  	[dreg:$0x5] =	wrdreg $0x9  }
0xb8: {  	_ =	task.clear_ibuf [dreg:s7], $0x6FFFF;
	_ =	strace $0x90000046  }
0xb9: {  	s29 =	simm.s32 $0x9;
	_ =	strace $0x80000048  }
0xba: {  	_ =	swait.ge [sflag:s29], $0x1  }
0xbb: {  	[sflag:s29] =	ssyncadd.s32 $0xFFFFFFFF  }
0xbc: {  	_ =	strace $0x90000048  }
0xbd: {  	_ =	sfence  }
0xbe: {  	s30 =	sld [smem:$0x0];
	_ =	sdelay $0x2  }
0xbf: {  	s31 =	sshll.u32 s1, $0xD;
	s1 =	sshrl.u32 s1, $0x2  }
0xc0: {  	s3 =	sand.u32 $0x4000, s31;
	s1 =	sadd.s32 s1, s30  }
0xc1: {  	s0 =	sor.u32 s3, s0;
	s1 =	sshll.u32 s1, $0x11  }
0xc2: {  	s0 =	sor.u32 s1, s0  }
0xc3: {  	s0 =	sadd.s32 $0x8F2B, s0  }
0xc4: {  	[sflag:s0] =	ssyncadd.remote.s32 $0x1  }
0xc5: {  	_ =	sfence.sel $0xFFFF  }
0xc6: {  	[dreg:$0x0] =	wrdreg $0xFFFFFFFF;
	(pc) =	sbr.abs _section_cstart, $3  }
0xc7: {  	[dreg:$0x1] =	wrdreg $0xFFFFFFFF  }
0xc8: {  	_ =	task.clear_ibuf [dreg:s7], $0x2FFFF;
	_ =	strace $0x9FFFFFFF  }
0xc9: {  	(tm) =	ssettm $0x7FFFFFFF  }
tec
execute0_lowered:
.L_overlay_start_1:
0x0: {  	(tag) =	ssettag $0x1  }
0x1: {  	s0 =	rddreg [dreg:$0x0]  }
0x2: {  	s1 =	rddreg [dreg:$0x1];
	s9 =	stileid.u32  }
0x3: {  	s2 =	srdreg.scid;
	s4 =	smul.u32 $0x280, s9  }
0x4: {  	s3 =	rddreg [dreg:$0x2];
	s6 =	simm.s32 $0x0;
	s25 =	smul.u32 $0xA00, s9  }
0x5: {  	s2 =	sand.u32 $0x1, s2;
	[smem:$0x7FF] =	sst s6;
	s12 =	smul.u32 $0x5000, s9  }
0x6: {  	p0 =	seq.s32 s9, $0xF;
	s5 =	smul.u32 $0x2800, s2;
	_ =	strace $0x80000047  }
0x7: {  	s26 =	ssub.s32 $0x2, s2;
	s7 =	sadd.s32 s25, s1;
	s6 =	sadd.s32 s0, s25  }
0x8: {  	s8 =	sshrl.u32 s26, $0x1;
	s0 =	sadd.s32 $0x9600, s0;
	[dreg:$0x4] =	wrdreg s6  }
0x9: {  	s4 =	sadd.s32 s4, s5;
	s5 =	ssub.s32 s26, s8;
	[dreg:$0x5] =	wrdreg s0  }
0xa: {  	s13 =	sadd.s32 $0xD400, s7;
	s6 =	simm.s32 $0x64;
	s0 =	sshrl.u32 s12, $0x2  }
0xb: {  	s4 =	sshrl.u32 s4, $0x3;
	[dreg:$0x6] =	wrdreg s13;
	s6 =	simm.s32 @!p0 $0xA0  }
0xc: {  	s8 =	sadd.s32 s0, s3;
	s7 =	smax.u32 s5, $0x1;
	[dreg:$0x8] =	wrdreg s6  }
0xd: {  	s4 =	sadd.s32 s4, s1;
	s1 =	sadd.s32 $0x16A00, s1;
	[dreg:$0x19] =	wrdreg s7  }
0xe: {  	s16 =	sadd.s32 $0x80, s8;
	[dreg:$0x7] =	wrdreg s1  }
0xf: {  	s17 =	sadd.s32 $0x100, s8;
	[dreg:$0xa] =	wrdreg s16  }
0x10: {  	s18 =	sadd.s32 $0x180, s8;
	[dreg:$0xb] =	wrdreg s17  }
0x11: {  	s19 =	sadd.s32 $0x200, s8;
	[dreg:$0xc] =	wrdreg s18  }
0x12: {  	s20 =	sadd.s32 $0x280, s8;
	[dreg:$0xd] =	wrdreg s19  }
0x13: {  	s10 =	sshrl.u32 s9, $0x3;
	s21 =	sadd.s32 $0x300, s8;
	[dreg:$0xe] =	wrdreg s20  }
0x14: {  	s14 =	sshll.u32 s9, $0x7;
	s22 =	sadd.s32 $0x380, s8;
	[dreg:$0xf] =	wrdreg s21  }
0x15: {  	p3 =	seq.s32 s2, $0x1;
	s23 =	sadd.s32 $0x14000, s8;
	[dreg:$0x10] =	wrdreg s22  }
0x16: {  	s11 =	smul.u32 $0x50000, s10;
	s24 =	sadd.s32 $0x14080, s8;
	[dreg:$0x11] =	wrdreg s23  }
0x17: {  	p1 =	seq.s32 @p3 s9, $0xF;
	s25 =	sadd.s32 $0x14100, s8;
	[dreg:$0x12] =	wrdreg s24  }
0x18: {  	s2 =	sshrl.u32 s11, $0x2;
	s26 =	sadd.s32 $0x14180, s8;
	[dreg:$0x13] =	wrdreg s25  }
0x19: {  	s2 =	sadd.s32 s2, s3;
	s3 =	sadd.s32 $0x14300, s8;
	[dreg:$0x14] =	wrdreg s26  }
0x1a: {  	p4 =	seq.s32 @!p3 s9, $0xF;
	s9 =	sadd.s32 $0x14380, s8;
	[dreg:$0x17] =	wrdreg s3  }
0x1b: {  	s10 =	sadd.s32 $0x400, s8;
	[dreg:$0x1a] =	wrdreg s9  }
0x1c: {  	s11 =	sadd.s32 $0x800, s8;
	[dreg:$0x1b] =	wrdreg s10  }
0x1d: {  	s12 =	sadd.s32 $0xC00, s8;
	[dreg:$0x1c] =	wrdreg s11  }
0x1e: {  	s13 =	sadd.s32 $0x1000, s8;
	[dreg:$0x1d] =	wrdreg s12  }
0x1f: {  	s5 =	sadd.s32 $0xA80, s8;
	[dreg:$0x1e] =	wrdreg s13  }
0x20: {  	s7 =	sadd.s32 $0x1280, s8;
	[smem:$0x7E9] =	sst s5  }
0x21: {  	s6 =	sadd.s32 $0x17200, s4;
	[smem:$0x7EB] =	sst s7  }
0x22: {  	s1 =	sand.u32 $0x380, s14;
	s14 =	sadd.s32 $0x480, s8;
	[dreg:$0x18] =	wrdreg s6  }
0x23: {  	s16 =	sadd.s32 $0xC80, s8;
	[dreg:$0x1f] =	wrdreg s14  }
0x24: {  	s17 =	sadd.s32 $0x1080, s8;
	[smem:$0x7DA] =	sst s16  }
0x25: {  	s18 =	sadd.s32 $0x500, s8;
	[smem:$0x7DB] =	sst s17  }
0x26: {  	s19 =	sadd.s32 $0x900, s8;
	[smem:$0x7DC] =	sst s18  }
0x27: {  	s20 =	sadd.s32 $0xD00, s8;
	[smem:$0x7DD] =	sst s19  }
0x28: {  	s21 =	sadd.s32 $0x1100, s8;
	[smem:$0x7DE] =	sst s20  }
0x29: {  	s22 =	sadd.s32 $0x580, s8;
	[smem:$0x7DF] =	sst s21  }
0x2a: {  	s23 =	sadd.s32 $0x980, s8;
	[smem:$0x7E0] =	sst s22  }
0x2b: {  	s24 =	sadd.s32 $0xD80, s8;
	[smem:$0x7E1] =	sst s23  }
0x2c: {  	s25 =	sadd.s32 $0x1180, s8;
	[smem:$0x7E2] =	sst s24  }
0x2d: {  	s26 =	sadd.s32 $0x600, s8;
	[smem:$0x7E3] =	sst s25  }
0x2e: {  	s3 =	sadd.s32 $0x1200, s8;
	[smem:$0x7E4] =	sst s26  }
0x2f: {  	s4 =	sadd.s32 $0x680, s8;
	[smem:$0x7E7] =	sst s3  }
0x30: {  	s9 =	sadd.s32 $0x700, s8;
	[smem:$0x7E8] =	sst s4  }
0x31: {  	s10 =	sadd.s32 $0xB00, s8;
	[smem:$0x7EC] =	sst s9  }
0x32: {  	s11 =	sadd.s32 $0xF00, s8;
	[smem:$0x7ED] =	sst s10  }
0x33: {  	s12 =	sadd.s32 $0x1300, s8;
	[smem:$0x7EE] =	sst s11  }
0x34: {  	p2 =	por !p4, p3;
	s13 =	sadd.s32 $0x780, s8;
	[smem:$0x7EF] =	sst s12  }
0x35: {  	p0 =	por !p1, !p3;
	s15 =	sadd.s32 s1, s2;
	[smem:$0x7F0] =	sst s13  }
0x36: {  	p1 =	por p1, !p3;
	s1 =	sadd.s32 $0x14200, s8;
	[dreg:$0x9] =	wrdreg s15  }
0x37: {  	p3 =	por p4, p3;
	s2 =	sadd.s32 $0x14280, s8;
	[dreg:$0x15] =	wrdreg s1  }
0x38: {  	s0 =	simm.s32 $0x5000;
	s6 =	sadd.s32 $0xE80, s8;
	[dreg:$0x16] =	wrdreg s2  }
0x39: {  	s28 =	sadd.s32 $0x15300, s8;
	s14 =	sadd.s32 $0xB80, s8;
	[smem:$0x7EA] =	sst s6  }
0x3a: {  	s29 =	sadd.s32 $0x14780, s8;
	s16 =	sadd.s32 $0x1380, s8;
	[smem:$0x7F1] =	sst s14  }
0x3b: {  	s30 =	sadd.s32 $0x14B80, s8;
	s17 =	sadd.s32 $0x14400, s8;
	[smem:$0x7F3] =	sst s16  }
0x3c: {  	s31 =	sadd.s32 $0x14F80, s8;
	s18 =	sadd.s32 $0x14800, s8;
	[smem:$0x7F4] =	sst s17  }
0x3d: {  	s7 =	simm.s32 $0x0;
	s19 =	sadd.s32 $0x14C00, s8;
	[smem:$0x7F5] =	sst s18  }
0x3e: {  	s20 =	sadd.s32 $0x15000, s8;
	s21 =	sadd.s32 $0x14480, s8;
	[smem:$0x7F6] =	sst s19  }
0x3f: {  	s22 =	sadd.s32 $0x14880, s8;
	s23 =	sadd.s32 $0x14C80, s8;
	[smem:$0x7F7] =	sst s20  }
0x40: {  	s24 =	sadd.s32 $0x15080, s8;
	s25 =	sadd.s32 $0x14500, s8;
	[smem:$0x7F8] =	sst s21  }
0x41: {  	s26 =	sadd.s32 $0x14900, s8;
	s10 =	sadd.s32 $0x14D00, s8;
	[smem:$0x7F9] =	sst s22  }
0x42: {  	s11 =	sadd.s32 $0x15100, s8;
	s12 =	sadd.s32 $0x14580, s8;
	[smem:$0x7FA] =	sst s23  }
0x43: {  	s13 =	sadd.s32 $0x14980, s8;
	s15 =	sadd.s32 $0x880, s8;
	[smem:$0x7FB] =	sst s24  }
0x44: {  	s1 =	sadd.s32 $0xA00, s8;
	s2 =	sadd.s32 $0xE00, s8;
	[smem:$0x7FC] =	sst s25  }
0x45: {  	[smem:$0x7FD] =	sst s26;
	s14 =	sadd.s32 $0x14D80, s8;
	s16 =	sadd.s32 $0x14600, s8  }
0x46: {  	s17 =	sadd.s32 $0x14A00, s8;
	s18 =	sadd.s32 $0x14E00, s8;
	s19 =	sadd.s32 $0x15200, s8  }
0x47: {  	s20 =	sadd.s32 $0x14680, s8;
	s21 =	sadd.s32 $0x14A80, s8;
	s22 =	sadd.s32 $0x14E80, s8  }
0x48: {  	s23 =	sadd.s32 $0x15280, s8;
	s24 =	sadd.s32 $0x14700, s8;
	[smem:$0x7D9] =	sst s15  }
0x49: {  	s25 =	sadd.s32 $0x14B00, s8;
	s26 =	sadd.s32 $0x14F00, s8;
	[smem:$0x7E5] =	sst s1  }
0x4a: {  	[smem:$0x7E6] =	sst s2;
	s15 =	sadd.s32 $0xF80, s8;
	s1 =	sadd.s32 $0x15380, s8  }
0x4b: {  	v0 =	vimm.f32 $0.0e+00;
	v1 =	vimm.f32 $1.000000000e+00;
	s2 =	simm.s32 $0x1;
	[smem:$0x7F2] =	sst s15;
	s15 =	sadd.s32 $0x15180, s8  }
.LBB2_1:
0x4c: {  	s3 =	simm.s32 $0x40;
	s4 =	simm.s32 $0x0  }
.LBB2_2:
0x4d: {  	p4 =	sne.s32 s3, $0x9FC0;
	[tilespmem:s4+$0x5000] =	vst v0;
	s4 =	smov.u32 s3;
	s3 =	sadd.s32 $0x40, s3  }
.Ltmp0:
0x4e: {  	(pc) =	sbr.rel @p4 .LBB2_2-.Ltmp0, $2  }
0x4f: {  	_ =	sdelay $0x2  }
0x50: {  	s4 =	sshra.s32 s4, $0x2  }
0x51: {  	[tilespmem:s4+$0x5000] =	vst v0;
	s3 =	simm.s32 @!p0 $0x0;
	s4 =	rddreg [dreg:$0x7]  }
0x52: {  	[tilespmem:s3], [sflag:$0x1] =	stream.linear.gather @!p0 [hbm4b:s4+s3], $0x3200, $0x38;
	[tilespmem:$0xC800] =	vst v63  }
0x53: {  	s3 =	simm.s32 @!p0 $0x1  }
0x54: {  	_ =	swait.ge @!p0 [sflag:s3], $0x3200  }
0x55: {  	[sflag:s3] =	ssyncset.done @!p0 $0x0  }
0x56: {  	s4 =	rddreg [dreg:$0x6];
	[sflag:s3] =	ssyncadd.s32 @!p0 $0xFFFFCE00;
	s3 =	simm.s32 @!p1 $0x0  }
0x57: {  	[tilespmem:s3], [sflag:$0x1] =	stream.linear.gather @!p1 [hbm4b:s4+s3], $0x5000, $0x38;
	[tilespmem:$0xC800] =	vst v63  }
0x58: {  	s3 =	simm.s32 @!p1 $0x1  }
0x59: {  	_ =	swait.ge @!p1 [sflag:s3], $0x5000  }
0x5a: {  	[sflag:s3] =	ssyncset.done @!p1 $0x0  }
0x5b: {  	s4 =	rddreg [dreg:$0x5];
	[sflag:s3] =	ssyncadd.s32 @!p1 $0xFFFFB000;
	s3 =	simm.s32 @!p2 $0x0  }
0x5c: {  	[tilespmem:s3], [sflag:$0x1] =	stream.linear.gather @!p2 [hbm4b:s4+s3], $0x3200, $0x38;
	[tilespmem:$0xC800] =	vst v63  }
0x5d: {  	s3 =	simm.s32 @!p2 $0x1  }
0x5e: {  	_ =	swait.ge @!p2 [sflag:s3], $0x3200  }
0x5f: {  	[sflag:s3] =	ssyncset.done @!p2 $0x0  }
0x60: {  	s4 =	rddreg [dreg:$0x4];
	[sflag:s3] =	ssyncadd.s32 @!p2 $0xFFFFCE00;
	s3 =	simm.s32 @!p3 $0x0  }
0x61: {  	[tilespmem:s3], [sflag:$0x1] =	stream.linear.gather @!p3 [hbm4b:s4+s3], $0x5000, $0x38;
	[tilespmem:$0xC800] =	vst v63  }
0x62: {  	s3 =	simm.s32 @!p3 $0x1  }
0x63: {  	_ =	swait.ge @!p3 [sflag:s3], $0x5000  }
0x64: {  	[sflag:s3] =	ssyncset.done @!p3 $0x0  }
0x65: {  	s4 =	rddreg [dreg:$0x8];
	[sflag:s3] =	ssyncadd.s32 @!p3 $0xFFFFB000;
	s3 =	simm.s32 $0x40  }
.LBB2_4:
0x66: {  	v2 =	vld [tilespmem:s3+$0xFFFFFFC0];
	_ =	sdelay $0x7  }
0x67: {  	[tilespmem:v2+s0+$0x0] =	vst.idx.add.f32.msk $0xffff, v1  }
0x68: {  	v2 =	vld [tilespmem:s3+$0xFFFFFFD0];
	_ =	sdelay $0x7  }
0x69: {  	[tilespmem:v2+s0+$0x0] =	vst.idx.add.f32.msk $0xffff, v1  }
0x6a: {  	v2 =	vld [tilespmem:s3+$0xFFFFFFE0];
	_ =	sdelay $0x7  }
0x6b: {  	[tilespmem:v2+s0+$0x0] =	vst.idx.add.f32.msk $0xffff, v1  }
0x6c: {  	v2 =	vld [tilespmem:s3+$0xFFFFFFF0];
	_ =	sdelay $0x7  }
0x6d: {  	[tilespmem:v2+s0+$0x0] =	vst.idx.add.f32.msk $0xffff, v1  }
0x6e: {  	v2 =	vld [tilespmem:s3+$0x0];
	_ =	sdelay $0x7  }
0x6f: {  	[tilespmem:v2+s0+$0x0] =	vst.idx.add.f32.msk $0xffff, v1  }
0x70: {  	v2 =	vld [tilespmem:s3+$0x10];
	_ =	sdelay $0x7  }
0x71: {  	[tilespmem:v2+s0+$0x0] =	vst.idx.add.f32.msk $0xffff, v1  }
0x72: {  	v2 =	vld [tilespmem:s3+$0x20];
	_ =	sdelay $0x7  }
0x73: {  	[tilespmem:v2+s0+$0x0] =	vst.idx.add.f32.msk $0xffff, v1  }
0x74: {  	v2 =	vld [tilespmem:s3+$0x30];
	_ =	sdelay $0x2  }
0x75: {  	p4 =	sne.s32 s4, $0x1  }
.Ltmp1:
0x76: {  	_ = 	snop;
	(pc) =	sbr.rel @p4 .LBB2_4-.Ltmp1, $2  }
0x77: {  	_ =	sdelay $0x2  }
0x78: {  	s4 =	sadd.s32 $0xFFFFFFFF, s4;
	s3 =	sadd.s32 $0x80, s3;
	[tilespmem:v2+s0+$0x0] =	vst.idx.add.f32.msk $0xffff, v1  }
0x79: {  	s3 =	simm.s32 $0x5000  }
0x7a: {  	s4 =	rddreg [dreg:$0x9];
	s5 =	simm.s32 $0x80;
	s6 =	simm.s32 $0x400  }
0x7b: {  	[spmem:s4] =	stream.strided.scatter [tilespmem:s3], [sflag:$0x1], $0x2800, s6, s5, $0x38;
	[tilespmem:$0xC800] =	vst v63  }
0x7c: {  	_ =	swait.ge [sflag:s2], $0x2800  }
0x7d: {  	[sflag:s2] =	ssyncset.done $0x0  }
0x7e: {  	[sflag:s2] =	ssyncadd.s32 $0xFFFFD800  }
0x7f: {  	s5 =	simm.s32 $0x7800;
	[bflag:$0x0] =	sbarrier.arrive $0xFFFF  }
0x80: {  	[tilespmem:s5], [sflag:$0x1] =	stream.linear.gather [spmem:s8], $0x80, $0x38;
	[tilespmem:$0xC800] =	vst v63  }
0x81: {  	s9 =	simm.s32 $0x7C00;
	s6 =	rddreg [dreg:$0x1b]  }
0x82: {  	[tilespmem:s9], [sflag:$0x1] =	stream.linear.gather [spmem:s6], $0x80, $0x38;
	[tilespmem:$0xC800] =	vst v63  }
0x83: {  	s6 =	rddreg [dreg:$0x1c];
	s9 =	simm.s32 $0x8000  }
0x84: {  	[tilespmem:s9], [sflag:$0x1] =	stream.linear.gather [spmem:s6], $0x80, $0x38;
	[tilespmem:$0xC800] =	vst v63  }
0x85: {  	s6 =	rddreg [dreg:$0x1d];
	s9 =	simm.s32 $0x8400  }
0x86: {  	[tilespmem:s9], [sflag:$0x1] =	stream.linear.gather [spmem:s6], $0x80, $0x38;
	[tilespmem:$0xC800] =	vst v63  }
0x87: {  	s6 =	rddreg [dreg:$0x1e];
	s9 =	simm.s32 $0x8800  }
0x88: {  	[tilespmem:s9], [sflag:$0x1] =	stream.linear.gather [spmem:s6], $0x80, $0x38;
	[tilespmem:$0xC800] =	vst v63  }
0x89: {  	_ =	swait.ge [sflag:s2], $0x280  }
0x8a: {  	[sflag:s2] =	ssyncset.done $0x0  }
0x8b: {  	s9 =	simm.s32 $0x7880;
	s6 =	rddreg [dreg:$0xa];
	[sflag:s2] =	ssyncadd.s32 $0xFFFFFD80  }
0x8c: {  	[tilespmem:s9], [sflag:$0x1] =	stream.linear.gather [spmem:s6], $0x80, $0x38;
	[tilespmem:$0xC800] =	vst v63  }
0x8d: {  	s6 =	rddreg [dreg:$0x1f];
	s9 =	simm.s32 $0x7C80  }
0x8e: {  	[tilespmem:s9], [sflag:$0x1] =	stream.linear.gather [spmem:s6], $0x80, $0x38;
	[tilespmem:$0xC800] =	vst v63  }
0x8f: {  	s6 =	sld [smem:$0x7D9];
	_ =	sdelay $0x1  }
0x90: {  	s9 =	simm.s32 $0x8080  }
0x91: {  	[tilespmem:s9], [sflag:$0x1] =	stream.linear.gather [spmem:s6], $0x80, $0x38;
	[tilespmem:$0xC800] =	vst v63  }
0x92: {  	s6 =	sld [smem:$0x7DA];
	_ =	sdelay $0x1  }
0x93: {  	s9 =	simm.s32 $0x8480  }
0x94: {  	[tilespmem:s9], [sflag:$0x1] =	stream.linear.gather [spmem:s6], $0x80, $0x38;
	[tilespmem:$0xC800] =	vst v63  }
0x95: {  	s6 =	sld [smem:$0x7DB];
	_ =	sdelay $0x1  }
0x96: {  	s9 =	simm.s32 $0x8880  }
0x97: {  	[tilespmem:s9], [sflag:$0x1] =	stream.linear.gather [spmem:s6], $0x80, $0x38;
	[tilespmem:$0xC800] =	vst v63  }
0x98: {  	_ =	swait.ge [sflag:s2], $0x280  }
0x99: {  	[sflag:s2] =	ssyncset.done $0x0  }
0x9a: {  	s9 =	simm.s32 $0x7900;
	s6 =	rddreg [dreg:$0xb];
	[sflag:s2] =	ssyncadd.s32 $0xFFFFFD80  }
0x9b: {  	[tilespmem:s9], [sflag:$0x1] =	stream.linear.gather [spmem:s6], $0x80, $0x38;
	[tilespmem:$0xC800] =	vst v63  }
0x9c: {  	s6 =	sld [smem:$0x7DC];
	_ =	sdelay $0x1  }
0x9d: {  	s9 =	simm.s32 $0x7D00  }
0x9e: {  	[tilespmem:s9], [sflag:$0x1] =	stream.linear.gather [spmem:s6], $0x80, $0x38;
	[tilespmem:$0xC800] =	vst v63  }
0x9f: {  	s6 =	sld [smem:$0x7DD];
	_ =	sdelay $0x1  }
0xa0: {  	s9 =	simm.s32 $0x8100  }
0xa1: {  	[tilespmem:s9], [sflag:$0x1] =	stream.linear.gather [spmem:s6], $0x80, $0x38;
	[tilespmem:$0xC800] =	vst v63  }
0xa2: {  	s6 =	sld [smem:$0x7DE];
	_ =	sdelay $0x1  }
0xa3: {  	s9 =	simm.s32 $0x8500  }
0xa4: {  	[tilespmem:s9], [sflag:$0x1] =	stream.linear.gather [spmem:s6], $0x80, $0x38;
	[tilespmem:$0xC800] =	vst v63  }
0xa5: {  	s6 =	sld [smem:$0x7DF];
	_ =	sdelay $0x1  }
0xa6: {  	s9 =	simm.s32 $0x8900  }
0xa7: {  	[tilespmem:s9], [sflag:$0x1] =	stream.linear.gather [spmem:s6], $0x80, $0x38;
	[tilespmem:$0xC800] =	vst v63  }
0xa8: {  	_ =	swait.ge [sflag:s2], $0x280  }
0xa9: {  	[sflag:s2] =	ssyncset.done $0x0  }
0xaa: {  	s9 =	simm.s32 $0x7980;
	s6 =	rddreg [dreg:$0xc];
	[sflag:s2] =	ssyncadd.s32 $0xFFFFFD80  }
0xab: {  	[tilespmem:s9], [sflag:$0x1] =	stream.linear.gather [spmem:s6], $0x80, $0x38;
	[tilespmem:$0xC800] =	vst v63  }
0xac: {  	s6 =	sld [smem:$0x7E0];
	_ =	sdelay $0x1  }
0xad: {  	s9 =	simm.s32 $0x7D80  }
0xae: {  	[tilespmem:s9], [sflag:$0x1] =	stream.linear.gather [spmem:s6], $0x80, $0x38;
	[tilespmem:$0xC800] =	vst v63  }
0xaf: {  	s6 =	sld [smem:$0x7E1];
	_ =	sdelay $0x1  }
0xb0: {  	s9 =	simm.s32 $0x8180  }
0xb1: {  	[tilespmem:s9], [sflag:$0x1] =	stream.linear.gather [spmem:s6], $0x80, $0x38;
	[tilespmem:$0xC800] =	vst v63  }
0xb2: {  	s6 =	sld [smem:$0x7E2];
	_ =	sdelay $0x1  }
0xb3: {  	s9 =	simm.s32 $0x8580  }
0xb4: {  	[tilespmem:s9], [sflag:$0x1] =	stream.linear.gather [spmem:s6], $0x80, $0x38;
	[tilespmem:$0xC800] =	vst v63  }
0xb5: {  	s6 =	sld [smem:$0x7E3];
	_ =	sdelay $0x1  }
0xb6: {  	s9 =	simm.s32 $0x8980  }
0xb7: {  	[tilespmem:s9], [sflag:$0x1] =	stream.linear.gather [spmem:s6], $0x80, $0x38;
	[tilespmem:$0xC800] =	vst v63  }
0xb8: {  	_ =	swait.ge [sflag:s2], $0x280  }
0xb9: {  	[sflag:s2] =	ssyncset.done $0x0  }
0xba: {  	s9 =	simm.s32 $0x7A00;
	s6 =	rddreg [dreg:$0xd];
	[sflag:s2] =	ssyncadd.s32 $0xFFFFFD80  }
0xbb: {  	[tilespmem:s9], [sflag:$0x1] =	stream.linear.gather [spmem:s6], $0x80, $0x38;
	[tilespmem:$0xC800] =	vst v63  }
0xbc: {  	s6 =	sld [smem:$0x7E4];
	_ =	sdelay $0x1  }
0xbd: {  	s9 =	simm.s32 $0x7E00  }
0xbe: {  	[tilespmem:s9], [sflag:$0x1] =	stream.linear.gather [spmem:s6], $0x80, $0x38;
	[tilespmem:$0xC800] =	vst v63  }
0xbf: {  	s6 =	sld [smem:$0x7E5];
	_ =	sdelay $0x1  }
0xc0: {  	s9 =	simm.s32 $0x8200  }
0xc1: {  	[tilespmem:s9], [sflag:$0x1] =	stream.linear.gather [spmem:s6], $0x80, $0x38;
	[tilespmem:$0xC800] =	vst v63  }
0xc2: {  	s6 =	sld [smem:$0x7E6];
	_ =	sdelay $0x1  }
0xc3: {  	s9 =	simm.s32 $0x8600  }
0xc4: {  	[tilespmem:s9], [sflag:$0x1] =	stream.linear.gather [spmem:s6], $0x80, $0x38;
	[tilespmem:$0xC800] =	vst v63  }
0xc5: {  	s6 =	sld [smem:$0x7E7];
	_ =	sdelay $0x1  }
0xc6: {  	s9 =	simm.s32 $0x8A00  }
0xc7: {  	[tilespmem:s9], [sflag:$0x1] =	stream.linear.gather [spmem:s6], $0x80, $0x38;
	[tilespmem:$0xC800] =	vst v63  }
0xc8: {  	_ =	swait.ge [sflag:s2], $0x280  }
0xc9: {  	[sflag:s2] =	ssyncset.done $0x0  }
0xca: {  	s9 =	simm.s32 $0x7A80;
	s6 =	rddreg [dreg:$0xe];
	[sflag:s2] =	ssyncadd.s32 $0xFFFFFD80  }
0xcb: {  	[tilespmem:s9], [sflag:$0x1] =	stream.linear.gather [spmem:s6], $0x80, $0x38;
	[tilespmem:$0xC800] =	vst v63  }
0xcc: {  	s6 =	sld [smem:$0x7E8];
	_ =	sdelay $0x1  }
0xcd: {  	s9 =	simm.s32 $0x7E80  }
0xce: {  	[tilespmem:s9], [sflag:$0x1] =	stream.linear.gather [spmem:s6], $0x80, $0x38;
	[tilespmem:$0xC800] =	vst v63  }
0xcf: {  	s6 =	sld [smem:$0x7E9];
	_ =	sdelay $0x1  }
0xd0: {  	s9 =	simm.s32 $0x8280  }
0xd1: {  	[tilespmem:s9], [sflag:$0x1] =	stream.linear.gather [spmem:s6], $0x80, $0x38;
	[tilespmem:$0xC800] =	vst v63  }
0xd2: {  	s6 =	sld [smem:$0x7EA];
	_ =	sdelay $0x1  }
0xd3: {  	s9 =	simm.s32 $0x8680  }
0xd4: {  	[tilespmem:s9], [sflag:$0x1] =	stream.linear.gather [spmem:s6], $0x80, $0x38;
	[tilespmem:$0xC800] =	vst v63  }
0xd5: {  	s6 =	sld [smem:$0x7EB];
	_ =	sdelay $0x1  }
0xd6: {  	s9 =	simm.s32 $0x8A80  }
0xd7: {  	[tilespmem:s9], [sflag:$0x1] =	stream.linear.gather [spmem:s6], $0x80, $0x38;
	[tilespmem:$0xC800] =	vst v63  }
0xd8: {  	_ =	swait.ge [sflag:s2], $0x280  }
0xd9: {  	[sflag:s2] =	ssyncset.done $0x0  }
0xda: {  	s9 =	simm.s32 $0x7B00;
	s6 =	rddreg [dreg:$0xf];
	[sflag:s2] =	ssyncadd.s32 $0xFFFFFD80  }
0xdb: {  	[tilespmem:s9], [sflag:$0x1] =	stream.linear.gather [spmem:s6], $0x80, $0x38;
	[tilespmem:$0xC800] =	vst v63  }
0xdc: {  	s6 =	sld [smem:$0x7EC];
	_ =	sdelay $0x1  }
0xdd: {  	s9 =	simm.s32 $0x7F00  }
0xde: {  	[tilespmem:s9], [sflag:$0x1] =	stream.linear.gather [spmem:s6], $0x80, $0x38;
	[tilespmem:$0xC800] =	vst v63  }
0xdf: {  	s6 =	sld [smem:$0x7ED];
	_ =	sdelay $0x1  }
0xe0: {  	s9 =	simm.s32 $0x8300  }
0xe1: {  	[tilespmem:s9], [sflag:$0x1] =	stream.linear.gather [spmem:s6], $0x80, $0x38;
	[tilespmem:$0xC800] =	vst v63  }
0xe2: {  	s6 =	sld [smem:$0x7EE];
	_ =	sdelay $0x1  }
0xe3: {  	s9 =	simm.s32 $0x8700  }
0xe4: {  	[tilespmem:s9], [sflag:$0x1] =	stream.linear.gather [spmem:s6], $0x80, $0x38;
	[tilespmem:$0xC800] =	vst v63  }
0xe5: {  	s6 =	sld [smem:$0x7EF];
	_ =	sdelay $0x1  }
0xe6: {  	s9 =	simm.s32 $0x8B00  }
0xe7: {  	[tilespmem:s9], [sflag:$0x1] =	stream.linear.gather [spmem:s6], $0x80, $0x38;
	[tilespmem:$0xC800] =	vst v63  }
0xe8: {  	_ =	swait.ge [sflag:s2], $0x280  }
0xe9: {  	[sflag:s2] =	ssyncset.done $0x0  }
0xea: {  	s9 =	simm.s32 $0x7B80;
	s6 =	rddreg [dreg:$0x10];
	[sflag:s2] =	ssyncadd.s32 $0xFFFFFD80  }
0xeb: {  	[tilespmem:s9], [sflag:$0x1] =	stream.linear.gather [spmem:s6], $0x80, $0x38;
	[tilespmem:$0xC800] =	vst v63  }
0xec: {  	s6 =	sld [smem:$0x7F0];
	_ =	sdelay $0x1  }
0xed: {  	s9 =	simm.s32 $0x7F80  }
0xee: {  	[tilespmem:s9], [sflag:$0x1] =	stream.linear.gather [spmem:s6], $0x80, $0x38;
	[tilespmem:$0xC800] =	vst v63  }
0xef: {  	s6 =	sld [smem:$0x7F1];
	_ =	sdelay $0x1  }
0xf0: {  	s9 =	simm.s32 $0x8380  }
0xf1: {  	[tilespmem:s9], [sflag:$0x1] =	stream.linear.gather [spmem:s6], $0x80, $0x38;
	[tilespmem:$0xC800] =	vst v63  }
0xf2: {  	s6 =	sld [smem:$0x7F2];
	_ =	sdelay $0x1  }
0xf3: {  	s9 =	simm.s32 $0x8780  }
0xf4: {  	[tilespmem:s9], [sflag:$0x1] =	stream.linear.gather [spmem:s6], $0x80, $0x38;
	[tilespmem:$0xC800] =	vst v63  }
0xf5: {  	s6 =	sld [smem:$0x7F3];
	_ =	sdelay $0x1  }
0xf6: {  	s9 =	simm.s32 $0x8B80  }
0xf7: {  	[tilespmem:s9], [sflag:$0x1] =	stream.linear.gather [spmem:s6], $0x80, $0x38;
	[tilespmem:$0xC800] =	vst v63  }
0xf8: {  	_ =	swait.ge [sflag:s2], $0x280  }
0xf9: {  	[sflag:s2] =	ssyncset.done $0x0  }
0xfa: {  	s9 =	simm.s32 $0x8C00;
	s6 =	rddreg [dreg:$0x11];
	[sflag:s2] =	ssyncadd.s32 $0xFFFFFD80  }
0xfb: {  	[tilespmem:s9], [sflag:$0x1] =	stream.linear.gather [spmem:s6], $0x80, $0x38;
	[tilespmem:$0xC800] =	vst v63  }
0xfc: {  	s6 =	sld [smem:$0x7F4];
	_ =	sdelay $0x1  }
0xfd: {  	s9 =	simm.s32 $0x9000  }
0xfe: {  	[tilespmem:s9], [sflag:$0x1] =	stream.linear.gather [spmem:s6], $0x80, $0x38;
	[tilespmem:$0xC800] =	vst v63  }
0xff: {  	s6 =	sld [smem:$0x7F5];
	_ =	sdelay $0x1  }
0x100: {  	s9 =	simm.s32 $0x9400  }
0x101: {  	[tilespmem:s9], [sflag:$0x1] =	stream.linear.gather [spmem:s6], $0x80, $0x38;
	[tilespmem:$0xC800] =	vst v63  }
0x102: {  	s6 =	sld [smem:$0x7F6];
	_ =	sdelay $0x1  }
0x103: {  	s9 =	simm.s32 $0x9800  }
0x104: {  	[tilespmem:s9], [sflag:$0x1] =	stream.linear.gather [spmem:s6], $0x80, $0x38;
	[tilespmem:$0xC800] =	vst v63  }
0x105: {  	s6 =	sld [smem:$0x7F7];
	_ =	sdelay $0x1  }
0x106: {  	s9 =	simm.s32 $0x9C00  }
0x107: {  	[tilespmem:s9], [sflag:$0x1] =	stream.linear.gather [spmem:s6], $0x80, $0x38;
	[tilespmem:$0xC800] =	vst v63  }
0x108: {  	_ =	swait.ge [sflag:s2], $0x280  }
0x109: {  	[sflag:s2] =	ssyncset.done $0x0  }
0x10a: {  	s9 =	simm.s32 $0x8C80;
	s6 =	rddreg [dreg:$0x12];
	[sflag:s2] =	ssyncadd.s32 $0xFFFFFD80  }
0x10b: {  	[tilespmem:s9], [sflag:$0x1] =	stream.linear.gather [spmem:s6], $0x80, $0x38;
	[tilespmem:$0xC800] =	vst v63  }
0x10c: {  	s6 =	sld [smem:$0x7F8];
	_ =	sdelay $0x1  }
0x10d: {  	s9 =	simm.s32 $0x9080  }
0x10e: {  	[tilespmem:s9], [sflag:$0x1] =	stream.linear.gather [spmem:s6], $0x80, $0x38;
	[tilespmem:$0xC800] =	vst v63  }
0x10f: {  	s6 =	sld [smem:$0x7F9];
	_ =	sdelay $0x1  }
0x110: {  	s9 =	simm.s32 $0x9480  }
0x111: {  	[tilespmem:s9], [sflag:$0x1] =	stream.linear.gather [spmem:s6], $0x80, $0x38;
	[tilespmem:$0xC800] =	vst v63  }
0x112: {  	s6 =	sld [smem:$0x7FA];
	_ =	sdelay $0x1  }
0x113: {  	s9 =	simm.s32 $0x9880  }
0x114: {  	[tilespmem:s9], [sflag:$0x1] =	stream.linear.gather [spmem:s6], $0x80, $0x38;
	[tilespmem:$0xC800] =	vst v63  }
0x115: {  	s6 =	sld [smem:$0x7FB];
	_ =	sdelay $0x1  }
0x116: {  	s9 =	simm.s32 $0x9C80  }
0x117: {  	[tilespmem:s9], [sflag:$0x1] =	stream.linear.gather [spmem:s6], $0x80, $0x38;
	[tilespmem:$0xC800] =	vst v63  }
0x118: {  	_ =	swait.ge [sflag:s2], $0x280  }
0x119: {  	[sflag:s2] =	ssyncset.done $0x0  }
0x11a: {  	s9 =	simm.s32 $0x8D00;
	s6 =	rddreg [dreg:$0x13];
	[sflag:s2] =	ssyncadd.s32 $0xFFFFFD80  }
0x11b: {  	[tilespmem:s9], [sflag:$0x1] =	stream.linear.gather [spmem:s6], $0x80, $0x38;
	[tilespmem:$0xC800] =	vst v63  }
0x11c: {  	s6 =	sld [smem:$0x7FC];
	_ =	sdelay $0x1  }
0x11d: {  	s5 =	sld [smem:$0x7FD];
	s9 =	simm.s32 $0x9100  }
0x11e: {  	[tilespmem:s9], [sflag:$0x1] =	stream.linear.gather [spmem:s6], $0x80, $0x38;
	[tilespmem:$0xC800] =	vst v63  }
0x11f: {  	s6 =	simm.s32 $0x9500  }
0x120: {  	[tilespmem:s6], [sflag:$0x1] =	stream.linear.gather [spmem:s5], $0x80, $0x38;
	[tilespmem:$0xC800] =	vst v63  }
0x121: {  	s9 =	simm.s32 $0x9900  }
0x122: {  	[tilespmem:s9], [sflag:$0x1] =	stream.linear.gather [spmem:s10], $0x80, $0x38;
	[tilespmem:$0xC800] =	vst v63  }
0x123: {  	s5 =	simm.s32 $0x9D00  }
0x124: {  	[tilespmem:s5], [sflag:$0x1] =	stream.linear.gather [spmem:s11], $0x80, $0x38;
	[tilespmem:$0xC800] =	vst v63  }
0x125: {  	_ =	swait.ge [sflag:s2], $0x280  }
0x126: {  	[sflag:s2] =	ssyncset.done $0x0  }
0x127: {  	s9 =	simm.s32 $0x8D80;
	s6 =	rddreg [dreg:$0x14];
	[sflag:s2] =	ssyncadd.s32 $0xFFFFFD80  }
0x128: {  	[tilespmem:s9], [sflag:$0x1] =	stream.linear.gather [spmem:s6], $0x80, $0x38;
	[tilespmem:$0xC800] =	vst v63  }
0x129: {  	s5 =	simm.s32 $0x9180  }
0x12a: {  	[tilespmem:s5], [sflag:$0x1] =	stream.linear.gather [spmem:s12], $0x80, $0x38;
	[tilespmem:$0xC800] =	vst v63  }
0x12b: {  	s6 =	simm.s32 $0x9580  }
0x12c: {  	[tilespmem:s6], [sflag:$0x1] =	stream.linear.gather [spmem:s13], $0x80, $0x38;
	[tilespmem:$0xC800] =	vst v63  }
0x12d: {  	s9 =	simm.s32 $0x9980  }
0x12e: {  	[tilespmem:s9], [sflag:$0x1] =	stream.linear.gather [spmem:s14], $0x80, $0x38;
	[tilespmem:$0xC800] =	vst v63  }
0x12f: {  	s5 =	simm.s32 $0x9D80  }
0x130: {  	[tilespmem:s5], [sflag:$0x1] =	stream.linear.gather [spmem:s15], $0x80, $0x38;
	[tilespmem:$0xC800] =	vst v63  }
0x131: {  	_ =	swait.ge [sflag:s2], $0x280  }
0x132: {  	[sflag:s2] =	ssyncset.done $0x0  }
0x133: {  	s9 =	simm.s32 $0x8E00;
	s6 =	rddreg [dreg:$0x15];
	[sflag:s2] =	ssyncadd.s32 $0xFFFFFD80  }
0x134: {  	[tilespmem:s9], [sflag:$0x1] =	stream.linear.gather [spmem:s6], $0x80, $0x38;
	[tilespmem:$0xC800] =	vst v63  }
0x135: {  	s5 =	simm.s32 $0x9200  }
0x136: {  	[tilespmem:s5], [sflag:$0x1] =	stream.linear.gather [spmem:s16], $0x80, $0x38;
	[tilespmem:$0xC800] =	vst v63  }
0x137: {  	s6 =	simm.s32 $0x9600  }
0x138: {  	[tilespmem:s6], [sflag:$0x1] =	stream.linear.gather [spmem:s17], $0x80, $0x38;
	[tilespmem:$0xC800] =	vst v63  }
0x139: {  	s9 =	simm.s32 $0x9A00  }
0x13a: {  	[tilespmem:s9], [sflag:$0x1] =	stream.linear.gather [spmem:s18], $0x80, $0x38;
	[tilespmem:$0xC800] =	vst v63  }
0x13b: {  	s5 =	simm.s32 $0x9E00  }
0x13c: {  	[tilespmem:s5], [sflag:$0x1] =	stream.linear.gather [spmem:s19], $0x80, $0x38;
	[tilespmem:$0xC800] =	vst v63  }
0x13d: {  	_ =	swait.ge [sflag:s2], $0x280  }
0x13e: {  	[sflag:s2] =	ssyncset.done $0x0  }
0x13f: {  	s9 =	simm.s32 $0x8E80;
	s6 =	rddreg [dreg:$0x16];
	[sflag:s2] =	ssyncadd.s32 $0xFFFFFD80  }
0x140: {  	[tilespmem:s9], [sflag:$0x1] =	stream.linear.gather [spmem:s6], $0x80, $0x38;
	[tilespmem:$0xC800] =	vst v63  }
0x141: {  	s5 =	simm.s32 $0x9280  }
0x142: {  	[tilespmem:s5], [sflag:$0x1] =	stream.linear.gather [spmem:s20], $0x80, $0x38;
	[tilespmem:$0xC800] =	vst v63  }
0x143: {  	s6 =	simm.s32 $0x9680  }
0x144: {  	[tilespmem:s6], [sflag:$0x1] =	stream.linear.gather [spmem:s21], $0x80, $0x38;
	[tilespmem:$0xC800] =	vst v63  }
0x145: {  	s9 =	simm.s32 $0x9A80  }
0x146: {  	[tilespmem:s9], [sflag:$0x1] =	stream.linear.gather [spmem:s22], $0x80, $0x38;
	[tilespmem:$0xC800] =	vst v63  }
0x147: {  	s5 =	simm.s32 $0x9E80  }
0x148: {  	[tilespmem:s5], [sflag:$0x1] =	stream.linear.gather [spmem:s23], $0x80, $0x38;
	[tilespmem:$0xC800] =	vst v63  }
0x149: {  	_ =	swait.ge [sflag:s2], $0x280  }
0x14a: {  	[sflag:s2] =	ssyncset.done $0x0  }
0x14b: {  	s9 =	simm.s32 $0x8F00;
	s6 =	rddreg [dreg:$0x17];
	[sflag:s2] =	ssyncadd.s32 $0xFFFFFD80  }
0x14c: {  	[tilespmem:s9], [sflag:$0x1] =	stream.linear.gather [spmem:s6], $0x80, $0x38;
	[tilespmem:$0xC800] =	vst v63  }
0x14d: {  	s5 =	simm.s32 $0x9300  }
0x14e: {  	[tilespmem:s5], [sflag:$0x1] =	stream.linear.gather [spmem:s24], $0x80, $0x38;
	[tilespmem:$0xC800] =	vst v63  }
0x14f: {  	s6 =	simm.s32 $0x9700  }
0x150: {  	[tilespmem:s6], [sflag:$0x1] =	stream.linear.gather [spmem:s25], $0x80, $0x38;
	[tilespmem:$0xC800] =	vst v63  }
0x151: {  	s9 =	simm.s32 $0x9B00  }
0x152: {  	[tilespmem:s9], [sflag:$0x1] =	stream.linear.gather [spmem:s26], $0x80, $0x38;
	[tilespmem:$0xC800] =	vst v63  }
0x153: {  	s5 =	simm.s32 $0x9F00  }
0x154: {  	[tilespmem:s5], [sflag:$0x1] =	stream.linear.gather [spmem:s28], $0x80, $0x38;
	[tilespmem:$0xC800] =	vst v63  }
0x155: {  	_ =	swait.ge [sflag:s2], $0x280  }
0x156: {  	[sflag:s2] =	ssyncset.done $0x0  }
0x157: {  	s9 =	simm.s32 $0x8F80;
	s6 =	rddreg [dreg:$0x1a];
	[sflag:s2] =	ssyncadd.s32 $0xFFFFFD80  }
0x158: {  	[tilespmem:s9], [sflag:$0x1] =	stream.linear.gather [spmem:s6], $0x80, $0x38;
	[tilespmem:$0xC800] =	vst v63  }
0x159: {  	s5 =	simm.s32 $0x9380  }
0x15a: {  	[tilespmem:s5], [sflag:$0x1] =	stream.linear.gather [spmem:s29], $0x80, $0x38;
	[tilespmem:$0xC800] =	vst v63  }
0x15b: {  	s6 =	simm.s32 $0x9780  }
0x15c: {  	[tilespmem:s6], [sflag:$0x1] =	stream.linear.gather [spmem:s30], $0x80, $0x38;
	[tilespmem:$0xC800] =	vst v63  }
0x15d: {  	s9 =	simm.s32 $0x9B80  }
0x15e: {  	[tilespmem:s9], [sflag:$0x1] =	stream.linear.gather [spmem:s31], $0x80, $0x38;
	[tilespmem:$0xC800] =	vst v63  }
0x15f: {  	s5 =	simm.s32 $0x9F80  }
0x160: {  	[tilespmem:s5], [sflag:$0x1] =	stream.linear.gather [spmem:s1], $0x80, $0x38;
	[tilespmem:$0xC800] =	vst v63  }
0x161: {  	s6 =	simm.s32 $0x0;
	_ =	swait.ge [sflag:s2], $0x280  }
0x162: {  	s4 =	sand.u32 $0x1C00, s6;
	s9 =	sand.u32 $0x70, s6;
	[sflag:s2] =	ssyncset.done $0x0  }
0x163: {  	s4 =	sor.u32 s9, s4;
	[sflag:s2] =	ssyncadd.s32 $0xFFFFFD80  }
0x164: {  	v2 =	vld [tilespmem:s4+$0x7880]  }
0x165: {  	v3 =	vld [tilespmem:s4+$0x7800];
	_ =	sdelay $0x1  }
0x166: {  	v4 =	vld [tilespmem:s4+$0x7900];
	_ =	sdelay $0x1  }
0x167: {  	v5 =	vld [tilespmem:s4+$0x7980]  }
0x168: {  	v2 =	vadd.f32 v2, v3  }
0x169: {  	v3 =	vld [tilespmem:s4+$0x7A00]  }
0x16a: {  	v2 =	vadd.f32 v4, v2  }
0x16b: {  	v56 =	vld [tilespmem:s4+$0x7A80]  }
0x16c: {  	v2 =	vadd.f32 v5, v2  }
0x16d: {  	v57 =	vld [tilespmem:s4+$0x7B00]  }
0x16e: {  	v2 =	vadd.f32 v3, v2  }
0x16f: {  	v3 =	vld [tilespmem:s4+$0x7B80]  }
0x170: {  	v2 =	vadd.f32 v56, v2  }
0x171: {  	v58 =	vld [tilespmem:s4+$0x8C00]  }
0x172: {  	v2 =	vadd.f32 v57, v2  }
0x173: {  	v59 =	vld [tilespmem:s4+$0x8C80]  }
0x174: {  	v2 =	vadd.f32 v3, v2  }
0x175: {  	v3 =	vld [tilespmem:s4+$0x8D00]  }
0x176: {  	v2 =	vadd.f32 v58, v2  }
0x177: {  	v60 =	vld [tilespmem:s4+$0x8D80]  }
0x178: {  	v2 =	vadd.f32 v59, v2  }
0x179: {  	v61 =	vld [tilespmem:s4+$0x8E00]  }
0x17a: {  	v2 =	vadd.f32 v3, v2  }
0x17b: {  	v3 =	vld [tilespmem:s4+$0x8E80]  }
0x17c: {  	v2 =	vadd.f32 v60, v2  }
0x17d: {  	v62 =	vld [tilespmem:s4+$0x8F00]  }
0x17e: {  	v2 =	vadd.f32 v61, v2  }
0x17f: {  	v63 =	vld [tilespmem:s4+$0x8F80]  }
0x180: {  	v2 =	vadd.f32 v3, v2;
	_ =	sdelay $0x1  }
0x181: {  	v2 =	vadd.f32 v62, v2;
	_ =	sdelay $0x1  }
0x182: {  	s6 =	simm.s32 $0x10;
	s5 =	simm.s32 $0x80;
	v2 =	vadd.f32 v63, v2  }
0x183: {  	s9 =	sand.u32 $0x1C00, s5;
	s4 =	sand.u32 $0x70, s6  }
0x184: {  	s6 =	simm.s32 $0x20;
	s4 =	sor.u32 s4, s9;
	[tilespmem:s3+$0x0] =	vst v2  }
.LBB2_6:
0x185: {  	p4 =	sne.s32 s6, $0x270;
	v2 =	vld [tilespmem:s4+$0x7880]  }
0x186: {  	v3 =	vld [tilespmem:s4+$0x7800];
	_ =	sdelay $0x1  }
0x187: {  	v4 =	vld [tilespmem:s4+$0x7900];
	_ =	sdelay $0x1  }
0x188: {  	v5 =	vld [tilespmem:s4+$0x7980]  }
0x189: {  	v2 =	vadd.f32 v2, v3  }
0x18a: {  	v3 =	vld [tilespmem:s4+$0x7A00]  }
0x18b: {  	v2 =	vadd.f32 v4, v2  }
0x18c: {  	v4 =	vld [tilespmem:s4+$0x7A80]  }
0x18d: {  	v2 =	vadd.f32 v5, v2  }
0x18e: {  	v5 =	vld [tilespmem:s4+$0x7B00]  }
0x18f: {  	v2 =	vadd.f32 v3, v2  }
0x190: {  	v3 =	vld [tilespmem:s4+$0x7B80]  }
0x191: {  	v2 =	vadd.f32 v4, v2  }
0x192: {  	v4 =	vld [tilespmem:s4+$0x8C00]  }
0x193: {  	v2 =	vadd.f32 v5, v2  }
0x194: {  	v5 =	vld [tilespmem:s4+$0x8C80]  }
0x195: {  	v2 =	vadd.f32 v3, v2  }
0x196: {  	v3 =	vld [tilespmem:s4+$0x8D00]  }
0x197: {  	v2 =	vadd.f32 v4, v2  }
0x198: {  	v4 =	vld [tilespmem:s4+$0x8D80]  }
0x199: {  	v2 =	vadd.f32 v5, v2  }
0x19a: {  	v5 =	vld [tilespmem:s4+$0x8E00]  }
0x19b: {  	v2 =	vadd.f32 v3, v2  }
0x19c: {  	v3 =	vld [tilespmem:s4+$0x8E80]  }
0x19d: {  	v2 =	vadd.f32 v4, v2  }
0x19e: {  	v4 =	vld [tilespmem:s4+$0x8F00]  }
0x19f: {  	v2 =	vadd.f32 v5, v2  }
0x1a0: {  	v5 =	vld [tilespmem:s4+$0x8F80]  }
0x1a1: {  	v2 =	vadd.f32 v3, v2;
	_ =	sdelay $0x1  }
.Ltmp2:
0x1a2: {  	v2 =	vadd.f32 v4, v2;
	(pc) =	sbr.rel @p4 .LBB2_6-.Ltmp2, $4  }
0x1a3: {  	_ = 	snop  }
0x1a4: {  	s5 =	sadd.s32 $0x80, s5;
	v2 =	vadd.f32 v5, v2  }
0x1a5: {  	s3 =	sadd.s32 $0x10, s3;
	s9 =	sand.u32 $0x1C00, s5;
	s4 =	sand.u32 $0x70, s6  }
0x1a6: {  	s6 =	sadd.s32 $0x10, s6;
	s4 =	sor.u32 s4, s9;
	[tilespmem:s3+$0x0] =	vst v2  }
0x1a7: {  	v2 =	vld [tilespmem:s4+$0x7880]  }
0x1a8: {  	v3 =	vld [tilespmem:s4+$0x7800];
	_ =	sdelay $0x1  }
0x1a9: {  	v4 =	vld [tilespmem:s4+$0x7900];
	_ =	sdelay $0x1  }
0x1aa: {  	v5 =	vld [tilespmem:s4+$0x7980]  }
0x1ab: {  	v2 =	vadd.f32 v2, v3  }
0x1ac: {  	v3 =	vld [tilespmem:s4+$0x7A00]  }
0x1ad: {  	v2 =	vadd.f32 v4, v2  }
0x1ae: {  	v56 =	vld [tilespmem:s4+$0x7A80]  }
0x1af: {  	v2 =	vadd.f32 v5, v2  }
0x1b0: {  	v57 =	vld [tilespmem:s4+$0x7B00]  }
0x1b1: {  	v2 =	vadd.f32 v3, v2  }
0x1b2: {  	v3 =	vld [tilespmem:s4+$0x7B80]  }
0x1b3: {  	v2 =	vadd.f32 v56, v2  }
0x1b4: {  	v58 =	vld [tilespmem:s4+$0x8C00]  }
0x1b5: {  	v2 =	vadd.f32 v57, v2  }
0x1b6: {  	v59 =	vld [tilespmem:s4+$0x8C80]  }
0x1b7: {  	v2 =	vadd.f32 v3, v2  }
0x1b8: {  	v3 =	vld [tilespmem:s4+$0x8D00]  }
0x1b9: {  	v2 =	vadd.f32 v58, v2  }
0x1ba: {  	v60 =	vld [tilespmem:s4+$0x8D80]  }
0x1bb: {  	v2 =	vadd.f32 v59, v2  }
0x1bc: {  	v61 =	vld [tilespmem:s4+$0x8E00]  }
0x1bd: {  	v2 =	vadd.f32 v3, v2  }
0x1be: {  	v3 =	vld [tilespmem:s4+$0x8E80]  }
0x1bf: {  	v2 =	vadd.f32 v60, v2  }
0x1c0: {  	v62 =	vld [tilespmem:s4+$0x8F00]  }
0x1c1: {  	v2 =	vadd.f32 v61, v2  }
0x1c2: {  	v63 =	vld [tilespmem:s4+$0x8F80]  }
0x1c3: {  	v2 =	vadd.f32 v3, v2;
	_ =	sdelay $0x1  }
0x1c4: {  	v2 =	vadd.f32 v62, v2;
	_ =	sdelay $0x1  }
0x1c5: {  	v2 =	vadd.f32 v63, v2  }
0x1c6: {  	s3 =	sadd.s32 $0x10, s3  }
0x1c7: {  	s5 =	simm.s32 $0x0;
	s6 =	rddreg [dreg:$0x18];
	[tilespmem:s3+$0x0] =	vst v2  }
0x1c8: {  	[hbm4b:s6+s5] =	stream.linear.scatter [tilespmem:s0], [sflag:$0x1], $0x280, $0x38;
	[tilespmem:$0xC800] =	vst v63  }
0x1c9: {  	_ =	swait.ge [sflag:s2], $0x280  }
0x1ca: {  	s7 =	sadd.s32 $0x1, s7;
	s9 =	rddreg [dreg:$0x19]  }
0x1cb: {  	p4 =	sne.s32 s7, s9  }
.Ltmp3:
0x1cc: {  	_ = 	snop;
	(pc) =	sbr.rel @p4 .LBB2_1-.Ltmp3, $3  }
0x1cd: {  	_ =	sdelay $0x1  }
0x1ce: {  	[sflag:s2] =	ssyncset.done $0x0  }
0x1cf: {  	[sflag:s2] =	ssyncadd.s32 $0xFFFFFD80  }
0x1d0: {  	_ =	sfence.sel $0x180000  }
0x1d1: {  	[bflag:$0x0] =	sbarrier.arrive $0xFFFF  }
0x1d2: {  	_ =	strace $0x90000047  }
0x1d3: {  	s0 =	stileid.u32;
	[bflag:$0x2] =	sbarrier.arrive $0xFFFF  }
0x1d4: {  	p0 =	sne.s32 s0, $0x0;
	s0 =	rddreg [dreg:$0x3]  }
0x1d5: {  	s0 =	sadd.s32 @!p0 $0x100000, s0  }
0x1d6: {  	[sflag:s0] =	ssyncadd.tile.s32 @!p0 $0x1;
	_ =	shalt  }
.Lfunc_end2:
_tile_overlayer_lowered:
.L_overlay_start_2:
0x1d7: {  	(tag) =	ssettag $0x2  }
0x1d8: {  	s0 =	rddreg [dreg:$0x0];
	s2 =	stileid.u32  }
0x1d9: {  	s1 =	rddreg [dreg:$0x1];
	p0 =	sne.s32 s2, $0x0  }
0x1da: {  	s3 =	rddreg [dreg:$0x2];
	[bflag:$0x3] =	sbarrier.arrive $0xFFFF;
	s2 =	simm.s32 @!p0 $0x1C01  }
0x1db: {  	[timem:s3], [sflag:s2] =	dma.local @!p0 [hbm:s0], s1  }
0x1dc: {  	s0 =	simm.s32 @!p0 $0x1  }
0x1dd: {  	_ =	swait.ge @!p0 [sflag:s0], s1  }
0x1de: {  	s1 =	ssub.s32 @!p0 $0x0, s1;
	[sflag:s0] =	ssyncset.done @!p0 $0x0  }
0x1df: {  	[sflag:s0] =	ssyncadd.s32 @!p0 s1  }
0x1e0: {  	[bflag:$0x3] =	sbarrier.arrive $0xFFFF  }
0x1e1: {  	_ =	shalt  }

// kernel: kernel.9.cloned.1.call-start
scs
__scs_entry_jumppad:
0x0: {  	(pc) =	sbr.rel $0x88, $3  }
0x1: {  	(tag) =	ssettag $0x0;
	lr =	simm.s32 $0x1  }
0x2: {  	[smem:$0x3F91] =	sst lr;
	_ =	strace $0xD0000000  }
0x3: {  	_ = 	snop  }
0x4: {  	_ = 	snop  }
0x5: {  	_ = 	snop  }
0x6: {  	_ = 	snop  }
0x7: {  	_ = 	snop  }
__scs_overlays_trampoline_lowered:
0x8: {  	[smem:$0x3FA0] =	sst s0  }
0x9: {  	[smem:$0x3FA1] =	sst s1  }
0xa: {  	[smem:$0x3FA2] =	sst s2  }
0xb: {  	[smem:$0x3FA3] =	sst s3  }
0xc: {  	[smem:$0x3FA4] =	sst s4  }
0xd: {  	[smem:$0x3FA5] =	sst s5  }
0xe: {  	[smem:$0x3FA6] =	sst s6  }
0xf: {  	[smem:$0x3FA7] =	sst s7  }
0x10: {  	[smem:$0x3FA8] =	sst s8  }
0x11: {  	[smem:$0x3FA9] =	sst s9;
	s0 =	simm.s32 @!p0 $0x0  }
0x12: {  	s1 =	sld [smem:$0x3F8F];
	s0 =	simm.s32 @p0 $0x1  }
0x13: {  	[smem:$0x3FAA] =	sst s0;
	s0 =	simm.s32 @!p1 $0x0  }
0x14: {  	s2 =	sld [smem:$0x3F8E];
	s0 =	simm.s32 @p1 $0x1  }
0x15: {  	[smem:$0x3FAB] =	sst s0;
	s0 =	simm.s32 @!p2 $0x0  }
0x16: {  	s3 =	sld [smem:$0x3FDB];
	s0 =	simm.s32 @p2 $0x1  }
0x17: {  	s4 =	simm.s32 $0x1BF5;
	[smem:$0x3FAD] =	sst s0  }
0x18: {  	s0 =	sld [smem:$0x3F90];
	_ =	swait.ge [sflag:s4], $0x0  }
0x19: {  	s7 =	sld [smem:$0x3F91]  }
0x1a: {  	s8 =	sadd.s32 $0xFFFFE003, lr  }
0x1b: {  	s9 =	sadd.s32 $0xFFFFFEF7, lr;
	s5 =	simm.s32 $0xFFFFFFFF;
	p2 =	slt.u32 s8, $0xFFFFF086  }
0x1c: {  	p1 =	slt.u32 s9, $0xF7A;
	s5 =	simm.s32 @!p2 $0x0  }
0x1d: {  	s5 =	simm.s32 @p1 $0x1;
	p0 =	seq.s32 s7, s2  }
0x1e: {  	s7 =	smul.u32 @!p0 $0xF7A, s2;
	p2 =	seq.s32 @!p0 s5, $0x0  }
0x1f: {  	s9 =	smul.u32 $0xF7A, s1;
	s8 =	simm.s32 @!p0 $0x1BF5;
	p2 =	por !p2, p0  }
0x20: {  	[sflag:s8] =	ssyncset.s32 @!p0 $0xFFFFF086;
	s6 =	sadd.s32 @!p0 s3, s7;
	s7 =	simm.s32 @!p0 $0x108  }
0x21: {  	s3 =	sadd.s32 s3, s9;
	s6 =	sadd.s32 @!p0 $0x88, s6;
	s7 =	simm.s32 @p2 $0x1082  }
0x22: {  	[simem:s7], [sflag:s8] =	dma.local @!p0 [hbm:s6], $0xF7A  }
0x23: {  	s9 =	sor.u32 $0xD0000000, s2;
	s6 =	simm.s32 $0x108;
	_ =	swait.ge @!p0 [sflag:s8], $0x0  }
0x24: {  	s3 =	sadd.s32 $0x88, s3;
	s6 =	simm.s32 @!p1 $0x1082;
	[sflag:s4] =	ssyncset.s32 $0xFFFFF086  }
0x25: {  	[simem:s6], [sflag:s4] =	dma.local [hbm:s3], $0xF7A  }
0x26: {  	[smem:$0x3F91] =	sst s1;
	(tag) =	ssettag s2;
	_ =	strace s9  }
0x27: {  	s1 =	sld [smem:$0x3FA1]  }
0x28: {  	s2 =	sld [smem:$0x3FA2]  }
0x29: {  	s4 =	sld [smem:$0x3FA4]  }
0x2a: {  	p0 =	seq.s32 s5, $0x0;
	s5 =	sld [smem:$0x3FA5]  }
0x2b: {  	s6 =	sld [smem:$0x3FA6]  }
0x2c: {  	s7 =	sld [smem:$0x3FA7]  }
0x2d: {  	s3 =	simm.s32 $0x108;
	s8 =	sld [smem:$0x3FA8]  }
0x2e: {  	s3 =	simm.s32 @!p0 $0x1082;
	s9 =	sld [smem:$0x3FA9]  }
0x2f: {  	lr =	sadd.s32 s0, s3;
	s0 =	sld [smem:$0x3FA0]  }
0x30: {  	s3 =	sld [smem:$0x3FA3]  }
0x31: {  	[smem:$0x3FAC] =	sst s10  }
0x32: {  	s10 =	sld [smem:$0x3FAA];
	_ =	sdelay $0x3  }
0x33: {  	p0 =	seq.s32 s10, $0x1;
	s10 =	sld [smem:$0x3FAC];
	_ =	sdelay $0x3  }
0x34: {  	[smem:$0x3FAC] =	sst s10  }
0x35: {  	s10 =	sld [smem:$0x3FAB];
	_ =	sdelay $0x3  }
0x36: {  	p1 =	seq.s32 s10, $0x1;
	s10 =	sld [smem:$0x3FAC];
	_ =	sdelay $0x3  }
0x37: {  	[smem:$0x3FAC] =	sst s10  }
0x38: {  	s10 =	sld [smem:$0x3FAD]  }
0x39: {  	_ = 	snop;
	(pc) =	sbr.ind lr, $3  }
0x3a: {  	_ = 	snop  }
0x3b: {  	_ = 	snop  }
0x3c: {  	p2 =	seq.s32 s10, $0x1;
	s10 =	sld [smem:$0x3FAC]  }
0x3d: {  	_ =	shalt  }
0x3e: {  	_ =	shalt  }
0x3f: {  	_ =	shalt  }
0x40: {  	_ =	shalt  }
0x41: {  	_ =	shalt  }
0x42: {  	_ =	shalt  }
0x43: {  	_ =	shalt  }
0x44: {  	_ =	shalt  }
0x45: {  	_ =	shalt  }
0x46: {  	_ =	shalt  }
0x47: {  	_ =	shalt  }
0x48: {  	_ =	shalt  }
0x49: {  	_ =	shalt  }
0x4a: {  	_ =	shalt  }
0x4b: {  	_ =	shalt  }
0x4c: {  	_ =	shalt  }
0x4d: {  	_ =	shalt  }
0x4e: {  	_ =	shalt  }
0x4f: {  	_ =	shalt  }
0x50: {  	_ =	shalt  }
0x51: {  	_ =	shalt  }
0x52: {  	_ =	shalt  }
0x53: {  	_ =	shalt  }
0x54: {  	_ =	shalt  }
0x55: {  	_ =	shalt  }
0x56: {  	_ =	shalt  }
0x57: {  	_ =	shalt  }
0x58: {  	_ =	shalt  }
0x59: {  	_ =	shalt  }
0x5a: {  	_ =	shalt  }
0x5b: {  	_ =	shalt  }
0x5c: {  	_ =	shalt  }
0x5d: {  	_ =	shalt  }
0x5e: {  	_ =	shalt  }
0x5f: {  	_ =	shalt  }
0x60: {  	_ =	shalt  }
0x61: {  	_ =	shalt  }
0x62: {  	_ =	shalt  }
0x63: {  	_ =	shalt  }
0x64: {  	_ =	shalt  }
0x65: {  	_ =	shalt  }
0x66: {  	_ =	shalt  }
0x67: {  	_ =	shalt  }
0x68: {  	_ =	shalt  }
0x69: {  	_ =	shalt  }
0x6a: {  	_ =	shalt  }
0x6b: {  	_ =	shalt  }
0x6c: {  	_ =	shalt  }
0x6d: {  	_ =	shalt  }
0x6e: {  	_ =	shalt  }
0x6f: {  	_ =	shalt  }
0x70: {  	_ =	shalt  }
0x71: {  	_ =	shalt  }
0x72: {  	_ =	shalt  }
0x73: {  	_ =	shalt  }
0x74: {  	_ =	shalt  }
0x75: {  	_ =	shalt  }
0x76: {  	_ =	shalt  }
0x77: {  	_ =	shalt  }
0x78: {  	_ =	shalt  }
0x79: {  	_ =	shalt  }
0x7a: {  	_ =	shalt  }
0x7b: {  	_ =	shalt  }
0x7c: {  	_ =	shalt  }
0x7d: {  	_ =	shalt  }
0x7e: {  	_ =	shalt  }
0x7f: {  	_ =	shalt  }
0x80: {  	_ =	shalt  }
0x81: {  	_ =	shalt  }
0x82: {  	_ =	shalt  }
0x83: {  	_ =	shalt  }
0x84: {  	_ =	shalt  }
0x85: {  	_ =	shalt  }
0x86: {  	_ =	shalt  }
0x87: {  	_ =	shalt  }
.Lfunc_end0:
.L_simem_size_0:
called_computation.1_lowered:
.L_overlay_start_0:
0x88: {  	s2 =	sld [smem:$0x3FD9]  }
0x89: {  	s3 =	sld [smem:$0x3FFE];
	_ =	sdelay $0x1  }
0x8a: {  	s1 =	srdreg.scid  }
0x8b: {  	s0 =	sand.u32 $0x1, s1  }
0x8c: {  	s14 =	sshll.u32 s0, $0xA;
	s2 =	sadd.s32 s3, s2  }
0x8d: {  	s2 =	sadd.s32 s2, s14  }
0x8e: {  	[smem:$0x3FB8] =	sst s2  }
0x8f: {  	_ = 	snop  }
0x90: {  	s2 =	sld [smem:$0x3FD0];
	_ =	sdelay $0x2  }
0x91: {  	s15 =	simm.s32 $0xA;
	s4 =	simm.s32 $0x10  }
0x92: {  	[smem:s4], [sflag:s15] =	dma.local [hbm:s2], $0x1  }
0x93: {  	_ =	swait.eq [sflag:s15], $0x1  }
0x94: {  	[sflag:s15] =	ssyncset.done $0x0  }
0x95: {  	s16 =	sld [smem:$0x10];
	[sflag:s15] =	ssyncadd.s32 $0xFFFFFFFF  }
0x96: {  	s17 =	sld [smem:$0x11];
	(tm) =	ssettm $0x1  }
0x97: {  	s18 =	sld [smem:$0x3FFB];
	_ =	sdelay $0x3  }
0x98: {  	_ =	strace s18  }
0x99: {  	s4 =	sld [smem:$0x3FFC];
	_ =	sdelay $0x3  }
0x9a: {  	_ =	strace s4  }
0x9b: {  	s4 =	sld [smem:$0x3FFD];
	_ =	sdelay $0x3  }
0x9c: {  	_ =	strace s4  }
0x9d: {  	_ =	strace $0x8FFFFFFF  }
0x9e: {  	s19 =	sld [smem:$0x3FDB];
	_ =	sdelay $0x1  }
0x9f: {  	s5 =	simm.s32 $_scs_section_size  }
0xa0: {  	s6 =	simm.s32 $_size__tile_overlayer_lowered;
	s7 =	simm.s32 $_tile_overlayer_lowered  }
0xa1: {  	s22 =	simm.s32 $0x1BFF;
	s21 =	sshll.u32 s7, $0x1;
	s4 =	sadd.s32 s5, s19  }
0xa2: {  	s8 =	simm.s32 $0x0;
	s20 =	sshll.u32 s6, $0x1;
	s6 =	sadd.s32 s21, s4  }
0xa3: {  	[timem:s8], [sflag:s22] =	dma.local [hbm:s6], s20  }
0xa4: {  	_ =	swait.ge [sflag:s22], s20  }
0xa5: {  	s5 =	ssub.s32 $0x0, s20;
	[sflag:s22] =	ssyncset.done $0x0  }
0xa6: {  	[sflag:s22] =	ssyncadd.s32 s5;
	_ =	sdelay $0x1  }
0xa7: {  	s23 =	simm.s32 $0x1B8B  }
0xa8: {  	_ =	swait.ge [sflag:s23], $0x1  }
0xa9: {  	[sflag:s23] =	ssyncset.done $0x0  }
0xaa: {  	s25 =	simm.s32 $0x1B8E;
	s24 =	sld [smem:$0x3FFE];
	[sflag:s23] =	ssyncadd.s32 $0xFFFFFFFF  }
0xab: {  	s26 =	simm.s32 $execute0_lowered;
	[smem:$0x3FD2] =	sst s25  }
0xac: {  	s6 =	sshll.u32 s26, $0x1;
	_ =	strace $0x80000049;
	[dreg:$0x1] =	wrdreg $0xFFFFFFFF  }
0xad: {  	s28 =	simm.s32 $_size_execute0_lowered;
	s4 =	sadd.s32 s4, s6;
	[dreg:$0x0] =	wrdreg $0x0  }
0xae: {  	s6 =	sshll.u32 s28, $0x1;
	[dreg:$0x2] =	wrdreg s4  }
0xaf: {  	[dreg:$0x3] =	wrdreg s6  }
0xb0: {  	[dreg:$0x4] =	wrdreg $0xC0  }
0xb1: {  	_ =	task [dreg:s8], $0x5FFFF  }
0xb2: {  	[dreg:$0x1] =	wrdreg $0xFFFFFFFF  }
0xb3: {  	[dreg:$0x0] =	wrdreg $0x60  }
0xb4: {  	[dreg:$0x2] =	wrdreg s24  }
0xb5: {  	[dreg:$0x3] =	wrdreg s17  }
0xb6: {  	[dreg:$0x4] =	wrdreg s16  }
0xb7: {  	[dreg:$0x5] =	wrdreg $0xA8000  }
0xb8: {  	[dreg:$0x6] =	wrdreg $0x9  }
0xb9: {  	_ =	task.clear_ibuf [dreg:s8], $0x7FFFF;
	_ =	strace $0x90000049  }
0xba: {  	s29 =	simm.s32 $0x9;
	_ =	strace $0x8000004B  }
0xbb: {  	_ =	swait.ge [sflag:s29], $0x1  }
0xbc: {  	[sflag:s29] =	ssyncadd.s32 $0xFFFFFFFF  }
0xbd: {  	_ =	strace $0x9000004B  }
0xbe: {  	_ =	sfence  }
0xbf: {  	s30 =	sld [smem:$0x0];
	_ =	sdelay $0x2  }
0xc0: {  	s31 =	sshll.u32 s1, $0xD;
	s1 =	sshrl.u32 s1, $0x2  }
0xc1: {  	s3 =	sand.u32 $0x4000, s31;
	s1 =	sadd.s32 s1, s30  }
0xc2: {  	s0 =	sor.u32 s3, s0;
	s1 =	sshll.u32 s1, $0x11  }
0xc3: {  	s0 =	sor.u32 s1, s0  }
0xc4: {  	s0 =	sadd.s32 $0x8F2B, s0  }
0xc5: {  	[sflag:s0] =	ssyncadd.remote.s32 $0x1  }
0xc6: {  	_ =	sfence.sel $0xFFFF  }
0xc7: {  	[dreg:$0x0] =	wrdreg $0xFFFFFFFF;
	(pc) =	sbr.abs _section_cstart, $3  }
0xc8: {  	[dreg:$0x1] =	wrdreg $0xFFFFFFFF  }
0xc9: {  	_ =	task.clear_ibuf [dreg:s8], $0x2FFFF;
	_ =	strace $0x9FFFFFFF  }
0xca: {  	(tm) =	ssettm $0x7FFFFFFF  }
0xcb: {  	_ =	shalt  }
tec
execute0_lowered:
.L_overlay_start_1:
0x0: {  	(tag) =	ssettag $0x1  }
0x1: {  	s0 =	rddreg [dreg:$0x0]  }
0x2: {  	s1 =	rddreg [dreg:$0x1]  }
0x3: {  	s2 =	rddreg [dreg:$0x2]  }
0x4: {  	s3 =	rddreg [dreg:$0x3];
	s5 =	simm.s32 $0x0;
	s4 =	srdreg.scid  }
0x5: {  	s17 =	stileid.u32;
	s29 =	simm.s32 $0x1FC3;
	s18 =	simm.s32 $0x3  }
0x6: {  	s19 =	simm.s32 $0x1400;
	s20 =	simm.s32 $0x80;
	s21 =	simm.s32 $0x2800  }
0x7: {  	s22 =	simm.s32 $0x6800;
	s23 =	simm.s32 $0x1;
	s28 =	simm.s32 $0x2780  }
0x8: {  	s30 =	simm.s32 $0x0;
	[smem:$0x7FF] =	sst s5;
	s6 =	sadd.s32 $0x65400, s0  }
0x9: {  	s4 =	sand.u32 $0x1, s4;
	s7 =	smul.u32 $0x50000, s17;
	s13 =	sadd.s32 $0x3600, s0  }
0xa: {  	s14 =	sadd.s32 $0xD400, s0;
	s0 =	sadd.s32 $0xB3600, s0;
	s10 =	smul.u32 $0x2800, s17  }
0xb: {  	s16 =	sadd.s32 $0x12C000, s3;
	_ =	strace $0x8000004A;
	s8 =	smul.u32 $0x27100, s4  }
0xc: {  	s9 =	ssub.s32 $0x2, s4;
	s12 =	smul.u32 $0x138800, s4;
	p0 =	seq.s32 s4, $0x1  }
0xd: {  	s4 =	smul.u32 $0x2710, s4;
	s11 =	sshrl.u32 s9, $0x1;
	s7 =	sshrl.u32 s7, $0x2  }
0xe: {  	s1 =	smov.u32 @p0 s13;
	s2 =	smov.u32 @p0 s14;
	p0 =	sne.s32 s17, $0xF  }
0xf: {  	s15 =	ssub.s32 s9, s11;
	s7 =	sadd.s32 s7, s3;
	s24 =	sadd.s32 s10, s8  }
0x10: {  	s9 =	smul.u32 $0xA0, s17;
	s26 =	sshrl.u32 s12, $0x3;
	s14 =	sadd.s32 $0x9B00, s1  }
.Ltmp0:
0x11: {  	s17 =	sshrl.u32 s16, $0x3;
	[dreg:$0x5] =	wrdreg s7;
	(pc) =	sbr.rel .LBB2_1-.Ltmp0, $4  }
0x12: {  	s25 =	sadd.s32 s6, s24;
	s12 =	sadd.s32 $0x25800, s26;
	s11 =	sadd.s32 s0, s24  }
0x13: {  	s13 =	smax.u32 s15, $0x1;
	s15 =	sadd.s32 $0x9B00, s2;
	s24 =	simm.s32 $0x2  }
0x14: {  	s26 =	simm.s32 $0x2700;
	[dreg:$0x6] =	wrdreg s25;
	s31 =	sadd.s32 s6, s12  }
0x15: {  	v0 =	vmov s4;
	s12 =	sadd.s32 s0, s12;
	s25 =	simm.s32 $0x1380;
	[dreg:$0x7] =	wrdreg s31  }
.LBB2_18:
0x16: {  	s30 =	sadd.s32 $0x1, s30  }
0x17: {  	p1 =	sne.s32 s30, s13  }
.Ltmp1:
0x18: {  	_ = 	snop;
	(pc) =	sbr.rel @!p1 .LBB2_19-.Ltmp1, $1  }
0x19: {  	_ =	sdelay $0x3  }
.LBB2_1:
.Ltmp2:
0x1a: {  	(pc) =	sbr.rel @p0 .LBB2_11-.Ltmp2, $1  }
0x1b: {  	_ =	sdelay $0x3  }
0x1c: {  	s0 =	rddreg [dreg:$0x7]  }
0x1d: {  	[spmem:s17], [sflag:s29] =	dma.local [hbm:s0], $0x1900  }
0x1e: {  	_ =	swait.ge [sflag:s18], $0x1900  }
0x1f: {  	[sflag:s18] =	ssyncset.done $0x0  }
0x20: {  	[sflag:s18] =	ssyncadd.s32 $0xFFFFE700  }
0x21: {  	p2 =	por $0x1, $0x1;
	s0 =	simm.s32 $0x9600;
	[bflag:$0x0] =	sbarrier.arrive $0xFFFF  }
.LBB2_3:
0x22: {  	s4 =	sadd.s32 s1, s0  }
0x23: {  	[tilespmem:s5], [sflag:$0x3] =	stream.linear.gather [hbm4b:s4+s5], $0x1400, $0x38;
	[tilespmem:$0x1E800] =	vst v63  }
0x24: {  	_ =	swait.ge [sflag:s18], $0x1400  }
0x25: {  	[sflag:s18] =	ssyncset.done $0x0  }
0x26: {  	s31 =	sadd.s32 s2, s0;
	[sflag:s18] =	ssyncadd.s32 $0xFFFFEC00  }
0x27: {  	[tilespmem:s19], [sflag:$0x3] =	stream.linear.gather [hbm4b:s31+s5], $0x1400, $0x38;
	[tilespmem:$0x1E800] =	vst v63  }
0x28: {  	_ =	swait.ge [sflag:s18], $0x1400  }
0x29: {  	[sflag:s18] =	ssyncset.done $0x0  }
0x2a: {  	s0 =	simm.s32 $0x70;
	[sflag:s18] =	ssyncadd.s32 $0xFFFFEC00  }
0x2b: {  	v3 =	vld [tilespmem:s0+$0xFFFFFF90]  }
0x2c: {  	v5 =	vld [tilespmem:s0+$0xFFFFFFA0]  }
0x2d: {  	v4 =	vld [tilespmem:s0+$0xFFFFFFB0]  }
0x2e: {  	v2 =	vld [tilespmem:s0+$0xFFFFFFC0]  }
0x2f: {  	v1 =	vld [tilespmem:s0+$0xFFFFFFD0]  }
0x30: {  	p1 =	por p2, p2;
	s4 =	simm.s32 $0x3C0;
	v6 =	vadd.s32 v0, v3;
	v3 =	vld [tilespmem:s0+$0xFFFFFFE0]  }
.LBB2_4:
0x31: {  	p2 =	sne.s32 s4, $0x4FC0;
	[tilespmem:s0+$0xFFFFFF90] =	vst v6;
	v5 =	vadd.s32 v0, v5;
	v6 =	vld [tilespmem:s0+$0x0]  }
0x32: {  	s7 =	sshra.s32 s4, $0x2;
	[tilespmem:s0+$0xFFFFFFA0] =	vst v5;
	v4 =	vadd.s32 v0, v4;
	v7 =	vld [tilespmem:s0+$0xFFFFFFF0]  }
0x33: {  	v8 =	vld [tilespmem:s7+$0xFFFFFF90];
	[tilespmem:s0+$0xFFFFFFB0] =	vst v4;
	v2 =	vadd.s32 v0, v2  }
.Ltmp3:
0x34: {  	v5 =	vld [tilespmem:s7+$0xFFFFFFA0];
	[tilespmem:s0+$0xFFFFFFC0] =	vst v2;
	v1 =	vadd.s32 v0, v1;
	(pc) =	sbr.rel @p2 .LBB2_4-.Ltmp3, $4  }
0x35: {  	v4 =	vld [tilespmem:s7+$0xFFFFFFB0];
	[tilespmem:s0+$0xFFFFFFD0] =	vst v1;
	v1 =	vadd.s32 v0, v3  }
0x36: {  	v2 =	vld [tilespmem:s7+$0xFFFFFFC0];
	[tilespmem:s0+$0xFFFFFFE0] =	vst v1;
	v3 =	vadd.s32 v0, v6  }
0x37: {  	v1 =	vld [tilespmem:s7+$0xFFFFFFD0];
	v7 =	vadd.s32 v0, v7;
	[tilespmem:s0+$0x0] =	vst v3  }
0x38: {  	s4 =	sadd.s32 $0x200, s4;
	v6 =	vadd.s32 v0, v8;
	v3 =	vld [tilespmem:s7+$0xFFFFFFE0];
	[tilespmem:s0+$0xFFFFFFF0] =	vst v7;
	s0 =	smov.u32 s7  }
0x39: {  	[tilespmem:s0+$0xFFFFFF90] =	vst v6;
	v5 =	vadd.s32 v0, v5;
	v62 =	vld [tilespmem:s0+$0x0]  }
0x3a: {  	v63 =	vld [tilespmem:s0+$0xFFFFFFF0];
	[tilespmem:s0+$0xFFFFFFA0] =	vst v5;
	v4 =	vadd.s32 v0, v4  }
0x3b: {  	[tilespmem:s0+$0xFFFFFFB0] =	vst v4;
	v2 =	vadd.s32 v0, v2  }
0x3c: {  	[tilespmem:s0+$0xFFFFFFC0] =	vst v2;
	v1 =	vadd.s32 v0, v1  }
0x3d: {  	[tilespmem:s0+$0xFFFFFFD0] =	vst v1;
	v1 =	vadd.s32 v0, v3  }
0x3e: {  	[tilespmem:s0+$0xFFFFFFE0] =	vst v1;
	v1 =	vadd.s32 v0, v62  }
0x3f: {  	v2 =	vadd.s32 v0, v63;
	[tilespmem:s0+$0x0] =	vst v1  }
0x40: {  	s7 =	simm.s32 $0x0;
	[tilespmem:s0+$0xFFFFFFF0] =	vst v2  }
0x41: {  	[tilespmem:s21], [sflag:$0x1] =	stream.indirect.gather [hbm4b:s6+s20], $0x80, s7, s20, $0xb8;
	[tilespmem:$0x1E800] =	vst v63  }
0x42: {  	s8 =	simm.s32 $0x80  }
0x43: {  	[tilespmem:s22], [sflag:$0x2] =	stream.indirect.gather [hbm4b:s6+s20], $0x80, s8, s20, $0xb8;
	[tilespmem:$0x1E800] =	vst v63  }
0x44: {  	_ =	swait.ge [sflag:s23], $0x4000  }
0x45: {  	[sflag:s23] =	ssyncset.done $0x0  }
0x46: {  	s10 =	simm.s32 $0x1400;
	[sflag:s23] =	ssyncadd.s32 $0xFFFFC000  }
0x47: {  	[spmem:s3] =	stream.indirect.scatter.add.f32 [tilespmem:s21], [sflag:$0x3], $0x80, s10, s20, $0xb8;
	[tilespmem:$0x1E800] =	vst v63  }
0x48: {  	_ =	swait.ge [sflag:s18], $0x4000  }
0x49: {  	[sflag:s18] =	ssyncset.done $0x0  }
0x4a: {  	s16 =	simm.s32 $0x100;
	[sflag:s18] =	ssyncadd.s32 $0xFFFFC000  }
0x4b: {  	[tilespmem:s21], [sflag:$0x1] =	stream.indirect.gather [hbm4b:s6+s20], $0x80, s16, s20, $0xb8;
	[tilespmem:$0x1E800] =	vst v63  }
0x4c: {  	_ =	swait.ge [sflag:s24], $0x4000  }
0x4d: {  	[sflag:s24] =	ssyncset.done $0x0  }
0x4e: {  	s31 =	simm.s32 $0x1480;
	[sflag:s24] =	ssyncadd.s32 $0xFFFFC000  }
0x4f: {  	[spmem:s3] =	stream.indirect.scatter.add.f32 [tilespmem:s22], [sflag:$0x3], $0x80, s31, s20, $0xb8;
	[tilespmem:$0x1E800] =	vst v63  }
0x50: {  	_ =	swait.ge [sflag:s18], $0x4000  }
0x51: {  	s4 =	simm.s32 $0x800;
	s0 =	simm.s32 $0x100;
	[sflag:s18] =	ssyncset.done $0x0  }
.LBB2_6:
0x52: {  	s7 =	sadd.s32 $0x80, s0  }
0x53: {  	[sflag:s18] =	ssyncadd.s32 $0xFFFFC000;
	s8 =	smov.u32 s4;
	s10 =	sadd.s32 $0x400, s4  }
0x54: {  	[tilespmem:s22], [sflag:$0x2] =	stream.indirect.gather [hbm4b:s6+s20], $0x80, s7, s20, $0xb8;
	[tilespmem:$0x1E800] =	vst v63  }
0x55: {  	p2 =	sne.s32 s4, $0x4800;
	_ =	swait.ge [sflag:s23], $0x4000  }
0x56: {  	[sflag:s23] =	ssyncset.done $0x0  }
0x57: {  	s4 =	sadd.s32 $0x1400, s0;
	[sflag:s23] =	ssyncadd.s32 $0xFFFFC000  }
0x58: {  	[spmem:s3] =	stream.indirect.scatter.add.f32 [tilespmem:s21], [sflag:$0x3], $0x80, s4, s20, $0xb8;
	[tilespmem:$0x1E800] =	vst v63  }
0x59: {  	_ =	swait.ge [sflag:s18], $0x4000  }
0x5a: {  	[sflag:s18] =	ssyncset.done $0x0  }
0x5b: {  	s4 =	sadd.s32 $0x100, s0;
	[sflag:s18] =	ssyncadd.s32 $0xFFFFC000  }
0x5c: {  	[tilespmem:s21], [sflag:$0x1] =	stream.indirect.gather [hbm4b:s6+s20], $0x80, s4, s20, $0xb8;
	[tilespmem:$0x1E800] =	vst v63  }
0x5d: {  	_ =	swait.ge [sflag:s24], $0x4000  }
.Ltmp4:
0x5e: {  	[sflag:s24] =	ssyncset.done $0x0;
	(pc) =	sbr.rel @p2 .LBB2_6-.Ltmp4, $4  }
0x5f: {  	s0 =	sadd.s32 $0x1480, s0;
	[sflag:s24] =	ssyncadd.s32 $0xFFFFC000  }
0x60: {  	[spmem:s3] =	stream.indirect.scatter.add.f32 [tilespmem:s22], [sflag:$0x3], $0x80, s0, s20, $0xb8;
	[tilespmem:$0x1E800] =	vst v63  }
0x61: {  	_ =	swait.ge [sflag:s18], $0x4000  }
0x62: {  	s4 =	smov.u32 s10;
	s0 =	sshra.s32 s8, $0x2;
	[sflag:s18] =	ssyncset.done $0x0  }
0x63: {  	s4 =	sadd.s32 $0x80, s0;
	[sflag:s18] =	ssyncadd.s32 $0xFFFFC000  }
0x64: {  	[tilespmem:s22], [sflag:$0x2] =	stream.indirect.gather [hbm4b:s6+s20], $0x80, s4, s20, $0xb8;
	[tilespmem:$0x1E800] =	vst v63  }
0x65: {  	_ =	swait.ge [sflag:s23], $0x4000  }
0x66: {  	[sflag:s23] =	ssyncset.done $0x0  }
0x67: {  	s10 =	sadd.s32 $0x1400, s0;
	[sflag:s23] =	ssyncadd.s32 $0xFFFFC000  }
0x68: {  	[spmem:s3] =	stream.indirect.scatter.add.f32 [tilespmem:s21], [sflag:$0x3], $0x80, s10, s20, $0xb8;
	[tilespmem:$0x1E800] =	vst v63  }
0x69: {  	_ =	swait.ge [sflag:s18], $0x4000  }
0x6a: {  	[sflag:s18] =	ssyncset.done $0x0  }
0x6b: {  	s16 =	sadd.s32 $0x100, s0;
	[sflag:s18] =	ssyncadd.s32 $0xFFFFC000  }
0x6c: {  	[tilespmem:s21], [sflag:$0x1] =	stream.indirect.gather [hbm4b:s6+s20], $0x80, s16, s20, $0xb8;
	[tilespmem:$0x1E800] =	vst v63  }
0x6d: {  	_ =	swait.ge [sflag:s24], $0x4000  }
0x6e: {  	[sflag:s24] =	ssyncset.done $0x0  }
0x6f: {  	s31 =	sadd.s32 $0x1480, s0;
	[sflag:s24] =	ssyncadd.s32 $0xFFFFC000  }
0x70: {  	[spmem:s3] =	stream.indirect.scatter.add.f32 [tilespmem:s22], [sflag:$0x3], $0x80, s31, s20, $0xb8;
	[tilespmem:$0x1E800] =	vst v63  }
0x71: {  	_ =	swait.ge [sflag:s18], $0x4000  }
0x72: {  	[sflag:s18] =	ssyncset.done $0x0  }
0x73: {  	[sflag:s18] =	ssyncadd.s32 $0xFFFFC000  }
0x74: {  	[tilespmem:s22], [sflag:$0x2] =	stream.indirect.gather [hbm4b:s6+s20], $0x80, s25, s20, $0xb8;
	[tilespmem:$0x1E800] =	vst v63  }
0x75: {  	_ =	swait.ge [sflag:s23], $0x4000  }
0x76: {  	[sflag:s23] =	ssyncset.done $0x0  }
0x77: {  	[sflag:s23] =	ssyncadd.s32 $0xFFFFC000  }
0x78: {  	[spmem:s3] =	stream.indirect.scatter.add.f32 [tilespmem:s21], [sflag:$0x3], $0x80, s26, s20, $0xb8;
	[tilespmem:$0x1E800] =	vst v63  }
0x79: {  	_ =	swait.ge [sflag:s18], $0x4000  }
0x7a: {  	[sflag:s18] =	ssyncset.done $0x0  }
0x7b: {  	[sflag:s18] =	ssyncadd.s32 $0xFFFFC000  }
0x7c: {  	_ =	swait.ge [sflag:s24], $0x4000  }
0x7d: {  	[sflag:s24] =	ssyncset.done $0x0  }
.Ltmp5:
0x7e: {  	[sflag:s24] =	ssyncadd.s32 $0xFFFFC000;
	(pc) =	sbr.rel @p1 .LBB2_3-.Ltmp5, $4  }
0x7f: {  	[spmem:s3] =	stream.indirect.scatter.add.f32 [tilespmem:s22], [sflag:$0x3], $0x80, s28, s20, $0xb8;
	[tilespmem:$0x1E800] =	vst v63  }
0x80: {  	_ =	swait.ge [sflag:s18], $0x4000  }
0x81: {  	[sflag:s18] =	ssyncset.done $0x0  }
0x82: {  	s0 =	simm.s32 $0x9880;
	p2 =	por $0x0, $0x0;
	[sflag:s18] =	ssyncadd.s32 $0xFFFFC000  }
0x83: {  	[tilespmem:s5], [sflag:$0x3] =	stream.linear.gather [hbm4b:s14+s5], $0xA00, $0x38;
	[tilespmem:$0x1E800] =	vst v63  }
0x84: {  	_ =	swait.ge [sflag:s18], $0xA00  }
0x85: {  	[sflag:s18] =	ssyncset.done $0x0  }
0x86: {  	[sflag:s18] =	ssyncadd.s32 $0xFFFFF600  }
0x87: {  	[tilespmem:s19], [sflag:$0x3] =	stream.linear.gather [hbm4b:s15+s5], $0xA00, $0x38;
	[tilespmem:$0x1E800] =	vst v63  }
0x88: {  	_ =	swait.ge [sflag:s18], $0xA00  }
0x89: {  	[sflag:s18] =	ssyncset.done $0x0  }
0x8a: {  	s0 =	simm.s32 $0x70;
	[sflag:s18] =	ssyncadd.s32 $0xFFFFF600  }
0x8b: {  	v3 =	vld [tilespmem:s0+$0xFFFFFF90]  }
0x8c: {  	v5 =	vld [tilespmem:s0+$0xFFFFFFA0]  }
0x8d: {  	v4 =	vld [tilespmem:s0+$0xFFFFFFB0]  }
0x8e: {  	v2 =	vld [tilespmem:s0+$0xFFFFFFC0]  }
0x8f: {  	v1 =	vld [tilespmem:s0+$0xFFFFFFD0]  }
0x90: {  	s4 =	simm.s32 $0x3C0;
	v6 =	vadd.s32 v0, v3;
	v3 =	vld [tilespmem:s0+$0xFFFFFFE0]  }
.LBB2_9:
0x91: {  	p1 =	sne.s32 s4, $0x27C0;
	[tilespmem:s0+$0xFFFFFF90] =	vst v6;
	v5 =	vadd.s32 v0, v5;
	v6 =	vld [tilespmem:s0+$0x0]  }
0x92: {  	s7 =	sshra.s32 s4, $0x2;
	[tilespmem:s0+$0xFFFFFFA0] =	vst v5;
	v4 =	vadd.s32 v0, v4;
	v7 =	vld [tilespmem:s0+$0xFFFFFFF0]  }
0x93: {  	v8 =	vld [tilespmem:s7+$0xFFFFFF90];
	[tilespmem:s0+$0xFFFFFFB0] =	vst v4;
	v2 =	vadd.s32 v0, v2  }
.Ltmp6:
0x94: {  	v5 =	vld [tilespmem:s7+$0xFFFFFFA0];
	[tilespmem:s0+$0xFFFFFFC0] =	vst v2;
	v1 =	vadd.s32 v0, v1;
	(pc) =	sbr.rel @p1 .LBB2_9-.Ltmp6, $4  }
0x95: {  	v4 =	vld [tilespmem:s7+$0xFFFFFFB0];
	[tilespmem:s0+$0xFFFFFFD0] =	vst v1;
	v1 =	vadd.s32 v0, v3  }
0x96: {  	v2 =	vld [tilespmem:s7+$0xFFFFFFC0];
	[tilespmem:s0+$0xFFFFFFE0] =	vst v1;
	v3 =	vadd.s32 v0, v6  }
0x97: {  	v1 =	vld [tilespmem:s7+$0xFFFFFFD0];
	v7 =	vadd.s32 v0, v7;
	[tilespmem:s0+$0x0] =	vst v3  }
0x98: {  	s4 =	sadd.s32 $0x200, s4;
	v6 =	vadd.s32 v0, v8;
	v3 =	vld [tilespmem:s7+$0xFFFFFFE0];
	[tilespmem:s0+$0xFFFFFFF0] =	vst v7;
	s0 =	smov.u32 s7  }
0x99: {  	[tilespmem:s0+$0xFFFFFF90] =	vst v6;
	v5 =	vadd.s32 v0, v5;
	v62 =	vld [tilespmem:s0+$0x0]  }
0x9a: {  	v63 =	vld [tilespmem:s0+$0xFFFFFFF0];
	[tilespmem:s0+$0xFFFFFFA0] =	vst v5;
	v4 =	vadd.s32 v0, v4  }
0x9b: {  	[tilespmem:s0+$0xFFFFFFB0] =	vst v4;
	v2 =	vadd.s32 v0, v2  }
0x9c: {  	[tilespmem:s0+$0xFFFFFFC0] =	vst v2;
	v1 =	vadd.s32 v0, v1  }
0x9d: {  	[tilespmem:s0+$0xFFFFFFD0] =	vst v1;
	v1 =	vadd.s32 v0, v3  }
0x9e: {  	[tilespmem:s0+$0xFFFFFFE0] =	vst v1;
	v1 =	vadd.s32 v0, v62  }
0x9f: {  	v2 =	vadd.s32 v0, v63;
	[tilespmem:s0+$0x0] =	vst v1  }
0xa0: {  	[tilespmem:s0+$0xFFFFFFF0] =	vst v2  }
0xa1: {  	[tilespmem:s21], [sflag:$0x1] =	stream.indirect.gather [hbm4b:s6+s20], $0x80, s5, s20, $0xb8;
	[tilespmem:$0x1E800] =	vst v63  }
0xa2: {  	_ = 	snop  }
0xa3: {  	[tilespmem:s22], [sflag:$0x2] =	stream.indirect.gather [hbm4b:s6+s20], $0x80, s20, s20, $0xb8;
	[tilespmem:$0x1E800] =	vst v63  }
0xa4: {  	_ =	swait.ge [sflag:s23], $0x4000  }
0xa5: {  	[sflag:s23] =	ssyncset.done $0x0  }
0xa6: {  	[sflag:s23] =	ssyncadd.s32 $0xFFFFC000  }
0xa7: {  	[spmem:s3] =	stream.indirect.scatter.add.f32 [tilespmem:s21], [sflag:$0x3], $0x80, s19, s20, $0xb8;
	[tilespmem:$0x1E800] =	vst v63  }
0xa8: {  	_ =	swait.ge [sflag:s18], $0x4000  }
0xa9: {  	[sflag:s18] =	ssyncset.done $0x0  }
0xaa: {  	s31 =	simm.s32 $0x100;
	[sflag:s18] =	ssyncadd.s32 $0xFFFFC000  }
0xab: {  	[tilespmem:s21], [sflag:$0x1] =	stream.indirect.gather [hbm4b:s6+s20], $0x80, s31, s20, $0xb8;
	[tilespmem:$0x1E800] =	vst v63  }
0xac: {  	_ =	swait.ge [sflag:s24], $0x4000  }
0xad: {  	[sflag:s24] =	ssyncset.done $0x0  }
0xae: {  	s4 =	simm.s32 $0x1480;
	[sflag:s24] =	ssyncadd.s32 $0xFFFFC000  }
0xaf: {  	[spmem:s3] =	stream.indirect.scatter.add.f32 [tilespmem:s22], [sflag:$0x3], $0x80, s4, s20, $0xb8;
	[tilespmem:$0x1E800] =	vst v63  }
0xb0: {  	_ =	swait.ge [sflag:s18], $0x4000  }
0xb1: {  	[sflag:s18] =	ssyncset.done $0x0  }
0xb2: {  	s7 =	simm.s32 $0x180;
	[sflag:s18] =	ssyncadd.s32 $0xFFFFC000  }
0xb3: {  	[tilespmem:s22], [sflag:$0x2] =	stream.indirect.gather [hbm4b:s6+s20], $0x80, s7, s20, $0xb8;
	[tilespmem:$0x1E800] =	vst v63  }
0xb4: {  	_ =	swait.ge [sflag:s23], $0x4000  }
0xb5: {  	[sflag:s23] =	ssyncset.done $0x0  }
0xb6: {  	s8 =	simm.s32 $0x1500;
	[sflag:s23] =	ssyncadd.s32 $0xFFFFC000  }
0xb7: {  	[spmem:s3] =	stream.indirect.scatter.add.f32 [tilespmem:s21], [sflag:$0x3], $0x80, s8, s20, $0xb8;
	[tilespmem:$0x1E800] =	vst v63  }
0xb8: {  	_ =	swait.ge [sflag:s18], $0x4000  }
0xb9: {  	[sflag:s18] =	ssyncset.done $0x0  }
0xba: {  	s10 =	simm.s32 $0x200;
	[sflag:s18] =	ssyncadd.s32 $0xFFFFC000  }
0xbb: {  	[tilespmem:s21], [sflag:$0x1] =	stream.indirect.gather [hbm4b:s6+s20], $0x80, s10, s20, $0xb8;
	[tilespmem:$0x1E800] =	vst v63  }
0xbc: {  	_ =	swait.ge [sflag:s24], $0x4000  }
0xbd: {  	[sflag:s24] =	ssyncset.done $0x0  }
0xbe: {  	s16 =	simm.s32 $0x1580;
	[sflag:s24] =	ssyncadd.s32 $0xFFFFC000  }
0xbf: {  	[spmem:s3] =	stream.indirect.scatter.add.f32 [tilespmem:s22], [sflag:$0x3], $0x80, s16, s20, $0xb8;
	[tilespmem:$0x1E800] =	vst v63  }
0xc0: {  	_ =	swait.ge [sflag:s18], $0x4000  }
0xc1: {  	[sflag:s18] =	ssyncset.done $0x0  }
0xc2: {  	s31 =	simm.s32 $0x280;
	[sflag:s18] =	ssyncadd.s32 $0xFFFFC000  }
0xc3: {  	[tilespmem:s22], [sflag:$0x2] =	stream.indirect.gather [hbm4b:s6+s20], $0x80, s31, s20, $0xb8;
	[tilespmem:$0x1E800] =	vst v63  }
0xc4: {  	_ =	swait.ge [sflag:s23], $0x4000  }
0xc5: {  	[sflag:s23] =	ssyncset.done $0x0  }
0xc6: {  	s4 =	simm.s32 $0x1600;
	[sflag:s23] =	ssyncadd.s32 $0xFFFFC000  }
0xc7: {  	[spmem:s3] =	stream.indirect.scatter.add.f32 [tilespmem:s21], [sflag:$0x3], $0x80, s4, s20, $0xb8;
	[tilespmem:$0x1E800] =	vst v63  }
0xc8: {  	_ =	swait.ge [sflag:s18], $0x4000  }
0xc9: {  	[sflag:s18] =	ssyncset.done $0x0  }
0xca: {  	s7 =	simm.s32 $0x300;
	[sflag:s18] =	ssyncadd.s32 $0xFFFFC000  }
0xcb: {  	[tilespmem:s21], [sflag:$0x1] =	stream.indirect.gather [hbm4b:s6+s20], $0x80, s7, s20, $0xb8;
	[tilespmem:$0x1E800] =	vst v63  }
0xcc: {  	_ =	swait.ge [sflag:s24], $0x4000  }
0xcd: {  	[sflag:s24] =	ssyncset.done $0x0  }
0xce: {  	s8 =	simm.s32 $0x1680;
	[sflag:s24] =	ssyncadd.s32 $0xFFFFC000  }
0xcf: {  	[spmem:s3] =	stream.indirect.scatter.add.f32 [tilespmem:s22], [sflag:$0x3], $0x80, s8, s20, $0xb8;
	[tilespmem:$0x1E800] =	vst v63  }
0xd0: {  	_ =	swait.ge [sflag:s18], $0x4000  }
0xd1: {  	[sflag:s18] =	ssyncset.done $0x0  }
0xd2: {  	s10 =	simm.s32 $0x380;
	[sflag:s18] =	ssyncadd.s32 $0xFFFFC000  }
0xd3: {  	[tilespmem:s22], [sflag:$0x2] =	stream.indirect.gather [hbm4b:s6+s20], $0x80, s10, s20, $0xb8;
	[tilespmem:$0x1E800] =	vst v63  }
0xd4: {  	_ =	swait.ge [sflag:s23], $0x4000  }
0xd5: {  	[sflag:s23] =	ssyncset.done $0x0  }
0xd6: {  	s16 =	simm.s32 $0x1700;
	[sflag:s23] =	ssyncadd.s32 $0xFFFFC000  }
0xd7: {  	[spmem:s3] =	stream.indirect.scatter.add.f32 [tilespmem:s21], [sflag:$0x3], $0x80, s16, s20, $0xb8;
	[tilespmem:$0x1E800] =	vst v63  }
0xd8: {  	_ =	swait.ge [sflag:s18], $0x4000  }
0xd9: {  	[sflag:s18] =	ssyncset.done $0x0  }
0xda: {  	s31 =	simm.s32 $0x400;
	[sflag:s18] =	ssyncadd.s32 $0xFFFFC000  }
0xdb: {  	[tilespmem:s21], [sflag:$0x1] =	stream.indirect.gather [hbm4b:s6+s20], $0x80, s31, s20, $0xb8;
	[tilespmem:$0x1E800] =	vst v63  }
0xdc: {  	_ =	swait.ge [sflag:s24], $0x4000  }
0xdd: {  	[sflag:s24] =	ssyncset.done $0x0  }
0xde: {  	s4 =	simm.s32 $0x1780;
	[sflag:s24] =	ssyncadd.s32 $0xFFFFC000  }
0xdf: {  	[spmem:s3] =	stream.indirect.scatter.add.f32 [tilespmem:s22], [sflag:$0x3], $0x80, s4, s20, $0xb8;
	[tilespmem:$0x1E800] =	vst v63  }
0xe0: {  	_ =	swait.ge [sflag:s18], $0x4000  }
0xe1: {  	[sflag:s18] =	ssyncset.done $0x0  }
0xe2: {  	s7 =	simm.s32 $0x480;
	[sflag:s18] =	ssyncadd.s32 $0xFFFFC000  }
0xe3: {  	[tilespmem:s22], [sflag:$0x2] =	stream.indirect.gather [hbm4b:s6+s20], $0x80, s7, s20, $0xb8;
	[tilespmem:$0x1E800] =	vst v63  }
0xe4: {  	_ =	swait.ge [sflag:s23], $0x4000  }
0xe5: {  	[sflag:s23] =	ssyncset.done $0x0  }
0xe6: {  	s8 =	simm.s32 $0x1800;
	[sflag:s23] =	ssyncadd.s32 $0xFFFFC000  }
0xe7: {  	[spmem:s3] =	stream.indirect.scatter.add.f32 [tilespmem:s21], [sflag:$0x3], $0x80, s8, s20, $0xb8;
	[tilespmem:$0x1E800] =	vst v63  }
0xe8: {  	_ =	swait.ge [sflag:s18], $0x4000  }
0xe9: {  	[sflag:s18] =	ssyncset.done $0x0  }
0xea: {  	s10 =	simm.s32 $0x500;
	[sflag:s18] =	ssyncadd.s32 $0xFFFFC000  }
0xeb: {  	[tilespmem:s21], [sflag:$0x1] =	stream.indirect.gather [hbm4b:s6+s20], $0x80, s10, s20, $0xb8;
	[tilespmem:$0x1E800] =	vst v63  }
0xec: {  	_ =	swait.ge [sflag:s24], $0x4000  }
0xed: {  	[sflag:s24] =	ssyncset.done $0x0  }
0xee: {  	s16 =	simm.s32 $0x1880;
	[sflag:s24] =	ssyncadd.s32 $0xFFFFC000  }
0xef: {  	[spmem:s3] =	stream.indirect.scatter.add.f32 [tilespmem:s22], [sflag:$0x3], $0x80, s16, s20, $0xb8;
	[tilespmem:$0x1E800] =	vst v63  }
0xf0: {  	_ =	swait.ge [sflag:s18], $0x4000  }
0xf1: {  	[sflag:s18] =	ssyncset.done $0x0  }
0xf2: {  	s31 =	simm.s32 $0x580;
	[sflag:s18] =	ssyncadd.s32 $0xFFFFC000  }
0xf3: {  	[tilespmem:s22], [sflag:$0x2] =	stream.indirect.gather [hbm4b:s6+s20], $0x80, s31, s20, $0xb8;
	[tilespmem:$0x1E800] =	vst v63  }
0xf4: {  	_ =	swait.ge [sflag:s23], $0x4000  }
0xf5: {  	[sflag:s23] =	ssyncset.done $0x0  }
0xf6: {  	s4 =	simm.s32 $0x1900;
	[sflag:s23] =	ssyncadd.s32 $0xFFFFC000  }
0xf7: {  	[spmem:s3] =	stream.indirect.scatter.add.f32 [tilespmem:s21], [sflag:$0x3], $0x80, s4, s20, $0xb8;
	[tilespmem:$0x1E800] =	vst v63  }
0xf8: {  	_ =	swait.ge [sflag:s18], $0x4000  }
0xf9: {  	[sflag:s18] =	ssyncset.done $0x0  }
0xfa: {  	s7 =	simm.s32 $0x600;
	[sflag:s18] =	ssyncadd.s32 $0xFFFFC000  }
0xfb: {  	[tilespmem:s21], [sflag:$0x1] =	stream.indirect.gather [hbm4b:s6+s20], $0x80, s7, s20, $0xb8;
	[tilespmem:$0x1E800] =	vst v63  }
0xfc: {  	_ =	swait.ge [sflag:s24], $0x4000  }
0xfd: {  	[sflag:s24] =	ssyncset.done $0x0  }
0xfe: {  	s8 =	simm.s32 $0x1980;
	[sflag:s24] =	ssyncadd.s32 $0xFFFFC000  }
0xff: {  	[spmem:s3] =	stream.indirect.scatter.add.f32 [tilespmem:s22], [sflag:$0x3], $0x80, s8, s20, $0xb8;
	[tilespmem:$0x1E800] =	vst v63  }
0x100: {  	_ =	swait.ge [sflag:s18], $0x4000  }
0x101: {  	[sflag:s18] =	ssyncset.done $0x0  }
0x102: {  	s10 =	simm.s32 $0x680;
	[sflag:s18] =	ssyncadd.s32 $0xFFFFC000  }
0x103: {  	[tilespmem:s22], [sflag:$0x2] =	stream.indirect.gather [hbm4b:s6+s20], $0x80, s10, s20, $0xb8;
	[tilespmem:$0x1E800] =	vst v63  }
0x104: {  	_ =	swait.ge [sflag:s23], $0x4000  }
0x105: {  	[sflag:s23] =	ssyncset.done $0x0  }
0x106: {  	s16 =	simm.s32 $0x1A00;
	[sflag:s23] =	ssyncadd.s32 $0xFFFFC000  }
0x107: {  	[spmem:s3] =	stream.indirect.scatter.add.f32 [tilespmem:s21], [sflag:$0x3], $0x80, s16, s20, $0xb8;
	[tilespmem:$0x1E800] =	vst v63  }
0x108: {  	_ =	swait.ge [sflag:s18], $0x4000  }
0x109: {  	[sflag:s18] =	ssyncset.done $0x0  }
0x10a: {  	s31 =	simm.s32 $0x700;
	[sflag:s18] =	ssyncadd.s32 $0xFFFFC000  }
0x10b: {  	[tilespmem:s21], [sflag:$0x1] =	stream.indirect.gather [hbm4b:s6+s20], $0x80, s31, s20, $0xb8;
	[tilespmem:$0x1E800] =	vst v63  }
0x10c: {  	_ =	swait.ge [sflag:s24], $0x4000  }
0x10d: {  	[sflag:s24] =	ssyncset.done $0x0  }
0x10e: {  	s4 =	simm.s32 $0x1A80;
	[sflag:s24] =	ssyncadd.s32 $0xFFFFC000  }
0x10f: {  	[spmem:s3] =	stream.indirect.scatter.add.f32 [tilespmem:s22], [sflag:$0x3], $0x80, s4, s20, $0xb8;
	[tilespmem:$0x1E800] =	vst v63  }
0x110: {  	_ =	swait.ge [sflag:s18], $0x4000  }
0x111: {  	[sflag:s18] =	ssyncset.done $0x0  }
0x112: {  	s7 =	simm.s32 $0x780;
	[sflag:s18] =	ssyncadd.s32 $0xFFFFC000  }
0x113: {  	[tilespmem:s22], [sflag:$0x2] =	stream.indirect.gather [hbm4b:s6+s20], $0x80, s7, s20, $0xb8;
	[tilespmem:$0x1E800] =	vst v63  }
0x114: {  	_ =	swait.ge [sflag:s23], $0x4000  }
0x115: {  	[sflag:s23] =	ssyncset.done $0x0  }
0x116: {  	s8 =	simm.s32 $0x1B00;
	[sflag:s23] =	ssyncadd.s32 $0xFFFFC000  }
0x117: {  	[spmem:s3] =	stream.indirect.scatter.add.f32 [tilespmem:s21], [sflag:$0x3], $0x80, s8, s20, $0xb8;
	[tilespmem:$0x1E800] =	vst v63  }
0x118: {  	_ =	swait.ge [sflag:s18], $0x4000  }
0x119: {  	[sflag:s18] =	ssyncset.done $0x0  }
0x11a: {  	s10 =	simm.s32 $0x800;
	[sflag:s18] =	ssyncadd.s32 $0xFFFFC000  }
0x11b: {  	[tilespmem:s21], [sflag:$0x1] =	stream.indirect.gather [hbm4b:s6+s20], $0x80, s10, s20, $0xb8;
	[tilespmem:$0x1E800] =	vst v63  }
0x11c: {  	_ =	swait.ge [sflag:s24], $0x4000  }
0x11d: {  	[sflag:s24] =	ssyncset.done $0x0  }
0x11e: {  	s16 =	simm.s32 $0x1B80;
	[sflag:s24] =	ssyncadd.s32 $0xFFFFC000  }
0x11f: {  	[spmem:s3] =	stream.indirect.scatter.add.f32 [tilespmem:s22], [sflag:$0x3], $0x80, s16, s20, $0xb8;
	[tilespmem:$0x1E800] =	vst v63  }
0x120: {  	_ =	swait.ge [sflag:s18], $0x4000  }
0x121: {  	[sflag:s18] =	ssyncset.done $0x0  }
0x122: {  	s31 =	simm.s32 $0x880;
	[sflag:s18] =	ssyncadd.s32 $0xFFFFC000  }
0x123: {  	[tilespmem:s22], [sflag:$0x2] =	stream.indirect.gather [hbm4b:s6+s20], $0x80, s31, s20, $0xb8;
	[tilespmem:$0x1E800] =	vst v63  }
0x124: {  	_ =	swait.ge [sflag:s23], $0x4000  }
0x125: {  	[sflag:s23] =	ssyncset.done $0x0  }
0x126: {  	s4 =	simm.s32 $0x1C00;
	[sflag:s23] =	ssyncadd.s32 $0xFFFFC000  }
0x127: {  	[spmem:s3] =	stream.indirect.scatter.add.f32 [tilespmem:s21], [sflag:$0x3], $0x80, s4, s20, $0xb8;
	[tilespmem:$0x1E800] =	vst v63  }
0x128: {  	_ =	swait.ge [sflag:s18], $0x4000  }
0x129: {  	[sflag:s18] =	ssyncset.done $0x0  }
0x12a: {  	s7 =	simm.s32 $0x900;
	[sflag:s18] =	ssyncadd.s32 $0xFFFFC000  }
0x12b: {  	[tilespmem:s21], [sflag:$0x1] =	stream.indirect.gather [hbm4b:s6+s20], $0x80, s7, s20, $0xb8;
	[tilespmem:$0x1E800] =	vst v63  }
0x12c: {  	_ =	swait.ge [sflag:s24], $0x4000  }
0x12d: {  	[sflag:s24] =	ssyncset.done $0x0  }
0x12e: {  	s8 =	simm.s32 $0x1C80;
	[sflag:s24] =	ssyncadd.s32 $0xFFFFC000  }
0x12f: {  	[spmem:s3] =	stream.indirect.scatter.add.f32 [tilespmem:s22], [sflag:$0x3], $0x80, s8, s20, $0xb8;
	[tilespmem:$0x1E800] =	vst v63  }
0x130: {  	_ =	swait.ge [sflag:s18], $0x4000  }
0x131: {  	[sflag:s18] =	ssyncset.done $0x0  }
0x132: {  	s10 =	simm.s32 $0x980;
	[sflag:s18] =	ssyncadd.s32 $0xFFFFC000  }
0x133: {  	[tilespmem:s22], [sflag:$0x2] =	stream.indirect.gather [hbm4b:s6+s20], $0x80, s10, s20, $0xb8;
	[tilespmem:$0x1E800] =	vst v63  }
0x134: {  	_ =	swait.ge [sflag:s23], $0x4000  }
0x135: {  	[sflag:s23] =	ssyncset.done $0x0  }
0x136: {  	s16 =	simm.s32 $0x1D00;
	[sflag:s23] =	ssyncadd.s32 $0xFFFFC000  }
0x137: {  	[spmem:s3] =	stream.indirect.scatter.add.f32 [tilespmem:s21], [sflag:$0x3], $0x80, s16, s20, $0xb8;
	[tilespmem:$0x1E800] =	vst v63  }
0x138: {  	_ =	swait.ge [sflag:s18], $0x4000  }
0x139: {  	[sflag:s18] =	ssyncset.done $0x0  }
0x13a: {  	[sflag:s18] =	ssyncadd.s32 $0xFFFFC000  }
0x13b: {  	_ =	swait.ge [sflag:s24], $0x4000  }
0x13c: {  	[sflag:s24] =	ssyncset.done $0x0  }
0x13d: {  	s31 =	simm.s32 $0x1D80;
	[sflag:s24] =	ssyncadd.s32 $0xFFFFC000  }
0x13e: {  	[spmem:s3] =	stream.indirect.scatter.add.f32 [tilespmem:s22], [sflag:$0x3], $0x80, s31, s20, $0xb8;
	[tilespmem:$0x1E800] =	vst v63  }
0x13f: {  	_ =	swait.ge [sflag:s18], $0x4000  }
0x140: {  	[sflag:s18] =	ssyncset.done $0x0  }
0x141: {  	[sflag:s18] =	ssyncadd.s32 $0xFFFFC000  }
.Ltmp7:
0x142: {  	[bflag:$0x0] =	sbarrier.arrive $0xFFFF;
	(pc) =	sbr.rel .LBB2_18-.Ltmp7, $4  }
0x143: {  	[hbm:s12], [sflag:s29] =	dma.local [spmem:s17], $0x1900  }
0x144: {  	_ =	swait.ge [sflag:s18], $0x1900  }
0x145: {  	[sflag:s18] =	ssyncset.done $0x0  }
0x146: {  	[sflag:s18] =	ssyncadd.s32 $0xFFFFE700  }
.LBB2_11:
0x147: {  	s0 =	stileid.u32  }
0x148: {  	s16 =	rddreg [dreg:$0x5];
	s0 =	sshll.u32 s0, $0x6  }
0x149: {  	s4 =	rddreg [dreg:$0x6];
	s31 =	sor.u32 $0x1C03, s0;
	s0 =	sshrl.u32 s16, $0x3  }
0x14a: {  	[spmem:s0], [sflag:s31] =	dma.local [hbm:s4], $0x2800  }
0x14b: {  	_ =	swait.ge [sflag:s18], $0x2800  }
0x14c: {  	[sflag:s18] =	ssyncset.done $0x0  }
0x14d: {  	[sflag:s18] =	ssyncadd.s32 $0xFFFFD800  }
0x14e: {  	s29 =	simm.s32 $0x0;
	[bflag:$0x0] =	sbarrier.arrive $0xFFFF  }
.LBB2_12:
0x14f: {  	s4 =	smul.u32 $0x28, s29;
	_ =	sdelay $0x1  }
0x150: {  	s4 =	sadd.s32 s9, s4  }
0x151: {  	s4 =	sshll.u32 s4, $0x4  }
0x152: {  	s16 =	sadd.s32 s1, s4  }
0x153: {  	[tilespmem:s5], [sflag:$0x3] =	stream.linear.gather [hbm4b:s16+s5], $0x1400, $0x38;
	[tilespmem:$0x1E800] =	vst v63  }
0x154: {  	_ =	swait.ge [sflag:s18], $0x1400  }
0x155: {  	[sflag:s18] =	ssyncset.done $0x0  }
0x156: {  	s4 =	sadd.s32 s2, s4;
	[sflag:s18] =	ssyncadd.s32 $0xFFFFEC00  }
0x157: {  	[tilespmem:s19], [sflag:$0x3] =	stream.linear.gather [hbm4b:s4+s5], $0x1400, $0x38;
	[tilespmem:$0x1E800] =	vst v63  }
0x158: {  	_ =	swait.ge [sflag:s18], $0x1400  }
0x159: {  	[sflag:s18] =	ssyncset.done $0x0  }
0x15a: {  	s4 =	simm.s32 $0x70;
	[sflag:s18] =	ssyncadd.s32 $0xFFFFEC00  }
0x15b: {  	v3 =	vld [tilespmem:s4+$0xFFFFFF90]  }
0x15c: {  	v5 =	vld [tilespmem:s4+$0xFFFFFFA0]  }
0x15d: {  	v4 =	vld [tilespmem:s4+$0xFFFFFFB0]  }
0x15e: {  	v2 =	vld [tilespmem:s4+$0xFFFFFFC0]  }
0x15f: {  	v1 =	vld [tilespmem:s4+$0xFFFFFFD0]  }
0x160: {  	s16 =	simm.s32 $0x3C0;
	v6 =	vadd.s32 v0, v3;
	v3 =	vld [tilespmem:s4+$0xFFFFFFE0]  }
.LBB2_13:
0x161: {  	p1 =	sne.s32 s16, $0x4FC0;
	[tilespmem:s4+$0xFFFFFF90] =	vst v6;
	v5 =	vadd.s32 v0, v5;
	v6 =	vld [tilespmem:s4+$0x0]  }
0x162: {  	s7 =	sshra.s32 s16, $0x2;
	[tilespmem:s4+$0xFFFFFFA0] =	vst v5;
	v4 =	vadd.s32 v0, v4;
	v7 =	vld [tilespmem:s4+$0xFFFFFFF0]  }
0x163: {  	v8 =	vld [tilespmem:s7+$0xFFFFFF90];
	[tilespmem:s4+$0xFFFFFFB0] =	vst v4;
	v2 =	vadd.s32 v0, v2  }
.Ltmp8:
0x164: {  	v5 =	vld [tilespmem:s7+$0xFFFFFFA0];
	[tilespmem:s4+$0xFFFFFFC0] =	vst v2;
	v1 =	vadd.s32 v0, v1;
	(pc) =	sbr.rel @p1 .LBB2_13-.Ltmp8, $4  }
0x165: {  	v4 =	vld [tilespmem:s7+$0xFFFFFFB0];
	[tilespmem:s4+$0xFFFFFFD0] =	vst v1;
	v1 =	vadd.s32 v0, v3  }
0x166: {  	v2 =	vld [tilespmem:s7+$0xFFFFFFC0];
	[tilespmem:s4+$0xFFFFFFE0] =	vst v1;
	v3 =	vadd.s32 v0, v6  }
0x167: {  	v1 =	vld [tilespmem:s7+$0xFFFFFFD0];
	v7 =	vadd.s32 v0, v7;
	[tilespmem:s4+$0x0] =	vst v3  }
0x168: {  	s16 =	sadd.s32 $0x200, s16;
	v6 =	vadd.s32 v0, v8;
	v3 =	vld [tilespmem:s7+$0xFFFFFFE0];
	[tilespmem:s4+$0xFFFFFFF0] =	vst v7;
	s4 =	smov.u32 s7  }
0x169: {  	[tilespmem:s4+$0xFFFFFF90] =	vst v6;
	v5 =	vadd.s32 v0, v5;
	v62 =	vld [tilespmem:s4+$0x0]  }
0x16a: {  	v63 =	vld [tilespmem:s4+$0xFFFFFFF0];
	[tilespmem:s4+$0xFFFFFFA0] =	vst v5;
	v4 =	vadd.s32 v0, v4  }
0x16b: {  	[tilespmem:s4+$0xFFFFFFB0] =	vst v4;
	v2 =	vadd.s32 v0, v2  }
0x16c: {  	[tilespmem:s4+$0xFFFFFFC0] =	vst v2;
	v1 =	vadd.s32 v0, v1  }
0x16d: {  	[tilespmem:s4+$0xFFFFFFD0] =	vst v1;
	v1 =	vadd.s32 v0, v3  }
0x16e: {  	[tilespmem:s4+$0xFFFFFFE0] =	vst v1;
	v1 =	vadd.s32 v0, v62  }
0x16f: {  	v2 =	vadd.s32 v0, v63;
	[tilespmem:s4+$0x0] =	vst v1  }
0x170: {  	s16 =	simm.s32 $0x0;
	[tilespmem:s4+$0xFFFFFFF0] =	vst v2  }
0x171: {  	[tilespmem:s21], [sflag:$0x1] =	stream.indirect.gather [hbm4b:s6+s20], $0x80, s16, s20, $0xb8;
	[tilespmem:$0x1E800] =	vst v63  }
0x172: {  	s7 =	simm.s32 $0x80  }
0x173: {  	[tilespmem:s22], [sflag:$0x2] =	stream.indirect.gather [hbm4b:s6+s20], $0x80, s7, s20, $0xb8;
	[tilespmem:$0x1E800] =	vst v63  }
0x174: {  	_ =	swait.ge [sflag:s23], $0x4000  }
0x175: {  	[sflag:s23] =	ssyncset.done $0x0  }
0x176: {  	s8 =	simm.s32 $0x1400;
	[sflag:s23] =	ssyncadd.s32 $0xFFFFC000  }
0x177: {  	[spmem:s3] =	stream.indirect.scatter.add.f32 [tilespmem:s21], [sflag:$0x3], $0x80, s8, s20, $0xb8;
	[tilespmem:$0x1E800] =	vst v63  }
0x178: {  	_ =	swait.ge [sflag:s18], $0x4000  }
0x179: {  	[sflag:s18] =	ssyncset.done $0x0  }
0x17a: {  	s10 =	simm.s32 $0x100;
	[sflag:s18] =	ssyncadd.s32 $0xFFFFC000  }
0x17b: {  	[tilespmem:s21], [sflag:$0x1] =	stream.indirect.gather [hbm4b:s6+s20], $0x80, s10, s20, $0xb8;
	[tilespmem:$0x1E800] =	vst v63  }
0x17c: {  	_ =	swait.ge [sflag:s24], $0x4000  }
0x17d: {  	[sflag:s24] =	ssyncset.done $0x0  }
0x17e: {  	s16 =	simm.s32 $0x1480;
	[sflag:s24] =	ssyncadd.s32 $0xFFFFC000  }
0x17f: {  	[spmem:s3] =	stream.indirect.scatter.add.f32 [tilespmem:s22], [sflag:$0x3], $0x80, s16, s20, $0xb8;
	[tilespmem:$0x1E800] =	vst v63  }
0x180: {  	_ =	swait.ge [sflag:s18], $0x4000  }
0x181: {  	s4 =	simm.s32 $0x100;
	s16 =	simm.s32 $0x800;
	[sflag:s18] =	ssyncset.done $0x0  }
.LBB2_15:
0x182: {  	s7 =	sadd.s32 $0x80, s4  }
0x183: {  	[sflag:s18] =	ssyncadd.s32 $0xFFFFC000;
	s8 =	smov.u32 s16;
	s10 =	sadd.s32 $0x400, s16  }
0x184: {  	[tilespmem:s22], [sflag:$0x2] =	stream.indirect.gather [hbm4b:s6+s20], $0x80, s7, s20, $0xb8;
	[tilespmem:$0x1E800] =	vst v63  }
0x185: {  	p1 =	sne.s32 s16, $0x4800;
	_ =	swait.ge [sflag:s23], $0x4000  }
0x186: {  	[sflag:s23] =	ssyncset.done $0x0  }
0x187: {  	s7 =	sadd.s32 $0x1400, s4;
	[sflag:s23] =	ssyncadd.s32 $0xFFFFC000  }
0x188: {  	[spmem:s3] =	stream.indirect.scatter.add.f32 [tilespmem:s21], [sflag:$0x3], $0x80, s7, s20, $0xb8;
	[tilespmem:$0x1E800] =	vst v63  }
0x189: {  	_ =	swait.ge [sflag:s18], $0x4000  }
0x18a: {  	[sflag:s18] =	ssyncset.done $0x0  }
0x18b: {  	s7 =	sadd.s32 $0x100, s4;
	[sflag:s18] =	ssyncadd.s32 $0xFFFFC000  }
0x18c: {  	[tilespmem:s21], [sflag:$0x1] =	stream.indirect.gather [hbm4b:s6+s20], $0x80, s7, s20, $0xb8;
	[tilespmem:$0x1E800] =	vst v63  }
0x18d: {  	_ =	swait.ge [sflag:s24], $0x4000  }
.Ltmp9:
0x18e: {  	[sflag:s24] =	ssyncset.done $0x0;
	(pc) =	sbr.rel @p1 .LBB2_15-.Ltmp9, $4  }
0x18f: {  	s4 =	sadd.s32 $0x1480, s4;
	[sflag:s24] =	ssyncadd.s32 $0xFFFFC000  }
0x190: {  	[spmem:s3] =	stream.indirect.scatter.add.f32 [tilespmem:s22], [sflag:$0x3], $0x80, s4, s20, $0xb8;
	[tilespmem:$0x1E800] =	vst v63  }
0x191: {  	_ =	swait.ge [sflag:s18], $0x4000  }
0x192: {  	s16 =	smov.u32 s10;
	s4 =	sshra.s32 s8, $0x2;
	[sflag:s18] =	ssyncset.done $0x0  }
0x193: {  	s7 =	sadd.s32 $0x80, s4;
	[sflag:s18] =	ssyncadd.s32 $0xFFFFC000  }
0x194: {  	[tilespmem:s22], [sflag:$0x2] =	stream.indirect.gather [hbm4b:s6+s20], $0x80, s7, s20, $0xb8;
	[tilespmem:$0x1E800] =	vst v63  }
0x195: {  	_ =	swait.ge [sflag:s23], $0x4000  }
0x196: {  	[sflag:s23] =	ssyncset.done $0x0  }
0x197: {  	s8 =	sadd.s32 $0x1400, s4;
	[sflag:s23] =	ssyncadd.s32 $0xFFFFC000  }
0x198: {  	[spmem:s3] =	stream.indirect.scatter.add.f32 [tilespmem:s21], [sflag:$0x3], $0x80, s8, s20, $0xb8;
	[tilespmem:$0x1E800] =	vst v63  }
0x199: {  	_ =	swait.ge [sflag:s18], $0x4000  }
0x19a: {  	[sflag:s18] =	ssyncset.done $0x0  }
0x19b: {  	s10 =	sadd.s32 $0x100, s4;
	[sflag:s18] =	ssyncadd.s32 $0xFFFFC000  }
0x19c: {  	[tilespmem:s21], [sflag:$0x1] =	stream.indirect.gather [hbm4b:s6+s20], $0x80, s10, s20, $0xb8;
	[tilespmem:$0x1E800] =	vst v63  }
0x19d: {  	_ =	swait.ge [sflag:s24], $0x4000  }
0x19e: {  	[sflag:s24] =	ssyncset.done $0x0  }
0x19f: {  	s16 =	sadd.s32 $0x1480, s4;
	[sflag:s24] =	ssyncadd.s32 $0xFFFFC000  }
0x1a0: {  	[spmem:s3] =	stream.indirect.scatter.add.f32 [tilespmem:s22], [sflag:$0x3], $0x80, s16, s20, $0xb8;
	[tilespmem:$0x1E800] =	vst v63  }
0x1a1: {  	_ =	swait.ge [sflag:s18], $0x4000  }
0x1a2: {  	[sflag:s18] =	ssyncset.done $0x0  }
0x1a3: {  	[sflag:s18] =	ssyncadd.s32 $0xFFFFC000  }
0x1a4: {  	[tilespmem:s22], [sflag:$0x2] =	stream.indirect.gather [hbm4b:s6+s20], $0x80, s25, s20, $0xb8;
	[tilespmem:$0x1E800] =	vst v63  }
0x1a5: {  	_ =	swait.ge [sflag:s23], $0x4000  }
0x1a6: {  	[sflag:s23] =	ssyncset.done $0x0  }
0x1a7: {  	[sflag:s23] =	ssyncadd.s32 $0xFFFFC000  }
0x1a8: {  	[spmem:s3] =	stream.indirect.scatter.add.f32 [tilespmem:s21], [sflag:$0x3], $0x80, s26, s20, $0xb8;
	[tilespmem:$0x1E800] =	vst v63  }
0x1a9: {  	_ =	swait.ge [sflag:s18], $0x4000  }
0x1aa: {  	[sflag:s18] =	ssyncset.done $0x0  }
0x1ab: {  	[sflag:s18] =	ssyncadd.s32 $0xFFFFC000  }
0x1ac: {  	s29 =	sadd.s32 $0x1, s29;
	_ =	swait.ge [sflag:s24], $0x4000  }
0x1ad: {  	p1 =	sne.s32 s29, $0x4;
	[sflag:s24] =	ssyncset.done $0x0  }
.Ltmp10:
0x1ae: {  	[sflag:s24] =	ssyncadd.s32 $0xFFFFC000;
	(pc) =	sbr.rel @p1 .LBB2_12-.Ltmp10, $4  }
0x1af: {  	[spmem:s3] =	stream.indirect.scatter.add.f32 [tilespmem:s22], [sflag:$0x3], $0x80, s28, s20, $0xb8;
	[tilespmem:$0x1E800] =	vst v63  }
0x1b0: {  	_ =	swait.ge [sflag:s18], $0x4000  }
0x1b1: {  	[sflag:s18] =	ssyncset.done $0x0  }
0x1b2: {  	[sflag:s18] =	ssyncadd.s32 $0xFFFFC000  }
.Ltmp11:
0x1b3: {  	[bflag:$0x0] =	sbarrier.arrive $0xFFFF;
	(pc) =	sbr.rel .LBB2_18-.Ltmp11, $4  }
0x1b4: {  	[hbm:s11], [sflag:s31] =	dma.local [spmem:s0], $0x2800  }
0x1b5: {  	_ =	swait.ge [sflag:s18], $0x2800  }
0x1b6: {  	[sflag:s18] =	ssyncset.done $0x0  }
0x1b7: {  	s29 =	simm.s32 $0x1FC3;
	[sflag:s18] =	ssyncadd.s32 $0xFFFFD800  }
.LBB2_19:
0x1b8: {  	_ =	sfence.sel $0x180000  }
0x1b9: {  	[bflag:$0x0] =	sbarrier.arrive $0xFFFF  }
0x1ba: {  	_ =	strace $0x9000004A  }
0x1bb: {  	s0 =	stileid.u32;
	[bflag:$0x2] =	sbarrier.arrive $0xFFFF  }
0x1bc: {  	p0 =	sne.s32 s0, $0x0;
	s0 =	rddreg [dreg:$0x4]  }
0x1bd: {  	s0 =	sadd.s32 @!p0 $0x100000, s0  }
0x1be: {  	[sflag:s0] =	ssyncadd.tile.s32 @!p0 $0x1;
	_ =	shalt  }
.Lfunc_end2:
_tile_overlayer_lowered:
.L_overlay_start_2:
0x1bf: {  	(tag) =	ssettag $0x2  }
0x1c0: {  	s0 =	rddreg [dreg:$0x0];
	s2 =	stileid.u32  }
0x1c1: {  	s1 =	rddreg [dreg:$0x1];
	p0 =	sne.s32 s2, $0x0  }
0x1c2: {  	s3 =	rddreg [dreg:$0x2];
	[bflag:$0x3] =	sbarrier.arrive $0xFFFF;
	s2 =	simm.s32 @!p0 $0x1C03  }
0x1c3: {  	[timem:s3], [sflag:s2] =	dma.local @!p0 [hbm:s0], s1  }
0x1c4: {  	s0 =	simm.s32 @!p0 $0x3  }
0x1c5: {  	_ =	swait.ge @!p0 [sflag:s0], s1  }
0x1c6: {  	s1 =	ssub.s32 @!p0 $0x0, s1;
	[sflag:s0] =	ssyncset.done @!p0 $0x0  }
0x1c7: {  	[sflag:s0] =	ssyncadd.s32 @!p0 s1  }
0x1c8: {  	[bflag:$0x3] =	sbarrier.arrive $0xFFFF  }
0x1c9: {  	_ =	shalt  }

</sc_bundles>
